<compile_context>
chip_gen: v7x
topology: tpu7x:2x2x1
jax: 0.10.2.dev20260603
libtpu: 0.0.44.dev20260713+nightly
codegen_flags: <defaults>
</compile_context>

<pallas_src>
import functools

import jax
import jax.numpy as jnp
from jax import lax
from jax.experimental import pallas as pl
from jax.experimental.pallas import tpu as pltpu
from jax.experimental.pallas import tpu_sc as plsc

N_DENSE = 13
N_SPARSE = 26
VOCAB = 1_000_000
BATCH = 16384

NC, NS, L = 2, 16, 16
NW = NC * NS
BPW = BATCH // NW
NCHUNK = BPW // L
GCH = 128
KG = BPW // GCH

_mesh = plsc.VectorSubcoreMesh(core_axis_name="c", subcore_axis_name="s")


@functools.partial(
    pl.kernel,
    out_type=jax.ShapeDtypeStruct((BATCH,), jnp.float32),
    mesh=_mesh,
    scratch_types=[
        pltpu.VMEM((N_SPARSE, BPW), jnp.float32),
        pltpu.VMEM((N_DENSE, BPW), jnp.float32),
        pltpu.VMEM((N_DENSE, L), jnp.float32),
        pltpu.VMEM((N_SPARSE, BPW), jnp.int32),
        pltpu.VMEM((N_SPARSE, BPW), jnp.float32),
        pltpu.VMEM((BPW,), jnp.float32),
        pltpu.SemaphoreType.DMA,
    ],
)
def _linear_sc(xs_hbm, xd_hbm, w_hbm, t0, t1, t2, t3, t4, t5, t6, t7, t8, t9, t10, t11, t12, t13, t14, t15, t16, t17, t18, t19, t20, t21, t22, t23, t24, t25, out_hbm,
               xs_v, xd_v, w_v, idx_v, rows_v, out_v, sem):
    tables = [t0, t1, t2, t3, t4, t5, t6, t7, t8, t9, t10, t11, t12, t13, t14, t15, t16, t17, t18, t19, t20, t21, t22, t23, t24, t25]
    wid = lax.axis_index("s") * NC + lax.axis_index("c")
    base = wid * BPW

    pltpu.sync_copy(xs_hbm.at[:, pl.ds(base, BPW)], xs_v)
    pltpu.sync_copy(xd_hbm.at[:, pl.ds(base, BPW)], xd_v)
    pltpu.sync_copy(w_hbm, w_v)

    def build_body(f, carry):
        for c in range(NCHUNK):
            v = xs_v[f, pl.ds(c * L, L)]
            idx_v[f, pl.ds(c * L, L)] = v.astype(jnp.int32)
        return carry

    lax.fori_loop(0, N_SPARSE, build_body, 0)

    handles = []
    for f in range(N_SPARSE):
        for k in range(KG):
            handles.append(pltpu.async_copy(
                tables[f].at[idx_v.at[f, pl.ds(k * GCH, GCH)]],
                rows_v.at[f, pl.ds(k * GCH, GCH)],
                sem,
            ))
    for h in handles:
        h.wait()

    def sum_body(c, carry):
        o = c * L
        acc = rows_v[0, pl.ds(o, L)]
        for f in range(1, N_SPARSE):
            acc = acc + rows_v[f, pl.ds(o, L)]
        for k in range(N_DENSE):
            acc = acc + xd_v[k, pl.ds(o, L)] * w_v[k, :]
        out_v[pl.ds(o, L)] = acc
        return carry

    lax.fori_loop(0, NCHUNK, sum_body, 0)
    pltpu.sync_copy(out_v, out_hbm.at[pl.ds(base, BPW)])


def kernel(X, emb_tables, dense_weight):
    xs = X[:, N_DENSE:].T
    xd = X[:, :N_DENSE].T
    w = jnp.broadcast_to(dense_weight.reshape(N_DENSE, 1), (N_DENSE, L))
    parts = [emb_tables[f, :, 0] for f in range(N_SPARSE)]
    out = _linear_sc(xs, xd, w, *parts)
    return out.reshape(BATCH, 1)

# --- scband reference (transcript-rebuilt; emitter-appended) ---
"""Pipeline reference for scband-linear-2946347565878 (READ-ONLY COPY).

The authoritative reference and input builder live on the scoring server;
editing this copy changes nothing except your own understanding.
"""

import jax, jax.numpy as jnp
import numpy as np

N_DENSE = 13
N_SPARSE = 26
VOCAB = 1000000
BATCH = 16384


def setup_inputs(seed: int = 0) -> dict:
    key = jax.random.key(seed)
    k1, k2, k3, k4 = jax.random.split(key, 4)
    dense_vals = jax.random.normal(k1, (BATCH, N_DENSE), dtype=jnp.float32)
    sparse_idx = jax.random.randint(k2, (BATCH, N_SPARSE), 0, VOCAB)
    # DeepCTR packs dense values and (float-encoded) sparse ids into one X matrix
    X = jnp.concatenate([dense_vals, sparse_idx.astype(jnp.float32)], axis=1)
    # one linear-embedding table (dim=1) per sparse field, stacked: [26, VOCAB, 1]
    emb_tables = jax.random.normal(k3, (N_SPARSE, VOCAB, 1), dtype=jnp.float32) * 0.0001
    # dense linear weight: [sum(dense dims)=13, 1]
    dense_weight = jax.random.normal(k4, (N_DENSE, 1), dtype=jnp.float32) * 0.0001
    return {"X": X, "emb_tables": emb_tables, "dense_weight": dense_weight}


def reference(X, emb_tables, dense_weight):
    # sparse part: per-field embedding lookup (embedding_dim=1)
    idx = X[:, N_DENSE:N_DENSE + N_SPARSE].astype(jnp.int32)  # [B, 26]
    field_ids = jnp.arange(N_SPARSE)[None, :]                 # [1, 26]
    embs = emb_tables[field_ids, idx]                         # [B, 26, 1] gather
    # torch: cat([B,1,1]x26, dim=-1) -> [B,1,26]; sum(dim=-1) -> [B,1]
    sparse_feat_logit = jnp.sum(embs, axis=1)                 # [B, 1]
    # dense part
    dense_vals = X[:, :N_DENSE]                               # [B, 13]
    dense_value_logit = dense_vals @ dense_weight             # [B, 1]
    linear_logit = jnp.zeros((X.shape[0], 1), dtype=jnp.float32)
    linear_logit = linear_logit + sparse_feat_logit
    linear_logit = linear_logit + dense_value_logit
    return linear_logit

if __name__ == "__main__":
    import jax
    _d = setup_inputs()
    print(jax.jit(kernel)(*tuple(_d.values())))

</pallas_src>

<mosaic_0001>
#map = affine_map<(d0, d1) -> (0, 0)>
#map1 = affine_map<(d0, d1) -> (0)>
module attributes {stable_mosaic.version = 14 : i64} {
  func.func @_linear_sc(%arg0: i32, %arg1: i32, %arg2: memref<26x16384xf32, #tpu.memory_space<hbm>>, %arg3: memref<13x16384xf32, #tpu.memory_space<hbm>>, %arg4: memref<13x16xf32, #tpu.memory_space<hbm>>, %arg5: memref<1000000xf32, #tpu.memory_space<hbm>>, %arg6: memref<1000000xf32, #tpu.memory_space<hbm>>, %arg7: memref<1000000xf32, #tpu.memory_space<hbm>>, %arg8: memref<1000000xf32, #tpu.memory_space<hbm>>, %arg9: memref<1000000xf32, #tpu.memory_space<hbm>>, %arg10: memref<1000000xf32, #tpu.memory_space<hbm>>, %arg11: memref<1000000xf32, #tpu.memory_space<hbm>>, %arg12: memref<1000000xf32, #tpu.memory_space<hbm>>, %arg13: memref<1000000xf32, #tpu.memory_space<hbm>>, %arg14: memref<1000000xf32, #tpu.memory_space<hbm>>, %arg15: memref<1000000xf32, #tpu.memory_space<hbm>>, %arg16: memref<1000000xf32, #tpu.memory_space<hbm>>, %arg17: memref<1000000xf32, #tpu.memory_space<hbm>>, %arg18: memref<1000000xf32, #tpu.memory_space<hbm>>, %arg19: memref<1000000xf32, #tpu.memory_space<hbm>>, %arg20: memref<1000000xf32, #tpu.memory_space<hbm>>, %arg21: memref<1000000xf32, #tpu.memory_space<hbm>>, %arg22: memref<1000000xf32, #tpu.memory_space<hbm>>, %arg23: memref<1000000xf32, #tpu.memory_space<hbm>>, %arg24: memref<1000000xf32, #tpu.memory_space<hbm>>, %arg25: memref<1000000xf32, #tpu.memory_space<hbm>>, %arg26: memref<1000000xf32, #tpu.memory_space<hbm>>, %arg27: memref<1000000xf32, #tpu.memory_space<hbm>>, %arg28: memref<1000000xf32, #tpu.memory_space<hbm>>, %arg29: memref<1000000xf32, #tpu.memory_space<hbm>>, %arg30: memref<1000000xf32, #tpu.memory_space<hbm>>, %arg31: memref<16384xf32, #tpu.memory_space<hbm>>, %arg32: memref<26x512xf32, #tpu.memory_space<vmem>>, %arg33: memref<13x512xf32, #tpu.memory_space<vmem>>, %arg34: memref<13x16xf32, #tpu.memory_space<vmem>>, %arg35: memref<26x512xi32, #tpu.memory_space<vmem>>, %arg36: memref<26x512xf32, #tpu.memory_space<vmem>>, %arg37: memref<512xf32, #tpu.memory_space<vmem>>, %arg38: memref<!tpu.dma_semaphore, #tpu.memory_space<semaphore_mem>>) attributes {dimension_semantics = [#tpu.dimension_semantics<core_parallel>, #tpu.dimension_semantics<subcore_parallel>], iteration_bounds = array<i64: 2, 16>, scalar_prefetch = 0 : i64, scratch_operands = 7 : i64, tpu.core_type = #tpu.core_type<sc_vector_subcore>, window_params = [{transform_indices = #map}, {transform_indices = #map}, {transform_indices = #map}, {transform_indices = #map1}, {transform_indices = #map1}, {transform_indices = #map1}, {transform_indices = #map1}, {transform_indices = #map1}, {transform_indices = #map1}, {transform_indices = #map1}, {transform_indices = #map1}, {transform_indices = #map1}, {transform_indices = #map1}, {transform_indices = #map1}, {transform_indices = #map1}, {transform_indices = #map1}, {transform_indices = #map1}, {transform_indices = #map1}, {transform_indices = #map1}, {transform_indices = #map1}, {transform_indices = #map1}, {transform_indices = #map1}, {transform_indices = #map1}, {transform_indices = #map1}, {transform_indices = #map1}, {transform_indices = #map1}, {transform_indices = #map1}, {transform_indices = #map1}, {transform_indices = #map1}, {transform_indices = #map1}]} {
    %mul3A = arith.constant 2 : i32
    %mul3A_0 = arith.muli %arg1, %mul3A : i32
    %add3A = arith.addi %mul3A_0, %arg0 : i32
    %mul3A_1 = arith.constant 512 : i32
    %mul3A_2 = arith.muli %add3A, %mul3A_1 : i32
    "tpu.region"() ({
      %run_scoped3A = tpu.sem_alloc : memref<!tpu.dma_semaphore, #tpu.memory_space<semaphore_mem>>
      %dma_start3A_2092 = arith.constant 0 : i32
      %dma_start3A_2093 = tpu.memref_slice %arg2[%dma_start3A_2092, %mul3A_2] : memref<26x16384xf32, #tpu.memory_space<hbm>> -> memref<26x512xf32, #tpu.memory_space<hbm>>
      %dma_start3A_2094 = arith.constant 0 : i32
      %dma_start3A_2095 = tpu.memref_slice %arg2[%dma_start3A_2094, %mul3A_2] : memref<26x16384xf32, #tpu.memory_space<hbm>> -> memref<26x512xf32, #tpu.memory_space<hbm>>
      tpu.enqueue_dma source(%dma_start3A_2095 : memref<26x512xf32, #tpu.memory_space<hbm>>) target(%arg32 : memref<26x512xf32, #tpu.memory_space<vmem>>) target_semaphore(%run_scoped3A : memref<!tpu.dma_semaphore, #tpu.memory_space<semaphore_mem>>)
      %dma_wait3A_2096 = arith.constant 0 : i32
      %dma_wait3A_2097 = tpu.memref_slice %arg2[%dma_wait3A_2096, %mul3A_2] : memref<26x16384xf32, #tpu.memory_space<hbm>> -> memref<26x512xf32, #tpu.memory_space<hbm>>
      %dma_wait3A_2098 = arith.constant 0 : i32
      %dma_wait3A_2099 = tpu.memref_slice %arg2[%dma_wait3A_2098, %mul3A_2] : memref<26x16384xf32, #tpu.memory_space<hbm>> -> memref<26x512xf32, #tpu.memory_space<hbm>>
      tpu.wait_dma2 semaphore(%run_scoped3A : memref<!tpu.dma_semaphore, #tpu.memory_space<semaphore_mem>>) src(%dma_wait3A_2099 : memref<26x512xf32, #tpu.memory_space<hbm>>) dst(%arg32 : memref<26x512xf32, #tpu.memory_space<vmem>>)
      tpu.yield
    }) : () -> ()
    "tpu.region"() ({
      %run_scoped3A = tpu.sem_alloc : memref<!tpu.dma_semaphore, #tpu.memory_space<semaphore_mem>>
      %dma_start3A_2092 = arith.constant 0 : i32
      %dma_start3A_2093 = tpu.memref_slice %arg3[%dma_start3A_2092, %mul3A_2] : memref<13x16384xf32, #tpu.memory_space<hbm>> -> memref<13x512xf32, #tpu.memory_space<hbm>>
      %dma_start3A_2094 = arith.constant 0 : i32
      %dma_start3A_2095 = tpu.memref_slice %arg3[%dma_start3A_2094, %mul3A_2] : memref<13x16384xf32, #tpu.memory_space<hbm>> -> memref<13x512xf32, #tpu.memory_space<hbm>>
      tpu.enqueue_dma source(%dma_start3A_2095 : memref<13x512xf32, #tpu.memory_space<hbm>>) target(%arg33 : memref<13x512xf32, #tpu.memory_space<vmem>>) target_semaphore(%run_scoped3A : memref<!tpu.dma_semaphore, #tpu.memory_space<semaphore_mem>>)
      %dma_wait3A_2096 = arith.constant 0 : i32
      %dma_wait3A_2097 = tpu.memref_slice %arg3[%dma_wait3A_2096, %mul3A_2] : memref<13x16384xf32, #tpu.memory_space<hbm>> -> memref<13x512xf32, #tpu.memory_space<hbm>>
      %dma_wait3A_2098 = arith.constant 0 : i32
      %dma_wait3A_2099 = tpu.memref_slice %arg3[%dma_wait3A_2098, %mul3A_2] : memref<13x16384xf32, #tpu.memory_space<hbm>> -> memref<13x512xf32, #tpu.memory_space<hbm>>
      tpu.wait_dma2 semaphore(%run_scoped3A : memref<!tpu.dma_semaphore, #tpu.memory_space<semaphore_mem>>) src(%dma_wait3A_2099 : memref<13x512xf32, #tpu.memory_space<hbm>>) dst(%arg33 : memref<13x512xf32, #tpu.memory_space<vmem>>)
      tpu.yield
    }) : () -> ()
    "tpu.region"() ({
      %run_scoped3A = tpu.sem_alloc : memref<!tpu.dma_semaphore, #tpu.memory_space<semaphore_mem>>
      tpu.enqueue_dma source(%arg4 : memref<13x16xf32, #tpu.memory_space<hbm>>) target(%arg34 : memref<13x16xf32, #tpu.memory_space<vmem>>) target_semaphore(%run_scoped3A : memref<!tpu.dma_semaphore, #tpu.memory_space<semaphore_mem>>)
      tpu.wait_dma2 semaphore(%run_scoped3A : memref<!tpu.dma_semaphore, #tpu.memory_space<semaphore_mem>>) src(%arg4 : memref<13x16xf32, #tpu.memory_space<hbm>>) dst(%arg34 : memref<13x16xf32, #tpu.memory_space<vmem>>)
      tpu.yield
    }) : () -> ()
    %scan3A = arith.constant 0 : i32
    %scan3A_3 = arith.constant 0 : i32
    %scan3A_4 = arith.constant 26 : i32
    %scan3A_5 = arith.addi %scan3A_3, %scan3A_4 : i32
    %scan3A_6 = arith.constant 1 : i32
    scf.for %scan3A_2092 = %scan3A_3 to %scan3A_5 step %scan3A_6  : i32 {
      %get3A = arith.index_cast %scan3A_2092 : i32 to index
      %get3A_2093 = arith.constant 0 : index
      %get3A_2094 = tpu.vector_load %arg32[%get3A, %get3A_2093] {strides = array<i32>} : memref<26x512xf32, #tpu.memory_space<vmem>>, vector<1x16xf32>,
      %get3A_2095 = vector.shape_cast %get3A_2094 : vector<1x16xf32> to vector<16xf32>
      %convert_element_type3A = arith.fptosi %get3A_2095 : vector<16xf32> to vector<16xi32>
      %swap3A = arith.index_cast %scan3A_2092 : i32 to index
      %swap3A_2096 = arith.constant 0 : index
      %swap3A_2097 = tpu.vector_load %arg35[%swap3A, %swap3A_2096] {strides = array<i32>} : memref<26x512xi32, #tpu.memory_space<vmem>>, vector<1x16xi32>,
      %swap3A_2098 = vector.shape_cast %swap3A_2097 : vector<1x16xi32> to vector<16xi32>
      %swap3A_2099 = vector.shape_cast %convert_element_type3A : vector<16xi32> to vector<1x16xi32>
      tpu.vector_store %arg35[%swap3A, %swap3A_2096], %swap3A_2099 {strides = array<i32>} : memref<26x512xi32, #tpu.memory_space<vmem>>, vector<1x16xi32>,
      %get3A_2100 = arith.index_cast %scan3A_2092 : i32 to index
      %get3A_2101 = arith.constant 16 : index
      %get3A_2102 = tpu.vector_load %arg32[%get3A_2100, %get3A_2101] {strides = array<i32>} : memref<26x512xf32, #tpu.memory_space<vmem>>, vector<1x16xf32>,
      %get3A_2103 = vector.shape_cast %get3A_2102 : vector<1x16xf32> to vector<16xf32>
      %convert_element_type3A_2104 = arith.fptosi %get3A_2103 : vector<16xf32> to vector<16xi32>
      %swap3A_2105 = arith.index_cast %scan3A_2092 : i32 to index
      %swap3A_2106 = arith.constant 16 : index
      %swap3A_2107 = tpu.vector_load %arg35[%swap3A_2105, %swap3A_2106] {strides = array<i32>} : memref<26x512xi32, #tpu.memory_space<vmem>>, vector<1x16xi32>,
      %swap3A_2108 = vector.shape_cast %swap3A_2107 : vector<1x16xi32> to vector<16xi32>
      %swap3A_2109 = vector.shape_cast %convert_element_type3A_2104 : vector<16xi32> to vector<1x16xi32>
      tpu.vector_store %arg35[%swap3A_2105, %swap3A_2106], %swap3A_2109 {strides = array<i32>} : memref<26x512xi32, #tpu.memory_space<vmem>>, vector<1x16xi32>,
      %get3A_2110 = arith.index_cast %scan3A_2092 : i32 to index
      %get3A_2111 = arith.constant 32 : index
      %get3A_2112 = tpu.vector_load %arg32[%get3A_2110, %get3A_2111] {strides = array<i32>} : memref<26x512xf32, #tpu.memory_space<vmem>>, vector<1x16xf32>,
      %get3A_2113 = vector.shape_cast %get3A_2112 : vector<1x16xf32> to vector<16xf32>
      %convert_element_type3A_2114 = arith.fptosi %get3A_2113 : vector<16xf32> to vector<16xi32>
      %swap3A_2115 = arith.index_cast %scan3A_2092 : i32 to index
      %swap3A_2116 = arith.constant 32 : index
      %swap3A_2117 = tpu.vector_load %arg35[%swap3A_2115, %swap3A_2116] {strides = array<i32>} : memref<26x512xi32, #tpu.memory_space<vmem>>, vector<1x16xi32>,
      %swap3A_2118 = vector.shape_cast %swap3A_2117 : vector<1x16xi32> to vector<16xi32>
      %swap3A_2119 = vector.shape_cast %convert_element_type3A_2114 : vector<16xi32> to vector<1x16xi32>
      tpu.vector_store %arg35[%swap3A_2115, %swap3A_2116], %swap3A_2119 {strides = array<i32>} : memref<26x512xi32, #tpu.memory_space<vmem>>, vector<1x16xi32>,
      %get3A_2120 = arith.index_cast %scan3A_2092 : i32 to index
      %get3A_2121 = arith.constant 48 : index
      %get3A_2122 = tpu.vector_load %arg32[%get3A_2120, %get3A_2121] {strides = array<i32>} : memref<26x512xf32, #tpu.memory_space<vmem>>, vector<1x16xf32>,
      %get3A_2123 = vector.shape_cast %get3A_2122 : vector<1x16xf32> to vector<16xf32>
      %convert_element_type3A_2124 = arith.fptosi %get3A_2123 : vector<16xf32> to vector<16xi32>
      %swap3A_2125 = arith.index_cast %scan3A_2092 : i32 to index
      %swap3A_2126 = arith.constant 48 : index
      %swap3A_2127 = tpu.vector_load %arg35[%swap3A_2125, %swap3A_2126] {strides = array<i32>} : memref<26x512xi32, #tpu.memory_space<vmem>>, vector<1x16xi32>,
      %swap3A_2128 = vector.shape_cast %swap3A_2127 : vector<1x16xi32> to vector<16xi32>
      %swap3A_2129 = vector.shape_cast %convert_element_type3A_2124 : vector<16xi32> to vector<1x16xi32>
      tpu.vector_store %arg35[%swap3A_2125, %swap3A_2126], %swap3A_2129 {strides = array<i32>} : memref<26x512xi32, #tpu.memory_space<vmem>>, vector<1x16xi32>,
      %get3A_2130 = arith.index_cast %scan3A_2092 : i32 to index
      %get3A_2131 = arith.constant 64 : index
      %get3A_2132 = tpu.vector_load %arg32[%get3A_2130, %get3A_2131] {strides = array<i32>} : memref<26x512xf32, #tpu.memory_space<vmem>>, vector<1x16xf32>,
      %get3A_2133 = vector.shape_cast %get3A_2132 : vector<1x16xf32> to vector<16xf32>
      %convert_element_type3A_2134 = arith.fptosi %get3A_2133 : vector<16xf32> to vector<16xi32>
      %swap3A_2135 = arith.index_cast %scan3A_2092 : i32 to index
      %swap3A_2136 = arith.constant 64 : index
      %swap3A_2137 = tpu.vector_load %arg35[%swap3A_2135, %swap3A_2136] {strides = array<i32>} : memref<26x512xi32, #tpu.memory_space<vmem>>, vector<1x16xi32>,
      %swap3A_2138 = vector.shape_cast %swap3A_2137 : vector<1x16xi32> to vector<16xi32>
      %swap3A_2139 = vector.shape_cast %convert_element_type3A_2134 : vector<16xi32> to vector<1x16xi32>
      tpu.vector_store %arg35[%swap3A_2135, %swap3A_2136], %swap3A_2139 {strides = array<i32>} : memref<26x512xi32, #tpu.memory_space<vmem>>, vector<1x16xi32>,
      %get3A_2140 = arith.index_cast %scan3A_2092 : i32 to index
      %get3A_2141 = arith.constant 80 : index
      %get3A_2142 = tpu.vector_load %arg32[%get3A_2140, %get3A_2141] {strides = array<i32>} : memref<26x512xf32, #tpu.memory_space<vmem>>, vector<1x16xf32>,
      %get3A_2143 = vector.shape_cast %get3A_2142 : vector<1x16xf32> to vector<16xf32>
      %convert_element_type3A_2144 = arith.fptosi %get3A_2143 : vector<16xf32> to vector<16xi32>
      %swap3A_2145 = arith.index_cast %scan3A_2092 : i32 to index
      %swap3A_2146 = arith.constant 80 : index
      %swap3A_2147 = tpu.vector_load %arg35[%swap3A_2145, %swap3A_2146] {strides = array<i32>} : memref<26x512xi32, #tpu.memory_space<vmem>>, vector<1x16xi32>,
      %swap3A_2148 = vector.shape_cast %swap3A_2147 : vector<1x16xi32> to vector<16xi32>
      %swap3A_2149 = vector.shape_cast %convert_element_type3A_2144 : vector<16xi32> to vector<1x16xi32>
      tpu.vector_store %arg35[%swap3A_2145, %swap3A_2146], %swap3A_2149 {strides = array<i32>} : memref<26x512xi32, #tpu.memory_space<vmem>>, vector<1x16xi32>,
      %get3A_2150 = arith.index_cast %scan3A_2092 : i32 to index
      %get3A_2151 = arith.constant 96 : index
      %get3A_2152 = tpu.vector_load %arg32[%get3A_2150, %get3A_2151] {strides = array<i32>} : memref<26x512xf32, #tpu.memory_space<vmem>>, vector<1x16xf32>,
      %get3A_2153 = vector.shape_cast %get3A_2152 : vector<1x16xf32> to vector<16xf32>
      %convert_element_type3A_2154 = arith.fptosi %get3A_2153 : vector<16xf32> to vector<16xi32>
      %swap3A_2155 = arith.index_cast %scan3A_2092 : i32 to index
      %swap3A_2156 = arith.constant 96 : index
      %swap3A_2157 = tpu.vector_load %arg35[%swap3A_2155, %swap3A_2156] {strides = array<i32>} : memref<26x512xi32, #tpu.memory_space<vmem>>, vector<1x16xi32>,
      %swap3A_2158 = vector.shape_cast %swap3A_2157 : vector<1x16xi32> to vector<16xi32>
      %swap3A_2159 = vector.shape_cast %convert_element_type3A_2154 : vector<16xi32> to vector<1x16xi32>
      tpu.vector_store %arg35[%swap3A_2155, %swap3A_2156], %swap3A_2159 {strides = array<i32>} : memref<26x512xi32, #tpu.memory_space<vmem>>, vector<1x16xi32>,
      %get3A_2160 = arith.index_cast %scan3A_2092 : i32 to index
      %get3A_2161 = arith.constant 112 : index
      %get3A_2162 = tpu.vector_load %arg32[%get3A_2160, %get3A_2161] {strides = array<i32>} : memref<26x512xf32, #tpu.memory_space<vmem>>, vector<1x16xf32>,
      %get3A_2163 = vector.shape_cast %get3A_2162 : vector<1x16xf32> to vector<16xf32>
      %convert_element_type3A_2164 = arith.fptosi %get3A_2163 : vector<16xf32> to vector<16xi32>
      %swap3A_2165 = arith.index_cast %scan3A_2092 : i32 to index
      %swap3A_2166 = arith.constant 112 : index
      %swap3A_2167 = tpu.vector_load %arg35[%swap3A_2165, %swap3A_2166] {strides = array<i32>} : memref<26x512xi32, #tpu.memory_space<vmem>>, vector<1x16xi32>,
      %swap3A_2168 = vector.shape_cast %swap3A_2167 : vector<1x16xi32> to vector<16xi32>
      %swap3A_2169 = vector.shape_cast %convert_element_type3A_2164 : vector<16xi32> to vector<1x16xi32>
      tpu.vector_store %arg35[%swap3A_2165, %swap3A_2166], %swap3A_2169 {strides = array<i32>} : memref<26x512xi32, #tpu.memory_space<vmem>>, vector<1x16xi32>,
      %get3A_2170 = arith.index_cast %scan3A_2092 : i32 to index
      %get3A_2171 = arith.constant 128 : index
      %get3A_2172 = tpu.vector_load %arg32[%get3A_2170, %get3A_2171] {strides = array<i32>} : memref<26x512xf32, #tpu.memory_space<vmem>>, vector<1x16xf32>,
      %get3A_2173 = vector.shape_cast %get3A_2172 : vector<1x16xf32> to vector<16xf32>
      %convert_element_type3A_2174 = arith.fptosi %get3A_2173 : vector<16xf32> to vector<16xi32>
      %swap3A_2175 = arith.index_cast %scan3A_2092 : i32 to index
      %swap3A_2176 = arith.constant 128 : index
      %swap3A_2177 = tpu.vector_load %arg35[%swap3A_2175, %swap3A_2176] {strides = array<i32>} : memref<26x512xi32, #tpu.memory_space<vmem>>, vector<1x16xi32>,
      %swap3A_2178 = vector.shape_cast %swap3A_2177 : vector<1x16xi32> to vector<16xi32>
      %swap3A_2179 = vector.shape_cast %convert_element_type3A_2174 : vector<16xi32> to vector<1x16xi32>
      tpu.vector_store %arg35[%swap3A_2175, %swap3A_2176], %swap3A_2179 {strides = array<i32>} : memref<26x512xi32, #tpu.memory_space<vmem>>, vector<1x16xi32>,
      %get3A_2180 = arith.index_cast %scan3A_2092 : i32 to index
      %get3A_2181 = arith.constant 144 : index
      %get3A_2182 = tpu.vector_load %arg32[%get3A_2180, %get3A_2181] {strides = array<i32>} : memref<26x512xf32, #tpu.memory_space<vmem>>, vector<1x16xf32>,
      %get3A_2183 = vector.shape_cast %get3A_2182 : vector<1x16xf32> to vector<16xf32>
      %convert_element_type3A_2184 = arith.fptosi %get3A_2183 : vector<16xf32> to vector<16xi32>
      %swap3A_2185 = arith.index_cast %scan3A_2092 : i32 to index
      %swap3A_2186 = arith.constant 144 : index
      %swap3A_2187 = tpu.vector_load %arg35[%swap3A_2185, %swap3A_2186] {strides = array<i32>} : memref<26x512xi32, #tpu.memory_space<vmem>>, vector<1x16xi32>,
      %swap3A_2188 = vector.shape_cast %swap3A_2187 : vector<1x16xi32> to vector<16xi32>
      %swap3A_2189 = vector.shape_cast %convert_element_type3A_2184 : vector<16xi32> to vector<1x16xi32>
      tpu.vector_store %arg35[%swap3A_2185, %swap3A_2186], %swap3A_2189 {strides = array<i32>} : memref<26x512xi32, #tpu.memory_space<vmem>>, vector<1x16xi32>,
      %get3A_2190 = arith.index_cast %scan3A_2092 : i32 to index
      %get3A_2191 = arith.constant 160 : index
      %get3A_2192 = tpu.vector_load %arg32[%get3A_2190, %get3A_2191] {strides = array<i32>} : memref<26x512xf32, #tpu.memory_space<vmem>>, vector<1x16xf32>,
      %get3A_2193 = vector.shape_cast %get3A_2192 : vector<1x16xf32> to vector<16xf32>
      %convert_element_type3A_2194 = arith.fptosi %get3A_2193 : vector<16xf32> to vector<16xi32>
      %swap3A_2195 = arith.index_cast %scan3A_2092 : i32 to index
      %swap3A_2196 = arith.constant 160 : index
      %swap3A_2197 = tpu.vector_load %arg35[%swap3A_2195, %swap3A_2196] {strides = array<i32>} : memref<26x512xi32, #tpu.memory_space<vmem>>, vector<1x16xi32>,
      %swap3A_2198 = vector.shape_cast %swap3A_2197 : vector<1x16xi32> to vector<16xi32>
      %swap3A_2199 = vector.shape_cast %convert_element_type3A_2194 : vector<16xi32> to vector<1x16xi32>
      tpu.vector_store %arg35[%swap3A_2195, %swap3A_2196], %swap3A_2199 {strides = array<i32>} : memref<26x512xi32, #tpu.memory_space<vmem>>, vector<1x16xi32>,
      %get3A_2200 = arith.index_cast %scan3A_2092 : i32 to index
      %get3A_2201 = arith.constant 176 : index
      %get3A_2202 = tpu.vector_load %arg32[%get3A_2200, %get3A_2201] {strides = array<i32>} : memref<26x512xf32, #tpu.memory_space<vmem>>, vector<1x16xf32>,
      %get3A_2203 = vector.shape_cast %get3A_2202 : vector<1x16xf32> to vector<16xf32>
      %convert_element_type3A_2204 = arith.fptosi %get3A_2203 : vector<16xf32> to vector<16xi32>
      %swap3A_2205 = arith.index_cast %scan3A_2092 : i32 to index
      %swap3A_2206 = arith.constant 176 : index
      %swap3A_2207 = tpu.vector_load %arg35[%swap3A_2205, %swap3A_2206] {strides = array<i32>} : memref<26x512xi32, #tpu.memory_space<vmem>>, vector<1x16xi32>,
      %swap3A_2208 = vector.shape_cast %swap3A_2207 : vector<1x16xi32> to vector<16xi32>
      %swap3A_2209 = vector.shape_cast %convert_element_type3A_2204 : vector<16xi32> to vector<1x16xi32>
      tpu.vector_store %arg35[%swap3A_2205, %swap3A_2206], %swap3A_2209 {strides = array<i32>} : memref<26x512xi32, #tpu.memory_space<vmem>>, vector<1x16xi32>,
      %get3A_2210 = arith.index_cast %scan3A_2092 : i32 to index
      %get3A_2211 = arith.constant 192 : index
      %get3A_2212 = tpu.vector_load %arg32[%get3A_2210, %get3A_2211] {strides = array<i32>} : memref<26x512xf32, #tpu.memory_space<vmem>>, vector<1x16xf32>,
      %get3A_2213 = vector.shape_cast %get3A_2212 : vector<1x16xf32> to vector<16xf32>
      %convert_element_type3A_2214 = arith.fptosi %get3A_2213 : vector<16xf32> to vector<16xi32>
      %swap3A_2215 = arith.index_cast %scan3A_2092 : i32 to index
      %swap3A_2216 = arith.constant 192 : index
      %swap3A_2217 = tpu.vector_load %arg35[%swap3A_2215, %swap3A_2216] {strides = array<i32>} : memref<26x512xi32, #tpu.memory_space<vmem>>, vector<1x16xi32>,
      %swap3A_2218 = vector.shape_cast %swap3A_2217 : vector<1x16xi32> to vector<16xi32>
      %swap3A_2219 = vector.shape_cast %convert_element_type3A_2214 : vector<16xi32> to vector<1x16xi32>
      tpu.vector_store %arg35[%swap3A_2215, %swap3A_2216], %swap3A_2219 {strides = array<i32>} : memref<26x512xi32, #tpu.memory_space<vmem>>, vector<1x16xi32>,
      %get3A_2220 = arith.index_cast %scan3A_2092 : i32 to index
      %get3A_2221 = arith.constant 208 : index
      %get3A_2222 = tpu.vector_load %arg32[%get3A_2220, %get3A_2221] {strides = array<i32>} : memref<26x512xf32, #tpu.memory_space<vmem>>, vector<1x16xf32>,
      %get3A_2223 = vector.shape_cast %get3A_2222 : vector<1x16xf32> to vector<16xf32>
      %convert_element_type3A_2224 = arith.fptosi %get3A_2223 : vector<16xf32> to vector<16xi32>
      %swap3A_2225 = arith.index_cast %scan3A_2092 : i32 to index
      %swap3A_2226 = arith.constant 208 : index
      %swap3A_2227 = tpu.vector_load %arg35[%swap3A_2225, %swap3A_2226] {strides = array<i32>} : memref<26x512xi32, #tpu.memory_space<vmem>>, vector<1x16xi32>,
      %swap3A_2228 = vector.shape_cast %swap3A_2227 : vector<1x16xi32> to vector<16xi32>
      %swap3A_2229 = vector.shape_cast %convert_element_type3A_2224 : vector<16xi32> to vector<1x16xi32>
      tpu.vector_store %arg35[%swap3A_2225, %swap3A_2226], %swap3A_2229 {strides = array<i32>} : memref<26x512xi32, #tpu.memory_space<vmem>>, vector<1x16xi32>,
      %get3A_2230 = arith.index_cast %scan3A_2092 : i32 to index
      %get3A_2231 = arith.constant 224 : index
      %get3A_2232 = tpu.vector_load %arg32[%get3A_2230, %get3A_2231] {strides = array<i32>} : memref<26x512xf32, #tpu.memory_space<vmem>>, vector<1x16xf32>,
      %get3A_2233 = vector.shape_cast %get3A_2232 : vector<1x16xf32> to vector<16xf32>
      %convert_element_type3A_2234 = arith.fptosi %get3A_2233 : vector<16xf32> to vector<16xi32>
      %swap3A_2235 = arith.index_cast %scan3A_2092 : i32 to index
      %swap3A_2236 = arith.constant 224 : index
      %swap3A_2237 = tpu.vector_load %arg35[%swap3A_2235, %swap3A_2236] {strides = array<i32>} : memref<26x512xi32, #tpu.memory_space<vmem>>, vector<1x16xi32>,
      %swap3A_2238 = vector.shape_cast %swap3A_2237 : vector<1x16xi32> to vector<16xi32>
      %swap3A_2239 = vector.shape_cast %convert_element_type3A_2234 : vector<16xi32> to vector<1x16xi32>
      tpu.vector_store %arg35[%swap3A_2235, %swap3A_2236], %swap3A_2239 {strides = array<i32>} : memref<26x512xi32, #tpu.memory_space<vmem>>, vector<1x16xi32>,
      %get3A_2240 = arith.index_cast %scan3A_2092 : i32 to index
      %get3A_2241 = arith.constant 240 : index
      %get3A_2242 = tpu.vector_load %arg32[%get3A_2240, %get3A_2241] {strides = array<i32>} : memref<26x512xf32, #tpu.memory_space<vmem>>, vector<1x16xf32>,
      %get3A_2243 = vector.shape_cast %get3A_2242 : vector<1x16xf32> to vector<16xf32>
      %convert_element_type3A_2244 = arith.fptosi %get3A_2243 : vector<16xf32> to vector<16xi32>
      %swap3A_2245 = arith.index_cast %scan3A_2092 : i32 to index
      %swap3A_2246 = arith.constant 240 : index
      %swap3A_2247 = tpu.vector_load %arg35[%swap3A_2245, %swap3A_2246] {strides = array<i32>} : memref<26x512xi32, #tpu.memory_space<vmem>>, vector<1x16xi32>,
      %swap3A_2248 = vector.shape_cast %swap3A_2247 : vector<1x16xi32> to vector<16xi32>
      %swap3A_2249 = vector.shape_cast %convert_element_type3A_2244 : vector<16xi32> to vector<1x16xi32>
      tpu.vector_store %arg35[%swap3A_2245, %swap3A_2246], %swap3A_2249 {strides = array<i32>} : memref<26x512xi32, #tpu.memory_space<vmem>>, vector<1x16xi32>,
      %get3A_2250 = arith.index_cast %scan3A_2092 : i32 to index
      %get3A_2251 = arith.constant 256 : index
      %get3A_2252 = tpu.vector_load %arg32[%get3A_2250, %get3A_2251] {strides = array<i32>} : memref<26x512xf32, #tpu.memory_space<vmem>>, vector<1x16xf32>,
      %get3A_2253 = vector.shape_cast %get3A_2252 : vector<1x16xf32> to vector<16xf32>
      %convert_element_type3A_2254 = arith.fptosi %get3A_2253 : vector<16xf32> to vector<16xi32>
      %swap3A_2255 = arith.index_cast %scan3A_2092 : i32 to index
      %swap3A_2256 = arith.constant 256 : index
      %swap3A_2257 = tpu.vector_load %arg35[%swap3A_2255, %swap3A_2256] {strides = array<i32>} : memref<26x512xi32, #tpu.memory_space<vmem>>, vector<1x16xi32>,
      %swap3A_2258 = vector.shape_cast %swap3A_2257 : vector<1x16xi32> to vector<16xi32>
      %swap3A_2259 = vector.shape_cast %convert_element_type3A_2254 : vector<16xi32> to vector<1x16xi32>
      tpu.vector_store %arg35[%swap3A_2255, %swap3A_2256], %swap3A_2259 {strides = array<i32>} : memref<26x512xi32, #tpu.memory_space<vmem>>, vector<1x16xi32>,
      %get3A_2260 = arith.index_cast %scan3A_2092 : i32 to index
      %get3A_2261 = arith.constant 272 : index
      %get3A_2262 = tpu.vector_load %arg32[%get3A_2260, %get3A_2261] {strides = array<i32>} : memref<26x512xf32, #tpu.memory_space<vmem>>, vector<1x16xf32>,
      %get3A_2263 = vector.shape_cast %get3A_2262 : vector<1x16xf32> to vector<16xf32>
      %convert_element_type3A_2264 = arith.fptosi %get3A_2263 : vector<16xf32> to vector<16xi32>
      %swap3A_2265 = arith.index_cast %scan3A_2092 : i32 to index
      %swap3A_2266 = arith.constant 272 : index
      %swap3A_2267 = tpu.vector_load %arg35[%swap3A_2265, %swap3A_2266] {strides = array<i32>} : memref<26x512xi32, #tpu.memory_space<vmem>>, vector<1x16xi32>,
      %swap3A_2268 = vector.shape_cast %swap3A_2267 : vector<1x16xi32> to vector<16xi32>
      %swap3A_2269 = vector.shape_cast %convert_element_type3A_2264 : vector<16xi32> to vector<1x16xi32>
      tpu.vector_store %arg35[%swap3A_2265, %swap3A_2266], %swap3A_2269 {strides = array<i32>} : memref<26x512xi32, #tpu.memory_space<vmem>>, vector<1x16xi32>,
      %get3A_2270 = arith.index_cast %scan3A_2092 : i32 to index
      %get3A_2271 = arith.constant 288 : index
      %get3A_2272 = tpu.vector_load %arg32[%get3A_2270, %get3A_2271] {strides = array<i32>} : memref<26x512xf32, #tpu.memory_space<vmem>>, vector<1x16xf32>,
      %get3A_2273 = vector.shape_cast %get3A_2272 : vector<1x16xf32> to vector<16xf32>
      %convert_element_type3A_2274 = arith.fptosi %get3A_2273 : vector<16xf32> to vector<16xi32>
      %swap3A_2275 = arith.index_cast %scan3A_2092 : i32 to index
      %swap3A_2276 = arith.constant 288 : index
      %swap3A_2277 = tpu.vector_load %arg35[%swap3A_2275, %swap3A_2276] {strides = array<i32>} : memref<26x512xi32, #tpu.memory_space<vmem>>, vector<1x16xi32>,
      %swap3A_2278 = vector.shape_cast %swap3A_2277 : vector<1x16xi32> to vector<16xi32>
      %swap3A_2279 = vector.shape_cast %convert_element_type3A_2274 : vector<16xi32> to vector<1x16xi32>
      tpu.vector_store %arg35[%swap3A_2275, %swap3A_2276], %swap3A_2279 {strides = array<i32>} : memref<26x512xi32, #tpu.memory_space<vmem>>, vector<1x16xi32>,
      %get3A_2280 = arith.index_cast %scan3A_2092 : i32 to index
      %get3A_2281 = arith.constant 304 : index
      %get3A_2282 = tpu.vector_load %arg32[%get3A_2280, %get3A_2281] {strides = array<i32>} : memref<26x512xf32, #tpu.memory_space<vmem>>, vector<1x16xf32>,
      %get3A_2283 = vector.shape_cast %get3A_2282 : vector<1x16xf32> to vector<16xf32>
      %convert_element_type3A_2284 = arith.fptosi %get3A_2283 : vector<16xf32> to vector<16xi32>
      %swap3A_2285 = arith.index_cast %scan3A_2092 : i32 to index
      %swap3A_2286 = arith.constant 304 : index
      %swap3A_2287 = tpu.vector_load %arg35[%swap3A_2285, %swap3A_2286] {strides = array<i32>} : memref<26x512xi32, #tpu.memory_space<vmem>>, vector<1x16xi32>,
      %swap3A_2288 = vector.shape_cast %swap3A_2287 : vector<1x16xi32> to vector<16xi32>
      %swap3A_2289 = vector.shape_cast %convert_element_type3A_2284 : vector<16xi32> to vector<1x16xi32>
      tpu.vector_store %arg35[%swap3A_2285, %swap3A_2286], %swap3A_2289 {strides = array<i32>} : memref<26x512xi32, #tpu.memory_space<vmem>>, vector<1x16xi32>,
      %get3A_2290 = arith.index_cast %scan3A_2092 : i32 to index
      %get3A_2291 = arith.constant 320 : index
      %get3A_2292 = tpu.vector_load %arg32[%get3A_2290, %get3A_2291] {strides = array<i32>} : memref<26x512xf32, #tpu.memory_space<vmem>>, vector<1x16xf32>,
      %get3A_2293 = vector.shape_cast %get3A_2292 : vector<1x16xf32> to vector<16xf32>
      %convert_element_type3A_2294 = arith.fptosi %get3A_2293 : vector<16xf32> to vector<16xi32>
      %swap3A_2295 = arith.index_cast %scan3A_2092 : i32 to index
      %swap3A_2296 = arith.constant 320 : index
      %swap3A_2297 = tpu.vector_load %arg35[%swap3A_2295, %swap3A_2296] {strides = array<i32>} : memref<26x512xi32, #tpu.memory_space<vmem>>, vector<1x16xi32>,
      %swap3A_2298 = vector.shape_cast %swap3A_2297 : vector<1x16xi32> to vector<16xi32>
      %swap3A_2299 = vector.shape_cast %convert_element_type3A_2294 : vector<16xi32> to vector<1x16xi32>
      tpu.vector_store %arg35[%swap3A_2295, %swap3A_2296], %swap3A_2299 {strides = array<i32>} : memref<26x512xi32, #tpu.memory_space<vmem>>, vector<1x16xi32>,
      %get3A_2300 = arith.index_cast %scan3A_2092 : i32 to index
      %get3A_2301 = arith.constant 336 : index
      %get3A_2302 = tpu.vector_load %arg32[%get3A_2300, %get3A_2301] {strides = array<i32>} : memref<26x512xf32, #tpu.memory_space<vmem>>, vector<1x16xf32>,
      %get3A_2303 = vector.shape_cast %get3A_2302 : vector<1x16xf32> to vector<16xf32>
      %convert_element_type3A_2304 = arith.fptosi %get3A_2303 : vector<16xf32> to vector<16xi32>
      %swap3A_2305 = arith.index_cast %scan3A_2092 : i32 to index
      %swap3A_2306 = arith.constant 336 : index
      %swap3A_2307 = tpu.vector_load %arg35[%swap3A_2305, %swap3A_2306] {strides = array<i32>} : memref<26x512xi32, #tpu.memory_space<vmem>>, vector<1x16xi32>,
      %swap3A_2308 = vector.shape_cast %swap3A_2307 : vector<1x16xi32> to vector<16xi32>
      %swap3A_2309 = vector.shape_cast %convert_element_type3A_2304 : vector<16xi32> to vector<1x16xi32>
      tpu.vector_store %arg35[%swap3A_2305, %swap3A_2306], %swap3A_2309 {strides = array<i32>} : memref<26x512xi32, #tpu.memory_space<vmem>>, vector<1x16xi32>,
      %get3A_2310 = arith.index_cast %scan3A_2092 : i32 to index
      %get3A_2311 = arith.constant 352 : index
      %get3A_2312 = tpu.vector_load %arg32[%get3A_2310, %get3A_2311] {strides = array<i32>} : memref<26x512xf32, #tpu.memory_space<vmem>>, vector<1x16xf32>,
      %get3A_2313 = vector.shape_cast %get3A_2312 : vector<1x16xf32> to vector<16xf32>
      %convert_element_type3A_2314 = arith.fptosi %get3A_2313 : vector<16xf32> to vector<16xi32>
      %swap3A_2315 = arith.index_cast %scan3A_2092 : i32 to index
      %swap3A_2316 = arith.constant 352 : index
      %swap3A_2317 = tpu.vector_load %arg35[%swap3A_2315, %swap3A_2316] {strides = array<i32>} : memref<26x512xi32, #tpu.memory_space<vmem>>, vector<1x16xi32>,
      %swap3A_2318 = vector.shape_cast %swap3A_2317 : vector<1x16xi32> to vector<16xi32>
      %swap3A_2319 = vector.shape_cast %convert_element_type3A_2314 : vector<16xi32> to vector<1x16xi32>
      tpu.vector_store %arg35[%swap3A_2315, %swap3A_2316], %swap3A_2319 {strides = array<i32>} : memref<26x512xi32, #tpu.memory_space<vmem>>, vector<1x16xi32>,
      %get3A_2320 = arith.index_cast %scan3A_2092 : i32 to index
      %get3A_2321 = arith.constant 368 : index
      %get3A_2322 = tpu.vector_load %arg32[%get3A_2320, %get3A_2321] {strides = array<i32>} : memref<26x512xf32, #tpu.memory_space<vmem>>, vector<1x16xf32>,
      %get3A_2323 = vector.shape_cast %get3A_2322 : vector<1x16xf32> to vector<16xf32>
      %convert_element_type3A_2324 = arith.fptosi %get3A_2323 : vector<16xf32> to vector<16xi32>
      %swap3A_2325 = arith.index_cast %scan3A_2092 : i32 to index
      %swap3A_2326 = arith.constant 368 : index
      %swap3A_2327 = tpu.vector_load %arg35[%swap3A_2325, %swap3A_2326] {strides = array<i32>} : memref<26x512xi32, #tpu.memory_space<vmem>>, vector<1x16xi32>,
      %swap3A_2328 = vector.shape_cast %swap3A_2327 : vector<1x16xi32> to vector<16xi32>
      %swap3A_2329 = vector.shape_cast %convert_element_type3A_2324 : vector<16xi32> to vector<1x16xi32>
      tpu.vector_store %arg35[%swap3A_2325, %swap3A_2326], %swap3A_2329 {strides = array<i32>} : memref<26x512xi32, #tpu.memory_space<vmem>>, vector<1x16xi32>,
      %get3A_2330 = arith.index_cast %scan3A_2092 : i32 to index
      %get3A_2331 = arith.constant 384 : index
      %get3A_2332 = tpu.vector_load %arg32[%get3A_2330, %get3A_2331] {strides = array<i32>} : memref<26x512xf32, #tpu.memory_space<vmem>>, vector<1x16xf32>,
      %get3A_2333 = vector.shape_cast %get3A_2332 : vector<1x16xf32> to vector<16xf32>
      %convert_element_type3A_2334 = arith.fptosi %get3A_2333 : vector<16xf32> to vector<16xi32>
      %swap3A_2335 = arith.index_cast %scan3A_2092 : i32 to index
      %swap3A_2336 = arith.constant 384 : index
      %swap3A_2337 = tpu.vector_load %arg35[%swap3A_2335, %swap3A_2336] {strides = array<i32>} : memref<26x512xi32, #tpu.memory_space<vmem>>, vector<1x16xi32>,
      %swap3A_2338 = vector.shape_cast %swap3A_2337 : vector<1x16xi32> to vector<16xi32>
      %swap3A_2339 = vector.shape_cast %convert_element_type3A_2334 : vector<16xi32> to vector<1x16xi32>
      tpu.vector_store %arg35[%swap3A_2335, %swap3A_2336], %swap3A_2339 {strides = array<i32>} : memref<26x512xi32, #tpu.memory_space<vmem>>, vector<1x16xi32>,
      %get3A_2340 = arith.index_cast %scan3A_2092 : i32 to index
      %get3A_2341 = arith.constant 400 : index
      %get3A_2342 = tpu.vector_load %arg32[%get3A_2340, %get3A_2341] {strides = array<i32>} : memref<26x512xf32, #tpu.memory_space<vmem>>, vector<1x16xf32>,
      %get3A_2343 = vector.shape_cast %get3A_2342 : vector<1x16xf32> to vector<16xf32>
      %convert_element_type3A_2344 = arith.fptosi %get3A_2343 : vector<16xf32> to vector<16xi32>
      %swap3A_2345 = arith.index_cast %scan3A_2092 : i32 to index
      %swap3A_2346 = arith.constant 400 : index
      %swap3A_2347 = tpu.vector_load %arg35[%swap3A_2345, %swap3A_2346] {strides = array<i32>} : memref<26x512xi32, #tpu.memory_space<vmem>>, vector<1x16xi32>,
      %swap3A_2348 = vector.shape_cast %swap3A_2347 : vector<1x16xi32> to vector<16xi32>
      %swap3A_2349 = vector.shape_cast %convert_element_type3A_2344 : vector<16xi32> to vector<1x16xi32>
      tpu.vector_store %arg35[%swap3A_2345, %swap3A_2346], %swap3A_2349 {strides = array<i32>} : memref<26x512xi32, #tpu.memory_space<vmem>>, vector<1x16xi32>,
      %get3A_2350 = arith.index_cast %scan3A_2092 : i32 to index
      %get3A_2351 = arith.constant 416 : index
      %get3A_2352 = tpu.vector_load %arg32[%get3A_2350, %get3A_2351] {strides = array<i32>} : memref<26x512xf32, #tpu.memory_space<vmem>>, vector<1x16xf32>,
      %get3A_2353 = vector.shape_cast %get3A_2352 : vector<1x16xf32> to vector<16xf32>
      %convert_element_type3A_2354 = arith.fptosi %get3A_2353 : vector<16xf32> to vector<16xi32>
      %swap3A_2355 = arith.index_cast %scan3A_2092 : i32 to index
      %swap3A_2356 = arith.constant 416 : index
      %swap3A_2357 = tpu.vector_load %arg35[%swap3A_2355, %swap3A_2356] {strides = array<i32>} : memref<26x512xi32, #tpu.memory_space<vmem>>, vector<1x16xi32>,
      %swap3A_2358 = vector.shape_cast %swap3A_2357 : vector<1x16xi32> to vector<16xi32>
      %swap3A_2359 = vector.shape_cast %convert_element_type3A_2354 : vector<16xi32> to vector<1x16xi32>
      tpu.vector_store %arg35[%swap3A_2355, %swap3A_2356], %swap3A_2359 {strides = array<i32>} : memref<26x512xi32, #tpu.memory_space<vmem>>, vector<1x16xi32>,
      %get3A_2360 = arith.index_cast %scan3A_2092 : i32 to index
      %get3A_2361 = arith.constant 432 : index
      %get3A_2362 = tpu.vector_load %arg32[%get3A_2360, %get3A_2361] {strides = array<i32>} : memref<26x512xf32, #tpu.memory_space<vmem>>, vector<1x16xf32>,
      %get3A_2363 = vector.shape_cast %get3A_2362 : vector<1x16xf32> to vector<16xf32>
      %convert_element_type3A_2364 = arith.fptosi %get3A_2363 : vector<16xf32> to vector<16xi32>
      %swap3A_2365 = arith.index_cast %scan3A_2092 : i32 to index
      %swap3A_2366 = arith.constant 432 : index
      %swap3A_2367 = tpu.vector_load %arg35[%swap3A_2365, %swap3A_2366] {strides = array<i32>} : memref<26x512xi32, #tpu.memory_space<vmem>>, vector<1x16xi32>,
      %swap3A_2368 = vector.shape_cast %swap3A_2367 : vector<1x16xi32> to vector<16xi32>
      %swap3A_2369 = vector.shape_cast %convert_element_type3A_2364 : vector<16xi32> to vector<1x16xi32>
      tpu.vector_store %arg35[%swap3A_2365, %swap3A_2366], %swap3A_2369 {strides = array<i32>} : memref<26x512xi32, #tpu.memory_space<vmem>>, vector<1x16xi32>,
      %get3A_2370 = arith.index_cast %scan3A_2092 : i32 to index
      %get3A_2371 = arith.constant 448 : index
      %get3A_2372 = tpu.vector_load %arg32[%get3A_2370, %get3A_2371] {strides = array<i32>} : memref<26x512xf32, #tpu.memory_space<vmem>>, vector<1x16xf32>,
      %get3A_2373 = vector.shape_cast %get3A_2372 : vector<1x16xf32> to vector<16xf32>
      %convert_element_type3A_2374 = arith.fptosi %get3A_2373 : vector<16xf32> to vector<16xi32>
      %swap3A_2375 = arith.index_cast %scan3A_2092 : i32 to index
      %swap3A_2376 = arith.constant 448 : index
      %swap3A_2377 = tpu.vector_load %arg35[%swap3A_2375, %swap3A_2376] {strides = array<i32>} : memref<26x512xi32, #tpu.memory_space<vmem>>, vector<1x16xi32>,
      %swap3A_2378 = vector.shape_cast %swap3A_2377 : vector<1x16xi32> to vector<16xi32>
      %swap3A_2379 = vector.shape_cast %convert_element_type3A_2374 : vector<16xi32> to vector<1x16xi32>
      tpu.vector_store %arg35[%swap3A_2375, %swap3A_2376], %swap3A_2379 {strides = array<i32>} : memref<26x512xi32, #tpu.memory_space<vmem>>, vector<1x16xi32>,
      %get3A_2380 = arith.index_cast %scan3A_2092 : i32 to index
      %get3A_2381 = arith.constant 464 : index
      %get3A_2382 = tpu.vector_load %arg32[%get3A_2380, %get3A_2381] {strides = array<i32>} : memref<26x512xf32, #tpu.memory_space<vmem>>, vector<1x16xf32>,
      %get3A_2383 = vector.shape_cast %get3A_2382 : vector<1x16xf32> to vector<16xf32>
      %convert_element_type3A_2384 = arith.fptosi %get3A_2383 : vector<16xf32> to vector<16xi32>
      %swap3A_2385 = arith.index_cast %scan3A_2092 : i32 to index
      %swap3A_2386 = arith.constant 464 : index
      %swap3A_2387 = tpu.vector_load %arg35[%swap3A_2385, %swap3A_2386] {strides = array<i32>} : memref<26x512xi32, #tpu.memory_space<vmem>>, vector<1x16xi32>,
      %swap3A_2388 = vector.shape_cast %swap3A_2387 : vector<1x16xi32> to vector<16xi32>
      %swap3A_2389 = vector.shape_cast %convert_element_type3A_2384 : vector<16xi32> to vector<1x16xi32>
      tpu.vector_store %arg35[%swap3A_2385, %swap3A_2386], %swap3A_2389 {strides = array<i32>} : memref<26x512xi32, #tpu.memory_space<vmem>>, vector<1x16xi32>,
      %get3A_2390 = arith.index_cast %scan3A_2092 : i32 to index
      %get3A_2391 = arith.constant 480 : index
      %get3A_2392 = tpu.vector_load %arg32[%get3A_2390, %get3A_2391] {strides = array<i32>} : memref<26x512xf32, #tpu.memory_space<vmem>>, vector<1x16xf32>,
      %get3A_2393 = vector.shape_cast %get3A_2392 : vector<1x16xf32> to vector<16xf32>
      %convert_element_type3A_2394 = arith.fptosi %get3A_2393 : vector<16xf32> to vector<16xi32>
      %swap3A_2395 = arith.index_cast %scan3A_2092 : i32 to index
      %swap3A_2396 = arith.constant 480 : index
      %swap3A_2397 = tpu.vector_load %arg35[%swap3A_2395, %swap3A_2396] {strides = array<i32>} : memref<26x512xi32, #tpu.memory_space<vmem>>, vector<1x16xi32>,
      %swap3A_2398 = vector.shape_cast %swap3A_2397 : vector<1x16xi32> to vector<16xi32>
      %swap3A_2399 = vector.shape_cast %convert_element_type3A_2394 : vector<16xi32> to vector<1x16xi32>
      tpu.vector_store %arg35[%swap3A_2395, %swap3A_2396], %swap3A_2399 {strides = array<i32>} : memref<26x512xi32, #tpu.memory_space<vmem>>, vector<1x16xi32>,
      %get3A_2400 = arith.index_cast %scan3A_2092 : i32 to index
      %get3A_2401 = arith.constant 496 : index
      %get3A_2402 = tpu.vector_load %arg32[%get3A_2400, %get3A_2401] {strides = array<i32>} : memref<26x512xf32, #tpu.memory_space<vmem>>, vector<1x16xf32>,
      %get3A_2403 = vector.shape_cast %get3A_2402 : vector<1x16xf32> to vector<16xf32>
      %convert_element_type3A_2404 = arith.fptosi %get3A_2403 : vector<16xf32> to vector<16xi32>
      %swap3A_2405 = arith.index_cast %scan3A_2092 : i32 to index
      %swap3A_2406 = arith.constant 496 : index
      %swap3A_2407 = tpu.vector_load %arg35[%swap3A_2405, %swap3A_2406] {strides = array<i32>} : memref<26x512xi32, #tpu.memory_space<vmem>>, vector<1x16xi32>,
      %swap3A_2408 = vector.shape_cast %swap3A_2407 : vector<1x16xi32> to vector<16xi32>
      %swap3A_2409 = vector.shape_cast %convert_element_type3A_2404 : vector<16xi32> to vector<1x16xi32>
      tpu.vector_store %arg35[%swap3A_2405, %swap3A_2406], %swap3A_2409 {strides = array<i32>} : memref<26x512xi32, #tpu.memory_space<vmem>>, vector<1x16xi32>,
    }
    %scan3A_7 = arith.constant 26 : i32
    %dma_start3A = arith.constant 0 : i32
    %dma_start3A_8 = arith.constant 0 : i32
    %dma_start3A_9 = arith.constant 0 : i32
    %dma_start3A_10 = tpu.memref_slice %arg36[%dma_start3A_8, %dma_start3A_9] : memref<26x512xf32, #tpu.memory_space<vmem>> -> memref<1x128xf32, #tpu.memory_space<vmem>>
    %dma_start3A_11 = tpu.memref_squeeze %dma_start3A_10 : memref<1x128xf32, #tpu.memory_space<vmem>> -> memref<128xf32, #tpu.memory_space<vmem>>
    %dma_start3A_12 = arith.constant 0 : i32
    %dma_start3A_13 = tpu.memref_slice %arg35[%dma_start3A, %dma_start3A_12] : memref<26x512xi32, #tpu.memory_space<vmem>> -> memref<1x128xi32, #tpu.memory_space<vmem>>
    %dma_start3A_14 = tpu.memref_squeeze %dma_start3A_13 : memref<1x128xi32, #tpu.memory_space<vmem>> -> memref<128xi32, #tpu.memory_space<vmem>>
    %dma_start3A_15 = arith.constant 0 : i32
    %dma_start3A_16 = tpu.memref_slice %arg5[%dma_start3A_15] : memref<1000000xf32, #tpu.memory_space<hbm>> -> memref<1000000xf32, #tpu.memory_space<hbm>>
    tpu.enqueue_indirect_dma source(%dma_start3A_16 : memref<1000000xf32, #tpu.memory_space<hbm>>) target(%dma_start3A_11 : memref<128xf32, #tpu.memory_space<vmem>>) offsets(%dma_start3A_14 : memref<128xi32, #tpu.memory_space<vmem>>) semaphore(%arg38 : memref<!tpu.dma_semaphore, #tpu.memory_space<semaphore_mem>>)
    %dma_start3A_17 = arith.constant 0 : i32
    %dma_start3A_18 = arith.constant 0 : i32
    %dma_start3A_19 = arith.constant 128 : i32
    %dma_start3A_20 = tpu.memref_slice %arg36[%dma_start3A_18, %dma_start3A_19] : memref<26x512xf32, #tpu.memory_space<vmem>> -> memref<1x128xf32, #tpu.memory_space<vmem>>
    %dma_start3A_21 = tpu.memref_squeeze %dma_start3A_20 : memref<1x128xf32, #tpu.memory_space<vmem>> -> memref<128xf32, #tpu.memory_space<vmem>>
    %dma_start3A_22 = arith.constant 128 : i32
    %dma_start3A_23 = tpu.memref_slice %arg35[%dma_start3A_17, %dma_start3A_22] : memref<26x512xi32, #tpu.memory_space<vmem>> -> memref<1x128xi32, #tpu.memory_space<vmem>>
    %dma_start3A_24 = tpu.memref_squeeze %dma_start3A_23 : memref<1x128xi32, #tpu.memory_space<vmem>> -> memref<128xi32, #tpu.memory_space<vmem>>
    %dma_start3A_25 = arith.constant 0 : i32
    %dma_start3A_26 = tpu.memref_slice %arg5[%dma_start3A_25] : memref<1000000xf32, #tpu.memory_space<hbm>> -> memref<1000000xf32, #tpu.memory_space<hbm>>
    tpu.enqueue_indirect_dma source(%dma_start3A_26 : memref<1000000xf32, #tpu.memory_space<hbm>>) target(%dma_start3A_21 : memref<128xf32, #tpu.memory_space<vmem>>) offsets(%dma_start3A_24 : memref<128xi32, #tpu.memory_space<vmem>>) semaphore(%arg38 : memref<!tpu.dma_semaphore, #tpu.memory_space<semaphore_mem>>)
    %dma_start3A_27 = arith.constant 0 : i32
    %dma_start3A_28 = arith.constant 0 : i32
    %dma_start3A_29 = arith.constant 256 : i32
    %dma_start3A_30 = tpu.memref_slice %arg36[%dma_start3A_28, %dma_start3A_29] : memref<26x512xf32, #tpu.memory_space<vmem>> -> memref<1x128xf32, #tpu.memory_space<vmem>>
    %dma_start3A_31 = tpu.memref_squeeze %dma_start3A_30 : memref<1x128xf32, #tpu.memory_space<vmem>> -> memref<128xf32, #tpu.memory_space<vmem>>
    %dma_start3A_32 = arith.constant 256 : i32
    %dma_start3A_33 = tpu.memref_slice %arg35[%dma_start3A_27, %dma_start3A_32] : memref<26x512xi32, #tpu.memory_space<vmem>> -> memref<1x128xi32, #tpu.memory_space<vmem>>
    %dma_start3A_34 = tpu.memref_squeeze %dma_start3A_33 : memref<1x128xi32, #tpu.memory_space<vmem>> -> memref<128xi32, #tpu.memory_space<vmem>>
    %dma_start3A_35 = arith.constant 0 : i32
    %dma_start3A_36 = tpu.memref_slice %arg5[%dma_start3A_35] : memref<1000000xf32, #tpu.memory_space<hbm>> -> memref<1000000xf32, #tpu.memory_space<hbm>>
    tpu.enqueue_indirect_dma source(%dma_start3A_36 : memref<1000000xf32, #tpu.memory_space<hbm>>) target(%dma_start3A_31 : memref<128xf32, #tpu.memory_space<vmem>>) offsets(%dma_start3A_34 : memref<128xi32, #tpu.memory_space<vmem>>) semaphore(%arg38 : memref<!tpu.dma_semaphore, #tpu.memory_space<semaphore_mem>>)
    %dma_start3A_37 = arith.constant 0 : i32
    %dma_start3A_38 = arith.constant 0 : i32
    %dma_start3A_39 = arith.constant 384 : i32
    %dma_start3A_40 = tpu.memref_slice %arg36[%dma_start3A_38, %dma_start3A_39] : memref<26x512xf32, #tpu.memory_space<vmem>> -> memref<1x128xf32, #tpu.memory_space<vmem>>
    %dma_start3A_41 = tpu.memref_squeeze %dma_start3A_40 : memref<1x128xf32, #tpu.memory_space<vmem>> -> memref<128xf32, #tpu.memory_space<vmem>>
    %dma_start3A_42 = arith.constant 384 : i32
    %dma_start3A_43 = tpu.memref_slice %arg35[%dma_start3A_37, %dma_start3A_42] : memref<26x512xi32, #tpu.memory_space<vmem>> -> memref<1x128xi32, #tpu.memory_space<vmem>>
    %dma_start3A_44 = tpu.memref_squeeze %dma_start3A_43 : memref<1x128xi32, #tpu.memory_space<vmem>> -> memref<128xi32, #tpu.memory_space<vmem>>
    %dma_start3A_45 = arith.constant 0 : i32
    %dma_start3A_46 = tpu.memref_slice %arg5[%dma_start3A_45] : memref<1000000xf32, #tpu.memory_space<hbm>> -> memref<1000000xf32, #tpu.memory_space<hbm>>
    tpu.enqueue_indirect_dma source(%dma_start3A_46 : memref<1000000xf32, #tpu.memory_space<hbm>>) target(%dma_start3A_41 : memref<128xf32, #tpu.memory_space<vmem>>) offsets(%dma_start3A_44 : memref<128xi32, #tpu.memory_space<vmem>>) semaphore(%arg38 : memref<!tpu.dma_semaphore, #tpu.memory_space<semaphore_mem>>)
    %dma_start3A_47 = arith.constant 1 : i32
    %dma_start3A_48 = arith.constant 1 : i32
    %dma_start3A_49 = arith.constant 0 : i32
    %dma_start3A_50 = tpu.memref_slice %arg36[%dma_start3A_48, %dma_start3A_49] : memref<26x512xf32, #tpu.memory_space<vmem>> -> memref<1x128xf32, #tpu.memory_space<vmem>>
    %dma_start3A_51 = tpu.memref_squeeze %dma_start3A_50 : memref<1x128xf32, #tpu.memory_space<vmem>> -> memref<128xf32, #tpu.memory_space<vmem>>
    %dma_start3A_52 = arith.constant 0 : i32
    %dma_start3A_53 = tpu.memref_slice %arg35[%dma_start3A_47, %dma_start3A_52] : memref<26x512xi32, #tpu.memory_space<vmem>> -> memref<1x128xi32, #tpu.memory_space<vmem>>
    %dma_start3A_54 = tpu.memref_squeeze %dma_start3A_53 : memref<1x128xi32, #tpu.memory_space<vmem>> -> memref<128xi32, #tpu.memory_space<vmem>>
    %dma_start3A_55 = arith.constant 0 : i32
    %dma_start3A_56 = tpu.memref_slice %arg6[%dma_start3A_55] : memref<1000000xf32, #tpu.memory_space<hbm>> -> memref<1000000xf32, #tpu.memory_space<hbm>>
    tpu.enqueue_indirect_dma source(%dma_start3A_56 : memref<1000000xf32, #tpu.memory_space<hbm>>) target(%dma_start3A_51 : memref<128xf32, #tpu.memory_space<vmem>>) offsets(%dma_start3A_54 : memref<128xi32, #tpu.memory_space<vmem>>) semaphore(%arg38 : memref<!tpu.dma_semaphore, #tpu.memory_space<semaphore_mem>>)
    %dma_start3A_57 = arith.constant 1 : i32
    %dma_start3A_58 = arith.constant 1 : i32
    %dma_start3A_59 = arith.constant 128 : i32
    %dma_start3A_60 = tpu.memref_slice %arg36[%dma_start3A_58, %dma_start3A_59] : memref<26x512xf32, #tpu.memory_space<vmem>> -> memref<1x128xf32, #tpu.memory_space<vmem>>
    %dma_start3A_61 = tpu.memref_squeeze %dma_start3A_60 : memref<1x128xf32, #tpu.memory_space<vmem>> -> memref<128xf32, #tpu.memory_space<vmem>>
    %dma_start3A_62 = arith.constant 128 : i32
    %dma_start3A_63 = tpu.memref_slice %arg35[%dma_start3A_57, %dma_start3A_62] : memref<26x512xi32, #tpu.memory_space<vmem>> -> memref<1x128xi32, #tpu.memory_space<vmem>>
    %dma_start3A_64 = tpu.memref_squeeze %dma_start3A_63 : memref<1x128xi32, #tpu.memory_space<vmem>> -> memref<128xi32, #tpu.memory_space<vmem>>
    %dma_start3A_65 = arith.constant 0 : i32
    %dma_start3A_66 = tpu.memref_slice %arg6[%dma_start3A_65] : memref<1000000xf32, #tpu.memory_space<hbm>> -> memref<1000000xf32, #tpu.memory_space<hbm>>
    tpu.enqueue_indirect_dma source(%dma_start3A_66 : memref<1000000xf32, #tpu.memory_space<hbm>>) target(%dma_start3A_61 : memref<128xf32, #tpu.memory_space<vmem>>) offsets(%dma_start3A_64 : memref<128xi32, #tpu.memory_space<vmem>>) semaphore(%arg38 : memref<!tpu.dma_semaphore, #tpu.memory_space<semaphore_mem>>)
    %dma_start3A_67 = arith.constant 1 : i32
    %dma_start3A_68 = arith.constant 1 : i32
    %dma_start3A_69 = arith.constant 256 : i32
    %dma_start3A_70 = tpu.memref_slice %arg36[%dma_start3A_68, %dma_start3A_69] : memref<26x512xf32, #tpu.memory_space<vmem>> -> memref<1x128xf32, #tpu.memory_space<vmem>>
    %dma_start3A_71 = tpu.memref_squeeze %dma_start3A_70 : memref<1x128xf32, #tpu.memory_space<vmem>> -> memref<128xf32, #tpu.memory_space<vmem>>
    %dma_start3A_72 = arith.constant 256 : i32
    %dma_start3A_73 = tpu.memref_slice %arg35[%dma_start3A_67, %dma_start3A_72] : memref<26x512xi32, #tpu.memory_space<vmem>> -> memref<1x128xi32, #tpu.memory_space<vmem>>
    %dma_start3A_74 = tpu.memref_squeeze %dma_start3A_73 : memref<1x128xi32, #tpu.memory_space<vmem>> -> memref<128xi32, #tpu.memory_space<vmem>>
    %dma_start3A_75 = arith.constant 0 : i32
    %dma_start3A_76 = tpu.memref_slice %arg6[%dma_start3A_75] : memref<1000000xf32, #tpu.memory_space<hbm>> -> memref<1000000xf32, #tpu.memory_space<hbm>>
    tpu.enqueue_indirect_dma source(%dma_start3A_76 : memref<1000000xf32, #tpu.memory_space<hbm>>) target(%dma_start3A_71 : memref<128xf32, #tpu.memory_space<vmem>>) offsets(%dma_start3A_74 : memref<128xi32, #tpu.memory_space<vmem>>) semaphore(%arg38 : memref<!tpu.dma_semaphore, #tpu.memory_space<semaphore_mem>>)
    %dma_start3A_77 = arith.constant 1 : i32
    %dma_start3A_78 = arith.constant 1 : i32
    %dma_start3A_79 = arith.constant 384 : i32
    %dma_start3A_80 = tpu.memref_slice %arg36[%dma_start3A_78, %dma_start3A_79] : memref<26x512xf32, #tpu.memory_space<vmem>> -> memref<1x128xf32, #tpu.memory_space<vmem>>
    %dma_start3A_81 = tpu.memref_squeeze %dma_start3A_80 : memref<1x128xf32, #tpu.memory_space<vmem>> -> memref<128xf32, #tpu.memory_space<vmem>>
    %dma_start3A_82 = arith.constant 384 : i32
    %dma_start3A_83 = tpu.memref_slice %arg35[%dma_start3A_77, %dma_start3A_82] : memref<26x512xi32, #tpu.memory_space<vmem>> -> memref<1x128xi32, #tpu.memory_space<vmem>>
    %dma_start3A_84 = tpu.memref_squeeze %dma_start3A_83 : memref<1x128xi32, #tpu.memory_space<vmem>> -> memref<128xi32, #tpu.memory_space<vmem>>
    %dma_start3A_85 = arith.constant 0 : i32
    %dma_start3A_86 = tpu.memref_slice %arg6[%dma_start3A_85] : memref<1000000xf32, #tpu.memory_space<hbm>> -> memref<1000000xf32, #tpu.memory_space<hbm>>
    tpu.enqueue_indirect_dma source(%dma_start3A_86 : memref<1000000xf32, #tpu.memory_space<hbm>>) target(%dma_start3A_81 : memref<128xf32, #tpu.memory_space<vmem>>) offsets(%dma_start3A_84 : memref<128xi32, #tpu.memory_space<vmem>>) semaphore(%arg38 : memref<!tpu.dma_semaphore, #tpu.memory_space<semaphore_mem>>)
    %dma_start3A_87 = arith.constant 2 : i32
    %dma_start3A_88 = arith.constant 2 : i32
    %dma_start3A_89 = arith.constant 0 : i32
    %dma_start3A_90 = tpu.memref_slice %arg36[%dma_start3A_88, %dma_start3A_89] : memref<26x512xf32, #tpu.memory_space<vmem>> -> memref<1x128xf32, #tpu.memory_space<vmem>>
    %dma_start3A_91 = tpu.memref_squeeze %dma_start3A_90 : memref<1x128xf32, #tpu.memory_space<vmem>> -> memref<128xf32, #tpu.memory_space<vmem>>
    %dma_start3A_92 = arith.constant 0 : i32
    %dma_start3A_93 = tpu.memref_slice %arg35[%dma_start3A_87, %dma_start3A_92] : memref<26x512xi32, #tpu.memory_space<vmem>> -> memref<1x128xi32, #tpu.memory_space<vmem>>
    %dma_start3A_94 = tpu.memref_squeeze %dma_start3A_93 : memref<1x128xi32, #tpu.memory_space<vmem>> -> memref<128xi32, #tpu.memory_space<vmem>>
    %dma_start3A_95 = arith.constant 0 : i32
    %dma_start3A_96 = tpu.memref_slice %arg7[%dma_start3A_95] : memref<1000000xf32, #tpu.memory_space<hbm>> -> memref<1000000xf32, #tpu.memory_space<hbm>>
    tpu.enqueue_indirect_dma source(%dma_start3A_96 : memref<1000000xf32, #tpu.memory_space<hbm>>) target(%dma_start3A_91 : memref<128xf32, #tpu.memory_space<vmem>>) offsets(%dma_start3A_94 : memref<128xi32, #tpu.memory_space<vmem>>) semaphore(%arg38 : memref<!tpu.dma_semaphore, #tpu.memory_space<semaphore_mem>>)
    %dma_start3A_97 = arith.constant 2 : i32
    %dma_start3A_98 = arith.constant 2 : i32
    %dma_start3A_99 = arith.constant 128 : i32
    %dma_start3A_100 = tpu.memref_slice %arg36[%dma_start3A_98, %dma_start3A_99] : memref<26x512xf32, #tpu.memory_space<vmem>> -> memref<1x128xf32, #tpu.memory_space<vmem>>
    %dma_start3A_101 = tpu.memref_squeeze %dma_start3A_100 : memref<1x128xf32, #tpu.memory_space<vmem>> -> memref<128xf32, #tpu.memory_space<vmem>>
    %dma_start3A_102 = arith.constant 128 : i32
    %dma_start3A_103 = tpu.memref_slice %arg35[%dma_start3A_97, %dma_start3A_102] : memref<26x512xi32, #tpu.memory_space<vmem>> -> memref<1x128xi32, #tpu.memory_space<vmem>>
    %dma_start3A_104 = tpu.memref_squeeze %dma_start3A_103 : memref<1x128xi32, #tpu.memory_space<vmem>> -> memref<128xi32, #tpu.memory_space<vmem>>
    %dma_start3A_105 = arith.constant 0 : i32
    %dma_start3A_106 = tpu.memref_slice %arg7[%dma_start3A_105] : memref<1000000xf32, #tpu.memory_space<hbm>> -> memref<1000000xf32, #tpu.memory_space<hbm>>
    tpu.enqueue_indirect_dma source(%dma_start3A_106 : memref<1000000xf32, #tpu.memory_space<hbm>>) target(%dma_start3A_101 : memref<128xf32, #tpu.memory_space<vmem>>) offsets(%dma_start3A_104 : memref<128xi32, #tpu.memory_space<vmem>>) semaphore(%arg38 : memref<!tpu.dma_semaphore, #tpu.memory_space<semaphore_mem>>)
    %dma_start3A_107 = arith.constant 2 : i32
    %dma_start3A_108 = arith.constant 2 : i32
    %dma_start3A_109 = arith.constant 256 : i32
    %dma_start3A_110 = tpu.memref_slice %arg36[%dma_start3A_108, %dma_start3A_109] : memref<26x512xf32, #tpu.memory_space<vmem>> -> memref<1x128xf32, #tpu.memory_space<vmem>>
    %dma_start3A_111 = tpu.memref_squeeze %dma_start3A_110 : memref<1x128xf32, #tpu.memory_space<vmem>> -> memref<128xf32, #tpu.memory_space<vmem>>
    %dma_start3A_112 = arith.constant 256 : i32
    %dma_start3A_113 = tpu.memref_slice %arg35[%dma_start3A_107, %dma_start3A_112] : memref<26x512xi32, #tpu.memory_space<vmem>> -> memref<1x128xi32, #tpu.memory_space<vmem>>
    %dma_start3A_114 = tpu.memref_squeeze %dma_start3A_113 : memref<1x128xi32, #tpu.memory_space<vmem>> -> memref<128xi32, #tpu.memory_space<vmem>>
    %dma_start3A_115 = arith.constant 0 : i32
    %dma_start3A_116 = tpu.memref_slice %arg7[%dma_start3A_115] : memref<1000000xf32, #tpu.memory_space<hbm>> -> memref<1000000xf32, #tpu.memory_space<hbm>>
    tpu.enqueue_indirect_dma source(%dma_start3A_116 : memref<1000000xf32, #tpu.memory_space<hbm>>) target(%dma_start3A_111 : memref<128xf32, #tpu.memory_space<vmem>>) offsets(%dma_start3A_114 : memref<128xi32, #tpu.memory_space<vmem>>) semaphore(%arg38 : memref<!tpu.dma_semaphore, #tpu.memory_space<semaphore_mem>>)
    %dma_start3A_117 = arith.constant 2 : i32
    %dma_start3A_118 = arith.constant 2 : i32
    %dma_start3A_119 = arith.constant 384 : i32
    %dma_start3A_120 = tpu.memref_slice %arg36[%dma_start3A_118, %dma_start3A_119] : memref<26x512xf32, #tpu.memory_space<vmem>> -> memref<1x128xf32, #tpu.memory_space<vmem>>
    %dma_start3A_121 = tpu.memref_squeeze %dma_start3A_120 : memref<1x128xf32, #tpu.memory_space<vmem>> -> memref<128xf32, #tpu.memory_space<vmem>>
    %dma_start3A_122 = arith.constant 384 : i32
    %dma_start3A_123 = tpu.memref_slice %arg35[%dma_start3A_117, %dma_start3A_122] : memref<26x512xi32, #tpu.memory_space<vmem>> -> memref<1x128xi32, #tpu.memory_space<vmem>>
    %dma_start3A_124 = tpu.memref_squeeze %dma_start3A_123 : memref<1x128xi32, #tpu.memory_space<vmem>> -> memref<128xi32, #tpu.memory_space<vmem>>
    %dma_start3A_125 = arith.constant 0 : i32
    %dma_start3A_126 = tpu.memref_slice %arg7[%dma_start3A_125] : memref<1000000xf32, #tpu.memory_space<hbm>> -> memref<1000000xf32, #tpu.memory_space<hbm>>
    tpu.enqueue_indirect_dma source(%dma_start3A_126 : memref<1000000xf32, #tpu.memory_space<hbm>>) target(%dma_start3A_121 : memref<128xf32, #tpu.memory_space<vmem>>) offsets(%dma_start3A_124 : memref<128xi32, #tpu.memory_space<vmem>>) semaphore(%arg38 : memref<!tpu.dma_semaphore, #tpu.memory_space<semaphore_mem>>)
    %dma_start3A_127 = arith.constant 3 : i32
    %dma_start3A_128 = arith.constant 3 : i32
    %dma_start3A_129 = arith.constant 0 : i32
    %dma_start3A_130 = tpu.memref_slice %arg36[%dma_start3A_128, %dma_start3A_129] : memref<26x512xf32, #tpu.memory_space<vmem>> -> memref<1x128xf32, #tpu.memory_space<vmem>>
    %dma_start3A_131 = tpu.memref_squeeze %dma_start3A_130 : memref<1x128xf32, #tpu.memory_space<vmem>> -> memref<128xf32, #tpu.memory_space<vmem>>
    %dma_start3A_132 = arith.constant 0 : i32
    %dma_start3A_133 = tpu.memref_slice %arg35[%dma_start3A_127, %dma_start3A_132] : memref<26x512xi32, #tpu.memory_space<vmem>> -> memref<1x128xi32, #tpu.memory_space<vmem>>
    %dma_start3A_134 = tpu.memref_squeeze %dma_start3A_133 : memref<1x128xi32, #tpu.memory_space<vmem>> -> memref<128xi32, #tpu.memory_space<vmem>>
    %dma_start3A_135 = arith.constant 0 : i32
    %dma_start3A_136 = tpu.memref_slice %arg8[%dma_start3A_135] : memref<1000000xf32, #tpu.memory_space<hbm>> -> memref<1000000xf32, #tpu.memory_space<hbm>>
    tpu.enqueue_indirect_dma source(%dma_start3A_136 : memref<1000000xf32, #tpu.memory_space<hbm>>) target(%dma_start3A_131 : memref<128xf32, #tpu.memory_space<vmem>>) offsets(%dma_start3A_134 : memref<128xi32, #tpu.memory_space<vmem>>) semaphore(%arg38 : memref<!tpu.dma_semaphore, #tpu.memory_space<semaphore_mem>>)
    %dma_start3A_137 = arith.constant 3 : i32
    %dma_start3A_138 = arith.constant 3 : i32
    %dma_start3A_139 = arith.constant 128 : i32
    %dma_start3A_140 = tpu.memref_slice %arg36[%dma_start3A_138, %dma_start3A_139] : memref<26x512xf32, #tpu.memory_space<vmem>> -> memref<1x128xf32, #tpu.memory_space<vmem>>
    %dma_start3A_141 = tpu.memref_squeeze %dma_start3A_140 : memref<1x128xf32, #tpu.memory_space<vmem>> -> memref<128xf32, #tpu.memory_space<vmem>>
    %dma_start3A_142 = arith.constant 128 : i32
    %dma_start3A_143 = tpu.memref_slice %arg35[%dma_start3A_137, %dma_start3A_142] : memref<26x512xi32, #tpu.memory_space<vmem>> -> memref<1x128xi32, #tpu.memory_space<vmem>>
    %dma_start3A_144 = tpu.memref_squeeze %dma_start3A_143 : memref<1x128xi32, #tpu.memory_space<vmem>> -> memref<128xi32, #tpu.memory_space<vmem>>
    %dma_start3A_145 = arith.constant 0 : i32
    %dma_start3A_146 = tpu.memref_slice %arg8[%dma_start3A_145] : memref<1000000xf32, #tpu.memory_space<hbm>> -> memref<1000000xf32, #tpu.memory_space<hbm>>
    tpu.enqueue_indirect_dma source(%dma_start3A_146 : memref<1000000xf32, #tpu.memory_space<hbm>>) target(%dma_start3A_141 : memref<128xf32, #tpu.memory_space<vmem>>) offsets(%dma_start3A_144 : memref<128xi32, #tpu.memory_space<vmem>>) semaphore(%arg38 : memref<!tpu.dma_semaphore, #tpu.memory_space<semaphore_mem>>)
    %dma_start3A_147 = arith.constant 3 : i32
    %dma_start3A_148 = arith.constant 3 : i32
    %dma_start3A_149 = arith.constant 256 : i32
    %dma_start3A_150 = tpu.memref_slice %arg36[%dma_start3A_148, %dma_start3A_149] : memref<26x512xf32, #tpu.memory_space<vmem>> -> memref<1x128xf32, #tpu.memory_space<vmem>>
    %dma_start3A_151 = tpu.memref_squeeze %dma_start3A_150 : memref<1x128xf32, #tpu.memory_space<vmem>> -> memref<128xf32, #tpu.memory_space<vmem>>
    %dma_start3A_152 = arith.constant 256 : i32
    %dma_start3A_153 = tpu.memref_slice %arg35[%dma_start3A_147, %dma_start3A_152] : memref<26x512xi32, #tpu.memory_space<vmem>> -> memref<1x128xi32, #tpu.memory_space<vmem>>
    %dma_start3A_154 = tpu.memref_squeeze %dma_start3A_153 : memref<1x128xi32, #tpu.memory_space<vmem>> -> memref<128xi32, #tpu.memory_space<vmem>>
    %dma_start3A_155 = arith.constant 0 : i32
    %dma_start3A_156 = tpu.memref_slice %arg8[%dma_start3A_155] : memref<1000000xf32, #tpu.memory_space<hbm>> -> memref<1000000xf32, #tpu.memory_space<hbm>>
    tpu.enqueue_indirect_dma source(%dma_start3A_156 : memref<1000000xf32, #tpu.memory_space<hbm>>) target(%dma_start3A_151 : memref<128xf32, #tpu.memory_space<vmem>>) offsets(%dma_start3A_154 : memref<128xi32, #tpu.memory_space<vmem>>) semaphore(%arg38 : memref<!tpu.dma_semaphore, #tpu.memory_space<semaphore_mem>>)
    %dma_start3A_157 = arith.constant 3 : i32
    %dma_start3A_158 = arith.constant 3 : i32
    %dma_start3A_159 = arith.constant 384 : i32
    %dma_start3A_160 = tpu.memref_slice %arg36[%dma_start3A_158, %dma_start3A_159] : memref<26x512xf32, #tpu.memory_space<vmem>> -> memref<1x128xf32, #tpu.memory_space<vmem>>
    %dma_start3A_161 = tpu.memref_squeeze %dma_start3A_160 : memref<1x128xf32, #tpu.memory_space<vmem>> -> memref<128xf32, #tpu.memory_space<vmem>>
    %dma_start3A_162 = arith.constant 384 : i32
    %dma_start3A_163 = tpu.memref_slice %arg35[%dma_start3A_157, %dma_start3A_162] : memref<26x512xi32, #tpu.memory_space<vmem>> -> memref<1x128xi32, #tpu.memory_space<vmem>>
    %dma_start3A_164 = tpu.memref_squeeze %dma_start3A_163 : memref<1x128xi32, #tpu.memory_space<vmem>> -> memref<128xi32, #tpu.memory_space<vmem>>
    %dma_start3A_165 = arith.constant 0 : i32
    %dma_start3A_166 = tpu.memref_slice %arg8[%dma_start3A_165] : memref<1000000xf32, #tpu.memory_space<hbm>> -> memref<1000000xf32, #tpu.memory_space<hbm>>
    tpu.enqueue_indirect_dma source(%dma_start3A_166 : memref<1000000xf32, #tpu.memory_space<hbm>>) target(%dma_start3A_161 : memref<128xf32, #tpu.memory_space<vmem>>) offsets(%dma_start3A_164 : memref<128xi32, #tpu.memory_space<vmem>>) semaphore(%arg38 : memref<!tpu.dma_semaphore, #tpu.memory_space<semaphore_mem>>)
    %dma_start3A_167 = arith.constant 4 : i32
    %dma_start3A_168 = arith.constant 4 : i32
    %dma_start3A_169 = arith.constant 0 : i32
    %dma_start3A_170 = tpu.memref_slice %arg36[%dma_start3A_168, %dma_start3A_169] : memref<26x512xf32, #tpu.memory_space<vmem>> -> memref<1x128xf32, #tpu.memory_space<vmem>>
    %dma_start3A_171 = tpu.memref_squeeze %dma_start3A_170 : memref<1x128xf32, #tpu.memory_space<vmem>> -> memref<128xf32, #tpu.memory_space<vmem>>
    %dma_start3A_172 = arith.constant 0 : i32
    %dma_start3A_173 = tpu.memref_slice %arg35[%dma_start3A_167, %dma_start3A_172] : memref<26x512xi32, #tpu.memory_space<vmem>> -> memref<1x128xi32, #tpu.memory_space<vmem>>
    %dma_start3A_174 = tpu.memref_squeeze %dma_start3A_173 : memref<1x128xi32, #tpu.memory_space<vmem>> -> memref<128xi32, #tpu.memory_space<vmem>>
    %dma_start3A_175 = arith.constant 0 : i32
    %dma_start3A_176 = tpu.memref_slice %arg9[%dma_start3A_175] : memref<1000000xf32, #tpu.memory_space<hbm>> -> memref<1000000xf32, #tpu.memory_space<hbm>>
    tpu.enqueue_indirect_dma source(%dma_start3A_176 : memref<1000000xf32, #tpu.memory_space<hbm>>) target(%dma_start3A_171 : memref<128xf32, #tpu.memory_space<vmem>>) offsets(%dma_start3A_174 : memref<128xi32, #tpu.memory_space<vmem>>) semaphore(%arg38 : memref<!tpu.dma_semaphore, #tpu.memory_space<semaphore_mem>>)
    %dma_start3A_177 = arith.constant 4 : i32
    %dma_start3A_178 = arith.constant 4 : i32
    %dma_start3A_179 = arith.constant 128 : i32
    %dma_start3A_180 = tpu.memref_slice %arg36[%dma_start3A_178, %dma_start3A_179] : memref<26x512xf32, #tpu.memory_space<vmem>> -> memref<1x128xf32, #tpu.memory_space<vmem>>
    %dma_start3A_181 = tpu.memref_squeeze %dma_start3A_180 : memref<1x128xf32, #tpu.memory_space<vmem>> -> memref<128xf32, #tpu.memory_space<vmem>>
    %dma_start3A_182 = arith.constant 128 : i32
    %dma_start3A_183 = tpu.memref_slice %arg35[%dma_start3A_177, %dma_start3A_182] : memref<26x512xi32, #tpu.memory_space<vmem>> -> memref<1x128xi32, #tpu.memory_space<vmem>>
    %dma_start3A_184 = tpu.memref_squeeze %dma_start3A_183 : memref<1x128xi32, #tpu.memory_space<vmem>> -> memref<128xi32, #tpu.memory_space<vmem>>
    %dma_start3A_185 = arith.constant 0 : i32
    %dma_start3A_186 = tpu.memref_slice %arg9[%dma_start3A_185] : memref<1000000xf32, #tpu.memory_space<hbm>> -> memref<1000000xf32, #tpu.memory_space<hbm>>
    tpu.enqueue_indirect_dma source(%dma_start3A_186 : memref<1000000xf32, #tpu.memory_space<hbm>>) target(%dma_start3A_181 : memref<128xf32, #tpu.memory_space<vmem>>) offsets(%dma_start3A_184 : memref<128xi32, #tpu.memory_space<vmem>>) semaphore(%arg38 : memref<!tpu.dma_semaphore, #tpu.memory_space<semaphore_mem>>)
    %dma_start3A_187 = arith.constant 4 : i32
    %dma_start3A_188 = arith.constant 4 : i32
    %dma_start3A_189 = arith.constant 256 : i32
    %dma_start3A_190 = tpu.memref_slice %arg36[%dma_start3A_188, %dma_start3A_189] : memref<26x512xf32, #tpu.memory_space<vmem>> -> memref<1x128xf32, #tpu.memory_space<vmem>>
    %dma_start3A_191 = tpu.memref_squeeze %dma_start3A_190 : memref<1x128xf32, #tpu.memory_space<vmem>> -> memref<128xf32, #tpu.memory_space<vmem>>
    %dma_start3A_192 = arith.constant 256 : i32
    %dma_start3A_193 = tpu.memref_slice %arg35[%dma_start3A_187, %dma_start3A_192] : memref<26x512xi32, #tpu.memory_space<vmem>> -> memref<1x128xi32, #tpu.memory_space<vmem>>
    %dma_start3A_194 = tpu.memref_squeeze %dma_start3A_193 : memref<1x128xi32, #tpu.memory_space<vmem>> -> memref<128xi32, #tpu.memory_space<vmem>>
    %dma_start3A_195 = arith.constant 0 : i32
    %dma_start3A_196 = tpu.memref_slice %arg9[%dma_start3A_195] : memref<1000000xf32, #tpu.memory_space<hbm>> -> memref<1000000xf32, #tpu.memory_space<hbm>>
    tpu.enqueue_indirect_dma source(%dma_start3A_196 : memref<1000000xf32, #tpu.memory_space<hbm>>) target(%dma_start3A_191 : memref<128xf32, #tpu.memory_space<vmem>>) offsets(%dma_start3A_194 : memref<128xi32, #tpu.memory_space<vmem>>) semaphore(%arg38 : memref<!tpu.dma_semaphore, #tpu.memory_space<semaphore_mem>>)
    %dma_start3A_197 = arith.constant 4 : i32
    %dma_start3A_198 = arith.constant 4 : i32
    %dma_start3A_199 = arith.constant 384 : i32
    %dma_start3A_200 = tpu.memref_slice %arg36[%dma_start3A_198, %dma_start3A_199] : memref<26x512xf32, #tpu.memory_space<vmem>> -> memref<1x128xf32, #tpu.memory_space<vmem>>
    %dma_start3A_201 = tpu.memref_squeeze %dma_start3A_200 : memref<1x128xf32, #tpu.memory_space<vmem>> -> memref<128xf32, #tpu.memory_space<vmem>>
    %dma_start3A_202 = arith.constant 384 : i32
    %dma_start3A_203 = tpu.memref_slice %arg35[%dma_start3A_197, %dma_start3A_202] : memref<26x512xi32, #tpu.memory_space<vmem>> -> memref<1x128xi32, #tpu.memory_space<vmem>>
    %dma_start3A_204 = tpu.memref_squeeze %dma_start3A_203 : memref<1x128xi32, #tpu.memory_space<vmem>> -> memref<128xi32, #tpu.memory_space<vmem>>
    %dma_start3A_205 = arith.constant 0 : i32
    %dma_start3A_206 = tpu.memref_slice %arg9[%dma_start3A_205] : memref<1000000xf32, #tpu.memory_space<hbm>> -> memref<1000000xf32, #tpu.memory_space<hbm>>
    tpu.enqueue_indirect_dma source(%dma_start3A_206 : memref<1000000xf32, #tpu.memory_space<hbm>>) target(%dma_start3A_201 : memref<128xf32, #tpu.memory_space<vmem>>) offsets(%dma_start3A_204 : memref<128xi32, #tpu.memory_space<vmem>>) semaphore(%arg38 : memref<!tpu.dma_semaphore, #tpu.memory_space<semaphore_mem>>)
    %dma_start3A_207 = arith.constant 5 : i32
    %dma_start3A_208 = arith.constant 5 : i32
    %dma_start3A_209 = arith.constant 0 : i32
    %dma_start3A_210 = tpu.memref_slice %arg36[%dma_start3A_208, %dma_start3A_209] : memref<26x512xf32, #tpu.memory_space<vmem>> -> memref<1x128xf32, #tpu.memory_space<vmem>>
    %dma_start3A_211 = tpu.memref_squeeze %dma_start3A_210 : memref<1x128xf32, #tpu.memory_space<vmem>> -> memref<128xf32, #tpu.memory_space<vmem>>
    %dma_start3A_212 = arith.constant 0 : i32
    %dma_start3A_213 = tpu.memref_slice %arg35[%dma_start3A_207, %dma_start3A_212] : memref<26x512xi32, #tpu.memory_space<vmem>> -> memref<1x128xi32, #tpu.memory_space<vmem>>
    %dma_start3A_214 = tpu.memref_squeeze %dma_start3A_213 : memref<1x128xi32, #tpu.memory_space<vmem>> -> memref<128xi32, #tpu.memory_space<vmem>>
    %dma_start3A_215 = arith.constant 0 : i32
    %dma_start3A_216 = tpu.memref_slice %arg10[%dma_start3A_215] : memref<1000000xf32, #tpu.memory_space<hbm>> -> memref<1000000xf32, #tpu.memory_space<hbm>>
    tpu.enqueue_indirect_dma source(%dma_start3A_216 : memref<1000000xf32, #tpu.memory_space<hbm>>) target(%dma_start3A_211 : memref<128xf32, #tpu.memory_space<vmem>>) offsets(%dma_start3A_214 : memref<128xi32, #tpu.memory_space<vmem>>) semaphore(%arg38 : memref<!tpu.dma_semaphore, #tpu.memory_space<semaphore_mem>>)
    %dma_start3A_217 = arith.constant 5 : i32
    %dma_start3A_218 = arith.constant 5 : i32
    %dma_start3A_219 = arith.constant 128 : i32
    %dma_start3A_220 = tpu.memref_slice %arg36[%dma_start3A_218, %dma_start3A_219] : memref<26x512xf32, #tpu.memory_space<vmem>> -> memref<1x128xf32, #tpu.memory_space<vmem>>
    %dma_start3A_221 = tpu.memref_squeeze %dma_start3A_220 : memref<1x128xf32, #tpu.memory_space<vmem>> -> memref<128xf32, #tpu.memory_space<vmem>>
    %dma_start3A_222 = arith.constant 128 : i32
    %dma_start3A_223 = tpu.memref_slice %arg35[%dma_start3A_217, %dma_start3A_222] : memref<26x512xi32, #tpu.memory_space<vmem>> -> memref<1x128xi32, #tpu.memory_space<vmem>>
    %dma_start3A_224 = tpu.memref_squeeze %dma_start3A_223 : memref<1x128xi32, #tpu.memory_space<vmem>> -> memref<128xi32, #tpu.memory_space<vmem>>
    %dma_start3A_225 = arith.constant 0 : i32
    %dma_start3A_226 = tpu.memref_slice %arg10[%dma_start3A_225] : memref<1000000xf32, #tpu.memory_space<hbm>> -> memref<1000000xf32, #tpu.memory_space<hbm>>
    tpu.enqueue_indirect_dma source(%dma_start3A_226 : memref<1000000xf32, #tpu.memory_space<hbm>>) target(%dma_start3A_221 : memref<128xf32, #tpu.memory_space<vmem>>) offsets(%dma_start3A_224 : memref<128xi32, #tpu.memory_space<vmem>>) semaphore(%arg38 : memref<!tpu.dma_semaphore, #tpu.memory_space<semaphore_mem>>)
    %dma_start3A_227 = arith.constant 5 : i32
    %dma_start3A_228 = arith.constant 5 : i32
    %dma_start3A_229 = arith.constant 256 : i32
    %dma_start3A_230 = tpu.memref_slice %arg36[%dma_start3A_228, %dma_start3A_229] : memref<26x512xf32, #tpu.memory_space<vmem>> -> memref<1x128xf32, #tpu.memory_space<vmem>>
    %dma_start3A_231 = tpu.memref_squeeze %dma_start3A_230 : memref<1x128xf32, #tpu.memory_space<vmem>> -> memref<128xf32, #tpu.memory_space<vmem>>
    %dma_start3A_232 = arith.constant 256 : i32
    %dma_start3A_233 = tpu.memref_slice %arg35[%dma_start3A_227, %dma_start3A_232] : memref<26x512xi32, #tpu.memory_space<vmem>> -> memref<1x128xi32, #tpu.memory_space<vmem>>
    %dma_start3A_234 = tpu.memref_squeeze %dma_start3A_233 : memref<1x128xi32, #tpu.memory_space<vmem>> -> memref<128xi32, #tpu.memory_space<vmem>>
    %dma_start3A_235 = arith.constant 0 : i32
    %dma_start3A_236 = tpu.memref_slice %arg10[%dma_start3A_235] : memref<1000000xf32, #tpu.memory_space<hbm>> -> memref<1000000xf32, #tpu.memory_space<hbm>>
    tpu.enqueue_indirect_dma source(%dma_start3A_236 : memref<1000000xf32, #tpu.memory_space<hbm>>) target(%dma_start3A_231 : memref<128xf32, #tpu.memory_space<vmem>>) offsets(%dma_start3A_234 : memref<128xi32, #tpu.memory_space<vmem>>) semaphore(%arg38 : memref<!tpu.dma_semaphore, #tpu.memory_space<semaphore_mem>>)
    %dma_start3A_237 = arith.constant 5 : i32
    %dma_start3A_238 = arith.constant 5 : i32
    %dma_start3A_239 = arith.constant 384 : i32
    %dma_start3A_240 = tpu.memref_slice %arg36[%dma_start3A_238, %dma_start3A_239] : memref<26x512xf32, #tpu.memory_space<vmem>> -> memref<1x128xf32, #tpu.memory_space<vmem>>
    %dma_start3A_241 = tpu.memref_squeeze %dma_start3A_240 : memref<1x128xf32, #tpu.memory_space<vmem>> -> memref<128xf32, #tpu.memory_space<vmem>>
    %dma_start3A_242 = arith.constant 384 : i32
    %dma_start3A_243 = tpu.memref_slice %arg35[%dma_start3A_237, %dma_start3A_242] : memref<26x512xi32, #tpu.memory_space<vmem>> -> memref<1x128xi32, #tpu.memory_space<vmem>>
    %dma_start3A_244 = tpu.memref_squeeze %dma_start3A_243 : memref<1x128xi32, #tpu.memory_space<vmem>> -> memref<128xi32, #tpu.memory_space<vmem>>
    %dma_start3A_245 = arith.constant 0 : i32
    %dma_start3A_246 = tpu.memref_slice %arg10[%dma_start3A_245] : memref<1000000xf32, #tpu.memory_space<hbm>> -> memref<1000000xf32, #tpu.memory_space<hbm>>
    tpu.enqueue_indirect_dma source(%dma_start3A_246 : memref<1000000xf32, #tpu.memory_space<hbm>>) target(%dma_start3A_241 : memref<128xf32, #tpu.memory_space<vmem>>) offsets(%dma_start3A_244 : memref<128xi32, #tpu.memory_space<vmem>>) semaphore(%arg38 : memref<!tpu.dma_semaphore, #tpu.memory_space<semaphore_mem>>)
    %dma_start3A_247 = arith.constant 6 : i32
    %dma_start3A_248 = arith.constant 6 : i32
    %dma_start3A_249 = arith.constant 0 : i32
    %dma_start3A_250 = tpu.memref_slice %arg36[%dma_start3A_248, %dma_start3A_249] : memref<26x512xf32, #tpu.memory_space<vmem>> -> memref<1x128xf32, #tpu.memory_space<vmem>>
    %dma_start3A_251 = tpu.memref_squeeze %dma_start3A_250 : memref<1x128xf32, #tpu.memory_space<vmem>> -> memref<128xf32, #tpu.memory_space<vmem>>
    %dma_start3A_252 = arith.constant 0 : i32
    %dma_start3A_253 = tpu.memref_slice %arg35[%dma_start3A_247, %dma_start3A_252] : memref<26x512xi32, #tpu.memory_space<vmem>> -> memref<1x128xi32, #tpu.memory_space<vmem>>
    %dma_start3A_254 = tpu.memref_squeeze %dma_start3A_253 : memref<1x128xi32, #tpu.memory_space<vmem>> -> memref<128xi32, #tpu.memory_space<vmem>>
    %dma_start3A_255 = arith.constant 0 : i32
    %dma_start3A_256 = tpu.memref_slice %arg11[%dma_start3A_255] : memref<1000000xf32, #tpu.memory_space<hbm>> -> memref<1000000xf32, #tpu.memory_space<hbm>>
    tpu.enqueue_indirect_dma source(%dma_start3A_256 : memref<1000000xf32, #tpu.memory_space<hbm>>) target(%dma_start3A_251 : memref<128xf32, #tpu.memory_space<vmem>>) offsets(%dma_start3A_254 : memref<128xi32, #tpu.memory_space<vmem>>) semaphore(%arg38 : memref<!tpu.dma_semaphore, #tpu.memory_space<semaphore_mem>>)
    %dma_start3A_257 = arith.constant 6 : i32
    %dma_start3A_258 = arith.constant 6 : i32
    %dma_start3A_259 = arith.constant 128 : i32
    %dma_start3A_260 = tpu.memref_slice %arg36[%dma_start3A_258, %dma_start3A_259] : memref<26x512xf32, #tpu.memory_space<vmem>> -> memref<1x128xf32, #tpu.memory_space<vmem>>
    %dma_start3A_261 = tpu.memref_squeeze %dma_start3A_260 : memref<1x128xf32, #tpu.memory_space<vmem>> -> memref<128xf32, #tpu.memory_space<vmem>>
    %dma_start3A_262 = arith.constant 128 : i32
    %dma_start3A_263 = tpu.memref_slice %arg35[%dma_start3A_257, %dma_start3A_262] : memref<26x512xi32, #tpu.memory_space<vmem>> -> memref<1x128xi32, #tpu.memory_space<vmem>>
    %dma_start3A_264 = tpu.memref_squeeze %dma_start3A_263 : memref<1x128xi32, #tpu.memory_space<vmem>> -> memref<128xi32, #tpu.memory_space<vmem>>
    %dma_start3A_265 = arith.constant 0 : i32
    %dma_start3A_266 = tpu.memref_slice %arg11[%dma_start3A_265] : memref<1000000xf32, #tpu.memory_space<hbm>> -> memref<1000000xf32, #tpu.memory_space<hbm>>
    tpu.enqueue_indirect_dma source(%dma_start3A_266 : memref<1000000xf32, #tpu.memory_space<hbm>>) target(%dma_start3A_261 : memref<128xf32, #tpu.memory_space<vmem>>) offsets(%dma_start3A_264 : memref<128xi32, #tpu.memory_space<vmem>>) semaphore(%arg38 : memref<!tpu.dma_semaphore, #tpu.memory_space<semaphore_mem>>)
    %dma_start3A_267 = arith.constant 6 : i32
    %dma_start3A_268 = arith.constant 6 : i32
    %dma_start3A_269 = arith.constant 256 : i32
    %dma_start3A_270 = tpu.memref_slice %arg36[%dma_start3A_268, %dma_start3A_269] : memref<26x512xf32, #tpu.memory_space<vmem>> -> memref<1x128xf32, #tpu.memory_space<vmem>>
    %dma_start3A_271 = tpu.memref_squeeze %dma_start3A_270 : memref<1x128xf32, #tpu.memory_space<vmem>> -> memref<128xf32, #tpu.memory_space<vmem>>
    %dma_start3A_272 = arith.constant 256 : i32
    %dma_start3A_273 = tpu.memref_slice %arg35[%dma_start3A_267, %dma_start3A_272] : memref<26x512xi32, #tpu.memory_space<vmem>> -> memref<1x128xi32, #tpu.memory_space<vmem>>
    %dma_start3A_274 = tpu.memref_squeeze %dma_start3A_273 : memref<1x128xi32, #tpu.memory_space<vmem>> -> memref<128xi32, #tpu.memory_space<vmem>>
    %dma_start3A_275 = arith.constant 0 : i32
    %dma_start3A_276 = tpu.memref_slice %arg11[%dma_start3A_275] : memref<1000000xf32, #tpu.memory_space<hbm>> -> memref<1000000xf32, #tpu.memory_space<hbm>>
    tpu.enqueue_indirect_dma source(%dma_start3A_276 : memref<1000000xf32, #tpu.memory_space<hbm>>) target(%dma_start3A_271 : memref<128xf32, #tpu.memory_space<vmem>>) offsets(%dma_start3A_274 : memref<128xi32, #tpu.memory_space<vmem>>) semaphore(%arg38 : memref<!tpu.dma_semaphore, #tpu.memory_space<semaphore_mem>>)
    %dma_start3A_277 = arith.constant 6 : i32
    %dma_start3A_278 = arith.constant 6 : i32
    %dma_start3A_279 = arith.constant 384 : i32
    %dma_start3A_280 = tpu.memref_slice %arg36[%dma_start3A_278, %dma_start3A_279] : memref<26x512xf32, #tpu.memory_space<vmem>> -> memref<1x128xf32, #tpu.memory_space<vmem>>
    %dma_start3A_281 = tpu.memref_squeeze %dma_start3A_280 : memref<1x128xf32, #tpu.memory_space<vmem>> -> memref<128xf32, #tpu.memory_space<vmem>>
    %dma_start3A_282 = arith.constant 384 : i32
    %dma_start3A_283 = tpu.memref_slice %arg35[%dma_start3A_277, %dma_start3A_282] : memref<26x512xi32, #tpu.memory_space<vmem>> -> memref<1x128xi32, #tpu.memory_space<vmem>>
    %dma_start3A_284 = tpu.memref_squeeze %dma_start3A_283 : memref<1x128xi32, #tpu.memory_space<vmem>> -> memref<128xi32, #tpu.memory_space<vmem>>
    %dma_start3A_285 = arith.constant 0 : i32
    %dma_start3A_286 = tpu.memref_slice %arg11[%dma_start3A_285] : memref<1000000xf32, #tpu.memory_space<hbm>> -> memref<1000000xf32, #tpu.memory_space<hbm>>
    tpu.enqueue_indirect_dma source(%dma_start3A_286 : memref<1000000xf32, #tpu.memory_space<hbm>>) target(%dma_start3A_281 : memref<128xf32, #tpu.memory_space<vmem>>) offsets(%dma_start3A_284 : memref<128xi32, #tpu.memory_space<vmem>>) semaphore(%arg38 : memref<!tpu.dma_semaphore, #tpu.memory_space<semaphore_mem>>)
    %dma_start3A_287 = arith.constant 7 : i32
    %dma_start3A_288 = arith.constant 7 : i32
    %dma_start3A_289 = arith.constant 0 : i32
    %dma_start3A_290 = tpu.memref_slice %arg36[%dma_start3A_288, %dma_start3A_289] : memref<26x512xf32, #tpu.memory_space<vmem>> -> memref<1x128xf32, #tpu.memory_space<vmem>>
    %dma_start3A_291 = tpu.memref_squeeze %dma_start3A_290 : memref<1x128xf32, #tpu.memory_space<vmem>> -> memref<128xf32, #tpu.memory_space<vmem>>
    %dma_start3A_292 = arith.constant 0 : i32
    %dma_start3A_293 = tpu.memref_slice %arg35[%dma_start3A_287, %dma_start3A_292] : memref<26x512xi32, #tpu.memory_space<vmem>> -> memref<1x128xi32, #tpu.memory_space<vmem>>
    %dma_start3A_294 = tpu.memref_squeeze %dma_start3A_293 : memref<1x128xi32, #tpu.memory_space<vmem>> -> memref<128xi32, #tpu.memory_space<vmem>>
    %dma_start3A_295 = arith.constant 0 : i32
    %dma_start3A_296 = tpu.memref_slice %arg12[%dma_start3A_295] : memref<1000000xf32, #tpu.memory_space<hbm>> -> memref<1000000xf32, #tpu.memory_space<hbm>>
    tpu.enqueue_indirect_dma source(%dma_start3A_296 : memref<1000000xf32, #tpu.memory_space<hbm>>) target(%dma_start3A_291 : memref<128xf32, #tpu.memory_space<vmem>>) offsets(%dma_start3A_294 : memref<128xi32, #tpu.memory_space<vmem>>) semaphore(%arg38 : memref<!tpu.dma_semaphore, #tpu.memory_space<semaphore_mem>>)
    %dma_start3A_297 = arith.constant 7 : i32
    %dma_start3A_298 = arith.constant 7 : i32
    %dma_start3A_299 = arith.constant 128 : i32
    %dma_start3A_300 = tpu.memref_slice %arg36[%dma_start3A_298, %dma_start3A_299] : memref<26x512xf32, #tpu.memory_space<vmem>> -> memref<1x128xf32, #tpu.memory_space<vmem>>
    %dma_start3A_301 = tpu.memref_squeeze %dma_start3A_300 : memref<1x128xf32, #tpu.memory_space<vmem>> -> memref<128xf32, #tpu.memory_space<vmem>>
    %dma_start3A_302 = arith.constant 128 : i32
    %dma_start3A_303 = tpu.memref_slice %arg35[%dma_start3A_297, %dma_start3A_302] : memref<26x512xi32, #tpu.memory_space<vmem>> -> memref<1x128xi32, #tpu.memory_space<vmem>>
    %dma_start3A_304 = tpu.memref_squeeze %dma_start3A_303 : memref<1x128xi32, #tpu.memory_space<vmem>> -> memref<128xi32, #tpu.memory_space<vmem>>
    %dma_start3A_305 = arith.constant 0 : i32
    %dma_start3A_306 = tpu.memref_slice %arg12[%dma_start3A_305] : memref<1000000xf32, #tpu.memory_space<hbm>> -> memref<1000000xf32, #tpu.memory_space<hbm>>
    tpu.enqueue_indirect_dma source(%dma_start3A_306 : memref<1000000xf32, #tpu.memory_space<hbm>>) target(%dma_start3A_301 : memref<128xf32, #tpu.memory_space<vmem>>) offsets(%dma_start3A_304 : memref<128xi32, #tpu.memory_space<vmem>>) semaphore(%arg38 : memref<!tpu.dma_semaphore, #tpu.memory_space<semaphore_mem>>)
    %dma_start3A_307 = arith.constant 7 : i32
    %dma_start3A_308 = arith.constant 7 : i32
    %dma_start3A_309 = arith.constant 256 : i32
    %dma_start3A_310 = tpu.memref_slice %arg36[%dma_start3A_308, %dma_start3A_309] : memref<26x512xf32, #tpu.memory_space<vmem>> -> memref<1x128xf32, #tpu.memory_space<vmem>>
    %dma_start3A_311 = tpu.memref_squeeze %dma_start3A_310 : memref<1x128xf32, #tpu.memory_space<vmem>> -> memref<128xf32, #tpu.memory_space<vmem>>
    %dma_start3A_312 = arith.constant 256 : i32
    %dma_start3A_313 = tpu.memref_slice %arg35[%dma_start3A_307, %dma_start3A_312] : memref<26x512xi32, #tpu.memory_space<vmem>> -> memref<1x128xi32, #tpu.memory_space<vmem>>
    %dma_start3A_314 = tpu.memref_squeeze %dma_start3A_313 : memref<1x128xi32, #tpu.memory_space<vmem>> -> memref<128xi32, #tpu.memory_space<vmem>>
    %dma_start3A_315 = arith.constant 0 : i32
    %dma_start3A_316 = tpu.memref_slice %arg12[%dma_start3A_315] : memref<1000000xf32, #tpu.memory_space<hbm>> -> memref<1000000xf32, #tpu.memory_space<hbm>>
    tpu.enqueue_indirect_dma source(%dma_start3A_316 : memref<1000000xf32, #tpu.memory_space<hbm>>) target(%dma_start3A_311 : memref<128xf32, #tpu.memory_space<vmem>>) offsets(%dma_start3A_314 : memref<128xi32, #tpu.memory_space<vmem>>) semaphore(%arg38 : memref<!tpu.dma_semaphore, #tpu.memory_space<semaphore_mem>>)
    %dma_start3A_317 = arith.constant 7 : i32
    %dma_start3A_318 = arith.constant 7 : i32
    %dma_start3A_319 = arith.constant 384 : i32
    %dma_start3A_320 = tpu.memref_slice %arg36[%dma_start3A_318, %dma_start3A_319] : memref<26x512xf32, #tpu.memory_space<vmem>> -> memref<1x128xf32, #tpu.memory_space<vmem>>
    %dma_start3A_321 = tpu.memref_squeeze %dma_start3A_320 : memref<1x128xf32, #tpu.memory_space<vmem>> -> memref<128xf32, #tpu.memory_space<vmem>>
    %dma_start3A_322 = arith.constant 384 : i32
    %dma_start3A_323 = tpu.memref_slice %arg35[%dma_start3A_317, %dma_start3A_322] : memref<26x512xi32, #tpu.memory_space<vmem>> -> memref<1x128xi32, #tpu.memory_space<vmem>>
    %dma_start3A_324 = tpu.memref_squeeze %dma_start3A_323 : memref<1x128xi32, #tpu.memory_space<vmem>> -> memref<128xi32, #tpu.memory_space<vmem>>
    %dma_start3A_325 = arith.constant 0 : i32
    %dma_start3A_326 = tpu.memref_slice %arg12[%dma_start3A_325] : memref<1000000xf32, #tpu.memory_space<hbm>> -> memref<1000000xf32, #tpu.memory_space<hbm>>
    tpu.enqueue_indirect_dma source(%dma_start3A_326 : memref<1000000xf32, #tpu.memory_space<hbm>>) target(%dma_start3A_321 : memref<128xf32, #tpu.memory_space<vmem>>) offsets(%dma_start3A_324 : memref<128xi32, #tpu.memory_space<vmem>>) semaphore(%arg38 : memref<!tpu.dma_semaphore, #tpu.memory_space<semaphore_mem>>)
    %dma_start3A_327 = arith.constant 8 : i32
    %dma_start3A_328 = arith.constant 8 : i32
    %dma_start3A_329 = arith.constant 0 : i32
    %dma_start3A_330 = tpu.memref_slice %arg36[%dma_start3A_328, %dma_start3A_329] : memref<26x512xf32, #tpu.memory_space<vmem>> -> memref<1x128xf32, #tpu.memory_space<vmem>>
    %dma_start3A_331 = tpu.memref_squeeze %dma_start3A_330 : memref<1x128xf32, #tpu.memory_space<vmem>> -> memref<128xf32, #tpu.memory_space<vmem>>
    %dma_start3A_332 = arith.constant 0 : i32
    %dma_start3A_333 = tpu.memref_slice %arg35[%dma_start3A_327, %dma_start3A_332] : memref<26x512xi32, #tpu.memory_space<vmem>> -> memref<1x128xi32, #tpu.memory_space<vmem>>
    %dma_start3A_334 = tpu.memref_squeeze %dma_start3A_333 : memref<1x128xi32, #tpu.memory_space<vmem>> -> memref<128xi32, #tpu.memory_space<vmem>>
    %dma_start3A_335 = arith.constant 0 : i32
    %dma_start3A_336 = tpu.memref_slice %arg13[%dma_start3A_335] : memref<1000000xf32, #tpu.memory_space<hbm>> -> memref<1000000xf32, #tpu.memory_space<hbm>>
    tpu.enqueue_indirect_dma source(%dma_start3A_336 : memref<1000000xf32, #tpu.memory_space<hbm>>) target(%dma_start3A_331 : memref<128xf32, #tpu.memory_space<vmem>>) offsets(%dma_start3A_334 : memref<128xi32, #tpu.memory_space<vmem>>) semaphore(%arg38 : memref<!tpu.dma_semaphore, #tpu.memory_space<semaphore_mem>>)
    %dma_start3A_337 = arith.constant 8 : i32
    %dma_start3A_338 = arith.constant 8 : i32
    %dma_start3A_339 = arith.constant 128 : i32
    %dma_start3A_340 = tpu.memref_slice %arg36[%dma_start3A_338, %dma_start3A_339] : memref<26x512xf32, #tpu.memory_space<vmem>> -> memref<1x128xf32, #tpu.memory_space<vmem>>
    %dma_start3A_341 = tpu.memref_squeeze %dma_start3A_340 : memref<1x128xf32, #tpu.memory_space<vmem>> -> memref<128xf32, #tpu.memory_space<vmem>>
    %dma_start3A_342 = arith.constant 128 : i32
    %dma_start3A_343 = tpu.memref_slice %arg35[%dma_start3A_337, %dma_start3A_342] : memref<26x512xi32, #tpu.memory_space<vmem>> -> memref<1x128xi32, #tpu.memory_space<vmem>>
    %dma_start3A_344 = tpu.memref_squeeze %dma_start3A_343 : memref<1x128xi32, #tpu.memory_space<vmem>> -> memref<128xi32, #tpu.memory_space<vmem>>
    %dma_start3A_345 = arith.constant 0 : i32
    %dma_start3A_346 = tpu.memref_slice %arg13[%dma_start3A_345] : memref<1000000xf32, #tpu.memory_space<hbm>> -> memref<1000000xf32, #tpu.memory_space<hbm>>
    tpu.enqueue_indirect_dma source(%dma_start3A_346 : memref<1000000xf32, #tpu.memory_space<hbm>>) target(%dma_start3A_341 : memref<128xf32, #tpu.memory_space<vmem>>) offsets(%dma_start3A_344 : memref<128xi32, #tpu.memory_space<vmem>>) semaphore(%arg38 : memref<!tpu.dma_semaphore, #tpu.memory_space<semaphore_mem>>)
    %dma_start3A_347 = arith.constant 8 : i32
    %dma_start3A_348 = arith.constant 8 : i32
    %dma_start3A_349 = arith.constant 256 : i32
    %dma_start3A_350 = tpu.memref_slice %arg36[%dma_start3A_348, %dma_start3A_349] : memref<26x512xf32, #tpu.memory_space<vmem>> -> memref<1x128xf32, #tpu.memory_space<vmem>>
    %dma_start3A_351 = tpu.memref_squeeze %dma_start3A_350 : memref<1x128xf32, #tpu.memory_space<vmem>> -> memref<128xf32, #tpu.memory_space<vmem>>
    %dma_start3A_352 = arith.constant 256 : i32
    %dma_start3A_353 = tpu.memref_slice %arg35[%dma_start3A_347, %dma_start3A_352] : memref<26x512xi32, #tpu.memory_space<vmem>> -> memref<1x128xi32, #tpu.memory_space<vmem>>
    %dma_start3A_354 = tpu.memref_squeeze %dma_start3A_353 : memref<1x128xi32, #tpu.memory_space<vmem>> -> memref<128xi32, #tpu.memory_space<vmem>>
    %dma_start3A_355 = arith.constant 0 : i32
    %dma_start3A_356 = tpu.memref_slice %arg13[%dma_start3A_355] : memref<1000000xf32, #tpu.memory_space<hbm>> -> memref<1000000xf32, #tpu.memory_space<hbm>>
    tpu.enqueue_indirect_dma source(%dma_start3A_356 : memref<1000000xf32, #tpu.memory_space<hbm>>) target(%dma_start3A_351 : memref<128xf32, #tpu.memory_space<vmem>>) offsets(%dma_start3A_354 : memref<128xi32, #tpu.memory_space<vmem>>) semaphore(%arg38 : memref<!tpu.dma_semaphore, #tpu.memory_space<semaphore_mem>>)
    %dma_start3A_357 = arith.constant 8 : i32
    %dma_start3A_358 = arith.constant 8 : i32
    %dma_start3A_359 = arith.constant 384 : i32
    %dma_start3A_360 = tpu.memref_slice %arg36[%dma_start3A_358, %dma_start3A_359] : memref<26x512xf32, #tpu.memory_space<vmem>> -> memref<1x128xf32, #tpu.memory_space<vmem>>
    %dma_start3A_361 = tpu.memref_squeeze %dma_start3A_360 : memref<1x128xf32, #tpu.memory_space<vmem>> -> memref<128xf32, #tpu.memory_space<vmem>>
    %dma_start3A_362 = arith.constant 384 : i32
    %dma_start3A_363 = tpu.memref_slice %arg35[%dma_start3A_357, %dma_start3A_362] : memref<26x512xi32, #tpu.memory_space<vmem>> -> memref<1x128xi32, #tpu.memory_space<vmem>>
    %dma_start3A_364 = tpu.memref_squeeze %dma_start3A_363 : memref<1x128xi32, #tpu.memory_space<vmem>> -> memref<128xi32, #tpu.memory_space<vmem>>
    %dma_start3A_365 = arith.constant 0 : i32
    %dma_start3A_366 = tpu.memref_slice %arg13[%dma_start3A_365] : memref<1000000xf32, #tpu.memory_space<hbm>> -> memref<1000000xf32, #tpu.memory_space<hbm>>
    tpu.enqueue_indirect_dma source(%dma_start3A_366 : memref<1000000xf32, #tpu.memory_space<hbm>>) target(%dma_start3A_361 : memref<128xf32, #tpu.memory_space<vmem>>) offsets(%dma_start3A_364 : memref<128xi32, #tpu.memory_space<vmem>>) semaphore(%arg38 : memref<!tpu.dma_semaphore, #tpu.memory_space<semaphore_mem>>)
    %dma_start3A_367 = arith.constant 9 : i32
    %dma_start3A_368 = arith.constant 9 : i32
    %dma_start3A_369 = arith.constant 0 : i32
    %dma_start3A_370 = tpu.memref_slice %arg36[%dma_start3A_368, %dma_start3A_369] : memref<26x512xf32, #tpu.memory_space<vmem>> -> memref<1x128xf32, #tpu.memory_space<vmem>>
    %dma_start3A_371 = tpu.memref_squeeze %dma_start3A_370 : memref<1x128xf32, #tpu.memory_space<vmem>> -> memref<128xf32, #tpu.memory_space<vmem>>
    %dma_start3A_372 = arith.constant 0 : i32
    %dma_start3A_373 = tpu.memref_slice %arg35[%dma_start3A_367, %dma_start3A_372] : memref<26x512xi32, #tpu.memory_space<vmem>> -> memref<1x128xi32, #tpu.memory_space<vmem>>
    %dma_start3A_374 = tpu.memref_squeeze %dma_start3A_373 : memref<1x128xi32, #tpu.memory_space<vmem>> -> memref<128xi32, #tpu.memory_space<vmem>>
    %dma_start3A_375 = arith.constant 0 : i32
    %dma_start3A_376 = tpu.memref_slice %arg14[%dma_start3A_375] : memref<1000000xf32, #tpu.memory_space<hbm>> -> memref<1000000xf32, #tpu.memory_space<hbm>>
    tpu.enqueue_indirect_dma source(%dma_start3A_376 : memref<1000000xf32, #tpu.memory_space<hbm>>) target(%dma_start3A_371 : memref<128xf32, #tpu.memory_space<vmem>>) offsets(%dma_start3A_374 : memref<128xi32, #tpu.memory_space<vmem>>) semaphore(%arg38 : memref<!tpu.dma_semaphore, #tpu.memory_space<semaphore_mem>>)
    %dma_start3A_377 = arith.constant 9 : i32
    %dma_start3A_378 = arith.constant 9 : i32
    %dma_start3A_379 = arith.constant 128 : i32
    %dma_start3A_380 = tpu.memref_slice %arg36[%dma_start3A_378, %dma_start3A_379] : memref<26x512xf32, #tpu.memory_space<vmem>> -> memref<1x128xf32, #tpu.memory_space<vmem>>
    %dma_start3A_381 = tpu.memref_squeeze %dma_start3A_380 : memref<1x128xf32, #tpu.memory_space<vmem>> -> memref<128xf32, #tpu.memory_space<vmem>>
    %dma_start3A_382 = arith.constant 128 : i32
    %dma_start3A_383 = tpu.memref_slice %arg35[%dma_start3A_377, %dma_start3A_382] : memref<26x512xi32, #tpu.memory_space<vmem>> -> memref<1x128xi32, #tpu.memory_space<vmem>>
    %dma_start3A_384 = tpu.memref_squeeze %dma_start3A_383 : memref<1x128xi32, #tpu.memory_space<vmem>> -> memref<128xi32, #tpu.memory_space<vmem>>
    %dma_start3A_385 = arith.constant 0 : i32
    %dma_start3A_386 = tpu.memref_slice %arg14[%dma_start3A_385] : memref<1000000xf32, #tpu.memory_space<hbm>> -> memref<1000000xf32, #tpu.memory_space<hbm>>
    tpu.enqueue_indirect_dma source(%dma_start3A_386 : memref<1000000xf32, #tpu.memory_space<hbm>>) target(%dma_start3A_381 : memref<128xf32, #tpu.memory_space<vmem>>) offsets(%dma_start3A_384 : memref<128xi32, #tpu.memory_space<vmem>>) semaphore(%arg38 : memref<!tpu.dma_semaphore, #tpu.memory_space<semaphore_mem>>)
    %dma_start3A_387 = arith.constant 9 : i32
    %dma_start3A_388 = arith.constant 9 : i32
    %dma_start3A_389 = arith.constant 256 : i32
    %dma_start3A_390 = tpu.memref_slice %arg36[%dma_start3A_388, %dma_start3A_389] : memref<26x512xf32, #tpu.memory_space<vmem>> -> memref<1x128xf32, #tpu.memory_space<vmem>>
    %dma_start3A_391 = tpu.memref_squeeze %dma_start3A_390 : memref<1x128xf32, #tpu.memory_space<vmem>> -> memref<128xf32, #tpu.memory_space<vmem>>
    %dma_start3A_392 = arith.constant 256 : i32
    %dma_start3A_393 = tpu.memref_slice %arg35[%dma_start3A_387, %dma_start3A_392] : memref<26x512xi32, #tpu.memory_space<vmem>> -> memref<1x128xi32, #tpu.memory_space<vmem>>
    %dma_start3A_394 = tpu.memref_squeeze %dma_start3A_393 : memref<1x128xi32, #tpu.memory_space<vmem>> -> memref<128xi32, #tpu.memory_space<vmem>>
    %dma_start3A_395 = arith.constant 0 : i32
    %dma_start3A_396 = tpu.memref_slice %arg14[%dma_start3A_395] : memref<1000000xf32, #tpu.memory_space<hbm>> -> memref<1000000xf32, #tpu.memory_space<hbm>>
    tpu.enqueue_indirect_dma source(%dma_start3A_396 : memref<1000000xf32, #tpu.memory_space<hbm>>) target(%dma_start3A_391 : memref<128xf32, #tpu.memory_space<vmem>>) offsets(%dma_start3A_394 : memref<128xi32, #tpu.memory_space<vmem>>) semaphore(%arg38 : memref<!tpu.dma_semaphore, #tpu.memory_space<semaphore_mem>>)
    %dma_start3A_397 = arith.constant 9 : i32
    %dma_start3A_398 = arith.constant 9 : i32
    %dma_start3A_399 = arith.constant 384 : i32
    %dma_start3A_400 = tpu.memref_slice %arg36[%dma_start3A_398, %dma_start3A_399] : memref<26x512xf32, #tpu.memory_space<vmem>> -> memref<1x128xf32, #tpu.memory_space<vmem>>
    %dma_start3A_401 = tpu.memref_squeeze %dma_start3A_400 : memref<1x128xf32, #tpu.memory_space<vmem>> -> memref<128xf32, #tpu.memory_space<vmem>>
    %dma_start3A_402 = arith.constant 384 : i32
    %dma_start3A_403 = tpu.memref_slice %arg35[%dma_start3A_397, %dma_start3A_402] : memref<26x512xi32, #tpu.memory_space<vmem>> -> memref<1x128xi32, #tpu.memory_space<vmem>>
    %dma_start3A_404 = tpu.memref_squeeze %dma_start3A_403 : memref<1x128xi32, #tpu.memory_space<vmem>> -> memref<128xi32, #tpu.memory_space<vmem>>
    %dma_start3A_405 = arith.constant 0 : i32
    %dma_start3A_406 = tpu.memref_slice %arg14[%dma_start3A_405] : memref<1000000xf32, #tpu.memory_space<hbm>> -> memref<1000000xf32, #tpu.memory_space<hbm>>
    tpu.enqueue_indirect_dma source(%dma_start3A_406 : memref<1000000xf32, #tpu.memory_space<hbm>>) target(%dma_start3A_401 : memref<128xf32, #tpu.memory_space<vmem>>) offsets(%dma_start3A_404 : memref<128xi32, #tpu.memory_space<vmem>>) semaphore(%arg38 : memref<!tpu.dma_semaphore, #tpu.memory_space<semaphore_mem>>)
    %dma_start3A_407 = arith.constant 10 : i32
    %dma_start3A_408 = arith.constant 10 : i32
    %dma_start3A_409 = arith.constant 0 : i32
    %dma_start3A_410 = tpu.memref_slice %arg36[%dma_start3A_408, %dma_start3A_409] : memref<26x512xf32, #tpu.memory_space<vmem>> -> memref<1x128xf32, #tpu.memory_space<vmem>>
    %dma_start3A_411 = tpu.memref_squeeze %dma_start3A_410 : memref<1x128xf32, #tpu.memory_space<vmem>> -> memref<128xf32, #tpu.memory_space<vmem>>
    %dma_start3A_412 = arith.constant 0 : i32
    %dma_start3A_413 = tpu.memref_slice %arg35[%dma_start3A_407, %dma_start3A_412] : memref<26x512xi32, #tpu.memory_space<vmem>> -> memref<1x128xi32, #tpu.memory_space<vmem>>
    %dma_start3A_414 = tpu.memref_squeeze %dma_start3A_413 : memref<1x128xi32, #tpu.memory_space<vmem>> -> memref<128xi32, #tpu.memory_space<vmem>>
    %dma_start3A_415 = arith.constant 0 : i32
    %dma_start3A_416 = tpu.memref_slice %arg15[%dma_start3A_415] : memref<1000000xf32, #tpu.memory_space<hbm>> -> memref<1000000xf32, #tpu.memory_space<hbm>>
    tpu.enqueue_indirect_dma source(%dma_start3A_416 : memref<1000000xf32, #tpu.memory_space<hbm>>) target(%dma_start3A_411 : memref<128xf32, #tpu.memory_space<vmem>>) offsets(%dma_start3A_414 : memref<128xi32, #tpu.memory_space<vmem>>) semaphore(%arg38 : memref<!tpu.dma_semaphore, #tpu.memory_space<semaphore_mem>>)
    %dma_start3A_417 = arith.constant 10 : i32
    %dma_start3A_418 = arith.constant 10 : i32
    %dma_start3A_419 = arith.constant 128 : i32
    %dma_start3A_420 = tpu.memref_slice %arg36[%dma_start3A_418, %dma_start3A_419] : memref<26x512xf32, #tpu.memory_space<vmem>> -> memref<1x128xf32, #tpu.memory_space<vmem>>
    %dma_start3A_421 = tpu.memref_squeeze %dma_start3A_420 : memref<1x128xf32, #tpu.memory_space<vmem>> -> memref<128xf32, #tpu.memory_space<vmem>>
    %dma_start3A_422 = arith.constant 128 : i32
    %dma_start3A_423 = tpu.memref_slice %arg35[%dma_start3A_417, %dma_start3A_422] : memref<26x512xi32, #tpu.memory_space<vmem>> -> memref<1x128xi32, #tpu.memory_space<vmem>>
    %dma_start3A_424 = tpu.memref_squeeze %dma_start3A_423 : memref<1x128xi32, #tpu.memory_space<vmem>> -> memref<128xi32, #tpu.memory_space<vmem>>
    %dma_start3A_425 = arith.constant 0 : i32
    %dma_start3A_426 = tpu.memref_slice %arg15[%dma_start3A_425] : memref<1000000xf32, #tpu.memory_space<hbm>> -> memref<1000000xf32, #tpu.memory_space<hbm>>
    tpu.enqueue_indirect_dma source(%dma_start3A_426 : memref<1000000xf32, #tpu.memory_space<hbm>>) target(%dma_start3A_421 : memref<128xf32, #tpu.memory_space<vmem>>) offsets(%dma_start3A_424 : memref<128xi32, #tpu.memory_space<vmem>>) semaphore(%arg38 : memref<!tpu.dma_semaphore, #tpu.memory_space<semaphore_mem>>)
    %dma_start3A_427 = arith.constant 10 : i32
    %dma_start3A_428 = arith.constant 10 : i32
    %dma_start3A_429 = arith.constant 256 : i32
    %dma_start3A_430 = tpu.memref_slice %arg36[%dma_start3A_428, %dma_start3A_429] : memref<26x512xf32, #tpu.memory_space<vmem>> -> memref<1x128xf32, #tpu.memory_space<vmem>>
    %dma_start3A_431 = tpu.memref_squeeze %dma_start3A_430 : memref<1x128xf32, #tpu.memory_space<vmem>> -> memref<128xf32, #tpu.memory_space<vmem>>
    %dma_start3A_432 = arith.constant 256 : i32
    %dma_start3A_433 = tpu.memref_slice %arg35[%dma_start3A_427, %dma_start3A_432] : memref<26x512xi32, #tpu.memory_space<vmem>> -> memref<1x128xi32, #tpu.memory_space<vmem>>
    %dma_start3A_434 = tpu.memref_squeeze %dma_start3A_433 : memref<1x128xi32, #tpu.memory_space<vmem>> -> memref<128xi32, #tpu.memory_space<vmem>>
    %dma_start3A_435 = arith.constant 0 : i32
    %dma_start3A_436 = tpu.memref_slice %arg15[%dma_start3A_435] : memref<1000000xf32, #tpu.memory_space<hbm>> -> memref<1000000xf32, #tpu.memory_space<hbm>>
    tpu.enqueue_indirect_dma source(%dma_start3A_436 : memref<1000000xf32, #tpu.memory_space<hbm>>) target(%dma_start3A_431 : memref<128xf32, #tpu.memory_space<vmem>>) offsets(%dma_start3A_434 : memref<128xi32, #tpu.memory_space<vmem>>) semaphore(%arg38 : memref<!tpu.dma_semaphore, #tpu.memory_space<semaphore_mem>>)
    %dma_start3A_437 = arith.constant 10 : i32
    %dma_start3A_438 = arith.constant 10 : i32
    %dma_start3A_439 = arith.constant 384 : i32
    %dma_start3A_440 = tpu.memref_slice %arg36[%dma_start3A_438, %dma_start3A_439] : memref<26x512xf32, #tpu.memory_space<vmem>> -> memref<1x128xf32, #tpu.memory_space<vmem>>
    %dma_start3A_441 = tpu.memref_squeeze %dma_start3A_440 : memref<1x128xf32, #tpu.memory_space<vmem>> -> memref<128xf32, #tpu.memory_space<vmem>>
    %dma_start3A_442 = arith.constant 384 : i32
    %dma_start3A_443 = tpu.memref_slice %arg35[%dma_start3A_437, %dma_start3A_442] : memref<26x512xi32, #tpu.memory_space<vmem>> -> memref<1x128xi32, #tpu.memory_space<vmem>>
    %dma_start3A_444 = tpu.memref_squeeze %dma_start3A_443 : memref<1x128xi32, #tpu.memory_space<vmem>> -> memref<128xi32, #tpu.memory_space<vmem>>
    %dma_start3A_445 = arith.constant 0 : i32
    %dma_start3A_446 = tpu.memref_slice %arg15[%dma_start3A_445] : memref<1000000xf32, #tpu.memory_space<hbm>> -> memref<1000000xf32, #tpu.memory_space<hbm>>
    tpu.enqueue_indirect_dma source(%dma_start3A_446 : memref<1000000xf32, #tpu.memory_space<hbm>>) target(%dma_start3A_441 : memref<128xf32, #tpu.memory_space<vmem>>) offsets(%dma_start3A_444 : memref<128xi32, #tpu.memory_space<vmem>>) semaphore(%arg38 : memref<!tpu.dma_semaphore, #tpu.memory_space<semaphore_mem>>)
    %dma_start3A_447 = arith.constant 11 : i32
    %dma_start3A_448 = arith.constant 11 : i32
    %dma_start3A_449 = arith.constant 0 : i32
    %dma_start3A_450 = tpu.memref_slice %arg36[%dma_start3A_448, %dma_start3A_449] : memref<26x512xf32, #tpu.memory_space<vmem>> -> memref<1x128xf32, #tpu.memory_space<vmem>>
    %dma_start3A_451 = tpu.memref_squeeze %dma_start3A_450 : memref<1x128xf32, #tpu.memory_space<vmem>> -> memref<128xf32, #tpu.memory_space<vmem>>
    %dma_start3A_452 = arith.constant 0 : i32
    %dma_start3A_453 = tpu.memref_slice %arg35[%dma_start3A_447, %dma_start3A_452] : memref<26x512xi32, #tpu.memory_space<vmem>> -> memref<1x128xi32, #tpu.memory_space<vmem>>
    %dma_start3A_454 = tpu.memref_squeeze %dma_start3A_453 : memref<1x128xi32, #tpu.memory_space<vmem>> -> memref<128xi32, #tpu.memory_space<vmem>>
    %dma_start3A_455 = arith.constant 0 : i32
    %dma_start3A_456 = tpu.memref_slice %arg16[%dma_start3A_455] : memref<1000000xf32, #tpu.memory_space<hbm>> -> memref<1000000xf32, #tpu.memory_space<hbm>>
    tpu.enqueue_indirect_dma source(%dma_start3A_456 : memref<1000000xf32, #tpu.memory_space<hbm>>) target(%dma_start3A_451 : memref<128xf32, #tpu.memory_space<vmem>>) offsets(%dma_start3A_454 : memref<128xi32, #tpu.memory_space<vmem>>) semaphore(%arg38 : memref<!tpu.dma_semaphore, #tpu.memory_space<semaphore_mem>>)
    %dma_start3A_457 = arith.constant 11 : i32
    %dma_start3A_458 = arith.constant 11 : i32
    %dma_start3A_459 = arith.constant 128 : i32
    %dma_start3A_460 = tpu.memref_slice %arg36[%dma_start3A_458, %dma_start3A_459] : memref<26x512xf32, #tpu.memory_space<vmem>> -> memref<1x128xf32, #tpu.memory_space<vmem>>
    %dma_start3A_461 = tpu.memref_squeeze %dma_start3A_460 : memref<1x128xf32, #tpu.memory_space<vmem>> -> memref<128xf32, #tpu.memory_space<vmem>>
    %dma_start3A_462 = arith.constant 128 : i32
    %dma_start3A_463 = tpu.memref_slice %arg35[%dma_start3A_457, %dma_start3A_462] : memref<26x512xi32, #tpu.memory_space<vmem>> -> memref<1x128xi32, #tpu.memory_space<vmem>>
    %dma_start3A_464 = tpu.memref_squeeze %dma_start3A_463 : memref<1x128xi32, #tpu.memory_space<vmem>> -> memref<128xi32, #tpu.memory_space<vmem>>
    %dma_start3A_465 = arith.constant 0 : i32
    %dma_start3A_466 = tpu.memref_slice %arg16[%dma_start3A_465] : memref<1000000xf32, #tpu.memory_space<hbm>> -> memref<1000000xf32, #tpu.memory_space<hbm>>
    tpu.enqueue_indirect_dma source(%dma_start3A_466 : memref<1000000xf32, #tpu.memory_space<hbm>>) target(%dma_start3A_461 : memref<128xf32, #tpu.memory_space<vmem>>) offsets(%dma_start3A_464 : memref<128xi32, #tpu.memory_space<vmem>>) semaphore(%arg38 : memref<!tpu.dma_semaphore, #tpu.memory_space<semaphore_mem>>)
    %dma_start3A_467 = arith.constant 11 : i32
    %dma_start3A_468 = arith.constant 11 : i32
    %dma_start3A_469 = arith.constant 256 : i32
    %dma_start3A_470 = tpu.memref_slice %arg36[%dma_start3A_468, %dma_start3A_469] : memref<26x512xf32, #tpu.memory_space<vmem>> -> memref<1x128xf32, #tpu.memory_space<vmem>>
    %dma_start3A_471 = tpu.memref_squeeze %dma_start3A_470 : memref<1x128xf32, #tpu.memory_space<vmem>> -> memref<128xf32, #tpu.memory_space<vmem>>
    %dma_start3A_472 = arith.constant 256 : i32
    %dma_start3A_473 = tpu.memref_slice %arg35[%dma_start3A_467, %dma_start3A_472] : memref<26x512xi32, #tpu.memory_space<vmem>> -> memref<1x128xi32, #tpu.memory_space<vmem>>
    %dma_start3A_474 = tpu.memref_squeeze %dma_start3A_473 : memref<1x128xi32, #tpu.memory_space<vmem>> -> memref<128xi32, #tpu.memory_space<vmem>>
    %dma_start3A_475 = arith.constant 0 : i32
    %dma_start3A_476 = tpu.memref_slice %arg16[%dma_start3A_475] : memref<1000000xf32, #tpu.memory_space<hbm>> -> memref<1000000xf32, #tpu.memory_space<hbm>>
    tpu.enqueue_indirect_dma source(%dma_start3A_476 : memref<1000000xf32, #tpu.memory_space<hbm>>) target(%dma_start3A_471 : memref<128xf32, #tpu.memory_space<vmem>>) offsets(%dma_start3A_474 : memref<128xi32, #tpu.memory_space<vmem>>) semaphore(%arg38 : memref<!tpu.dma_semaphore, #tpu.memory_space<semaphore_mem>>)
    %dma_start3A_477 = arith.constant 11 : i32
    %dma_start3A_478 = arith.constant 11 : i32
    %dma_start3A_479 = arith.constant 384 : i32
    %dma_start3A_480 = tpu.memref_slice %arg36[%dma_start3A_478, %dma_start3A_479] : memref<26x512xf32, #tpu.memory_space<vmem>> -> memref<1x128xf32, #tpu.memory_space<vmem>>
    %dma_start3A_481 = tpu.memref_squeeze %dma_start3A_480 : memref<1x128xf32, #tpu.memory_space<vmem>> -> memref<128xf32, #tpu.memory_space<vmem>>
    %dma_start3A_482 = arith.constant 384 : i32
    %dma_start3A_483 = tpu.memref_slice %arg35[%dma_start3A_477, %dma_start3A_482] : memref<26x512xi32, #tpu.memory_space<vmem>> -> memref<1x128xi32, #tpu.memory_space<vmem>>
    %dma_start3A_484 = tpu.memref_squeeze %dma_start3A_483 : memref<1x128xi32, #tpu.memory_space<vmem>> -> memref<128xi32, #tpu.memory_space<vmem>>
    %dma_start3A_485 = arith.constant 0 : i32
    %dma_start3A_486 = tpu.memref_slice %arg16[%dma_start3A_485] : memref<1000000xf32, #tpu.memory_space<hbm>> -> memref<1000000xf32, #tpu.memory_space<hbm>>
    tpu.enqueue_indirect_dma source(%dma_start3A_486 : memref<1000000xf32, #tpu.memory_space<hbm>>) target(%dma_start3A_481 : memref<128xf32, #tpu.memory_space<vmem>>) offsets(%dma_start3A_484 : memref<128xi32, #tpu.memory_space<vmem>>) semaphore(%arg38 : memref<!tpu.dma_semaphore, #tpu.memory_space<semaphore_mem>>)
    %dma_start3A_487 = arith.constant 12 : i32
    %dma_start3A_488 = arith.constant 12 : i32
    %dma_start3A_489 = arith.constant 0 : i32
    %dma_start3A_490 = tpu.memref_slice %arg36[%dma_start3A_488, %dma_start3A_489] : memref<26x512xf32, #tpu.memory_space<vmem>> -> memref<1x128xf32, #tpu.memory_space<vmem>>
    %dma_start3A_491 = tpu.memref_squeeze %dma_start3A_490 : memref<1x128xf32, #tpu.memory_space<vmem>> -> memref<128xf32, #tpu.memory_space<vmem>>
    %dma_start3A_492 = arith.constant 0 : i32
    %dma_start3A_493 = tpu.memref_slice %arg35[%dma_start3A_487, %dma_start3A_492] : memref<26x512xi32, #tpu.memory_space<vmem>> -> memref<1x128xi32, #tpu.memory_space<vmem>>
    %dma_start3A_494 = tpu.memref_squeeze %dma_start3A_493 : memref<1x128xi32, #tpu.memory_space<vmem>> -> memref<128xi32, #tpu.memory_space<vmem>>
    %dma_start3A_495 = arith.constant 0 : i32
    %dma_start3A_496 = tpu.memref_slice %arg17[%dma_start3A_495] : memref<1000000xf32, #tpu.memory_space<hbm>> -> memref<1000000xf32, #tpu.memory_space<hbm>>
    tpu.enqueue_indirect_dma source(%dma_start3A_496 : memref<1000000xf32, #tpu.memory_space<hbm>>) target(%dma_start3A_491 : memref<128xf32, #tpu.memory_space<vmem>>) offsets(%dma_start3A_494 : memref<128xi32, #tpu.memory_space<vmem>>) semaphore(%arg38 : memref<!tpu.dma_semaphore, #tpu.memory_space<semaphore_mem>>)
    %dma_start3A_497 = arith.constant 12 : i32
    %dma_start3A_498 = arith.constant 12 : i32
    %dma_start3A_499 = arith.constant 128 : i32
    %dma_start3A_500 = tpu.memref_slice %arg36[%dma_start3A_498, %dma_start3A_499] : memref<26x512xf32, #tpu.memory_space<vmem>> -> memref<1x128xf32, #tpu.memory_space<vmem>>
    %dma_start3A_501 = tpu.memref_squeeze %dma_start3A_500 : memref<1x128xf32, #tpu.memory_space<vmem>> -> memref<128xf32, #tpu.memory_space<vmem>>
    %dma_start3A_502 = arith.constant 128 : i32
    %dma_start3A_503 = tpu.memref_slice %arg35[%dma_start3A_497, %dma_start3A_502] : memref<26x512xi32, #tpu.memory_space<vmem>> -> memref<1x128xi32, #tpu.memory_space<vmem>>
    %dma_start3A_504 = tpu.memref_squeeze %dma_start3A_503 : memref<1x128xi32, #tpu.memory_space<vmem>> -> memref<128xi32, #tpu.memory_space<vmem>>
    %dma_start3A_505 = arith.constant 0 : i32
    %dma_start3A_506 = tpu.memref_slice %arg17[%dma_start3A_505] : memref<1000000xf32, #tpu.memory_space<hbm>> -> memref<1000000xf32, #tpu.memory_space<hbm>>
    tpu.enqueue_indirect_dma source(%dma_start3A_506 : memref<1000000xf32, #tpu.memory_space<hbm>>) target(%dma_start3A_501 : memref<128xf32, #tpu.memory_space<vmem>>) offsets(%dma_start3A_504 : memref<128xi32, #tpu.memory_space<vmem>>) semaphore(%arg38 : memref<!tpu.dma_semaphore, #tpu.memory_space<semaphore_mem>>)
    %dma_start3A_507 = arith.constant 12 : i32
    %dma_start3A_508 = arith.constant 12 : i32
    %dma_start3A_509 = arith.constant 256 : i32
    %dma_start3A_510 = tpu.memref_slice %arg36[%dma_start3A_508, %dma_start3A_509] : memref<26x512xf32, #tpu.memory_space<vmem>> -> memref<1x128xf32, #tpu.memory_space<vmem>>
    %dma_start3A_511 = tpu.memref_squeeze %dma_start3A_510 : memref<1x128xf32, #tpu.memory_space<vmem>> -> memref<128xf32, #tpu.memory_space<vmem>>
    %dma_start3A_512 = arith.constant 256 : i32
    %dma_start3A_513 = tpu.memref_slice %arg35[%dma_start3A_507, %dma_start3A_512] : memref<26x512xi32, #tpu.memory_space<vmem>> -> memref<1x128xi32, #tpu.memory_space<vmem>>
    %dma_start3A_514 = tpu.memref_squeeze %dma_start3A_513 : memref<1x128xi32, #tpu.memory_space<vmem>> -> memref<128xi32, #tpu.memory_space<vmem>>
    %dma_start3A_515 = arith.constant 0 : i32
    %dma_start3A_516 = tpu.memref_slice %arg17[%dma_start3A_515] : memref<1000000xf32, #tpu.memory_space<hbm>> -> memref<1000000xf32, #tpu.memory_space<hbm>>
    tpu.enqueue_indirect_dma source(%dma_start3A_516 : memref<1000000xf32, #tpu.memory_space<hbm>>) target(%dma_start3A_511 : memref<128xf32, #tpu.memory_space<vmem>>) offsets(%dma_start3A_514 : memref<128xi32, #tpu.memory_space<vmem>>) semaphore(%arg38 : memref<!tpu.dma_semaphore, #tpu.memory_space<semaphore_mem>>)
    %dma_start3A_517 = arith.constant 12 : i32
    %dma_start3A_518 = arith.constant 12 : i32
    %dma_start3A_519 = arith.constant 384 : i32
    %dma_start3A_520 = tpu.memref_slice %arg36[%dma_start3A_518, %dma_start3A_519] : memref<26x512xf32, #tpu.memory_space<vmem>> -> memref<1x128xf32, #tpu.memory_space<vmem>>
    %dma_start3A_521 = tpu.memref_squeeze %dma_start3A_520 : memref<1x128xf32, #tpu.memory_space<vmem>> -> memref<128xf32, #tpu.memory_space<vmem>>
    %dma_start3A_522 = arith.constant 384 : i32
    %dma_start3A_523 = tpu.memref_slice %arg35[%dma_start3A_517, %dma_start3A_522] : memref<26x512xi32, #tpu.memory_space<vmem>> -> memref<1x128xi32, #tpu.memory_space<vmem>>
    %dma_start3A_524 = tpu.memref_squeeze %dma_start3A_523 : memref<1x128xi32, #tpu.memory_space<vmem>> -> memref<128xi32, #tpu.memory_space<vmem>>
    %dma_start3A_525 = arith.constant 0 : i32
    %dma_start3A_526 = tpu.memref_slice %arg17[%dma_start3A_525] : memref<1000000xf32, #tpu.memory_space<hbm>> -> memref<1000000xf32, #tpu.memory_space<hbm>>
    tpu.enqueue_indirect_dma source(%dma_start3A_526 : memref<1000000xf32, #tpu.memory_space<hbm>>) target(%dma_start3A_521 : memref<128xf32, #tpu.memory_space<vmem>>) offsets(%dma_start3A_524 : memref<128xi32, #tpu.memory_space<vmem>>) semaphore(%arg38 : memref<!tpu.dma_semaphore, #tpu.memory_space<semaphore_mem>>)
    %dma_start3A_527 = arith.constant 13 : i32
    %dma_start3A_528 = arith.constant 13 : i32
    %dma_start3A_529 = arith.constant 0 : i32
    %dma_start3A_530 = tpu.memref_slice %arg36[%dma_start3A_528, %dma_start3A_529] : memref<26x512xf32, #tpu.memory_space<vmem>> -> memref<1x128xf32, #tpu.memory_space<vmem>>
    %dma_start3A_531 = tpu.memref_squeeze %dma_start3A_530 : memref<1x128xf32, #tpu.memory_space<vmem>> -> memref<128xf32, #tpu.memory_space<vmem>>
    %dma_start3A_532 = arith.constant 0 : i32
    %dma_start3A_533 = tpu.memref_slice %arg35[%dma_start3A_527, %dma_start3A_532] : memref<26x512xi32, #tpu.memory_space<vmem>> -> memref<1x128xi32, #tpu.memory_space<vmem>>
    %dma_start3A_534 = tpu.memref_squeeze %dma_start3A_533 : memref<1x128xi32, #tpu.memory_space<vmem>> -> memref<128xi32, #tpu.memory_space<vmem>>
    %dma_start3A_535 = arith.constant 0 : i32
    %dma_start3A_536 = tpu.memref_slice %arg18[%dma_start3A_535] : memref<1000000xf32, #tpu.memory_space<hbm>> -> memref<1000000xf32, #tpu.memory_space<hbm>>
    tpu.enqueue_indirect_dma source(%dma_start3A_536 : memref<1000000xf32, #tpu.memory_space<hbm>>) target(%dma_start3A_531 : memref<128xf32, #tpu.memory_space<vmem>>) offsets(%dma_start3A_534 : memref<128xi32, #tpu.memory_space<vmem>>) semaphore(%arg38 : memref<!tpu.dma_semaphore, #tpu.memory_space<semaphore_mem>>)
    %dma_start3A_537 = arith.constant 13 : i32
    %dma_start3A_538 = arith.constant 13 : i32
    %dma_start3A_539 = arith.constant 128 : i32
    %dma_start3A_540 = tpu.memref_slice %arg36[%dma_start3A_538, %dma_start3A_539] : memref<26x512xf32, #tpu.memory_space<vmem>> -> memref<1x128xf32, #tpu.memory_space<vmem>>
    %dma_start3A_541 = tpu.memref_squeeze %dma_start3A_540 : memref<1x128xf32, #tpu.memory_space<vmem>> -> memref<128xf32, #tpu.memory_space<vmem>>
    %dma_start3A_542 = arith.constant 128 : i32
    %dma_start3A_543 = tpu.memref_slice %arg35[%dma_start3A_537, %dma_start3A_542] : memref<26x512xi32, #tpu.memory_space<vmem>> -> memref<1x128xi32, #tpu.memory_space<vmem>>
    %dma_start3A_544 = tpu.memref_squeeze %dma_start3A_543 : memref<1x128xi32, #tpu.memory_space<vmem>> -> memref<128xi32, #tpu.memory_space<vmem>>
    %dma_start3A_545 = arith.constant 0 : i32
    %dma_start3A_546 = tpu.memref_slice %arg18[%dma_start3A_545] : memref<1000000xf32, #tpu.memory_space<hbm>> -> memref<1000000xf32, #tpu.memory_space<hbm>>
    tpu.enqueue_indirect_dma source(%dma_start3A_546 : memref<1000000xf32, #tpu.memory_space<hbm>>) target(%dma_start3A_541 : memref<128xf32, #tpu.memory_space<vmem>>) offsets(%dma_start3A_544 : memref<128xi32, #tpu.memory_space<vmem>>) semaphore(%arg38 : memref<!tpu.dma_semaphore, #tpu.memory_space<semaphore_mem>>)
    %dma_start3A_547 = arith.constant 13 : i32
    %dma_start3A_548 = arith.constant 13 : i32
    %dma_start3A_549 = arith.constant 256 : i32
    %dma_start3A_550 = tpu.memref_slice %arg36[%dma_start3A_548, %dma_start3A_549] : memref<26x512xf32, #tpu.memory_space<vmem>> -> memref<1x128xf32, #tpu.memory_space<vmem>>
    %dma_start3A_551 = tpu.memref_squeeze %dma_start3A_550 : memref<1x128xf32, #tpu.memory_space<vmem>> -> memref<128xf32, #tpu.memory_space<vmem>>
    %dma_start3A_552 = arith.constant 256 : i32
    %dma_start3A_553 = tpu.memref_slice %arg35[%dma_start3A_547, %dma_start3A_552] : memref<26x512xi32, #tpu.memory_space<vmem>> -> memref<1x128xi32, #tpu.memory_space<vmem>>
    %dma_start3A_554 = tpu.memref_squeeze %dma_start3A_553 : memref<1x128xi32, #tpu.memory_space<vmem>> -> memref<128xi32, #tpu.memory_space<vmem>>
    %dma_start3A_555 = arith.constant 0 : i32
    %dma_start3A_556 = tpu.memref_slice %arg18[%dma_start3A_555] : memref<1000000xf32, #tpu.memory_space<hbm>> -> memref<1000000xf32, #tpu.memory_space<hbm>>
    tpu.enqueue_indirect_dma source(%dma_start3A_556 : memref<1000000xf32, #tpu.memory_space<hbm>>) target(%dma_start3A_551 : memref<128xf32, #tpu.memory_space<vmem>>) offsets(%dma_start3A_554 : memref<128xi32, #tpu.memory_space<vmem>>) semaphore(%arg38 : memref<!tpu.dma_semaphore, #tpu.memory_space<semaphore_mem>>)
    %dma_start3A_557 = arith.constant 13 : i32
    %dma_start3A_558 = arith.constant 13 : i32
    %dma_start3A_559 = arith.constant 384 : i32
    %dma_start3A_560 = tpu.memref_slice %arg36[%dma_start3A_558, %dma_start3A_559] : memref<26x512xf32, #tpu.memory_space<vmem>> -> memref<1x128xf32, #tpu.memory_space<vmem>>
    %dma_start3A_561 = tpu.memref_squeeze %dma_start3A_560 : memref<1x128xf32, #tpu.memory_space<vmem>> -> memref<128xf32, #tpu.memory_space<vmem>>
    %dma_start3A_562 = arith.constant 384 : i32
    %dma_start3A_563 = tpu.memref_slice %arg35[%dma_start3A_557, %dma_start3A_562] : memref<26x512xi32, #tpu.memory_space<vmem>> -> memref<1x128xi32, #tpu.memory_space<vmem>>
    %dma_start3A_564 = tpu.memref_squeeze %dma_start3A_563 : memref<1x128xi32, #tpu.memory_space<vmem>> -> memref<128xi32, #tpu.memory_space<vmem>>
    %dma_start3A_565 = arith.constant 0 : i32
    %dma_start3A_566 = tpu.memref_slice %arg18[%dma_start3A_565] : memref<1000000xf32, #tpu.memory_space<hbm>> -> memref<1000000xf32, #tpu.memory_space<hbm>>
    tpu.enqueue_indirect_dma source(%dma_start3A_566 : memref<1000000xf32, #tpu.memory_space<hbm>>) target(%dma_start3A_561 : memref<128xf32, #tpu.memory_space<vmem>>) offsets(%dma_start3A_564 : memref<128xi32, #tpu.memory_space<vmem>>) semaphore(%arg38 : memref<!tpu.dma_semaphore, #tpu.memory_space<semaphore_mem>>)
    %dma_start3A_567 = arith.constant 14 : i32
    %dma_start3A_568 = arith.constant 14 : i32
    %dma_start3A_569 = arith.constant 0 : i32
    %dma_start3A_570 = tpu.memref_slice %arg36[%dma_start3A_568, %dma_start3A_569] : memref<26x512xf32, #tpu.memory_space<vmem>> -> memref<1x128xf32, #tpu.memory_space<vmem>>
    %dma_start3A_571 = tpu.memref_squeeze %dma_start3A_570 : memref<1x128xf32, #tpu.memory_space<vmem>> -> memref<128xf32, #tpu.memory_space<vmem>>
    %dma_start3A_572 = arith.constant 0 : i32
    %dma_start3A_573 = tpu.memref_slice %arg35[%dma_start3A_567, %dma_start3A_572] : memref<26x512xi32, #tpu.memory_space<vmem>> -> memref<1x128xi32, #tpu.memory_space<vmem>>
    %dma_start3A_574 = tpu.memref_squeeze %dma_start3A_573 : memref<1x128xi32, #tpu.memory_space<vmem>> -> memref<128xi32, #tpu.memory_space<vmem>>
    %dma_start3A_575 = arith.constant 0 : i32
    %dma_start3A_576 = tpu.memref_slice %arg19[%dma_start3A_575] : memref<1000000xf32, #tpu.memory_space<hbm>> -> memref<1000000xf32, #tpu.memory_space<hbm>>
    tpu.enqueue_indirect_dma source(%dma_start3A_576 : memref<1000000xf32, #tpu.memory_space<hbm>>) target(%dma_start3A_571 : memref<128xf32, #tpu.memory_space<vmem>>) offsets(%dma_start3A_574 : memref<128xi32, #tpu.memory_space<vmem>>) semaphore(%arg38 : memref<!tpu.dma_semaphore, #tpu.memory_space<semaphore_mem>>)
    %dma_start3A_577 = arith.constant 14 : i32
    %dma_start3A_578 = arith.constant 14 : i32
    %dma_start3A_579 = arith.constant 128 : i32
    %dma_start3A_580 = tpu.memref_slice %arg36[%dma_start3A_578, %dma_start3A_579] : memref<26x512xf32, #tpu.memory_space<vmem>> -> memref<1x128xf32, #tpu.memory_space<vmem>>
    %dma_start3A_581 = tpu.memref_squeeze %dma_start3A_580 : memref<1x128xf32, #tpu.memory_space<vmem>> -> memref<128xf32, #tpu.memory_space<vmem>>
    %dma_start3A_582 = arith.constant 128 : i32
    %dma_start3A_583 = tpu.memref_slice %arg35[%dma_start3A_577, %dma_start3A_582] : memref<26x512xi32, #tpu.memory_space<vmem>> -> memref<1x128xi32, #tpu.memory_space<vmem>>
    %dma_start3A_584 = tpu.memref_squeeze %dma_start3A_583 : memref<1x128xi32, #tpu.memory_space<vmem>> -> memref<128xi32, #tpu.memory_space<vmem>>
    %dma_start3A_585 = arith.constant 0 : i32
    %dma_start3A_586 = tpu.memref_slice %arg19[%dma_start3A_585] : memref<1000000xf32, #tpu.memory_space<hbm>> -> memref<1000000xf32, #tpu.memory_space<hbm>>
    tpu.enqueue_indirect_dma source(%dma_start3A_586 : memref<1000000xf32, #tpu.memory_space<hbm>>) target(%dma_start3A_581 : memref<128xf32, #tpu.memory_space<vmem>>) offsets(%dma_start3A_584 : memref<128xi32, #tpu.memory_space<vmem>>) semaphore(%arg38 : memref<!tpu.dma_semaphore, #tpu.memory_space<semaphore_mem>>)
    %dma_start3A_587 = arith.constant 14 : i32
    %dma_start3A_588 = arith.constant 14 : i32
    %dma_start3A_589 = arith.constant 256 : i32
    %dma_start3A_590 = tpu.memref_slice %arg36[%dma_start3A_588, %dma_start3A_589] : memref<26x512xf32, #tpu.memory_space<vmem>> -> memref<1x128xf32, #tpu.memory_space<vmem>>
    %dma_start3A_591 = tpu.memref_squeeze %dma_start3A_590 : memref<1x128xf32, #tpu.memory_space<vmem>> -> memref<128xf32, #tpu.memory_space<vmem>>
    %dma_start3A_592 = arith.constant 256 : i32
    %dma_start3A_593 = tpu.memref_slice %arg35[%dma_start3A_587, %dma_start3A_592] : memref<26x512xi32, #tpu.memory_space<vmem>> -> memref<1x128xi32, #tpu.memory_space<vmem>>
    %dma_start3A_594 = tpu.memref_squeeze %dma_start3A_593 : memref<1x128xi32, #tpu.memory_space<vmem>> -> memref<128xi32, #tpu.memory_space<vmem>>
    %dma_start3A_595 = arith.constant 0 : i32
    %dma_start3A_596 = tpu.memref_slice %arg19[%dma_start3A_595] : memref<1000000xf32, #tpu.memory_space<hbm>> -> memref<1000000xf32, #tpu.memory_space<hbm>>
    tpu.enqueue_indirect_dma source(%dma_start3A_596 : memref<1000000xf32, #tpu.memory_space<hbm>>) target(%dma_start3A_591 : memref<128xf32, #tpu.memory_space<vmem>>) offsets(%dma_start3A_594 : memref<128xi32, #tpu.memory_space<vmem>>) semaphore(%arg38 : memref<!tpu.dma_semaphore, #tpu.memory_space<semaphore_mem>>)
    %dma_start3A_597 = arith.constant 14 : i32
    %dma_start3A_598 = arith.constant 14 : i32
    %dma_start3A_599 = arith.constant 384 : i32
    %dma_start3A_600 = tpu.memref_slice %arg36[%dma_start3A_598, %dma_start3A_599] : memref<26x512xf32, #tpu.memory_space<vmem>> -> memref<1x128xf32, #tpu.memory_space<vmem>>
    %dma_start3A_601 = tpu.memref_squeeze %dma_start3A_600 : memref<1x128xf32, #tpu.memory_space<vmem>> -> memref<128xf32, #tpu.memory_space<vmem>>
    %dma_start3A_602 = arith.constant 384 : i32
    %dma_start3A_603 = tpu.memref_slice %arg35[%dma_start3A_597, %dma_start3A_602] : memref<26x512xi32, #tpu.memory_space<vmem>> -> memref<1x128xi32, #tpu.memory_space<vmem>>
    %dma_start3A_604 = tpu.memref_squeeze %dma_start3A_603 : memref<1x128xi32, #tpu.memory_space<vmem>> -> memref<128xi32, #tpu.memory_space<vmem>>
    %dma_start3A_605 = arith.constant 0 : i32
    %dma_start3A_606 = tpu.memref_slice %arg19[%dma_start3A_605] : memref<1000000xf32, #tpu.memory_space<hbm>> -> memref<1000000xf32, #tpu.memory_space<hbm>>
    tpu.enqueue_indirect_dma source(%dma_start3A_606 : memref<1000000xf32, #tpu.memory_space<hbm>>) target(%dma_start3A_601 : memref<128xf32, #tpu.memory_space<vmem>>) offsets(%dma_start3A_604 : memref<128xi32, #tpu.memory_space<vmem>>) semaphore(%arg38 : memref<!tpu.dma_semaphore, #tpu.memory_space<semaphore_mem>>)
    %dma_start3A_607 = arith.constant 15 : i32
    %dma_start3A_608 = arith.constant 15 : i32
    %dma_start3A_609 = arith.constant 0 : i32
    %dma_start3A_610 = tpu.memref_slice %arg36[%dma_start3A_608, %dma_start3A_609] : memref<26x512xf32, #tpu.memory_space<vmem>> -> memref<1x128xf32, #tpu.memory_space<vmem>>
    %dma_start3A_611 = tpu.memref_squeeze %dma_start3A_610 : memref<1x128xf32, #tpu.memory_space<vmem>> -> memref<128xf32, #tpu.memory_space<vmem>>
    %dma_start3A_612 = arith.constant 0 : i32
    %dma_start3A_613 = tpu.memref_slice %arg35[%dma_start3A_607, %dma_start3A_612] : memref<26x512xi32, #tpu.memory_space<vmem>> -> memref<1x128xi32, #tpu.memory_space<vmem>>
    %dma_start3A_614 = tpu.memref_squeeze %dma_start3A_613 : memref<1x128xi32, #tpu.memory_space<vmem>> -> memref<128xi32, #tpu.memory_space<vmem>>
    %dma_start3A_615 = arith.constant 0 : i32
    %dma_start3A_616 = tpu.memref_slice %arg20[%dma_start3A_615] : memref<1000000xf32, #tpu.memory_space<hbm>> -> memref<1000000xf32, #tpu.memory_space<hbm>>
    tpu.enqueue_indirect_dma source(%dma_start3A_616 : memref<1000000xf32, #tpu.memory_space<hbm>>) target(%dma_start3A_611 : memref<128xf32, #tpu.memory_space<vmem>>) offsets(%dma_start3A_614 : memref<128xi32, #tpu.memory_space<vmem>>) semaphore(%arg38 : memref<!tpu.dma_semaphore, #tpu.memory_space<semaphore_mem>>)
    %dma_start3A_617 = arith.constant 15 : i32
    %dma_start3A_618 = arith.constant 15 : i32
    %dma_start3A_619 = arith.constant 128 : i32
    %dma_start3A_620 = tpu.memref_slice %arg36[%dma_start3A_618, %dma_start3A_619] : memref<26x512xf32, #tpu.memory_space<vmem>> -> memref<1x128xf32, #tpu.memory_space<vmem>>
    %dma_start3A_621 = tpu.memref_squeeze %dma_start3A_620 : memref<1x128xf32, #tpu.memory_space<vmem>> -> memref<128xf32, #tpu.memory_space<vmem>>
    %dma_start3A_622 = arith.constant 128 : i32
    %dma_start3A_623 = tpu.memref_slice %arg35[%dma_start3A_617, %dma_start3A_622] : memref<26x512xi32, #tpu.memory_space<vmem>> -> memref<1x128xi32, #tpu.memory_space<vmem>>
    %dma_start3A_624 = tpu.memref_squeeze %dma_start3A_623 : memref<1x128xi32, #tpu.memory_space<vmem>> -> memref<128xi32, #tpu.memory_space<vmem>>
    %dma_start3A_625 = arith.constant 0 : i32
    %dma_start3A_626 = tpu.memref_slice %arg20[%dma_start3A_625] : memref<1000000xf32, #tpu.memory_space<hbm>> -> memref<1000000xf32, #tpu.memory_space<hbm>>
    tpu.enqueue_indirect_dma source(%dma_start3A_626 : memref<1000000xf32, #tpu.memory_space<hbm>>) target(%dma_start3A_621 : memref<128xf32, #tpu.memory_space<vmem>>) offsets(%dma_start3A_624 : memref<128xi32, #tpu.memory_space<vmem>>) semaphore(%arg38 : memref<!tpu.dma_semaphore, #tpu.memory_space<semaphore_mem>>)
    %dma_start3A_627 = arith.constant 15 : i32
    %dma_start3A_628 = arith.constant 15 : i32
    %dma_start3A_629 = arith.constant 256 : i32
    %dma_start3A_630 = tpu.memref_slice %arg36[%dma_start3A_628, %dma_start3A_629] : memref<26x512xf32, #tpu.memory_space<vmem>> -> memref<1x128xf32, #tpu.memory_space<vmem>>
    %dma_start3A_631 = tpu.memref_squeeze %dma_start3A_630 : memref<1x128xf32, #tpu.memory_space<vmem>> -> memref<128xf32, #tpu.memory_space<vmem>>
    %dma_start3A_632 = arith.constant 256 : i32
    %dma_start3A_633 = tpu.memref_slice %arg35[%dma_start3A_627, %dma_start3A_632] : memref<26x512xi32, #tpu.memory_space<vmem>> -> memref<1x128xi32, #tpu.memory_space<vmem>>
    %dma_start3A_634 = tpu.memref_squeeze %dma_start3A_633 : memref<1x128xi32, #tpu.memory_space<vmem>> -> memref<128xi32, #tpu.memory_space<vmem>>
    %dma_start3A_635 = arith.constant 0 : i32
    %dma_start3A_636 = tpu.memref_slice %arg20[%dma_start3A_635] : memref<1000000xf32, #tpu.memory_space<hbm>> -> memref<1000000xf32, #tpu.memory_space<hbm>>
    tpu.enqueue_indirect_dma source(%dma_start3A_636 : memref<1000000xf32, #tpu.memory_space<hbm>>) target(%dma_start3A_631 : memref<128xf32, #tpu.memory_space<vmem>>) offsets(%dma_start3A_634 : memref<128xi32, #tpu.memory_space<vmem>>) semaphore(%arg38 : memref<!tpu.dma_semaphore, #tpu.memory_space<semaphore_mem>>)
    %dma_start3A_637 = arith.constant 15 : i32
    %dma_start3A_638 = arith.constant 15 : i32
    %dma_start3A_639 = arith.constant 384 : i32
    %dma_start3A_640 = tpu.memref_slice %arg36[%dma_start3A_638, %dma_start3A_639] : memref<26x512xf32, #tpu.memory_space<vmem>> -> memref<1x128xf32, #tpu.memory_space<vmem>>
    %dma_start3A_641 = tpu.memref_squeeze %dma_start3A_640 : memref<1x128xf32, #tpu.memory_space<vmem>> -> memref<128xf32, #tpu.memory_space<vmem>>
    %dma_start3A_642 = arith.constant 384 : i32
    %dma_start3A_643 = tpu.memref_slice %arg35[%dma_start3A_637, %dma_start3A_642] : memref<26x512xi32, #tpu.memory_space<vmem>> -> memref<1x128xi32, #tpu.memory_space<vmem>>
    %dma_start3A_644 = tpu.memref_squeeze %dma_start3A_643 : memref<1x128xi32, #tpu.memory_space<vmem>> -> memref<128xi32, #tpu.memory_space<vmem>>
    %dma_start3A_645 = arith.constant 0 : i32
    %dma_start3A_646 = tpu.memref_slice %arg20[%dma_start3A_645] : memref<1000000xf32, #tpu.memory_space<hbm>> -> memref<1000000xf32, #tpu.memory_space<hbm>>
    tpu.enqueue_indirect_dma source(%dma_start3A_646 : memref<1000000xf32, #tpu.memory_space<hbm>>) target(%dma_start3A_641 : memref<128xf32, #tpu.memory_space<vmem>>) offsets(%dma_start3A_644 : memref<128xi32, #tpu.memory_space<vmem>>) semaphore(%arg38 : memref<!tpu.dma_semaphore, #tpu.memory_space<semaphore_mem>>)
    %dma_start3A_647 = arith.constant 16 : i32
    %dma_start3A_648 = arith.constant 16 : i32
    %dma_start3A_649 = arith.constant 0 : i32
    %dma_start3A_650 = tpu.memref_slice %arg36[%dma_start3A_648, %dma_start3A_649] : memref<26x512xf32, #tpu.memory_space<vmem>> -> memref<1x128xf32, #tpu.memory_space<vmem>>
    %dma_start3A_651 = tpu.memref_squeeze %dma_start3A_650 : memref<1x128xf32, #tpu.memory_space<vmem>> -> memref<128xf32, #tpu.memory_space<vmem>>
    %dma_start3A_652 = arith.constant 0 : i32
    %dma_start3A_653 = tpu.memref_slice %arg35[%dma_start3A_647, %dma_start3A_652] : memref<26x512xi32, #tpu.memory_space<vmem>> -> memref<1x128xi32, #tpu.memory_space<vmem>>
    %dma_start3A_654 = tpu.memref_squeeze %dma_start3A_653 : memref<1x128xi32, #tpu.memory_space<vmem>> -> memref<128xi32, #tpu.memory_space<vmem>>
    %dma_start3A_655 = arith.constant 0 : i32
    %dma_start3A_656 = tpu.memref_slice %arg21[%dma_start3A_655] : memref<1000000xf32, #tpu.memory_space<hbm>> -> memref<1000000xf32, #tpu.memory_space<hbm>>
    tpu.enqueue_indirect_dma source(%dma_start3A_656 : memref<1000000xf32, #tpu.memory_space<hbm>>) target(%dma_start3A_651 : memref<128xf32, #tpu.memory_space<vmem>>) offsets(%dma_start3A_654 : memref<128xi32, #tpu.memory_space<vmem>>) semaphore(%arg38 : memref<!tpu.dma_semaphore, #tpu.memory_space<semaphore_mem>>)
    %dma_start3A_657 = arith.constant 16 : i32
    %dma_start3A_658 = arith.constant 16 : i32
    %dma_start3A_659 = arith.constant 128 : i32
    %dma_start3A_660 = tpu.memref_slice %arg36[%dma_start3A_658, %dma_start3A_659] : memref<26x512xf32, #tpu.memory_space<vmem>> -> memref<1x128xf32, #tpu.memory_space<vmem>>
    %dma_start3A_661 = tpu.memref_squeeze %dma_start3A_660 : memref<1x128xf32, #tpu.memory_space<vmem>> -> memref<128xf32, #tpu.memory_space<vmem>>
    %dma_start3A_662 = arith.constant 128 : i32
    %dma_start3A_663 = tpu.memref_slice %arg35[%dma_start3A_657, %dma_start3A_662] : memref<26x512xi32, #tpu.memory_space<vmem>> -> memref<1x128xi32, #tpu.memory_space<vmem>>
    %dma_start3A_664 = tpu.memref_squeeze %dma_start3A_663 : memref<1x128xi32, #tpu.memory_space<vmem>> -> memref<128xi32, #tpu.memory_space<vmem>>
    %dma_start3A_665 = arith.constant 0 : i32
    %dma_start3A_666 = tpu.memref_slice %arg21[%dma_start3A_665] : memref<1000000xf32, #tpu.memory_space<hbm>> -> memref<1000000xf32, #tpu.memory_space<hbm>>
    tpu.enqueue_indirect_dma source(%dma_start3A_666 : memref<1000000xf32, #tpu.memory_space<hbm>>) target(%dma_start3A_661 : memref<128xf32, #tpu.memory_space<vmem>>) offsets(%dma_start3A_664 : memref<128xi32, #tpu.memory_space<vmem>>) semaphore(%arg38 : memref<!tpu.dma_semaphore, #tpu.memory_space<semaphore_mem>>)
    %dma_start3A_667 = arith.constant 16 : i32
    %dma_start3A_668 = arith.constant 16 : i32
    %dma_start3A_669 = arith.constant 256 : i32
    %dma_start3A_670 = tpu.memref_slice %arg36[%dma_start3A_668, %dma_start3A_669] : memref<26x512xf32, #tpu.memory_space<vmem>> -> memref<1x128xf32, #tpu.memory_space<vmem>>
    %dma_start3A_671 = tpu.memref_squeeze %dma_start3A_670 : memref<1x128xf32, #tpu.memory_space<vmem>> -> memref<128xf32, #tpu.memory_space<vmem>>
    %dma_start3A_672 = arith.constant 256 : i32
    %dma_start3A_673 = tpu.memref_slice %arg35[%dma_start3A_667, %dma_start3A_672] : memref<26x512xi32, #tpu.memory_space<vmem>> -> memref<1x128xi32, #tpu.memory_space<vmem>>
    %dma_start3A_674 = tpu.memref_squeeze %dma_start3A_673 : memref<1x128xi32, #tpu.memory_space<vmem>> -> memref<128xi32, #tpu.memory_space<vmem>>
    %dma_start3A_675 = arith.constant 0 : i32
    %dma_start3A_676 = tpu.memref_slice %arg21[%dma_start3A_675] : memref<1000000xf32, #tpu.memory_space<hbm>> -> memref<1000000xf32, #tpu.memory_space<hbm>>
    tpu.enqueue_indirect_dma source(%dma_start3A_676 : memref<1000000xf32, #tpu.memory_space<hbm>>) target(%dma_start3A_671 : memref<128xf32, #tpu.memory_space<vmem>>) offsets(%dma_start3A_674 : memref<128xi32, #tpu.memory_space<vmem>>) semaphore(%arg38 : memref<!tpu.dma_semaphore, #tpu.memory_space<semaphore_mem>>)
    %dma_start3A_677 = arith.constant 16 : i32
    %dma_start3A_678 = arith.constant 16 : i32
    %dma_start3A_679 = arith.constant 384 : i32
    %dma_start3A_680 = tpu.memref_slice %arg36[%dma_start3A_678, %dma_start3A_679] : memref<26x512xf32, #tpu.memory_space<vmem>> -> memref<1x128xf32, #tpu.memory_space<vmem>>
    %dma_start3A_681 = tpu.memref_squeeze %dma_start3A_680 : memref<1x128xf32, #tpu.memory_space<vmem>> -> memref<128xf32, #tpu.memory_space<vmem>>
    %dma_start3A_682 = arith.constant 384 : i32
    %dma_start3A_683 = tpu.memref_slice %arg35[%dma_start3A_677, %dma_start3A_682] : memref<26x512xi32, #tpu.memory_space<vmem>> -> memref<1x128xi32, #tpu.memory_space<vmem>>
    %dma_start3A_684 = tpu.memref_squeeze %dma_start3A_683 : memref<1x128xi32, #tpu.memory_space<vmem>> -> memref<128xi32, #tpu.memory_space<vmem>>
    %dma_start3A_685 = arith.constant 0 : i32
    %dma_start3A_686 = tpu.memref_slice %arg21[%dma_start3A_685] : memref<1000000xf32, #tpu.memory_space<hbm>> -> memref<1000000xf32, #tpu.memory_space<hbm>>
    tpu.enqueue_indirect_dma source(%dma_start3A_686 : memref<1000000xf32, #tpu.memory_space<hbm>>) target(%dma_start3A_681 : memref<128xf32, #tpu.memory_space<vmem>>) offsets(%dma_start3A_684 : memref<128xi32, #tpu.memory_space<vmem>>) semaphore(%arg38 : memref<!tpu.dma_semaphore, #tpu.memory_space<semaphore_mem>>)
    %dma_start3A_687 = arith.constant 17 : i32
    %dma_start3A_688 = arith.constant 17 : i32
    %dma_start3A_689 = arith.constant 0 : i32
    %dma_start3A_690 = tpu.memref_slice %arg36[%dma_start3A_688, %dma_start3A_689] : memref<26x512xf32, #tpu.memory_space<vmem>> -> memref<1x128xf32, #tpu.memory_space<vmem>>
    %dma_start3A_691 = tpu.memref_squeeze %dma_start3A_690 : memref<1x128xf32, #tpu.memory_space<vmem>> -> memref<128xf32, #tpu.memory_space<vmem>>
    %dma_start3A_692 = arith.constant 0 : i32
    %dma_start3A_693 = tpu.memref_slice %arg35[%dma_start3A_687, %dma_start3A_692] : memref<26x512xi32, #tpu.memory_space<vmem>> -> memref<1x128xi32, #tpu.memory_space<vmem>>
    %dma_start3A_694 = tpu.memref_squeeze %dma_start3A_693 : memref<1x128xi32, #tpu.memory_space<vmem>> -> memref<128xi32, #tpu.memory_space<vmem>>
    %dma_start3A_695 = arith.constant 0 : i32
    %dma_start3A_696 = tpu.memref_slice %arg22[%dma_start3A_695] : memref<1000000xf32, #tpu.memory_space<hbm>> -> memref<1000000xf32, #tpu.memory_space<hbm>>
    tpu.enqueue_indirect_dma source(%dma_start3A_696 : memref<1000000xf32, #tpu.memory_space<hbm>>) target(%dma_start3A_691 : memref<128xf32, #tpu.memory_space<vmem>>) offsets(%dma_start3A_694 : memref<128xi32, #tpu.memory_space<vmem>>) semaphore(%arg38 : memref<!tpu.dma_semaphore, #tpu.memory_space<semaphore_mem>>)
    %dma_start3A_697 = arith.constant 17 : i32
    %dma_start3A_698 = arith.constant 17 : i32
    %dma_start3A_699 = arith.constant 128 : i32
    %dma_start3A_700 = tpu.memref_slice %arg36[%dma_start3A_698, %dma_start3A_699] : memref<26x512xf32, #tpu.memory_space<vmem>> -> memref<1x128xf32, #tpu.memory_space<vmem>>
    %dma_start3A_701 = tpu.memref_squeeze %dma_start3A_700 : memref<1x128xf32, #tpu.memory_space<vmem>> -> memref<128xf32, #tpu.memory_space<vmem>>
    %dma_start3A_702 = arith.constant 128 : i32
    %dma_start3A_703 = tpu.memref_slice %arg35[%dma_start3A_697, %dma_start3A_702] : memref<26x512xi32, #tpu.memory_space<vmem>> -> memref<1x128xi32, #tpu.memory_space<vmem>>
    %dma_start3A_704 = tpu.memref_squeeze %dma_start3A_703 : memref<1x128xi32, #tpu.memory_space<vmem>> -> memref<128xi32, #tpu.memory_space<vmem>>
    %dma_start3A_705 = arith.constant 0 : i32
    %dma_start3A_706 = tpu.memref_slice %arg22[%dma_start3A_705] : memref<1000000xf32, #tpu.memory_space<hbm>> -> memref<1000000xf32, #tpu.memory_space<hbm>>
    tpu.enqueue_indirect_dma source(%dma_start3A_706 : memref<1000000xf32, #tpu.memory_space<hbm>>) target(%dma_start3A_701 : memref<128xf32, #tpu.memory_space<vmem>>) offsets(%dma_start3A_704 : memref<128xi32, #tpu.memory_space<vmem>>) semaphore(%arg38 : memref<!tpu.dma_semaphore, #tpu.memory_space<semaphore_mem>>)
    %dma_start3A_707 = arith.constant 17 : i32
    %dma_start3A_708 = arith.constant 17 : i32
    %dma_start3A_709 = arith.constant 256 : i32
    %dma_start3A_710 = tpu.memref_slice %arg36[%dma_start3A_708, %dma_start3A_709] : memref<26x512xf32, #tpu.memory_space<vmem>> -> memref<1x128xf32, #tpu.memory_space<vmem>>
    %dma_start3A_711 = tpu.memref_squeeze %dma_start3A_710 : memref<1x128xf32, #tpu.memory_space<vmem>> -> memref<128xf32, #tpu.memory_space<vmem>>
    %dma_start3A_712 = arith.constant 256 : i32
    %dma_start3A_713 = tpu.memref_slice %arg35[%dma_start3A_707, %dma_start3A_712] : memref<26x512xi32, #tpu.memory_space<vmem>> -> memref<1x128xi32, #tpu.memory_space<vmem>>
    %dma_start3A_714 = tpu.memref_squeeze %dma_start3A_713 : memref<1x128xi32, #tpu.memory_space<vmem>> -> memref<128xi32, #tpu.memory_space<vmem>>
    %dma_start3A_715 = arith.constant 0 : i32
    %dma_start3A_716 = tpu.memref_slice %arg22[%dma_start3A_715] : memref<1000000xf32, #tpu.memory_space<hbm>> -> memref<1000000xf32, #tpu.memory_space<hbm>>
    tpu.enqueue_indirect_dma source(%dma_start3A_716 : memref<1000000xf32, #tpu.memory_space<hbm>>) target(%dma_start3A_711 : memref<128xf32, #tpu.memory_space<vmem>>) offsets(%dma_start3A_714 : memref<128xi32, #tpu.memory_space<vmem>>) semaphore(%arg38 : memref<!tpu.dma_semaphore, #tpu.memory_space<semaphore_mem>>)
    %dma_start3A_717 = arith.constant 17 : i32
    %dma_start3A_718 = arith.constant 17 : i32
    %dma_start3A_719 = arith.constant 384 : i32
    %dma_start3A_720 = tpu.memref_slice %arg36[%dma_start3A_718, %dma_start3A_719] : memref<26x512xf32, #tpu.memory_space<vmem>> -> memref<1x128xf32, #tpu.memory_space<vmem>>
    %dma_start3A_721 = tpu.memref_squeeze %dma_start3A_720 : memref<1x128xf32, #tpu.memory_space<vmem>> -> memref<128xf32, #tpu.memory_space<vmem>>
    %dma_start3A_722 = arith.constant 384 : i32
    %dma_start3A_723 = tpu.memref_slice %arg35[%dma_start3A_717, %dma_start3A_722] : memref<26x512xi32, #tpu.memory_space<vmem>> -> memref<1x128xi32, #tpu.memory_space<vmem>>
    %dma_start3A_724 = tpu.memref_squeeze %dma_start3A_723 : memref<1x128xi32, #tpu.memory_space<vmem>> -> memref<128xi32, #tpu.memory_space<vmem>>
    %dma_start3A_725 = arith.constant 0 : i32
    %dma_start3A_726 = tpu.memref_slice %arg22[%dma_start3A_725] : memref<1000000xf32, #tpu.memory_space<hbm>> -> memref<1000000xf32, #tpu.memory_space<hbm>>
    tpu.enqueue_indirect_dma source(%dma_start3A_726 : memref<1000000xf32, #tpu.memory_space<hbm>>) target(%dma_start3A_721 : memref<128xf32, #tpu.memory_space<vmem>>) offsets(%dma_start3A_724 : memref<128xi32, #tpu.memory_space<vmem>>) semaphore(%arg38 : memref<!tpu.dma_semaphore, #tpu.memory_space<semaphore_mem>>)
    %dma_start3A_727 = arith.constant 18 : i32
    %dma_start3A_728 = arith.constant 18 : i32
    %dma_start3A_729 = arith.constant 0 : i32
    %dma_start3A_730 = tpu.memref_slice %arg36[%dma_start3A_728, %dma_start3A_729] : memref<26x512xf32, #tpu.memory_space<vmem>> -> memref<1x128xf32, #tpu.memory_space<vmem>>
    %dma_start3A_731 = tpu.memref_squeeze %dma_start3A_730 : memref<1x128xf32, #tpu.memory_space<vmem>> -> memref<128xf32, #tpu.memory_space<vmem>>
    %dma_start3A_732 = arith.constant 0 : i32
    %dma_start3A_733 = tpu.memref_slice %arg35[%dma_start3A_727, %dma_start3A_732] : memref<26x512xi32, #tpu.memory_space<vmem>> -> memref<1x128xi32, #tpu.memory_space<vmem>>
    %dma_start3A_734 = tpu.memref_squeeze %dma_start3A_733 : memref<1x128xi32, #tpu.memory_space<vmem>> -> memref<128xi32, #tpu.memory_space<vmem>>
    %dma_start3A_735 = arith.constant 0 : i32
    %dma_start3A_736 = tpu.memref_slice %arg23[%dma_start3A_735] : memref<1000000xf32, #tpu.memory_space<hbm>> -> memref<1000000xf32, #tpu.memory_space<hbm>>
    tpu.enqueue_indirect_dma source(%dma_start3A_736 : memref<1000000xf32, #tpu.memory_space<hbm>>) target(%dma_start3A_731 : memref<128xf32, #tpu.memory_space<vmem>>) offsets(%dma_start3A_734 : memref<128xi32, #tpu.memory_space<vmem>>) semaphore(%arg38 : memref<!tpu.dma_semaphore, #tpu.memory_space<semaphore_mem>>)
    %dma_start3A_737 = arith.constant 18 : i32
    %dma_start3A_738 = arith.constant 18 : i32
    %dma_start3A_739 = arith.constant 128 : i32
    %dma_start3A_740 = tpu.memref_slice %arg36[%dma_start3A_738, %dma_start3A_739] : memref<26x512xf32, #tpu.memory_space<vmem>> -> memref<1x128xf32, #tpu.memory_space<vmem>>
    %dma_start3A_741 = tpu.memref_squeeze %dma_start3A_740 : memref<1x128xf32, #tpu.memory_space<vmem>> -> memref<128xf32, #tpu.memory_space<vmem>>
    %dma_start3A_742 = arith.constant 128 : i32
    %dma_start3A_743 = tpu.memref_slice %arg35[%dma_start3A_737, %dma_start3A_742] : memref<26x512xi32, #tpu.memory_space<vmem>> -> memref<1x128xi32, #tpu.memory_space<vmem>>
    %dma_start3A_744 = tpu.memref_squeeze %dma_start3A_743 : memref<1x128xi32, #tpu.memory_space<vmem>> -> memref<128xi32, #tpu.memory_space<vmem>>
    %dma_start3A_745 = arith.constant 0 : i32
    %dma_start3A_746 = tpu.memref_slice %arg23[%dma_start3A_745] : memref<1000000xf32, #tpu.memory_space<hbm>> -> memref<1000000xf32, #tpu.memory_space<hbm>>
    tpu.enqueue_indirect_dma source(%dma_start3A_746 : memref<1000000xf32, #tpu.memory_space<hbm>>) target(%dma_start3A_741 : memref<128xf32, #tpu.memory_space<vmem>>) offsets(%dma_start3A_744 : memref<128xi32, #tpu.memory_space<vmem>>) semaphore(%arg38 : memref<!tpu.dma_semaphore, #tpu.memory_space<semaphore_mem>>)
    %dma_start3A_747 = arith.constant 18 : i32
    %dma_start3A_748 = arith.constant 18 : i32
    %dma_start3A_749 = arith.constant 256 : i32
    %dma_start3A_750 = tpu.memref_slice %arg36[%dma_start3A_748, %dma_start3A_749] : memref<26x512xf32, #tpu.memory_space<vmem>> -> memref<1x128xf32, #tpu.memory_space<vmem>>
    %dma_start3A_751 = tpu.memref_squeeze %dma_start3A_750 : memref<1x128xf32, #tpu.memory_space<vmem>> -> memref<128xf32, #tpu.memory_space<vmem>>
    %dma_start3A_752 = arith.constant 256 : i32
    %dma_start3A_753 = tpu.memref_slice %arg35[%dma_start3A_747, %dma_start3A_752] : memref<26x512xi32, #tpu.memory_space<vmem>> -> memref<1x128xi32, #tpu.memory_space<vmem>>
    %dma_start3A_754 = tpu.memref_squeeze %dma_start3A_753 : memref<1x128xi32, #tpu.memory_space<vmem>> -> memref<128xi32, #tpu.memory_space<vmem>>
    %dma_start3A_755 = arith.constant 0 : i32
    %dma_start3A_756 = tpu.memref_slice %arg23[%dma_start3A_755] : memref<1000000xf32, #tpu.memory_space<hbm>> -> memref<1000000xf32, #tpu.memory_space<hbm>>
    tpu.enqueue_indirect_dma source(%dma_start3A_756 : memref<1000000xf32, #tpu.memory_space<hbm>>) target(%dma_start3A_751 : memref<128xf32, #tpu.memory_space<vmem>>) offsets(%dma_start3A_754 : memref<128xi32, #tpu.memory_space<vmem>>) semaphore(%arg38 : memref<!tpu.dma_semaphore, #tpu.memory_space<semaphore_mem>>)
    %dma_start3A_757 = arith.constant 18 : i32
    %dma_start3A_758 = arith.constant 18 : i32
    %dma_start3A_759 = arith.constant 384 : i32
    %dma_start3A_760 = tpu.memref_slice %arg36[%dma_start3A_758, %dma_start3A_759] : memref<26x512xf32, #tpu.memory_space<vmem>> -> memref<1x128xf32, #tpu.memory_space<vmem>>
    %dma_start3A_761 = tpu.memref_squeeze %dma_start3A_760 : memref<1x128xf32, #tpu.memory_space<vmem>> -> memref<128xf32, #tpu.memory_space<vmem>>
    %dma_start3A_762 = arith.constant 384 : i32
    %dma_start3A_763 = tpu.memref_slice %arg35[%dma_start3A_757, %dma_start3A_762] : memref<26x512xi32, #tpu.memory_space<vmem>> -> memref<1x128xi32, #tpu.memory_space<vmem>>
    %dma_start3A_764 = tpu.memref_squeeze %dma_start3A_763 : memref<1x128xi32, #tpu.memory_space<vmem>> -> memref<128xi32, #tpu.memory_space<vmem>>
    %dma_start3A_765 = arith.constant 0 : i32
    %dma_start3A_766 = tpu.memref_slice %arg23[%dma_start3A_765] : memref<1000000xf32, #tpu.memory_space<hbm>> -> memref<1000000xf32, #tpu.memory_space<hbm>>
    tpu.enqueue_indirect_dma source(%dma_start3A_766 : memref<1000000xf32, #tpu.memory_space<hbm>>) target(%dma_start3A_761 : memref<128xf32, #tpu.memory_space<vmem>>) offsets(%dma_start3A_764 : memref<128xi32, #tpu.memory_space<vmem>>) semaphore(%arg38 : memref<!tpu.dma_semaphore, #tpu.memory_space<semaphore_mem>>)
    %dma_start3A_767 = arith.constant 19 : i32
    %dma_start3A_768 = arith.constant 19 : i32
    %dma_start3A_769 = arith.constant 0 : i32
    %dma_start3A_770 = tpu.memref_slice %arg36[%dma_start3A_768, %dma_start3A_769] : memref<26x512xf32, #tpu.memory_space<vmem>> -> memref<1x128xf32, #tpu.memory_space<vmem>>
    %dma_start3A_771 = tpu.memref_squeeze %dma_start3A_770 : memref<1x128xf32, #tpu.memory_space<vmem>> -> memref<128xf32, #tpu.memory_space<vmem>>
    %dma_start3A_772 = arith.constant 0 : i32
    %dma_start3A_773 = tpu.memref_slice %arg35[%dma_start3A_767, %dma_start3A_772] : memref<26x512xi32, #tpu.memory_space<vmem>> -> memref<1x128xi32, #tpu.memory_space<vmem>>
    %dma_start3A_774 = tpu.memref_squeeze %dma_start3A_773 : memref<1x128xi32, #tpu.memory_space<vmem>> -> memref<128xi32, #tpu.memory_space<vmem>>
    %dma_start3A_775 = arith.constant 0 : i32
    %dma_start3A_776 = tpu.memref_slice %arg24[%dma_start3A_775] : memref<1000000xf32, #tpu.memory_space<hbm>> -> memref<1000000xf32, #tpu.memory_space<hbm>>
    tpu.enqueue_indirect_dma source(%dma_start3A_776 : memref<1000000xf32, #tpu.memory_space<hbm>>) target(%dma_start3A_771 : memref<128xf32, #tpu.memory_space<vmem>>) offsets(%dma_start3A_774 : memref<128xi32, #tpu.memory_space<vmem>>) semaphore(%arg38 : memref<!tpu.dma_semaphore, #tpu.memory_space<semaphore_mem>>)
    %dma_start3A_777 = arith.constant 19 : i32
    %dma_start3A_778 = arith.constant 19 : i32
    %dma_start3A_779 = arith.constant 128 : i32
    %dma_start3A_780 = tpu.memref_slice %arg36[%dma_start3A_778, %dma_start3A_779] : memref<26x512xf32, #tpu.memory_space<vmem>> -> memref<1x128xf32, #tpu.memory_space<vmem>>
    %dma_start3A_781 = tpu.memref_squeeze %dma_start3A_780 : memref<1x128xf32, #tpu.memory_space<vmem>> -> memref<128xf32, #tpu.memory_space<vmem>>
    %dma_start3A_782 = arith.constant 128 : i32
    %dma_start3A_783 = tpu.memref_slice %arg35[%dma_start3A_777, %dma_start3A_782] : memref<26x512xi32, #tpu.memory_space<vmem>> -> memref<1x128xi32, #tpu.memory_space<vmem>>
    %dma_start3A_784 = tpu.memref_squeeze %dma_start3A_783 : memref<1x128xi32, #tpu.memory_space<vmem>> -> memref<128xi32, #tpu.memory_space<vmem>>
    %dma_start3A_785 = arith.constant 0 : i32
    %dma_start3A_786 = tpu.memref_slice %arg24[%dma_start3A_785] : memref<1000000xf32, #tpu.memory_space<hbm>> -> memref<1000000xf32, #tpu.memory_space<hbm>>
    tpu.enqueue_indirect_dma source(%dma_start3A_786 : memref<1000000xf32, #tpu.memory_space<hbm>>) target(%dma_start3A_781 : memref<128xf32, #tpu.memory_space<vmem>>) offsets(%dma_start3A_784 : memref<128xi32, #tpu.memory_space<vmem>>) semaphore(%arg38 : memref<!tpu.dma_semaphore, #tpu.memory_space<semaphore_mem>>)
    %dma_start3A_787 = arith.constant 19 : i32
    %dma_start3A_788 = arith.constant 19 : i32
    %dma_start3A_789 = arith.constant 256 : i32
    %dma_start3A_790 = tpu.memref_slice %arg36[%dma_start3A_788, %dma_start3A_789] : memref<26x512xf32, #tpu.memory_space<vmem>> -> memref<1x128xf32, #tpu.memory_space<vmem>>
    %dma_start3A_791 = tpu.memref_squeeze %dma_start3A_790 : memref<1x128xf32, #tpu.memory_space<vmem>> -> memref<128xf32, #tpu.memory_space<vmem>>
    %dma_start3A_792 = arith.constant 256 : i32
    %dma_start3A_793 = tpu.memref_slice %arg35[%dma_start3A_787, %dma_start3A_792] : memref<26x512xi32, #tpu.memory_space<vmem>> -> memref<1x128xi32, #tpu.memory_space<vmem>>
    %dma_start3A_794 = tpu.memref_squeeze %dma_start3A_793 : memref<1x128xi32, #tpu.memory_space<vmem>> -> memref<128xi32, #tpu.memory_space<vmem>>
    %dma_start3A_795 = arith.constant 0 : i32
    %dma_start3A_796 = tpu.memref_slice %arg24[%dma_start3A_795] : memref<1000000xf32, #tpu.memory_space<hbm>> -> memref<1000000xf32, #tpu.memory_space<hbm>>
    tpu.enqueue_indirect_dma source(%dma_start3A_796 : memref<1000000xf32, #tpu.memory_space<hbm>>) target(%dma_start3A_791 : memref<128xf32, #tpu.memory_space<vmem>>) offsets(%dma_start3A_794 : memref<128xi32, #tpu.memory_space<vmem>>) semaphore(%arg38 : memref<!tpu.dma_semaphore, #tpu.memory_space<semaphore_mem>>)
    %dma_start3A_797 = arith.constant 19 : i32
    %dma_start3A_798 = arith.constant 19 : i32
    %dma_start3A_799 = arith.constant 384 : i32
    %dma_start3A_800 = tpu.memref_slice %arg36[%dma_start3A_798, %dma_start3A_799] : memref<26x512xf32, #tpu.memory_space<vmem>> -> memref<1x128xf32, #tpu.memory_space<vmem>>
    %dma_start3A_801 = tpu.memref_squeeze %dma_start3A_800 : memref<1x128xf32, #tpu.memory_space<vmem>> -> memref<128xf32, #tpu.memory_space<vmem>>
    %dma_start3A_802 = arith.constant 384 : i32
    %dma_start3A_803 = tpu.memref_slice %arg35[%dma_start3A_797, %dma_start3A_802] : memref<26x512xi32, #tpu.memory_space<vmem>> -> memref<1x128xi32, #tpu.memory_space<vmem>>
    %dma_start3A_804 = tpu.memref_squeeze %dma_start3A_803 : memref<1x128xi32, #tpu.memory_space<vmem>> -> memref<128xi32, #tpu.memory_space<vmem>>
    %dma_start3A_805 = arith.constant 0 : i32
    %dma_start3A_806 = tpu.memref_slice %arg24[%dma_start3A_805] : memref<1000000xf32, #tpu.memory_space<hbm>> -> memref<1000000xf32, #tpu.memory_space<hbm>>
    tpu.enqueue_indirect_dma source(%dma_start3A_806 : memref<1000000xf32, #tpu.memory_space<hbm>>) target(%dma_start3A_801 : memref<128xf32, #tpu.memory_space<vmem>>) offsets(%dma_start3A_804 : memref<128xi32, #tpu.memory_space<vmem>>) semaphore(%arg38 : memref<!tpu.dma_semaphore, #tpu.memory_space<semaphore_mem>>)
    %dma_start3A_807 = arith.constant 20 : i32
    %dma_start3A_808 = arith.constant 20 : i32
    %dma_start3A_809 = arith.constant 0 : i32
    %dma_start3A_810 = tpu.memref_slice %arg36[%dma_start3A_808, %dma_start3A_809] : memref<26x512xf32, #tpu.memory_space<vmem>> -> memref<1x128xf32, #tpu.memory_space<vmem>>
    %dma_start3A_811 = tpu.memref_squeeze %dma_start3A_810 : memref<1x128xf32, #tpu.memory_space<vmem>> -> memref<128xf32, #tpu.memory_space<vmem>>
    %dma_start3A_812 = arith.constant 0 : i32
    %dma_start3A_813 = tpu.memref_slice %arg35[%dma_start3A_807, %dma_start3A_812] : memref<26x512xi32, #tpu.memory_space<vmem>> -> memref<1x128xi32, #tpu.memory_space<vmem>>
    %dma_start3A_814 = tpu.memref_squeeze %dma_start3A_813 : memref<1x128xi32, #tpu.memory_space<vmem>> -> memref<128xi32, #tpu.memory_space<vmem>>
    %dma_start3A_815 = arith.constant 0 : i32
    %dma_start3A_816 = tpu.memref_slice %arg25[%dma_start3A_815] : memref<1000000xf32, #tpu.memory_space<hbm>> -> memref<1000000xf32, #tpu.memory_space<hbm>>
    tpu.enqueue_indirect_dma source(%dma_start3A_816 : memref<1000000xf32, #tpu.memory_space<hbm>>) target(%dma_start3A_811 : memref<128xf32, #tpu.memory_space<vmem>>) offsets(%dma_start3A_814 : memref<128xi32, #tpu.memory_space<vmem>>) semaphore(%arg38 : memref<!tpu.dma_semaphore, #tpu.memory_space<semaphore_mem>>)
    %dma_start3A_817 = arith.constant 20 : i32
    %dma_start3A_818 = arith.constant 20 : i32
    %dma_start3A_819 = arith.constant 128 : i32
    %dma_start3A_820 = tpu.memref_slice %arg36[%dma_start3A_818, %dma_start3A_819] : memref<26x512xf32, #tpu.memory_space<vmem>> -> memref<1x128xf32, #tpu.memory_space<vmem>>
    %dma_start3A_821 = tpu.memref_squeeze %dma_start3A_820 : memref<1x128xf32, #tpu.memory_space<vmem>> -> memref<128xf32, #tpu.memory_space<vmem>>
    %dma_start3A_822 = arith.constant 128 : i32
    %dma_start3A_823 = tpu.memref_slice %arg35[%dma_start3A_817, %dma_start3A_822] : memref<26x512xi32, #tpu.memory_space<vmem>> -> memref<1x128xi32, #tpu.memory_space<vmem>>
    %dma_start3A_824 = tpu.memref_squeeze %dma_start3A_823 : memref<1x128xi32, #tpu.memory_space<vmem>> -> memref<128xi32, #tpu.memory_space<vmem>>
    %dma_start3A_825 = arith.constant 0 : i32
    %dma_start3A_826 = tpu.memref_slice %arg25[%dma_start3A_825] : memref<1000000xf32, #tpu.memory_space<hbm>> -> memref<1000000xf32, #tpu.memory_space<hbm>>
    tpu.enqueue_indirect_dma source(%dma_start3A_826 : memref<1000000xf32, #tpu.memory_space<hbm>>) target(%dma_start3A_821 : memref<128xf32, #tpu.memory_space<vmem>>) offsets(%dma_start3A_824 : memref<128xi32, #tpu.memory_space<vmem>>) semaphore(%arg38 : memref<!tpu.dma_semaphore, #tpu.memory_space<semaphore_mem>>)
    %dma_start3A_827 = arith.constant 20 : i32
    %dma_start3A_828 = arith.constant 20 : i32
    %dma_start3A_829 = arith.constant 256 : i32
    %dma_start3A_830 = tpu.memref_slice %arg36[%dma_start3A_828, %dma_start3A_829] : memref<26x512xf32, #tpu.memory_space<vmem>> -> memref<1x128xf32, #tpu.memory_space<vmem>>
    %dma_start3A_831 = tpu.memref_squeeze %dma_start3A_830 : memref<1x128xf32, #tpu.memory_space<vmem>> -> memref<128xf32, #tpu.memory_space<vmem>>
    %dma_start3A_832 = arith.constant 256 : i32
    %dma_start3A_833 = tpu.memref_slice %arg35[%dma_start3A_827, %dma_start3A_832] : memref<26x512xi32, #tpu.memory_space<vmem>> -> memref<1x128xi32, #tpu.memory_space<vmem>>
    %dma_start3A_834 = tpu.memref_squeeze %dma_start3A_833 : memref<1x128xi32, #tpu.memory_space<vmem>> -> memref<128xi32, #tpu.memory_space<vmem>>
    %dma_start3A_835 = arith.constant 0 : i32
    %dma_start3A_836 = tpu.memref_slice %arg25[%dma_start3A_835] : memref<1000000xf32, #tpu.memory_space<hbm>> -> memref<1000000xf32, #tpu.memory_space<hbm>>
    tpu.enqueue_indirect_dma source(%dma_start3A_836 : memref<1000000xf32, #tpu.memory_space<hbm>>) target(%dma_start3A_831 : memref<128xf32, #tpu.memory_space<vmem>>) offsets(%dma_start3A_834 : memref<128xi32, #tpu.memory_space<vmem>>) semaphore(%arg38 : memref<!tpu.dma_semaphore, #tpu.memory_space<semaphore_mem>>)
    %dma_start3A_837 = arith.constant 20 : i32
    %dma_start3A_838 = arith.constant 20 : i32
    %dma_start3A_839 = arith.constant 384 : i32
    %dma_start3A_840 = tpu.memref_slice %arg36[%dma_start3A_838, %dma_start3A_839] : memref<26x512xf32, #tpu.memory_space<vmem>> -> memref<1x128xf32, #tpu.memory_space<vmem>>
    %dma_start3A_841 = tpu.memref_squeeze %dma_start3A_840 : memref<1x128xf32, #tpu.memory_space<vmem>> -> memref<128xf32, #tpu.memory_space<vmem>>
    %dma_start3A_842 = arith.constant 384 : i32
    %dma_start3A_843 = tpu.memref_slice %arg35[%dma_start3A_837, %dma_start3A_842] : memref<26x512xi32, #tpu.memory_space<vmem>> -> memref<1x128xi32, #tpu.memory_space<vmem>>
    %dma_start3A_844 = tpu.memref_squeeze %dma_start3A_843 : memref<1x128xi32, #tpu.memory_space<vmem>> -> memref<128xi32, #tpu.memory_space<vmem>>
    %dma_start3A_845 = arith.constant 0 : i32
    %dma_start3A_846 = tpu.memref_slice %arg25[%dma_start3A_845] : memref<1000000xf32, #tpu.memory_space<hbm>> -> memref<1000000xf32, #tpu.memory_space<hbm>>
    tpu.enqueue_indirect_dma source(%dma_start3A_846 : memref<1000000xf32, #tpu.memory_space<hbm>>) target(%dma_start3A_841 : memref<128xf32, #tpu.memory_space<vmem>>) offsets(%dma_start3A_844 : memref<128xi32, #tpu.memory_space<vmem>>) semaphore(%arg38 : memref<!tpu.dma_semaphore, #tpu.memory_space<semaphore_mem>>)
    %dma_start3A_847 = arith.constant 21 : i32
    %dma_start3A_848 = arith.constant 21 : i32
    %dma_start3A_849 = arith.constant 0 : i32
    %dma_start3A_850 = tpu.memref_slice %arg36[%dma_start3A_848, %dma_start3A_849] : memref<26x512xf32, #tpu.memory_space<vmem>> -> memref<1x128xf32, #tpu.memory_space<vmem>>
    %dma_start3A_851 = tpu.memref_squeeze %dma_start3A_850 : memref<1x128xf32, #tpu.memory_space<vmem>> -> memref<128xf32, #tpu.memory_space<vmem>>
    %dma_start3A_852 = arith.constant 0 : i32
    %dma_start3A_853 = tpu.memref_slice %arg35[%dma_start3A_847, %dma_start3A_852] : memref<26x512xi32, #tpu.memory_space<vmem>> -> memref<1x128xi32, #tpu.memory_space<vmem>>
    %dma_start3A_854 = tpu.memref_squeeze %dma_start3A_853 : memref<1x128xi32, #tpu.memory_space<vmem>> -> memref<128xi32, #tpu.memory_space<vmem>>
    %dma_start3A_855 = arith.constant 0 : i32
    %dma_start3A_856 = tpu.memref_slice %arg26[%dma_start3A_855] : memref<1000000xf32, #tpu.memory_space<hbm>> -> memref<1000000xf32, #tpu.memory_space<hbm>>
    tpu.enqueue_indirect_dma source(%dma_start3A_856 : memref<1000000xf32, #tpu.memory_space<hbm>>) target(%dma_start3A_851 : memref<128xf32, #tpu.memory_space<vmem>>) offsets(%dma_start3A_854 : memref<128xi32, #tpu.memory_space<vmem>>) semaphore(%arg38 : memref<!tpu.dma_semaphore, #tpu.memory_space<semaphore_mem>>)
    %dma_start3A_857 = arith.constant 21 : i32
    %dma_start3A_858 = arith.constant 21 : i32
    %dma_start3A_859 = arith.constant 128 : i32
    %dma_start3A_860 = tpu.memref_slice %arg36[%dma_start3A_858, %dma_start3A_859] : memref<26x512xf32, #tpu.memory_space<vmem>> -> memref<1x128xf32, #tpu.memory_space<vmem>>
    %dma_start3A_861 = tpu.memref_squeeze %dma_start3A_860 : memref<1x128xf32, #tpu.memory_space<vmem>> -> memref<128xf32, #tpu.memory_space<vmem>>
    %dma_start3A_862 = arith.constant 128 : i32
    %dma_start3A_863 = tpu.memref_slice %arg35[%dma_start3A_857, %dma_start3A_862] : memref<26x512xi32, #tpu.memory_space<vmem>> -> memref<1x128xi32, #tpu.memory_space<vmem>>
    %dma_start3A_864 = tpu.memref_squeeze %dma_start3A_863 : memref<1x128xi32, #tpu.memory_space<vmem>> -> memref<128xi32, #tpu.memory_space<vmem>>
    %dma_start3A_865 = arith.constant 0 : i32
    %dma_start3A_866 = tpu.memref_slice %arg26[%dma_start3A_865] : memref<1000000xf32, #tpu.memory_space<hbm>> -> memref<1000000xf32, #tpu.memory_space<hbm>>
    tpu.enqueue_indirect_dma source(%dma_start3A_866 : memref<1000000xf32, #tpu.memory_space<hbm>>) target(%dma_start3A_861 : memref<128xf32, #tpu.memory_space<vmem>>) offsets(%dma_start3A_864 : memref<128xi32, #tpu.memory_space<vmem>>) semaphore(%arg38 : memref<!tpu.dma_semaphore, #tpu.memory_space<semaphore_mem>>)
    %dma_start3A_867 = arith.constant 21 : i32
    %dma_start3A_868 = arith.constant 21 : i32
    %dma_start3A_869 = arith.constant 256 : i32
    %dma_start3A_870 = tpu.memref_slice %arg36[%dma_start3A_868, %dma_start3A_869] : memref<26x512xf32, #tpu.memory_space<vmem>> -> memref<1x128xf32, #tpu.memory_space<vmem>>
    %dma_start3A_871 = tpu.memref_squeeze %dma_start3A_870 : memref<1x128xf32, #tpu.memory_space<vmem>> -> memref<128xf32, #tpu.memory_space<vmem>>
    %dma_start3A_872 = arith.constant 256 : i32
    %dma_start3A_873 = tpu.memref_slice %arg35[%dma_start3A_867, %dma_start3A_872] : memref<26x512xi32, #tpu.memory_space<vmem>> -> memref<1x128xi32, #tpu.memory_space<vmem>>
    %dma_start3A_874 = tpu.memref_squeeze %dma_start3A_873 : memref<1x128xi32, #tpu.memory_space<vmem>> -> memref<128xi32, #tpu.memory_space<vmem>>
    %dma_start3A_875 = arith.constant 0 : i32
    %dma_start3A_876 = tpu.memref_slice %arg26[%dma_start3A_875] : memref<1000000xf32, #tpu.memory_space<hbm>> -> memref<1000000xf32, #tpu.memory_space<hbm>>
    tpu.enqueue_indirect_dma source(%dma_start3A_876 : memref<1000000xf32, #tpu.memory_space<hbm>>) target(%dma_start3A_871 : memref<128xf32, #tpu.memory_space<vmem>>) offsets(%dma_start3A_874 : memref<128xi32, #tpu.memory_space<vmem>>) semaphore(%arg38 : memref<!tpu.dma_semaphore, #tpu.memory_space<semaphore_mem>>)
    %dma_start3A_877 = arith.constant 21 : i32
    %dma_start3A_878 = arith.constant 21 : i32
    %dma_start3A_879 = arith.constant 384 : i32
    %dma_start3A_880 = tpu.memref_slice %arg36[%dma_start3A_878, %dma_start3A_879] : memref<26x512xf32, #tpu.memory_space<vmem>> -> memref<1x128xf32, #tpu.memory_space<vmem>>
    %dma_start3A_881 = tpu.memref_squeeze %dma_start3A_880 : memref<1x128xf32, #tpu.memory_space<vmem>> -> memref<128xf32, #tpu.memory_space<vmem>>
    %dma_start3A_882 = arith.constant 384 : i32
    %dma_start3A_883 = tpu.memref_slice %arg35[%dma_start3A_877, %dma_start3A_882] : memref<26x512xi32, #tpu.memory_space<vmem>> -> memref<1x128xi32, #tpu.memory_space<vmem>>
    %dma_start3A_884 = tpu.memref_squeeze %dma_start3A_883 : memref<1x128xi32, #tpu.memory_space<vmem>> -> memref<128xi32, #tpu.memory_space<vmem>>
    %dma_start3A_885 = arith.constant 0 : i32
    %dma_start3A_886 = tpu.memref_slice %arg26[%dma_start3A_885] : memref<1000000xf32, #tpu.memory_space<hbm>> -> memref<1000000xf32, #tpu.memory_space<hbm>>
    tpu.enqueue_indirect_dma source(%dma_start3A_886 : memref<1000000xf32, #tpu.memory_space<hbm>>) target(%dma_start3A_881 : memref<128xf32, #tpu.memory_space<vmem>>) offsets(%dma_start3A_884 : memref<128xi32, #tpu.memory_space<vmem>>) semaphore(%arg38 : memref<!tpu.dma_semaphore, #tpu.memory_space<semaphore_mem>>)
    %dma_start3A_887 = arith.constant 22 : i32
    %dma_start3A_888 = arith.constant 22 : i32
    %dma_start3A_889 = arith.constant 0 : i32
    %dma_start3A_890 = tpu.memref_slice %arg36[%dma_start3A_888, %dma_start3A_889] : memref<26x512xf32, #tpu.memory_space<vmem>> -> memref<1x128xf32, #tpu.memory_space<vmem>>
    %dma_start3A_891 = tpu.memref_squeeze %dma_start3A_890 : memref<1x128xf32, #tpu.memory_space<vmem>> -> memref<128xf32, #tpu.memory_space<vmem>>
    %dma_start3A_892 = arith.constant 0 : i32
    %dma_start3A_893 = tpu.memref_slice %arg35[%dma_start3A_887, %dma_start3A_892] : memref<26x512xi32, #tpu.memory_space<vmem>> -> memref<1x128xi32, #tpu.memory_space<vmem>>
    %dma_start3A_894 = tpu.memref_squeeze %dma_start3A_893 : memref<1x128xi32, #tpu.memory_space<vmem>> -> memref<128xi32, #tpu.memory_space<vmem>>
    %dma_start3A_895 = arith.constant 0 : i32
    %dma_start3A_896 = tpu.memref_slice %arg27[%dma_start3A_895] : memref<1000000xf32, #tpu.memory_space<hbm>> -> memref<1000000xf32, #tpu.memory_space<hbm>>
    tpu.enqueue_indirect_dma source(%dma_start3A_896 : memref<1000000xf32, #tpu.memory_space<hbm>>) target(%dma_start3A_891 : memref<128xf32, #tpu.memory_space<vmem>>) offsets(%dma_start3A_894 : memref<128xi32, #tpu.memory_space<vmem>>) semaphore(%arg38 : memref<!tpu.dma_semaphore, #tpu.memory_space<semaphore_mem>>)
    %dma_start3A_897 = arith.constant 22 : i32
    %dma_start3A_898 = arith.constant 22 : i32
    %dma_start3A_899 = arith.constant 128 : i32
    %dma_start3A_900 = tpu.memref_slice %arg36[%dma_start3A_898, %dma_start3A_899] : memref<26x512xf32, #tpu.memory_space<vmem>> -> memref<1x128xf32, #tpu.memory_space<vmem>>
    %dma_start3A_901 = tpu.memref_squeeze %dma_start3A_900 : memref<1x128xf32, #tpu.memory_space<vmem>> -> memref<128xf32, #tpu.memory_space<vmem>>
    %dma_start3A_902 = arith.constant 128 : i32
    %dma_start3A_903 = tpu.memref_slice %arg35[%dma_start3A_897, %dma_start3A_902] : memref<26x512xi32, #tpu.memory_space<vmem>> -> memref<1x128xi32, #tpu.memory_space<vmem>>
    %dma_start3A_904 = tpu.memref_squeeze %dma_start3A_903 : memref<1x128xi32, #tpu.memory_space<vmem>> -> memref<128xi32, #tpu.memory_space<vmem>>
    %dma_start3A_905 = arith.constant 0 : i32
    %dma_start3A_906 = tpu.memref_slice %arg27[%dma_start3A_905] : memref<1000000xf32, #tpu.memory_space<hbm>> -> memref<1000000xf32, #tpu.memory_space<hbm>>
    tpu.enqueue_indirect_dma source(%dma_start3A_906 : memref<1000000xf32, #tpu.memory_space<hbm>>) target(%dma_start3A_901 : memref<128xf32, #tpu.memory_space<vmem>>) offsets(%dma_start3A_904 : memref<128xi32, #tpu.memory_space<vmem>>) semaphore(%arg38 : memref<!tpu.dma_semaphore, #tpu.memory_space<semaphore_mem>>)
    %dma_start3A_907 = arith.constant 22 : i32
    %dma_start3A_908 = arith.constant 22 : i32
    %dma_start3A_909 = arith.constant 256 : i32
    %dma_start3A_910 = tpu.memref_slice %arg36[%dma_start3A_908, %dma_start3A_909] : memref<26x512xf32, #tpu.memory_space<vmem>> -> memref<1x128xf32, #tpu.memory_space<vmem>>
    %dma_start3A_911 = tpu.memref_squeeze %dma_start3A_910 : memref<1x128xf32, #tpu.memory_space<vmem>> -> memref<128xf32, #tpu.memory_space<vmem>>
    %dma_start3A_912 = arith.constant 256 : i32
    %dma_start3A_913 = tpu.memref_slice %arg35[%dma_start3A_907, %dma_start3A_912] : memref<26x512xi32, #tpu.memory_space<vmem>> -> memref<1x128xi32, #tpu.memory_space<vmem>>
    %dma_start3A_914 = tpu.memref_squeeze %dma_start3A_913 : memref<1x128xi32, #tpu.memory_space<vmem>> -> memref<128xi32, #tpu.memory_space<vmem>>
    %dma_start3A_915 = arith.constant 0 : i32
    %dma_start3A_916 = tpu.memref_slice %arg27[%dma_start3A_915] : memref<1000000xf32, #tpu.memory_space<hbm>> -> memref<1000000xf32, #tpu.memory_space<hbm>>
    tpu.enqueue_indirect_dma source(%dma_start3A_916 : memref<1000000xf32, #tpu.memory_space<hbm>>) target(%dma_start3A_911 : memref<128xf32, #tpu.memory_space<vmem>>) offsets(%dma_start3A_914 : memref<128xi32, #tpu.memory_space<vmem>>) semaphore(%arg38 : memref<!tpu.dma_semaphore, #tpu.memory_space<semaphore_mem>>)
    %dma_start3A_917 = arith.constant 22 : i32
    %dma_start3A_918 = arith.constant 22 : i32
    %dma_start3A_919 = arith.constant 384 : i32
    %dma_start3A_920 = tpu.memref_slice %arg36[%dma_start3A_918, %dma_start3A_919] : memref<26x512xf32, #tpu.memory_space<vmem>> -> memref<1x128xf32, #tpu.memory_space<vmem>>
    %dma_start3A_921 = tpu.memref_squeeze %dma_start3A_920 : memref<1x128xf32, #tpu.memory_space<vmem>> -> memref<128xf32, #tpu.memory_space<vmem>>
    %dma_start3A_922 = arith.constant 384 : i32
    %dma_start3A_923 = tpu.memref_slice %arg35[%dma_start3A_917, %dma_start3A_922] : memref<26x512xi32, #tpu.memory_space<vmem>> -> memref<1x128xi32, #tpu.memory_space<vmem>>
    %dma_start3A_924 = tpu.memref_squeeze %dma_start3A_923 : memref<1x128xi32, #tpu.memory_space<vmem>> -> memref<128xi32, #tpu.memory_space<vmem>>
    %dma_start3A_925 = arith.constant 0 : i32
    %dma_start3A_926 = tpu.memref_slice %arg27[%dma_start3A_925] : memref<1000000xf32, #tpu.memory_space<hbm>> -> memref<1000000xf32, #tpu.memory_space<hbm>>
    tpu.enqueue_indirect_dma source(%dma_start3A_926 : memref<1000000xf32, #tpu.memory_space<hbm>>) target(%dma_start3A_921 : memref<128xf32, #tpu.memory_space<vmem>>) offsets(%dma_start3A_924 : memref<128xi32, #tpu.memory_space<vmem>>) semaphore(%arg38 : memref<!tpu.dma_semaphore, #tpu.memory_space<semaphore_mem>>)
    %dma_start3A_927 = arith.constant 23 : i32
    %dma_start3A_928 = arith.constant 23 : i32
    %dma_start3A_929 = arith.constant 0 : i32
    %dma_start3A_930 = tpu.memref_slice %arg36[%dma_start3A_928, %dma_start3A_929] : memref<26x512xf32, #tpu.memory_space<vmem>> -> memref<1x128xf32, #tpu.memory_space<vmem>>
    %dma_start3A_931 = tpu.memref_squeeze %dma_start3A_930 : memref<1x128xf32, #tpu.memory_space<vmem>> -> memref<128xf32, #tpu.memory_space<vmem>>
    %dma_start3A_932 = arith.constant 0 : i32
    %dma_start3A_933 = tpu.memref_slice %arg35[%dma_start3A_927, %dma_start3A_932] : memref<26x512xi32, #tpu.memory_space<vmem>> -> memref<1x128xi32, #tpu.memory_space<vmem>>
    %dma_start3A_934 = tpu.memref_squeeze %dma_start3A_933 : memref<1x128xi32, #tpu.memory_space<vmem>> -> memref<128xi32, #tpu.memory_space<vmem>>
    %dma_start3A_935 = arith.constant 0 : i32
    %dma_start3A_936 = tpu.memref_slice %arg28[%dma_start3A_935] : memref<1000000xf32, #tpu.memory_space<hbm>> -> memref<1000000xf32, #tpu.memory_space<hbm>>
    tpu.enqueue_indirect_dma source(%dma_start3A_936 : memref<1000000xf32, #tpu.memory_space<hbm>>) target(%dma_start3A_931 : memref<128xf32, #tpu.memory_space<vmem>>) offsets(%dma_start3A_934 : memref<128xi32, #tpu.memory_space<vmem>>) semaphore(%arg38 : memref<!tpu.dma_semaphore, #tpu.memory_space<semaphore_mem>>)
    %dma_start3A_937 = arith.constant 23 : i32
    %dma_start3A_938 = arith.constant 23 : i32
    %dma_start3A_939 = arith.constant 128 : i32
    %dma_start3A_940 = tpu.memref_slice %arg36[%dma_start3A_938, %dma_start3A_939] : memref<26x512xf32, #tpu.memory_space<vmem>> -> memref<1x128xf32, #tpu.memory_space<vmem>>
    %dma_start3A_941 = tpu.memref_squeeze %dma_start3A_940 : memref<1x128xf32, #tpu.memory_space<vmem>> -> memref<128xf32, #tpu.memory_space<vmem>>
    %dma_start3A_942 = arith.constant 128 : i32
    %dma_start3A_943 = tpu.memref_slice %arg35[%dma_start3A_937, %dma_start3A_942] : memref<26x512xi32, #tpu.memory_space<vmem>> -> memref<1x128xi32, #tpu.memory_space<vmem>>
    %dma_start3A_944 = tpu.memref_squeeze %dma_start3A_943 : memref<1x128xi32, #tpu.memory_space<vmem>> -> memref<128xi32, #tpu.memory_space<vmem>>
    %dma_start3A_945 = arith.constant 0 : i32
    %dma_start3A_946 = tpu.memref_slice %arg28[%dma_start3A_945] : memref<1000000xf32, #tpu.memory_space<hbm>> -> memref<1000000xf32, #tpu.memory_space<hbm>>
    tpu.enqueue_indirect_dma source(%dma_start3A_946 : memref<1000000xf32, #tpu.memory_space<hbm>>) target(%dma_start3A_941 : memref<128xf32, #tpu.memory_space<vmem>>) offsets(%dma_start3A_944 : memref<128xi32, #tpu.memory_space<vmem>>) semaphore(%arg38 : memref<!tpu.dma_semaphore, #tpu.memory_space<semaphore_mem>>)
    %dma_start3A_947 = arith.constant 23 : i32
    %dma_start3A_948 = arith.constant 23 : i32
    %dma_start3A_949 = arith.constant 256 : i32
    %dma_start3A_950 = tpu.memref_slice %arg36[%dma_start3A_948, %dma_start3A_949] : memref<26x512xf32, #tpu.memory_space<vmem>> -> memref<1x128xf32, #tpu.memory_space<vmem>>
    %dma_start3A_951 = tpu.memref_squeeze %dma_start3A_950 : memref<1x128xf32, #tpu.memory_space<vmem>> -> memref<128xf32, #tpu.memory_space<vmem>>
    %dma_start3A_952 = arith.constant 256 : i32
    %dma_start3A_953 = tpu.memref_slice %arg35[%dma_start3A_947, %dma_start3A_952] : memref<26x512xi32, #tpu.memory_space<vmem>> -> memref<1x128xi32, #tpu.memory_space<vmem>>
    %dma_start3A_954 = tpu.memref_squeeze %dma_start3A_953 : memref<1x128xi32, #tpu.memory_space<vmem>> -> memref<128xi32, #tpu.memory_space<vmem>>
    %dma_start3A_955 = arith.constant 0 : i32
    %dma_start3A_956 = tpu.memref_slice %arg28[%dma_start3A_955] : memref<1000000xf32, #tpu.memory_space<hbm>> -> memref<1000000xf32, #tpu.memory_space<hbm>>
    tpu.enqueue_indirect_dma source(%dma_start3A_956 : memref<1000000xf32, #tpu.memory_space<hbm>>) target(%dma_start3A_951 : memref<128xf32, #tpu.memory_space<vmem>>) offsets(%dma_start3A_954 : memref<128xi32, #tpu.memory_space<vmem>>) semaphore(%arg38 : memref<!tpu.dma_semaphore, #tpu.memory_space<semaphore_mem>>)
    %dma_start3A_957 = arith.constant 23 : i32
    %dma_start3A_958 = arith.constant 23 : i32
    %dma_start3A_959 = arith.constant 384 : i32
    %dma_start3A_960 = tpu.memref_slice %arg36[%dma_start3A_958, %dma_start3A_959] : memref<26x512xf32, #tpu.memory_space<vmem>> -> memref<1x128xf32, #tpu.memory_space<vmem>>
    %dma_start3A_961 = tpu.memref_squeeze %dma_start3A_960 : memref<1x128xf32, #tpu.memory_space<vmem>> -> memref<128xf32, #tpu.memory_space<vmem>>
    %dma_start3A_962 = arith.constant 384 : i32
    %dma_start3A_963 = tpu.memref_slice %arg35[%dma_start3A_957, %dma_start3A_962] : memref<26x512xi32, #tpu.memory_space<vmem>> -> memref<1x128xi32, #tpu.memory_space<vmem>>
    %dma_start3A_964 = tpu.memref_squeeze %dma_start3A_963 : memref<1x128xi32, #tpu.memory_space<vmem>> -> memref<128xi32, #tpu.memory_space<vmem>>
    %dma_start3A_965 = arith.constant 0 : i32
    %dma_start3A_966 = tpu.memref_slice %arg28[%dma_start3A_965] : memref<1000000xf32, #tpu.memory_space<hbm>> -> memref<1000000xf32, #tpu.memory_space<hbm>>
    tpu.enqueue_indirect_dma source(%dma_start3A_966 : memref<1000000xf32, #tpu.memory_space<hbm>>) target(%dma_start3A_961 : memref<128xf32, #tpu.memory_space<vmem>>) offsets(%dma_start3A_964 : memref<128xi32, #tpu.memory_space<vmem>>) semaphore(%arg38 : memref<!tpu.dma_semaphore, #tpu.memory_space<semaphore_mem>>)
    %dma_start3A_967 = arith.constant 24 : i32
    %dma_start3A_968 = arith.constant 24 : i32
    %dma_start3A_969 = arith.constant 0 : i32
    %dma_start3A_970 = tpu.memref_slice %arg36[%dma_start3A_968, %dma_start3A_969] : memref<26x512xf32, #tpu.memory_space<vmem>> -> memref<1x128xf32, #tpu.memory_space<vmem>>
    %dma_start3A_971 = tpu.memref_squeeze %dma_start3A_970 : memref<1x128xf32, #tpu.memory_space<vmem>> -> memref<128xf32, #tpu.memory_space<vmem>>
    %dma_start3A_972 = arith.constant 0 : i32
    %dma_start3A_973 = tpu.memref_slice %arg35[%dma_start3A_967, %dma_start3A_972] : memref<26x512xi32, #tpu.memory_space<vmem>> -> memref<1x128xi32, #tpu.memory_space<vmem>>
    %dma_start3A_974 = tpu.memref_squeeze %dma_start3A_973 : memref<1x128xi32, #tpu.memory_space<vmem>> -> memref<128xi32, #tpu.memory_space<vmem>>
    %dma_start3A_975 = arith.constant 0 : i32
    %dma_start3A_976 = tpu.memref_slice %arg29[%dma_start3A_975] : memref<1000000xf32, #tpu.memory_space<hbm>> -> memref<1000000xf32, #tpu.memory_space<hbm>>
    tpu.enqueue_indirect_dma source(%dma_start3A_976 : memref<1000000xf32, #tpu.memory_space<hbm>>) target(%dma_start3A_971 : memref<128xf32, #tpu.memory_space<vmem>>) offsets(%dma_start3A_974 : memref<128xi32, #tpu.memory_space<vmem>>) semaphore(%arg38 : memref<!tpu.dma_semaphore, #tpu.memory_space<semaphore_mem>>)
    %dma_start3A_977 = arith.constant 24 : i32
    %dma_start3A_978 = arith.constant 24 : i32
    %dma_start3A_979 = arith.constant 128 : i32
    %dma_start3A_980 = tpu.memref_slice %arg36[%dma_start3A_978, %dma_start3A_979] : memref<26x512xf32, #tpu.memory_space<vmem>> -> memref<1x128xf32, #tpu.memory_space<vmem>>
    %dma_start3A_981 = tpu.memref_squeeze %dma_start3A_980 : memref<1x128xf32, #tpu.memory_space<vmem>> -> memref<128xf32, #tpu.memory_space<vmem>>
    %dma_start3A_982 = arith.constant 128 : i32
    %dma_start3A_983 = tpu.memref_slice %arg35[%dma_start3A_977, %dma_start3A_982] : memref<26x512xi32, #tpu.memory_space<vmem>> -> memref<1x128xi32, #tpu.memory_space<vmem>>
    %dma_start3A_984 = tpu.memref_squeeze %dma_start3A_983 : memref<1x128xi32, #tpu.memory_space<vmem>> -> memref<128xi32, #tpu.memory_space<vmem>>
    %dma_start3A_985 = arith.constant 0 : i32
    %dma_start3A_986 = tpu.memref_slice %arg29[%dma_start3A_985] : memref<1000000xf32, #tpu.memory_space<hbm>> -> memref<1000000xf32, #tpu.memory_space<hbm>>
    tpu.enqueue_indirect_dma source(%dma_start3A_986 : memref<1000000xf32, #tpu.memory_space<hbm>>) target(%dma_start3A_981 : memref<128xf32, #tpu.memory_space<vmem>>) offsets(%dma_start3A_984 : memref<128xi32, #tpu.memory_space<vmem>>) semaphore(%arg38 : memref<!tpu.dma_semaphore, #tpu.memory_space<semaphore_mem>>)
    %dma_start3A_987 = arith.constant 24 : i32
    %dma_start3A_988 = arith.constant 24 : i32
    %dma_start3A_989 = arith.constant 256 : i32
    %dma_start3A_990 = tpu.memref_slice %arg36[%dma_start3A_988, %dma_start3A_989] : memref<26x512xf32, #tpu.memory_space<vmem>> -> memref<1x128xf32, #tpu.memory_space<vmem>>
    %dma_start3A_991 = tpu.memref_squeeze %dma_start3A_990 : memref<1x128xf32, #tpu.memory_space<vmem>> -> memref<128xf32, #tpu.memory_space<vmem>>
    %dma_start3A_992 = arith.constant 256 : i32
    %dma_start3A_993 = tpu.memref_slice %arg35[%dma_start3A_987, %dma_start3A_992] : memref<26x512xi32, #tpu.memory_space<vmem>> -> memref<1x128xi32, #tpu.memory_space<vmem>>
    %dma_start3A_994 = tpu.memref_squeeze %dma_start3A_993 : memref<1x128xi32, #tpu.memory_space<vmem>> -> memref<128xi32, #tpu.memory_space<vmem>>
    %dma_start3A_995 = arith.constant 0 : i32
    %dma_start3A_996 = tpu.memref_slice %arg29[%dma_start3A_995] : memref<1000000xf32, #tpu.memory_space<hbm>> -> memref<1000000xf32, #tpu.memory_space<hbm>>
    tpu.enqueue_indirect_dma source(%dma_start3A_996 : memref<1000000xf32, #tpu.memory_space<hbm>>) target(%dma_start3A_991 : memref<128xf32, #tpu.memory_space<vmem>>) offsets(%dma_start3A_994 : memref<128xi32, #tpu.memory_space<vmem>>) semaphore(%arg38 : memref<!tpu.dma_semaphore, #tpu.memory_space<semaphore_mem>>)
    %dma_start3A_997 = arith.constant 24 : i32
    %dma_start3A_998 = arith.constant 24 : i32
    %dma_start3A_999 = arith.constant 384 : i32
    %dma_start3A_1000 = tpu.memref_slice %arg36[%dma_start3A_998, %dma_start3A_999] : memref<26x512xf32, #tpu.memory_space<vmem>> -> memref<1x128xf32, #tpu.memory_space<vmem>>
    %dma_start3A_1001 = tpu.memref_squeeze %dma_start3A_1000 : memref<1x128xf32, #tpu.memory_space<vmem>> -> memref<128xf32, #tpu.memory_space<vmem>>
    %dma_start3A_1002 = arith.constant 384 : i32
    %dma_start3A_1003 = tpu.memref_slice %arg35[%dma_start3A_997, %dma_start3A_1002] : memref<26x512xi32, #tpu.memory_space<vmem>> -> memref<1x128xi32, #tpu.memory_space<vmem>>
    %dma_start3A_1004 = tpu.memref_squeeze %dma_start3A_1003 : memref<1x128xi32, #tpu.memory_space<vmem>> -> memref<128xi32, #tpu.memory_space<vmem>>
    %dma_start3A_1005 = arith.constant 0 : i32
    %dma_start3A_1006 = tpu.memref_slice %arg29[%dma_start3A_1005] : memref<1000000xf32, #tpu.memory_space<hbm>> -> memref<1000000xf32, #tpu.memory_space<hbm>>
    tpu.enqueue_indirect_dma source(%dma_start3A_1006 : memref<1000000xf32, #tpu.memory_space<hbm>>) target(%dma_start3A_1001 : memref<128xf32, #tpu.memory_space<vmem>>) offsets(%dma_start3A_1004 : memref<128xi32, #tpu.memory_space<vmem>>) semaphore(%arg38 : memref<!tpu.dma_semaphore, #tpu.memory_space<semaphore_mem>>)
    %dma_start3A_1007 = arith.constant 25 : i32
    %dma_start3A_1008 = arith.constant 25 : i32
    %dma_start3A_1009 = arith.constant 0 : i32
    %dma_start3A_1010 = tpu.memref_slice %arg36[%dma_start3A_1008, %dma_start3A_1009] : memref<26x512xf32, #tpu.memory_space<vmem>> -> memref<1x128xf32, #tpu.memory_space<vmem>>
    %dma_start3A_1011 = tpu.memref_squeeze %dma_start3A_1010 : memref<1x128xf32, #tpu.memory_space<vmem>> -> memref<128xf32, #tpu.memory_space<vmem>>
    %dma_start3A_1012 = arith.constant 0 : i32
    %dma_start3A_1013 = tpu.memref_slice %arg35[%dma_start3A_1007, %dma_start3A_1012] : memref<26x512xi32, #tpu.memory_space<vmem>> -> memref<1x128xi32, #tpu.memory_space<vmem>>
    %dma_start3A_1014 = tpu.memref_squeeze %dma_start3A_1013 : memref<1x128xi32, #tpu.memory_space<vmem>> -> memref<128xi32, #tpu.memory_space<vmem>>
    %dma_start3A_1015 = arith.constant 0 : i32
    %dma_start3A_1016 = tpu.memref_slice %arg30[%dma_start3A_1015] : memref<1000000xf32, #tpu.memory_space<hbm>> -> memref<1000000xf32, #tpu.memory_space<hbm>>
    tpu.enqueue_indirect_dma source(%dma_start3A_1016 : memref<1000000xf32, #tpu.memory_space<hbm>>) target(%dma_start3A_1011 : memref<128xf32, #tpu.memory_space<vmem>>) offsets(%dma_start3A_1014 : memref<128xi32, #tpu.memory_space<vmem>>) semaphore(%arg38 : memref<!tpu.dma_semaphore, #tpu.memory_space<semaphore_mem>>)
    %dma_start3A_1017 = arith.constant 25 : i32
    %dma_start3A_1018 = arith.constant 25 : i32
    %dma_start3A_1019 = arith.constant 128 : i32
    %dma_start3A_1020 = tpu.memref_slice %arg36[%dma_start3A_1018, %dma_start3A_1019] : memref<26x512xf32, #tpu.memory_space<vmem>> -> memref<1x128xf32, #tpu.memory_space<vmem>>
    %dma_start3A_1021 = tpu.memref_squeeze %dma_start3A_1020 : memref<1x128xf32, #tpu.memory_space<vmem>> -> memref<128xf32, #tpu.memory_space<vmem>>
    %dma_start3A_1022 = arith.constant 128 : i32
    %dma_start3A_1023 = tpu.memref_slice %arg35[%dma_start3A_1017, %dma_start3A_1022] : memref<26x512xi32, #tpu.memory_space<vmem>> -> memref<1x128xi32, #tpu.memory_space<vmem>>
    %dma_start3A_1024 = tpu.memref_squeeze %dma_start3A_1023 : memref<1x128xi32, #tpu.memory_space<vmem>> -> memref<128xi32, #tpu.memory_space<vmem>>
    %dma_start3A_1025 = arith.constant 0 : i32
    %dma_start3A_1026 = tpu.memref_slice %arg30[%dma_start3A_1025] : memref<1000000xf32, #tpu.memory_space<hbm>> -> memref<1000000xf32, #tpu.memory_space<hbm>>
    tpu.enqueue_indirect_dma source(%dma_start3A_1026 : memref<1000000xf32, #tpu.memory_space<hbm>>) target(%dma_start3A_1021 : memref<128xf32, #tpu.memory_space<vmem>>) offsets(%dma_start3A_1024 : memref<128xi32, #tpu.memory_space<vmem>>) semaphore(%arg38 : memref<!tpu.dma_semaphore, #tpu.memory_space<semaphore_mem>>)
    %dma_start3A_1027 = arith.constant 25 : i32
    %dma_start3A_1028 = arith.constant 25 : i32
    %dma_start3A_1029 = arith.constant 256 : i32
    %dma_start3A_1030 = tpu.memref_slice %arg36[%dma_start3A_1028, %dma_start3A_1029] : memref<26x512xf32, #tpu.memory_space<vmem>> -> memref<1x128xf32, #tpu.memory_space<vmem>>
    %dma_start3A_1031 = tpu.memref_squeeze %dma_start3A_1030 : memref<1x128xf32, #tpu.memory_space<vmem>> -> memref<128xf32, #tpu.memory_space<vmem>>
    %dma_start3A_1032 = arith.constant 256 : i32
    %dma_start3A_1033 = tpu.memref_slice %arg35[%dma_start3A_1027, %dma_start3A_1032] : memref<26x512xi32, #tpu.memory_space<vmem>> -> memref<1x128xi32, #tpu.memory_space<vmem>>
    %dma_start3A_1034 = tpu.memref_squeeze %dma_start3A_1033 : memref<1x128xi32, #tpu.memory_space<vmem>> -> memref<128xi32, #tpu.memory_space<vmem>>
    %dma_start3A_1035 = arith.constant 0 : i32
    %dma_start3A_1036 = tpu.memref_slice %arg30[%dma_start3A_1035] : memref<1000000xf32, #tpu.memory_space<hbm>> -> memref<1000000xf32, #tpu.memory_space<hbm>>
    tpu.enqueue_indirect_dma source(%dma_start3A_1036 : memref<1000000xf32, #tpu.memory_space<hbm>>) target(%dma_start3A_1031 : memref<128xf32, #tpu.memory_space<vmem>>) offsets(%dma_start3A_1034 : memref<128xi32, #tpu.memory_space<vmem>>) semaphore(%arg38 : memref<!tpu.dma_semaphore, #tpu.memory_space<semaphore_mem>>)
    %dma_start3A_1037 = arith.constant 25 : i32
    %dma_start3A_1038 = arith.constant 25 : i32
    %dma_start3A_1039 = arith.constant 384 : i32
    %dma_start3A_1040 = tpu.memref_slice %arg36[%dma_start3A_1038, %dma_start3A_1039] : memref<26x512xf32, #tpu.memory_space<vmem>> -> memref<1x128xf32, #tpu.memory_space<vmem>>
    %dma_start3A_1041 = tpu.memref_squeeze %dma_start3A_1040 : memref<1x128xf32, #tpu.memory_space<vmem>> -> memref<128xf32, #tpu.memory_space<vmem>>
    %dma_start3A_1042 = arith.constant 384 : i32
    %dma_start3A_1043 = tpu.memref_slice %arg35[%dma_start3A_1037, %dma_start3A_1042] : memref<26x512xi32, #tpu.memory_space<vmem>> -> memref<1x128xi32, #tpu.memory_space<vmem>>
    %dma_start3A_1044 = tpu.memref_squeeze %dma_start3A_1043 : memref<1x128xi32, #tpu.memory_space<vmem>> -> memref<128xi32, #tpu.memory_space<vmem>>
    %dma_start3A_1045 = arith.constant 0 : i32
    %dma_start3A_1046 = tpu.memref_slice %arg30[%dma_start3A_1045] : memref<1000000xf32, #tpu.memory_space<hbm>> -> memref<1000000xf32, #tpu.memory_space<hbm>>
    tpu.enqueue_indirect_dma source(%dma_start3A_1046 : memref<1000000xf32, #tpu.memory_space<hbm>>) target(%dma_start3A_1041 : memref<128xf32, #tpu.memory_space<vmem>>) offsets(%dma_start3A_1044 : memref<128xi32, #tpu.memory_space<vmem>>) semaphore(%arg38 : memref<!tpu.dma_semaphore, #tpu.memory_space<semaphore_mem>>)
    %dma_wait3A = arith.constant 0 : i32
    %dma_wait3A_1047 = arith.constant 0 : i32
    %dma_wait3A_1048 = arith.constant 0 : i32
    %dma_wait3A_1049 = tpu.memref_slice %arg36[%dma_wait3A_1047, %dma_wait3A_1048] : memref<26x512xf32, #tpu.memory_space<vmem>> -> memref<1x128xf32, #tpu.memory_space<vmem>>
    %dma_wait3A_1050 = tpu.memref_squeeze %dma_wait3A_1049 : memref<1x128xf32, #tpu.memory_space<vmem>> -> memref<128xf32, #tpu.memory_space<vmem>>
    %dma_wait3A_1051 = arith.constant 0 : i32
    %dma_wait3A_1052 = tpu.memref_slice %arg35[%dma_wait3A, %dma_wait3A_1051] : memref<26x512xi32, #tpu.memory_space<vmem>> -> memref<1x128xi32, #tpu.memory_space<vmem>>
    %dma_wait3A_1053 = tpu.memref_squeeze %dma_wait3A_1052 : memref<1x128xi32, #tpu.memory_space<vmem>> -> memref<128xi32, #tpu.memory_space<vmem>>
    %dma_wait3A_1054 = arith.constant 0 : i32
    %dma_wait3A_1055 = tpu.memref_slice %arg5[%dma_wait3A_1054] : memref<1000000xf32, #tpu.memory_space<hbm>> -> memref<1000000xf32, #tpu.memory_space<hbm>>
    tpu.wait_indirect_dma semaphore(%arg38 : memref<!tpu.dma_semaphore, #tpu.memory_space<semaphore_mem>>) src(%dma_wait3A_1055 : memref<1000000xf32, #tpu.memory_space<hbm>>) dst(%dma_wait3A_1050 : memref<128xf32, #tpu.memory_space<vmem>>)
    %dma_wait3A_1056 = arith.constant 0 : i32
    %dma_wait3A_1057 = arith.constant 0 : i32
    %dma_wait3A_1058 = arith.constant 128 : i32
    %dma_wait3A_1059 = tpu.memref_slice %arg36[%dma_wait3A_1057, %dma_wait3A_1058] : memref<26x512xf32, #tpu.memory_space<vmem>> -> memref<1x128xf32, #tpu.memory_space<vmem>>
    %dma_wait3A_1060 = tpu.memref_squeeze %dma_wait3A_1059 : memref<1x128xf32, #tpu.memory_space<vmem>> -> memref<128xf32, #tpu.memory_space<vmem>>
    %dma_wait3A_1061 = arith.constant 128 : i32
    %dma_wait3A_1062 = tpu.memref_slice %arg35[%dma_wait3A_1056, %dma_wait3A_1061] : memref<26x512xi32, #tpu.memory_space<vmem>> -> memref<1x128xi32, #tpu.memory_space<vmem>>
    %dma_wait3A_1063 = tpu.memref_squeeze %dma_wait3A_1062 : memref<1x128xi32, #tpu.memory_space<vmem>> -> memref<128xi32, #tpu.memory_space<vmem>>
    %dma_wait3A_1064 = arith.constant 0 : i32
    %dma_wait3A_1065 = tpu.memref_slice %arg5[%dma_wait3A_1064] : memref<1000000xf32, #tpu.memory_space<hbm>> -> memref<1000000xf32, #tpu.memory_space<hbm>>
    tpu.wait_indirect_dma semaphore(%arg38 : memref<!tpu.dma_semaphore, #tpu.memory_space<semaphore_mem>>) src(%dma_wait3A_1065 : memref<1000000xf32, #tpu.memory_space<hbm>>) dst(%dma_wait3A_1060 : memref<128xf32, #tpu.memory_space<vmem>>)
    %dma_wait3A_1066 = arith.constant 0 : i32
    %dma_wait3A_1067 = arith.constant 0 : i32
    %dma_wait3A_1068 = arith.constant 256 : i32
    %dma_wait3A_1069 = tpu.memref_slice %arg36[%dma_wait3A_1067, %dma_wait3A_1068] : memref<26x512xf32, #tpu.memory_space<vmem>> -> memref<1x128xf32, #tpu.memory_space<vmem>>
    %dma_wait3A_1070 = tpu.memref_squeeze %dma_wait3A_1069 : memref<1x128xf32, #tpu.memory_space<vmem>> -> memref<128xf32, #tpu.memory_space<vmem>>
    %dma_wait3A_1071 = arith.constant 256 : i32
    %dma_wait3A_1072 = tpu.memref_slice %arg35[%dma_wait3A_1066, %dma_wait3A_1071] : memref<26x512xi32, #tpu.memory_space<vmem>> -> memref<1x128xi32, #tpu.memory_space<vmem>>
    %dma_wait3A_1073 = tpu.memref_squeeze %dma_wait3A_1072 : memref<1x128xi32, #tpu.memory_space<vmem>> -> memref<128xi32, #tpu.memory_space<vmem>>
    %dma_wait3A_1074 = arith.constant 0 : i32
    %dma_wait3A_1075 = tpu.memref_slice %arg5[%dma_wait3A_1074] : memref<1000000xf32, #tpu.memory_space<hbm>> -> memref<1000000xf32, #tpu.memory_space<hbm>>
    tpu.wait_indirect_dma semaphore(%arg38 : memref<!tpu.dma_semaphore, #tpu.memory_space<semaphore_mem>>) src(%dma_wait3A_1075 : memref<1000000xf32, #tpu.memory_space<hbm>>) dst(%dma_wait3A_1070 : memref<128xf32, #tpu.memory_space<vmem>>)
    %dma_wait3A_1076 = arith.constant 0 : i32
    %dma_wait3A_1077 = arith.constant 0 : i32
    %dma_wait3A_1078 = arith.constant 384 : i32
    %dma_wait3A_1079 = tpu.memref_slice %arg36[%dma_wait3A_1077, %dma_wait3A_1078] : memref<26x512xf32, #tpu.memory_space<vmem>> -> memref<1x128xf32, #tpu.memory_space<vmem>>
    %dma_wait3A_1080 = tpu.memref_squeeze %dma_wait3A_1079 : memref<1x128xf32, #tpu.memory_space<vmem>> -> memref<128xf32, #tpu.memory_space<vmem>>
    %dma_wait3A_1081 = arith.constant 384 : i32
    %dma_wait3A_1082 = tpu.memref_slice %arg35[%dma_wait3A_1076, %dma_wait3A_1081] : memref<26x512xi32, #tpu.memory_space<vmem>> -> memref<1x128xi32, #tpu.memory_space<vmem>>
    %dma_wait3A_1083 = tpu.memref_squeeze %dma_wait3A_1082 : memref<1x128xi32, #tpu.memory_space<vmem>> -> memref<128xi32, #tpu.memory_space<vmem>>
    %dma_wait3A_1084 = arith.constant 0 : i32
    %dma_wait3A_1085 = tpu.memref_slice %arg5[%dma_wait3A_1084] : memref<1000000xf32, #tpu.memory_space<hbm>> -> memref<1000000xf32, #tpu.memory_space<hbm>>
    tpu.wait_indirect_dma semaphore(%arg38 : memref<!tpu.dma_semaphore, #tpu.memory_space<semaphore_mem>>) src(%dma_wait3A_1085 : memref<1000000xf32, #tpu.memory_space<hbm>>) dst(%dma_wait3A_1080 : memref<128xf32, #tpu.memory_space<vmem>>)
    %dma_wait3A_1086 = arith.constant 1 : i32
    %dma_wait3A_1087 = arith.constant 1 : i32
    %dma_wait3A_1088 = arith.constant 0 : i32
    %dma_wait3A_1089 = tpu.memref_slice %arg36[%dma_wait3A_1087, %dma_wait3A_1088] : memref<26x512xf32, #tpu.memory_space<vmem>> -> memref<1x128xf32, #tpu.memory_space<vmem>>
    %dma_wait3A_1090 = tpu.memref_squeeze %dma_wait3A_1089 : memref<1x128xf32, #tpu.memory_space<vmem>> -> memref<128xf32, #tpu.memory_space<vmem>>
    %dma_wait3A_1091 = arith.constant 0 : i32
    %dma_wait3A_1092 = tpu.memref_slice %arg35[%dma_wait3A_1086, %dma_wait3A_1091] : memref<26x512xi32, #tpu.memory_space<vmem>> -> memref<1x128xi32, #tpu.memory_space<vmem>>
    %dma_wait3A_1093 = tpu.memref_squeeze %dma_wait3A_1092 : memref<1x128xi32, #tpu.memory_space<vmem>> -> memref<128xi32, #tpu.memory_space<vmem>>
    %dma_wait3A_1094 = arith.constant 0 : i32
    %dma_wait3A_1095 = tpu.memref_slice %arg6[%dma_wait3A_1094] : memref<1000000xf32, #tpu.memory_space<hbm>> -> memref<1000000xf32, #tpu.memory_space<hbm>>
    tpu.wait_indirect_dma semaphore(%arg38 : memref<!tpu.dma_semaphore, #tpu.memory_space<semaphore_mem>>) src(%dma_wait3A_1095 : memref<1000000xf32, #tpu.memory_space<hbm>>) dst(%dma_wait3A_1090 : memref<128xf32, #tpu.memory_space<vmem>>)
    %dma_wait3A_1096 = arith.constant 1 : i32
    %dma_wait3A_1097 = arith.constant 1 : i32
    %dma_wait3A_1098 = arith.constant 128 : i32
    %dma_wait3A_1099 = tpu.memref_slice %arg36[%dma_wait3A_1097, %dma_wait3A_1098] : memref<26x512xf32, #tpu.memory_space<vmem>> -> memref<1x128xf32, #tpu.memory_space<vmem>>
    %dma_wait3A_1100 = tpu.memref_squeeze %dma_wait3A_1099 : memref<1x128xf32, #tpu.memory_space<vmem>> -> memref<128xf32, #tpu.memory_space<vmem>>
    %dma_wait3A_1101 = arith.constant 128 : i32
    %dma_wait3A_1102 = tpu.memref_slice %arg35[%dma_wait3A_1096, %dma_wait3A_1101] : memref<26x512xi32, #tpu.memory_space<vmem>> -> memref<1x128xi32, #tpu.memory_space<vmem>>
    %dma_wait3A_1103 = tpu.memref_squeeze %dma_wait3A_1102 : memref<1x128xi32, #tpu.memory_space<vmem>> -> memref<128xi32, #tpu.memory_space<vmem>>
    %dma_wait3A_1104 = arith.constant 0 : i32
    %dma_wait3A_1105 = tpu.memref_slice %arg6[%dma_wait3A_1104] : memref<1000000xf32, #tpu.memory_space<hbm>> -> memref<1000000xf32, #tpu.memory_space<hbm>>
    tpu.wait_indirect_dma semaphore(%arg38 : memref<!tpu.dma_semaphore, #tpu.memory_space<semaphore_mem>>) src(%dma_wait3A_1105 : memref<1000000xf32, #tpu.memory_space<hbm>>) dst(%dma_wait3A_1100 : memref<128xf32, #tpu.memory_space<vmem>>)
    %dma_wait3A_1106 = arith.constant 1 : i32
    %dma_wait3A_1107 = arith.constant 1 : i32
    %dma_wait3A_1108 = arith.constant 256 : i32
    %dma_wait3A_1109 = tpu.memref_slice %arg36[%dma_wait3A_1107, %dma_wait3A_1108] : memref<26x512xf32, #tpu.memory_space<vmem>> -> memref<1x128xf32, #tpu.memory_space<vmem>>
    %dma_wait3A_1110 = tpu.memref_squeeze %dma_wait3A_1109 : memref<1x128xf32, #tpu.memory_space<vmem>> -> memref<128xf32, #tpu.memory_space<vmem>>
    %dma_wait3A_1111 = arith.constant 256 : i32
    %dma_wait3A_1112 = tpu.memref_slice %arg35[%dma_wait3A_1106, %dma_wait3A_1111] : memref<26x512xi32, #tpu.memory_space<vmem>> -> memref<1x128xi32, #tpu.memory_space<vmem>>
    %dma_wait3A_1113 = tpu.memref_squeeze %dma_wait3A_1112 : memref<1x128xi32, #tpu.memory_space<vmem>> -> memref<128xi32, #tpu.memory_space<vmem>>
    %dma_wait3A_1114 = arith.constant 0 : i32
    %dma_wait3A_1115 = tpu.memref_slice %arg6[%dma_wait3A_1114] : memref<1000000xf32, #tpu.memory_space<hbm>> -> memref<1000000xf32, #tpu.memory_space<hbm>>
    tpu.wait_indirect_dma semaphore(%arg38 : memref<!tpu.dma_semaphore, #tpu.memory_space<semaphore_mem>>) src(%dma_wait3A_1115 : memref<1000000xf32, #tpu.memory_space<hbm>>) dst(%dma_wait3A_1110 : memref<128xf32, #tpu.memory_space<vmem>>)
    %dma_wait3A_1116 = arith.constant 1 : i32
    %dma_wait3A_1117 = arith.constant 1 : i32
    %dma_wait3A_1118 = arith.constant 384 : i32
    %dma_wait3A_1119 = tpu.memref_slice %arg36[%dma_wait3A_1117, %dma_wait3A_1118] : memref<26x512xf32, #tpu.memory_space<vmem>> -> memref<1x128xf32, #tpu.memory_space<vmem>>
    %dma_wait3A_1120 = tpu.memref_squeeze %dma_wait3A_1119 : memref<1x128xf32, #tpu.memory_space<vmem>> -> memref<128xf32, #tpu.memory_space<vmem>>
    %dma_wait3A_1121 = arith.constant 384 : i32
    %dma_wait3A_1122 = tpu.memref_slice %arg35[%dma_wait3A_1116, %dma_wait3A_1121] : memref<26x512xi32, #tpu.memory_space<vmem>> -> memref<1x128xi32, #tpu.memory_space<vmem>>
    %dma_wait3A_1123 = tpu.memref_squeeze %dma_wait3A_1122 : memref<1x128xi32, #tpu.memory_space<vmem>> -> memref<128xi32, #tpu.memory_space<vmem>>
    %dma_wait3A_1124 = arith.constant 0 : i32
    %dma_wait3A_1125 = tpu.memref_slice %arg6[%dma_wait3A_1124] : memref<1000000xf32, #tpu.memory_space<hbm>> -> memref<1000000xf32, #tpu.memory_space<hbm>>
    tpu.wait_indirect_dma semaphore(%arg38 : memref<!tpu.dma_semaphore, #tpu.memory_space<semaphore_mem>>) src(%dma_wait3A_1125 : memref<1000000xf32, #tpu.memory_space<hbm>>) dst(%dma_wait3A_1120 : memref<128xf32, #tpu.memory_space<vmem>>)
    %dma_wait3A_1126 = arith.constant 2 : i32
    %dma_wait3A_1127 = arith.constant 2 : i32
    %dma_wait3A_1128 = arith.constant 0 : i32
    %dma_wait3A_1129 = tpu.memref_slice %arg36[%dma_wait3A_1127, %dma_wait3A_1128] : memref<26x512xf32, #tpu.memory_space<vmem>> -> memref<1x128xf32, #tpu.memory_space<vmem>>
    %dma_wait3A_1130 = tpu.memref_squeeze %dma_wait3A_1129 : memref<1x128xf32, #tpu.memory_space<vmem>> -> memref<128xf32, #tpu.memory_space<vmem>>
    %dma_wait3A_1131 = arith.constant 0 : i32
    %dma_wait3A_1132 = tpu.memref_slice %arg35[%dma_wait3A_1126, %dma_wait3A_1131] : memref<26x512xi32, #tpu.memory_space<vmem>> -> memref<1x128xi32, #tpu.memory_space<vmem>>
    %dma_wait3A_1133 = tpu.memref_squeeze %dma_wait3A_1132 : memref<1x128xi32, #tpu.memory_space<vmem>> -> memref<128xi32, #tpu.memory_space<vmem>>
    %dma_wait3A_1134 = arith.constant 0 : i32
    %dma_wait3A_1135 = tpu.memref_slice %arg7[%dma_wait3A_1134] : memref<1000000xf32, #tpu.memory_space<hbm>> -> memref<1000000xf32, #tpu.memory_space<hbm>>
    tpu.wait_indirect_dma semaphore(%arg38 : memref<!tpu.dma_semaphore, #tpu.memory_space<semaphore_mem>>) src(%dma_wait3A_1135 : memref<1000000xf32, #tpu.memory_space<hbm>>) dst(%dma_wait3A_1130 : memref<128xf32, #tpu.memory_space<vmem>>)
    %dma_wait3A_1136 = arith.constant 2 : i32
    %dma_wait3A_1137 = arith.constant 2 : i32
    %dma_wait3A_1138 = arith.constant 128 : i32
    %dma_wait3A_1139 = tpu.memref_slice %arg36[%dma_wait3A_1137, %dma_wait3A_1138] : memref<26x512xf32, #tpu.memory_space<vmem>> -> memref<1x128xf32, #tpu.memory_space<vmem>>
    %dma_wait3A_1140 = tpu.memref_squeeze %dma_wait3A_1139 : memref<1x128xf32, #tpu.memory_space<vmem>> -> memref<128xf32, #tpu.memory_space<vmem>>
    %dma_wait3A_1141 = arith.constant 128 : i32
    %dma_wait3A_1142 = tpu.memref_slice %arg35[%dma_wait3A_1136, %dma_wait3A_1141] : memref<26x512xi32, #tpu.memory_space<vmem>> -> memref<1x128xi32, #tpu.memory_space<vmem>>
    %dma_wait3A_1143 = tpu.memref_squeeze %dma_wait3A_1142 : memref<1x128xi32, #tpu.memory_space<vmem>> -> memref<128xi32, #tpu.memory_space<vmem>>
    %dma_wait3A_1144 = arith.constant 0 : i32
    %dma_wait3A_1145 = tpu.memref_slice %arg7[%dma_wait3A_1144] : memref<1000000xf32, #tpu.memory_space<hbm>> -> memref<1000000xf32, #tpu.memory_space<hbm>>
    tpu.wait_indirect_dma semaphore(%arg38 : memref<!tpu.dma_semaphore, #tpu.memory_space<semaphore_mem>>) src(%dma_wait3A_1145 : memref<1000000xf32, #tpu.memory_space<hbm>>) dst(%dma_wait3A_1140 : memref<128xf32, #tpu.memory_space<vmem>>)
    %dma_wait3A_1146 = arith.constant 2 : i32
    %dma_wait3A_1147 = arith.constant 2 : i32
    %dma_wait3A_1148 = arith.constant 256 : i32
    %dma_wait3A_1149 = tpu.memref_slice %arg36[%dma_wait3A_1147, %dma_wait3A_1148] : memref<26x512xf32, #tpu.memory_space<vmem>> -> memref<1x128xf32, #tpu.memory_space<vmem>>
    %dma_wait3A_1150 = tpu.memref_squeeze %dma_wait3A_1149 : memref<1x128xf32, #tpu.memory_space<vmem>> -> memref<128xf32, #tpu.memory_space<vmem>>
    %dma_wait3A_1151 = arith.constant 256 : i32
    %dma_wait3A_1152 = tpu.memref_slice %arg35[%dma_wait3A_1146, %dma_wait3A_1151] : memref<26x512xi32, #tpu.memory_space<vmem>> -> memref<1x128xi32, #tpu.memory_space<vmem>>
    %dma_wait3A_1153 = tpu.memref_squeeze %dma_wait3A_1152 : memref<1x128xi32, #tpu.memory_space<vmem>> -> memref<128xi32, #tpu.memory_space<vmem>>
    %dma_wait3A_1154 = arith.constant 0 : i32
    %dma_wait3A_1155 = tpu.memref_slice %arg7[%dma_wait3A_1154] : memref<1000000xf32, #tpu.memory_space<hbm>> -> memref<1000000xf32, #tpu.memory_space<hbm>>
    tpu.wait_indirect_dma semaphore(%arg38 : memref<!tpu.dma_semaphore, #tpu.memory_space<semaphore_mem>>) src(%dma_wait3A_1155 : memref<1000000xf32, #tpu.memory_space<hbm>>) dst(%dma_wait3A_1150 : memref<128xf32, #tpu.memory_space<vmem>>)
    %dma_wait3A_1156 = arith.constant 2 : i32
    %dma_wait3A_1157 = arith.constant 2 : i32
    %dma_wait3A_1158 = arith.constant 384 : i32
    %dma_wait3A_1159 = tpu.memref_slice %arg36[%dma_wait3A_1157, %dma_wait3A_1158] : memref<26x512xf32, #tpu.memory_space<vmem>> -> memref<1x128xf32, #tpu.memory_space<vmem>>
    %dma_wait3A_1160 = tpu.memref_squeeze %dma_wait3A_1159 : memref<1x128xf32, #tpu.memory_space<vmem>> -> memref<128xf32, #tpu.memory_space<vmem>>
    %dma_wait3A_1161 = arith.constant 384 : i32
    %dma_wait3A_1162 = tpu.memref_slice %arg35[%dma_wait3A_1156, %dma_wait3A_1161] : memref<26x512xi32, #tpu.memory_space<vmem>> -> memref<1x128xi32, #tpu.memory_space<vmem>>
    %dma_wait3A_1163 = tpu.memref_squeeze %dma_wait3A_1162 : memref<1x128xi32, #tpu.memory_space<vmem>> -> memref<128xi32, #tpu.memory_space<vmem>>
    %dma_wait3A_1164 = arith.constant 0 : i32
    %dma_wait3A_1165 = tpu.memref_slice %arg7[%dma_wait3A_1164] : memref<1000000xf32, #tpu.memory_space<hbm>> -> memref<1000000xf32, #tpu.memory_space<hbm>>
    tpu.wait_indirect_dma semaphore(%arg38 : memref<!tpu.dma_semaphore, #tpu.memory_space<semaphore_mem>>) src(%dma_wait3A_1165 : memref<1000000xf32, #tpu.memory_space<hbm>>) dst(%dma_wait3A_1160 : memref<128xf32, #tpu.memory_space<vmem>>)
    %dma_wait3A_1166 = arith.constant 3 : i32
    %dma_wait3A_1167 = arith.constant 3 : i32
    %dma_wait3A_1168 = arith.constant 0 : i32
    %dma_wait3A_1169 = tpu.memref_slice %arg36[%dma_wait3A_1167, %dma_wait3A_1168] : memref<26x512xf32, #tpu.memory_space<vmem>> -> memref<1x128xf32, #tpu.memory_space<vmem>>
    %dma_wait3A_1170 = tpu.memref_squeeze %dma_wait3A_1169 : memref<1x128xf32, #tpu.memory_space<vmem>> -> memref<128xf32, #tpu.memory_space<vmem>>
    %dma_wait3A_1171 = arith.constant 0 : i32
    %dma_wait3A_1172 = tpu.memref_slice %arg35[%dma_wait3A_1166, %dma_wait3A_1171] : memref<26x512xi32, #tpu.memory_space<vmem>> -> memref<1x128xi32, #tpu.memory_space<vmem>>
    %dma_wait3A_1173 = tpu.memref_squeeze %dma_wait3A_1172 : memref<1x128xi32, #tpu.memory_space<vmem>> -> memref<128xi32, #tpu.memory_space<vmem>>
    %dma_wait3A_1174 = arith.constant 0 : i32
    %dma_wait3A_1175 = tpu.memref_slice %arg8[%dma_wait3A_1174] : memref<1000000xf32, #tpu.memory_space<hbm>> -> memref<1000000xf32, #tpu.memory_space<hbm>>
    tpu.wait_indirect_dma semaphore(%arg38 : memref<!tpu.dma_semaphore, #tpu.memory_space<semaphore_mem>>) src(%dma_wait3A_1175 : memref<1000000xf32, #tpu.memory_space<hbm>>) dst(%dma_wait3A_1170 : memref<128xf32, #tpu.memory_space<vmem>>)
    %dma_wait3A_1176 = arith.constant 3 : i32
    %dma_wait3A_1177 = arith.constant 3 : i32
    %dma_wait3A_1178 = arith.constant 128 : i32
    %dma_wait3A_1179 = tpu.memref_slice %arg36[%dma_wait3A_1177, %dma_wait3A_1178] : memref<26x512xf32, #tpu.memory_space<vmem>> -> memref<1x128xf32, #tpu.memory_space<vmem>>
    %dma_wait3A_1180 = tpu.memref_squeeze %dma_wait3A_1179 : memref<1x128xf32, #tpu.memory_space<vmem>> -> memref<128xf32, #tpu.memory_space<vmem>>
    %dma_wait3A_1181 = arith.constant 128 : i32
    %dma_wait3A_1182 = tpu.memref_slice %arg35[%dma_wait3A_1176, %dma_wait3A_1181] : memref<26x512xi32, #tpu.memory_space<vmem>> -> memref<1x128xi32, #tpu.memory_space<vmem>>
    %dma_wait3A_1183 = tpu.memref_squeeze %dma_wait3A_1182 : memref<1x128xi32, #tpu.memory_space<vmem>> -> memref<128xi32, #tpu.memory_space<vmem>>
    %dma_wait3A_1184 = arith.constant 0 : i32
    %dma_wait3A_1185 = tpu.memref_slice %arg8[%dma_wait3A_1184] : memref<1000000xf32, #tpu.memory_space<hbm>> -> memref<1000000xf32, #tpu.memory_space<hbm>>
    tpu.wait_indirect_dma semaphore(%arg38 : memref<!tpu.dma_semaphore, #tpu.memory_space<semaphore_mem>>) src(%dma_wait3A_1185 : memref<1000000xf32, #tpu.memory_space<hbm>>) dst(%dma_wait3A_1180 : memref<128xf32, #tpu.memory_space<vmem>>)
    %dma_wait3A_1186 = arith.constant 3 : i32
    %dma_wait3A_1187 = arith.constant 3 : i32
    %dma_wait3A_1188 = arith.constant 256 : i32
    %dma_wait3A_1189 = tpu.memref_slice %arg36[%dma_wait3A_1187, %dma_wait3A_1188] : memref<26x512xf32, #tpu.memory_space<vmem>> -> memref<1x128xf32, #tpu.memory_space<vmem>>
    %dma_wait3A_1190 = tpu.memref_squeeze %dma_wait3A_1189 : memref<1x128xf32, #tpu.memory_space<vmem>> -> memref<128xf32, #tpu.memory_space<vmem>>
    %dma_wait3A_1191 = arith.constant 256 : i32
    %dma_wait3A_1192 = tpu.memref_slice %arg35[%dma_wait3A_1186, %dma_wait3A_1191] : memref<26x512xi32, #tpu.memory_space<vmem>> -> memref<1x128xi32, #tpu.memory_space<vmem>>
    %dma_wait3A_1193 = tpu.memref_squeeze %dma_wait3A_1192 : memref<1x128xi32, #tpu.memory_space<vmem>> -> memref<128xi32, #tpu.memory_space<vmem>>
    %dma_wait3A_1194 = arith.constant 0 : i32
    %dma_wait3A_1195 = tpu.memref_slice %arg8[%dma_wait3A_1194] : memref<1000000xf32, #tpu.memory_space<hbm>> -> memref<1000000xf32, #tpu.memory_space<hbm>>
    tpu.wait_indirect_dma semaphore(%arg38 : memref<!tpu.dma_semaphore, #tpu.memory_space<semaphore_mem>>) src(%dma_wait3A_1195 : memref<1000000xf32, #tpu.memory_space<hbm>>) dst(%dma_wait3A_1190 : memref<128xf32, #tpu.memory_space<vmem>>)
    %dma_wait3A_1196 = arith.constant 3 : i32
    %dma_wait3A_1197 = arith.constant 3 : i32
    %dma_wait3A_1198 = arith.constant 384 : i32
    %dma_wait3A_1199 = tpu.memref_slice %arg36[%dma_wait3A_1197, %dma_wait3A_1198] : memref<26x512xf32, #tpu.memory_space<vmem>> -> memref<1x128xf32, #tpu.memory_space<vmem>>
    %dma_wait3A_1200 = tpu.memref_squeeze %dma_wait3A_1199 : memref<1x128xf32, #tpu.memory_space<vmem>> -> memref<128xf32, #tpu.memory_space<vmem>>
    %dma_wait3A_1201 = arith.constant 384 : i32
    %dma_wait3A_1202 = tpu.memref_slice %arg35[%dma_wait3A_1196, %dma_wait3A_1201] : memref<26x512xi32, #tpu.memory_space<vmem>> -> memref<1x128xi32, #tpu.memory_space<vmem>>
    %dma_wait3A_1203 = tpu.memref_squeeze %dma_wait3A_1202 : memref<1x128xi32, #tpu.memory_space<vmem>> -> memref<128xi32, #tpu.memory_space<vmem>>
    %dma_wait3A_1204 = arith.constant 0 : i32
    %dma_wait3A_1205 = tpu.memref_slice %arg8[%dma_wait3A_1204] : memref<1000000xf32, #tpu.memory_space<hbm>> -> memref<1000000xf32, #tpu.memory_space<hbm>>
    tpu.wait_indirect_dma semaphore(%arg38 : memref<!tpu.dma_semaphore, #tpu.memory_space<semaphore_mem>>) src(%dma_wait3A_1205 : memref<1000000xf32, #tpu.memory_space<hbm>>) dst(%dma_wait3A_1200 : memref<128xf32, #tpu.memory_space<vmem>>)
    %dma_wait3A_1206 = arith.constant 4 : i32
    %dma_wait3A_1207 = arith.constant 4 : i32
    %dma_wait3A_1208 = arith.constant 0 : i32
    %dma_wait3A_1209 = tpu.memref_slice %arg36[%dma_wait3A_1207, %dma_wait3A_1208] : memref<26x512xf32, #tpu.memory_space<vmem>> -> memref<1x128xf32, #tpu.memory_space<vmem>>
    %dma_wait3A_1210 = tpu.memref_squeeze %dma_wait3A_1209 : memref<1x128xf32, #tpu.memory_space<vmem>> -> memref<128xf32, #tpu.memory_space<vmem>>
    %dma_wait3A_1211 = arith.constant 0 : i32
    %dma_wait3A_1212 = tpu.memref_slice %arg35[%dma_wait3A_1206, %dma_wait3A_1211] : memref<26x512xi32, #tpu.memory_space<vmem>> -> memref<1x128xi32, #tpu.memory_space<vmem>>
    %dma_wait3A_1213 = tpu.memref_squeeze %dma_wait3A_1212 : memref<1x128xi32, #tpu.memory_space<vmem>> -> memref<128xi32, #tpu.memory_space<vmem>>
    %dma_wait3A_1214 = arith.constant 0 : i32
    %dma_wait3A_1215 = tpu.memref_slice %arg9[%dma_wait3A_1214] : memref<1000000xf32, #tpu.memory_space<hbm>> -> memref<1000000xf32, #tpu.memory_space<hbm>>
    tpu.wait_indirect_dma semaphore(%arg38 : memref<!tpu.dma_semaphore, #tpu.memory_space<semaphore_mem>>) src(%dma_wait3A_1215 : memref<1000000xf32, #tpu.memory_space<hbm>>) dst(%dma_wait3A_1210 : memref<128xf32, #tpu.memory_space<vmem>>)
    %dma_wait3A_1216 = arith.constant 4 : i32
    %dma_wait3A_1217 = arith.constant 4 : i32
    %dma_wait3A_1218 = arith.constant 128 : i32
    %dma_wait3A_1219 = tpu.memref_slice %arg36[%dma_wait3A_1217, %dma_wait3A_1218] : memref<26x512xf32, #tpu.memory_space<vmem>> -> memref<1x128xf32, #tpu.memory_space<vmem>>
    %dma_wait3A_1220 = tpu.memref_squeeze %dma_wait3A_1219 : memref<1x128xf32, #tpu.memory_space<vmem>> -> memref<128xf32, #tpu.memory_space<vmem>>
    %dma_wait3A_1221 = arith.constant 128 : i32
    %dma_wait3A_1222 = tpu.memref_slice %arg35[%dma_wait3A_1216, %dma_wait3A_1221] : memref<26x512xi32, #tpu.memory_space<vmem>> -> memref<1x128xi32, #tpu.memory_space<vmem>>
    %dma_wait3A_1223 = tpu.memref_squeeze %dma_wait3A_1222 : memref<1x128xi32, #tpu.memory_space<vmem>> -> memref<128xi32, #tpu.memory_space<vmem>>
    %dma_wait3A_1224 = arith.constant 0 : i32
    %dma_wait3A_1225 = tpu.memref_slice %arg9[%dma_wait3A_1224] : memref<1000000xf32, #tpu.memory_space<hbm>> -> memref<1000000xf32, #tpu.memory_space<hbm>>
    tpu.wait_indirect_dma semaphore(%arg38 : memref<!tpu.dma_semaphore, #tpu.memory_space<semaphore_mem>>) src(%dma_wait3A_1225 : memref<1000000xf32, #tpu.memory_space<hbm>>) dst(%dma_wait3A_1220 : memref<128xf32, #tpu.memory_space<vmem>>)
    %dma_wait3A_1226 = arith.constant 4 : i32
    %dma_wait3A_1227 = arith.constant 4 : i32
    %dma_wait3A_1228 = arith.constant 256 : i32
    %dma_wait3A_1229 = tpu.memref_slice %arg36[%dma_wait3A_1227, %dma_wait3A_1228] : memref<26x512xf32, #tpu.memory_space<vmem>> -> memref<1x128xf32, #tpu.memory_space<vmem>>
    %dma_wait3A_1230 = tpu.memref_squeeze %dma_wait3A_1229 : memref<1x128xf32, #tpu.memory_space<vmem>> -> memref<128xf32, #tpu.memory_space<vmem>>
    %dma_wait3A_1231 = arith.constant 256 : i32
    %dma_wait3A_1232 = tpu.memref_slice %arg35[%dma_wait3A_1226, %dma_wait3A_1231] : memref<26x512xi32, #tpu.memory_space<vmem>> -> memref<1x128xi32, #tpu.memory_space<vmem>>
    %dma_wait3A_1233 = tpu.memref_squeeze %dma_wait3A_1232 : memref<1x128xi32, #tpu.memory_space<vmem>> -> memref<128xi32, #tpu.memory_space<vmem>>
    %dma_wait3A_1234 = arith.constant 0 : i32
    %dma_wait3A_1235 = tpu.memref_slice %arg9[%dma_wait3A_1234] : memref<1000000xf32, #tpu.memory_space<hbm>> -> memref<1000000xf32, #tpu.memory_space<hbm>>
    tpu.wait_indirect_dma semaphore(%arg38 : memref<!tpu.dma_semaphore, #tpu.memory_space<semaphore_mem>>) src(%dma_wait3A_1235 : memref<1000000xf32, #tpu.memory_space<hbm>>) dst(%dma_wait3A_1230 : memref<128xf32, #tpu.memory_space<vmem>>)
    %dma_wait3A_1236 = arith.constant 4 : i32
    %dma_wait3A_1237 = arith.constant 4 : i32
    %dma_wait3A_1238 = arith.constant 384 : i32
    %dma_wait3A_1239 = tpu.memref_slice %arg36[%dma_wait3A_1237, %dma_wait3A_1238] : memref<26x512xf32, #tpu.memory_space<vmem>> -> memref<1x128xf32, #tpu.memory_space<vmem>>
    %dma_wait3A_1240 = tpu.memref_squeeze %dma_wait3A_1239 : memref<1x128xf32, #tpu.memory_space<vmem>> -> memref<128xf32, #tpu.memory_space<vmem>>
    %dma_wait3A_1241 = arith.constant 384 : i32
    %dma_wait3A_1242 = tpu.memref_slice %arg35[%dma_wait3A_1236, %dma_wait3A_1241] : memref<26x512xi32, #tpu.memory_space<vmem>> -> memref<1x128xi32, #tpu.memory_space<vmem>>
    %dma_wait3A_1243 = tpu.memref_squeeze %dma_wait3A_1242 : memref<1x128xi32, #tpu.memory_space<vmem>> -> memref<128xi32, #tpu.memory_space<vmem>>
    %dma_wait3A_1244 = arith.constant 0 : i32
    %dma_wait3A_1245 = tpu.memref_slice %arg9[%dma_wait3A_1244] : memref<1000000xf32, #tpu.memory_space<hbm>> -> memref<1000000xf32, #tpu.memory_space<hbm>>
    tpu.wait_indirect_dma semaphore(%arg38 : memref<!tpu.dma_semaphore, #tpu.memory_space<semaphore_mem>>) src(%dma_wait3A_1245 : memref<1000000xf32, #tpu.memory_space<hbm>>) dst(%dma_wait3A_1240 : memref<128xf32, #tpu.memory_space<vmem>>)
    %dma_wait3A_1246 = arith.constant 5 : i32
    %dma_wait3A_1247 = arith.constant 5 : i32
    %dma_wait3A_1248 = arith.constant 0 : i32
    %dma_wait3A_1249 = tpu.memref_slice %arg36[%dma_wait3A_1247, %dma_wait3A_1248] : memref<26x512xf32, #tpu.memory_space<vmem>> -> memref<1x128xf32, #tpu.memory_space<vmem>>
    %dma_wait3A_1250 = tpu.memref_squeeze %dma_wait3A_1249 : memref<1x128xf32, #tpu.memory_space<vmem>> -> memref<128xf32, #tpu.memory_space<vmem>>
    %dma_wait3A_1251 = arith.constant 0 : i32
    %dma_wait3A_1252 = tpu.memref_slice %arg35[%dma_wait3A_1246, %dma_wait3A_1251] : memref<26x512xi32, #tpu.memory_space<vmem>> -> memref<1x128xi32, #tpu.memory_space<vmem>>
    %dma_wait3A_1253 = tpu.memref_squeeze %dma_wait3A_1252 : memref<1x128xi32, #tpu.memory_space<vmem>> -> memref<128xi32, #tpu.memory_space<vmem>>
    %dma_wait3A_1254 = arith.constant 0 : i32
    %dma_wait3A_1255 = tpu.memref_slice %arg10[%dma_wait3A_1254] : memref<1000000xf32, #tpu.memory_space<hbm>> -> memref<1000000xf32, #tpu.memory_space<hbm>>
    tpu.wait_indirect_dma semaphore(%arg38 : memref<!tpu.dma_semaphore, #tpu.memory_space<semaphore_mem>>) src(%dma_wait3A_1255 : memref<1000000xf32, #tpu.memory_space<hbm>>) dst(%dma_wait3A_1250 : memref<128xf32, #tpu.memory_space<vmem>>)
    %dma_wait3A_1256 = arith.constant 5 : i32
    %dma_wait3A_1257 = arith.constant 5 : i32
    %dma_wait3A_1258 = arith.constant 128 : i32
    %dma_wait3A_1259 = tpu.memref_slice %arg36[%dma_wait3A_1257, %dma_wait3A_1258] : memref<26x512xf32, #tpu.memory_space<vmem>> -> memref<1x128xf32, #tpu.memory_space<vmem>>
    %dma_wait3A_1260 = tpu.memref_squeeze %dma_wait3A_1259 : memref<1x128xf32, #tpu.memory_space<vmem>> -> memref<128xf32, #tpu.memory_space<vmem>>
    %dma_wait3A_1261 = arith.constant 128 : i32
    %dma_wait3A_1262 = tpu.memref_slice %arg35[%dma_wait3A_1256, %dma_wait3A_1261] : memref<26x512xi32, #tpu.memory_space<vmem>> -> memref<1x128xi32, #tpu.memory_space<vmem>>
    %dma_wait3A_1263 = tpu.memref_squeeze %dma_wait3A_1262 : memref<1x128xi32, #tpu.memory_space<vmem>> -> memref<128xi32, #tpu.memory_space<vmem>>
    %dma_wait3A_1264 = arith.constant 0 : i32
    %dma_wait3A_1265 = tpu.memref_slice %arg10[%dma_wait3A_1264] : memref<1000000xf32, #tpu.memory_space<hbm>> -> memref<1000000xf32, #tpu.memory_space<hbm>>
    tpu.wait_indirect_dma semaphore(%arg38 : memref<!tpu.dma_semaphore, #tpu.memory_space<semaphore_mem>>) src(%dma_wait3A_1265 : memref<1000000xf32, #tpu.memory_space<hbm>>) dst(%dma_wait3A_1260 : memref<128xf32, #tpu.memory_space<vmem>>)
    %dma_wait3A_1266 = arith.constant 5 : i32
    %dma_wait3A_1267 = arith.constant 5 : i32
    %dma_wait3A_1268 = arith.constant 256 : i32
    %dma_wait3A_1269 = tpu.memref_slice %arg36[%dma_wait3A_1267, %dma_wait3A_1268] : memref<26x512xf32, #tpu.memory_space<vmem>> -> memref<1x128xf32, #tpu.memory_space<vmem>>
    %dma_wait3A_1270 = tpu.memref_squeeze %dma_wait3A_1269 : memref<1x128xf32, #tpu.memory_space<vmem>> -> memref<128xf32, #tpu.memory_space<vmem>>
    %dma_wait3A_1271 = arith.constant 256 : i32
    %dma_wait3A_1272 = tpu.memref_slice %arg35[%dma_wait3A_1266, %dma_wait3A_1271] : memref<26x512xi32, #tpu.memory_space<vmem>> -> memref<1x128xi32, #tpu.memory_space<vmem>>
    %dma_wait3A_1273 = tpu.memref_squeeze %dma_wait3A_1272 : memref<1x128xi32, #tpu.memory_space<vmem>> -> memref<128xi32, #tpu.memory_space<vmem>>
    %dma_wait3A_1274 = arith.constant 0 : i32
    %dma_wait3A_1275 = tpu.memref_slice %arg10[%dma_wait3A_1274] : memref<1000000xf32, #tpu.memory_space<hbm>> -> memref<1000000xf32, #tpu.memory_space<hbm>>
    tpu.wait_indirect_dma semaphore(%arg38 : memref<!tpu.dma_semaphore, #tpu.memory_space<semaphore_mem>>) src(%dma_wait3A_1275 : memref<1000000xf32, #tpu.memory_space<hbm>>) dst(%dma_wait3A_1270 : memref<128xf32, #tpu.memory_space<vmem>>)
    %dma_wait3A_1276 = arith.constant 5 : i32
    %dma_wait3A_1277 = arith.constant 5 : i32
    %dma_wait3A_1278 = arith.constant 384 : i32
    %dma_wait3A_1279 = tpu.memref_slice %arg36[%dma_wait3A_1277, %dma_wait3A_1278] : memref<26x512xf32, #tpu.memory_space<vmem>> -> memref<1x128xf32, #tpu.memory_space<vmem>>
    %dma_wait3A_1280 = tpu.memref_squeeze %dma_wait3A_1279 : memref<1x128xf32, #tpu.memory_space<vmem>> -> memref<128xf32, #tpu.memory_space<vmem>>
    %dma_wait3A_1281 = arith.constant 384 : i32
    %dma_wait3A_1282 = tpu.memref_slice %arg35[%dma_wait3A_1276, %dma_wait3A_1281] : memref<26x512xi32, #tpu.memory_space<vmem>> -> memref<1x128xi32, #tpu.memory_space<vmem>>
    %dma_wait3A_1283 = tpu.memref_squeeze %dma_wait3A_1282 : memref<1x128xi32, #tpu.memory_space<vmem>> -> memref<128xi32, #tpu.memory_space<vmem>>
    %dma_wait3A_1284 = arith.constant 0 : i32
    %dma_wait3A_1285 = tpu.memref_slice %arg10[%dma_wait3A_1284] : memref<1000000xf32, #tpu.memory_space<hbm>> -> memref<1000000xf32, #tpu.memory_space<hbm>>
    tpu.wait_indirect_dma semaphore(%arg38 : memref<!tpu.dma_semaphore, #tpu.memory_space<semaphore_mem>>) src(%dma_wait3A_1285 : memref<1000000xf32, #tpu.memory_space<hbm>>) dst(%dma_wait3A_1280 : memref<128xf32, #tpu.memory_space<vmem>>)
    %dma_wait3A_1286 = arith.constant 6 : i32
    %dma_wait3A_1287 = arith.constant 6 : i32
    %dma_wait3A_1288 = arith.constant 0 : i32
    %dma_wait3A_1289 = tpu.memref_slice %arg36[%dma_wait3A_1287, %dma_wait3A_1288] : memref<26x512xf32, #tpu.memory_space<vmem>> -> memref<1x128xf32, #tpu.memory_space<vmem>>
    %dma_wait3A_1290 = tpu.memref_squeeze %dma_wait3A_1289 : memref<1x128xf32, #tpu.memory_space<vmem>> -> memref<128xf32, #tpu.memory_space<vmem>>
    %dma_wait3A_1291 = arith.constant 0 : i32
    %dma_wait3A_1292 = tpu.memref_slice %arg35[%dma_wait3A_1286, %dma_wait3A_1291] : memref<26x512xi32, #tpu.memory_space<vmem>> -> memref<1x128xi32, #tpu.memory_space<vmem>>
    %dma_wait3A_1293 = tpu.memref_squeeze %dma_wait3A_1292 : memref<1x128xi32, #tpu.memory_space<vmem>> -> memref<128xi32, #tpu.memory_space<vmem>>
    %dma_wait3A_1294 = arith.constant 0 : i32
    %dma_wait3A_1295 = tpu.memref_slice %arg11[%dma_wait3A_1294] : memref<1000000xf32, #tpu.memory_space<hbm>> -> memref<1000000xf32, #tpu.memory_space<hbm>>
    tpu.wait_indirect_dma semaphore(%arg38 : memref<!tpu.dma_semaphore, #tpu.memory_space<semaphore_mem>>) src(%dma_wait3A_1295 : memref<1000000xf32, #tpu.memory_space<hbm>>) dst(%dma_wait3A_1290 : memref<128xf32, #tpu.memory_space<vmem>>)
    %dma_wait3A_1296 = arith.constant 6 : i32
    %dma_wait3A_1297 = arith.constant 6 : i32
    %dma_wait3A_1298 = arith.constant 128 : i32
    %dma_wait3A_1299 = tpu.memref_slice %arg36[%dma_wait3A_1297, %dma_wait3A_1298] : memref<26x512xf32, #tpu.memory_space<vmem>> -> memref<1x128xf32, #tpu.memory_space<vmem>>
    %dma_wait3A_1300 = tpu.memref_squeeze %dma_wait3A_1299 : memref<1x128xf32, #tpu.memory_space<vmem>> -> memref<128xf32, #tpu.memory_space<vmem>>
    %dma_wait3A_1301 = arith.constant 128 : i32
    %dma_wait3A_1302 = tpu.memref_slice %arg35[%dma_wait3A_1296, %dma_wait3A_1301] : memref<26x512xi32, #tpu.memory_space<vmem>> -> memref<1x128xi32, #tpu.memory_space<vmem>>
    %dma_wait3A_1303 = tpu.memref_squeeze %dma_wait3A_1302 : memref<1x128xi32, #tpu.memory_space<vmem>> -> memref<128xi32, #tpu.memory_space<vmem>>
    %dma_wait3A_1304 = arith.constant 0 : i32
    %dma_wait3A_1305 = tpu.memref_slice %arg11[%dma_wait3A_1304] : memref<1000000xf32, #tpu.memory_space<hbm>> -> memref<1000000xf32, #tpu.memory_space<hbm>>
    tpu.wait_indirect_dma semaphore(%arg38 : memref<!tpu.dma_semaphore, #tpu.memory_space<semaphore_mem>>) src(%dma_wait3A_1305 : memref<1000000xf32, #tpu.memory_space<hbm>>) dst(%dma_wait3A_1300 : memref<128xf32, #tpu.memory_space<vmem>>)
    %dma_wait3A_1306 = arith.constant 6 : i32
    %dma_wait3A_1307 = arith.constant 6 : i32
    %dma_wait3A_1308 = arith.constant 256 : i32
    %dma_wait3A_1309 = tpu.memref_slice %arg36[%dma_wait3A_1307, %dma_wait3A_1308] : memref<26x512xf32, #tpu.memory_space<vmem>> -> memref<1x128xf32, #tpu.memory_space<vmem>>
    %dma_wait3A_1310 = tpu.memref_squeeze %dma_wait3A_1309 : memref<1x128xf32, #tpu.memory_space<vmem>> -> memref<128xf32, #tpu.memory_space<vmem>>
    %dma_wait3A_1311 = arith.constant 256 : i32
    %dma_wait3A_1312 = tpu.memref_slice %arg35[%dma_wait3A_1306, %dma_wait3A_1311] : memref<26x512xi32, #tpu.memory_space<vmem>> -> memref<1x128xi32, #tpu.memory_space<vmem>>
    %dma_wait3A_1313 = tpu.memref_squeeze %dma_wait3A_1312 : memref<1x128xi32, #tpu.memory_space<vmem>> -> memref<128xi32, #tpu.memory_space<vmem>>
    %dma_wait3A_1314 = arith.constant 0 : i32
    %dma_wait3A_1315 = tpu.memref_slice %arg11[%dma_wait3A_1314] : memref<1000000xf32, #tpu.memory_space<hbm>> -> memref<1000000xf32, #tpu.memory_space<hbm>>
    tpu.wait_indirect_dma semaphore(%arg38 : memref<!tpu.dma_semaphore, #tpu.memory_space<semaphore_mem>>) src(%dma_wait3A_1315 : memref<1000000xf32, #tpu.memory_space<hbm>>) dst(%dma_wait3A_1310 : memref<128xf32, #tpu.memory_space<vmem>>)
    %dma_wait3A_1316 = arith.constant 6 : i32
    %dma_wait3A_1317 = arith.constant 6 : i32
    %dma_wait3A_1318 = arith.constant 384 : i32
    %dma_wait3A_1319 = tpu.memref_slice %arg36[%dma_wait3A_1317, %dma_wait3A_1318] : memref<26x512xf32, #tpu.memory_space<vmem>> -> memref<1x128xf32, #tpu.memory_space<vmem>>
    %dma_wait3A_1320 = tpu.memref_squeeze %dma_wait3A_1319 : memref<1x128xf32, #tpu.memory_space<vmem>> -> memref<128xf32, #tpu.memory_space<vmem>>
    %dma_wait3A_1321 = arith.constant 384 : i32
    %dma_wait3A_1322 = tpu.memref_slice %arg35[%dma_wait3A_1316, %dma_wait3A_1321] : memref<26x512xi32, #tpu.memory_space<vmem>> -> memref<1x128xi32, #tpu.memory_space<vmem>>
    %dma_wait3A_1323 = tpu.memref_squeeze %dma_wait3A_1322 : memref<1x128xi32, #tpu.memory_space<vmem>> -> memref<128xi32, #tpu.memory_space<vmem>>
    %dma_wait3A_1324 = arith.constant 0 : i32
    %dma_wait3A_1325 = tpu.memref_slice %arg11[%dma_wait3A_1324] : memref<1000000xf32, #tpu.memory_space<hbm>> -> memref<1000000xf32, #tpu.memory_space<hbm>>
    tpu.wait_indirect_dma semaphore(%arg38 : memref<!tpu.dma_semaphore, #tpu.memory_space<semaphore_mem>>) src(%dma_wait3A_1325 : memref<1000000xf32, #tpu.memory_space<hbm>>) dst(%dma_wait3A_1320 : memref<128xf32, #tpu.memory_space<vmem>>)
    %dma_wait3A_1326 = arith.constant 7 : i32
    %dma_wait3A_1327 = arith.constant 7 : i32
    %dma_wait3A_1328 = arith.constant 0 : i32
    %dma_wait3A_1329 = tpu.memref_slice %arg36[%dma_wait3A_1327, %dma_wait3A_1328] : memref<26x512xf32, #tpu.memory_space<vmem>> -> memref<1x128xf32, #tpu.memory_space<vmem>>
    %dma_wait3A_1330 = tpu.memref_squeeze %dma_wait3A_1329 : memref<1x128xf32, #tpu.memory_space<vmem>> -> memref<128xf32, #tpu.memory_space<vmem>>
    %dma_wait3A_1331 = arith.constant 0 : i32
    %dma_wait3A_1332 = tpu.memref_slice %arg35[%dma_wait3A_1326, %dma_wait3A_1331] : memref<26x512xi32, #tpu.memory_space<vmem>> -> memref<1x128xi32, #tpu.memory_space<vmem>>
    %dma_wait3A_1333 = tpu.memref_squeeze %dma_wait3A_1332 : memref<1x128xi32, #tpu.memory_space<vmem>> -> memref<128xi32, #tpu.memory_space<vmem>>
    %dma_wait3A_1334 = arith.constant 0 : i32
    %dma_wait3A_1335 = tpu.memref_slice %arg12[%dma_wait3A_1334] : memref<1000000xf32, #tpu.memory_space<hbm>> -> memref<1000000xf32, #tpu.memory_space<hbm>>
    tpu.wait_indirect_dma semaphore(%arg38 : memref<!tpu.dma_semaphore, #tpu.memory_space<semaphore_mem>>) src(%dma_wait3A_1335 : memref<1000000xf32, #tpu.memory_space<hbm>>) dst(%dma_wait3A_1330 : memref<128xf32, #tpu.memory_space<vmem>>)
    %dma_wait3A_1336 = arith.constant 7 : i32
    %dma_wait3A_1337 = arith.constant 7 : i32
    %dma_wait3A_1338 = arith.constant 128 : i32
    %dma_wait3A_1339 = tpu.memref_slice %arg36[%dma_wait3A_1337, %dma_wait3A_1338] : memref<26x512xf32, #tpu.memory_space<vmem>> -> memref<1x128xf32, #tpu.memory_space<vmem>>
    %dma_wait3A_1340 = tpu.memref_squeeze %dma_wait3A_1339 : memref<1x128xf32, #tpu.memory_space<vmem>> -> memref<128xf32, #tpu.memory_space<vmem>>
    %dma_wait3A_1341 = arith.constant 128 : i32
    %dma_wait3A_1342 = tpu.memref_slice %arg35[%dma_wait3A_1336, %dma_wait3A_1341] : memref<26x512xi32, #tpu.memory_space<vmem>> -> memref<1x128xi32, #tpu.memory_space<vmem>>
    %dma_wait3A_1343 = tpu.memref_squeeze %dma_wait3A_1342 : memref<1x128xi32, #tpu.memory_space<vmem>> -> memref<128xi32, #tpu.memory_space<vmem>>
    %dma_wait3A_1344 = arith.constant 0 : i32
    %dma_wait3A_1345 = tpu.memref_slice %arg12[%dma_wait3A_1344] : memref<1000000xf32, #tpu.memory_space<hbm>> -> memref<1000000xf32, #tpu.memory_space<hbm>>
    tpu.wait_indirect_dma semaphore(%arg38 : memref<!tpu.dma_semaphore, #tpu.memory_space<semaphore_mem>>) src(%dma_wait3A_1345 : memref<1000000xf32, #tpu.memory_space<hbm>>) dst(%dma_wait3A_1340 : memref<128xf32, #tpu.memory_space<vmem>>)
    %dma_wait3A_1346 = arith.constant 7 : i32
    %dma_wait3A_1347 = arith.constant 7 : i32
    %dma_wait3A_1348 = arith.constant 256 : i32
    %dma_wait3A_1349 = tpu.memref_slice %arg36[%dma_wait3A_1347, %dma_wait3A_1348] : memref<26x512xf32, #tpu.memory_space<vmem>> -> memref<1x128xf32, #tpu.memory_space<vmem>>
    %dma_wait3A_1350 = tpu.memref_squeeze %dma_wait3A_1349 : memref<1x128xf32, #tpu.memory_space<vmem>> -> memref<128xf32, #tpu.memory_space<vmem>>
    %dma_wait3A_1351 = arith.constant 256 : i32
    %dma_wait3A_1352 = tpu.memref_slice %arg35[%dma_wait3A_1346, %dma_wait3A_1351] : memref<26x512xi32, #tpu.memory_space<vmem>> -> memref<1x128xi32, #tpu.memory_space<vmem>>
    %dma_wait3A_1353 = tpu.memref_squeeze %dma_wait3A_1352 : memref<1x128xi32, #tpu.memory_space<vmem>> -> memref<128xi32, #tpu.memory_space<vmem>>
    %dma_wait3A_1354 = arith.constant 0 : i32
    %dma_wait3A_1355 = tpu.memref_slice %arg12[%dma_wait3A_1354] : memref<1000000xf32, #tpu.memory_space<hbm>> -> memref<1000000xf32, #tpu.memory_space<hbm>>
    tpu.wait_indirect_dma semaphore(%arg38 : memref<!tpu.dma_semaphore, #tpu.memory_space<semaphore_mem>>) src(%dma_wait3A_1355 : memref<1000000xf32, #tpu.memory_space<hbm>>) dst(%dma_wait3A_1350 : memref<128xf32, #tpu.memory_space<vmem>>)
    %dma_wait3A_1356 = arith.constant 7 : i32
    %dma_wait3A_1357 = arith.constant 7 : i32
    %dma_wait3A_1358 = arith.constant 384 : i32
    %dma_wait3A_1359 = tpu.memref_slice %arg36[%dma_wait3A_1357, %dma_wait3A_1358] : memref<26x512xf32, #tpu.memory_space<vmem>> -> memref<1x128xf32, #tpu.memory_space<vmem>>
    %dma_wait3A_1360 = tpu.memref_squeeze %dma_wait3A_1359 : memref<1x128xf32, #tpu.memory_space<vmem>> -> memref<128xf32, #tpu.memory_space<vmem>>
    %dma_wait3A_1361 = arith.constant 384 : i32
    %dma_wait3A_1362 = tpu.memref_slice %arg35[%dma_wait3A_1356, %dma_wait3A_1361] : memref<26x512xi32, #tpu.memory_space<vmem>> -> memref<1x128xi32, #tpu.memory_space<vmem>>
    %dma_wait3A_1363 = tpu.memref_squeeze %dma_wait3A_1362 : memref<1x128xi32, #tpu.memory_space<vmem>> -> memref<128xi32, #tpu.memory_space<vmem>>
    %dma_wait3A_1364 = arith.constant 0 : i32
    %dma_wait3A_1365 = tpu.memref_slice %arg12[%dma_wait3A_1364] : memref<1000000xf32, #tpu.memory_space<hbm>> -> memref<1000000xf32, #tpu.memory_space<hbm>>
    tpu.wait_indirect_dma semaphore(%arg38 : memref<!tpu.dma_semaphore, #tpu.memory_space<semaphore_mem>>) src(%dma_wait3A_1365 : memref<1000000xf32, #tpu.memory_space<hbm>>) dst(%dma_wait3A_1360 : memref<128xf32, #tpu.memory_space<vmem>>)
    %dma_wait3A_1366 = arith.constant 8 : i32
    %dma_wait3A_1367 = arith.constant 8 : i32
    %dma_wait3A_1368 = arith.constant 0 : i32
    %dma_wait3A_1369 = tpu.memref_slice %arg36[%dma_wait3A_1367, %dma_wait3A_1368] : memref<26x512xf32, #tpu.memory_space<vmem>> -> memref<1x128xf32, #tpu.memory_space<vmem>>
    %dma_wait3A_1370 = tpu.memref_squeeze %dma_wait3A_1369 : memref<1x128xf32, #tpu.memory_space<vmem>> -> memref<128xf32, #tpu.memory_space<vmem>>
    %dma_wait3A_1371 = arith.constant 0 : i32
    %dma_wait3A_1372 = tpu.memref_slice %arg35[%dma_wait3A_1366, %dma_wait3A_1371] : memref<26x512xi32, #tpu.memory_space<vmem>> -> memref<1x128xi32, #tpu.memory_space<vmem>>
    %dma_wait3A_1373 = tpu.memref_squeeze %dma_wait3A_1372 : memref<1x128xi32, #tpu.memory_space<vmem>> -> memref<128xi32, #tpu.memory_space<vmem>>
    %dma_wait3A_1374 = arith.constant 0 : i32
    %dma_wait3A_1375 = tpu.memref_slice %arg13[%dma_wait3A_1374] : memref<1000000xf32, #tpu.memory_space<hbm>> -> memref<1000000xf32, #tpu.memory_space<hbm>>
    tpu.wait_indirect_dma semaphore(%arg38 : memref<!tpu.dma_semaphore, #tpu.memory_space<semaphore_mem>>) src(%dma_wait3A_1375 : memref<1000000xf32, #tpu.memory_space<hbm>>) dst(%dma_wait3A_1370 : memref<128xf32, #tpu.memory_space<vmem>>)
    %dma_wait3A_1376 = arith.constant 8 : i32
    %dma_wait3A_1377 = arith.constant 8 : i32
    %dma_wait3A_1378 = arith.constant 128 : i32
    %dma_wait3A_1379 = tpu.memref_slice %arg36[%dma_wait3A_1377, %dma_wait3A_1378] : memref<26x512xf32, #tpu.memory_space<vmem>> -> memref<1x128xf32, #tpu.memory_space<vmem>>
    %dma_wait3A_1380 = tpu.memref_squeeze %dma_wait3A_1379 : memref<1x128xf32, #tpu.memory_space<vmem>> -> memref<128xf32, #tpu.memory_space<vmem>>
    %dma_wait3A_1381 = arith.constant 128 : i32
    %dma_wait3A_1382 = tpu.memref_slice %arg35[%dma_wait3A_1376, %dma_wait3A_1381] : memref<26x512xi32, #tpu.memory_space<vmem>> -> memref<1x128xi32, #tpu.memory_space<vmem>>
    %dma_wait3A_1383 = tpu.memref_squeeze %dma_wait3A_1382 : memref<1x128xi32, #tpu.memory_space<vmem>> -> memref<128xi32, #tpu.memory_space<vmem>>
    %dma_wait3A_1384 = arith.constant 0 : i32
    %dma_wait3A_1385 = tpu.memref_slice %arg13[%dma_wait3A_1384] : memref<1000000xf32, #tpu.memory_space<hbm>> -> memref<1000000xf32, #tpu.memory_space<hbm>>
    tpu.wait_indirect_dma semaphore(%arg38 : memref<!tpu.dma_semaphore, #tpu.memory_space<semaphore_mem>>) src(%dma_wait3A_1385 : memref<1000000xf32, #tpu.memory_space<hbm>>) dst(%dma_wait3A_1380 : memref<128xf32, #tpu.memory_space<vmem>>)
    %dma_wait3A_1386 = arith.constant 8 : i32
    %dma_wait3A_1387 = arith.constant 8 : i32
    %dma_wait3A_1388 = arith.constant 256 : i32
    %dma_wait3A_1389 = tpu.memref_slice %arg36[%dma_wait3A_1387, %dma_wait3A_1388] : memref<26x512xf32, #tpu.memory_space<vmem>> -> memref<1x128xf32, #tpu.memory_space<vmem>>
    %dma_wait3A_1390 = tpu.memref_squeeze %dma_wait3A_1389 : memref<1x128xf32, #tpu.memory_space<vmem>> -> memref<128xf32, #tpu.memory_space<vmem>>
    %dma_wait3A_1391 = arith.constant 256 : i32
    %dma_wait3A_1392 = tpu.memref_slice %arg35[%dma_wait3A_1386, %dma_wait3A_1391] : memref<26x512xi32, #tpu.memory_space<vmem>> -> memref<1x128xi32, #tpu.memory_space<vmem>>
    %dma_wait3A_1393 = tpu.memref_squeeze %dma_wait3A_1392 : memref<1x128xi32, #tpu.memory_space<vmem>> -> memref<128xi32, #tpu.memory_space<vmem>>
    %dma_wait3A_1394 = arith.constant 0 : i32
    %dma_wait3A_1395 = tpu.memref_slice %arg13[%dma_wait3A_1394] : memref<1000000xf32, #tpu.memory_space<hbm>> -> memref<1000000xf32, #tpu.memory_space<hbm>>
    tpu.wait_indirect_dma semaphore(%arg38 : memref<!tpu.dma_semaphore, #tpu.memory_space<semaphore_mem>>) src(%dma_wait3A_1395 : memref<1000000xf32, #tpu.memory_space<hbm>>) dst(%dma_wait3A_1390 : memref<128xf32, #tpu.memory_space<vmem>>)
    %dma_wait3A_1396 = arith.constant 8 : i32
    %dma_wait3A_1397 = arith.constant 8 : i32
    %dma_wait3A_1398 = arith.constant 384 : i32
    %dma_wait3A_1399 = tpu.memref_slice %arg36[%dma_wait3A_1397, %dma_wait3A_1398] : memref<26x512xf32, #tpu.memory_space<vmem>> -> memref<1x128xf32, #tpu.memory_space<vmem>>
    %dma_wait3A_1400 = tpu.memref_squeeze %dma_wait3A_1399 : memref<1x128xf32, #tpu.memory_space<vmem>> -> memref<128xf32, #tpu.memory_space<vmem>>
    %dma_wait3A_1401 = arith.constant 384 : i32
    %dma_wait3A_1402 = tpu.memref_slice %arg35[%dma_wait3A_1396, %dma_wait3A_1401] : memref<26x512xi32, #tpu.memory_space<vmem>> -> memref<1x128xi32, #tpu.memory_space<vmem>>
    %dma_wait3A_1403 = tpu.memref_squeeze %dma_wait3A_1402 : memref<1x128xi32, #tpu.memory_space<vmem>> -> memref<128xi32, #tpu.memory_space<vmem>>
    %dma_wait3A_1404 = arith.constant 0 : i32
    %dma_wait3A_1405 = tpu.memref_slice %arg13[%dma_wait3A_1404] : memref<1000000xf32, #tpu.memory_space<hbm>> -> memref<1000000xf32, #tpu.memory_space<hbm>>
    tpu.wait_indirect_dma semaphore(%arg38 : memref<!tpu.dma_semaphore, #tpu.memory_space<semaphore_mem>>) src(%dma_wait3A_1405 : memref<1000000xf32, #tpu.memory_space<hbm>>) dst(%dma_wait3A_1400 : memref<128xf32, #tpu.memory_space<vmem>>)
    %dma_wait3A_1406 = arith.constant 9 : i32
    %dma_wait3A_1407 = arith.constant 9 : i32
    %dma_wait3A_1408 = arith.constant 0 : i32
    %dma_wait3A_1409 = tpu.memref_slice %arg36[%dma_wait3A_1407, %dma_wait3A_1408] : memref<26x512xf32, #tpu.memory_space<vmem>> -> memref<1x128xf32, #tpu.memory_space<vmem>>
    %dma_wait3A_1410 = tpu.memref_squeeze %dma_wait3A_1409 : memref<1x128xf32, #tpu.memory_space<vmem>> -> memref<128xf32, #tpu.memory_space<vmem>>
    %dma_wait3A_1411 = arith.constant 0 : i32
    %dma_wait3A_1412 = tpu.memref_slice %arg35[%dma_wait3A_1406, %dma_wait3A_1411] : memref<26x512xi32, #tpu.memory_space<vmem>> -> memref<1x128xi32, #tpu.memory_space<vmem>>
    %dma_wait3A_1413 = tpu.memref_squeeze %dma_wait3A_1412 : memref<1x128xi32, #tpu.memory_space<vmem>> -> memref<128xi32, #tpu.memory_space<vmem>>
    %dma_wait3A_1414 = arith.constant 0 : i32
    %dma_wait3A_1415 = tpu.memref_slice %arg14[%dma_wait3A_1414] : memref<1000000xf32, #tpu.memory_space<hbm>> -> memref<1000000xf32, #tpu.memory_space<hbm>>
    tpu.wait_indirect_dma semaphore(%arg38 : memref<!tpu.dma_semaphore, #tpu.memory_space<semaphore_mem>>) src(%dma_wait3A_1415 : memref<1000000xf32, #tpu.memory_space<hbm>>) dst(%dma_wait3A_1410 : memref<128xf32, #tpu.memory_space<vmem>>)
    %dma_wait3A_1416 = arith.constant 9 : i32
    %dma_wait3A_1417 = arith.constant 9 : i32
    %dma_wait3A_1418 = arith.constant 128 : i32
    %dma_wait3A_1419 = tpu.memref_slice %arg36[%dma_wait3A_1417, %dma_wait3A_1418] : memref<26x512xf32, #tpu.memory_space<vmem>> -> memref<1x128xf32, #tpu.memory_space<vmem>>
    %dma_wait3A_1420 = tpu.memref_squeeze %dma_wait3A_1419 : memref<1x128xf32, #tpu.memory_space<vmem>> -> memref<128xf32, #tpu.memory_space<vmem>>
    %dma_wait3A_1421 = arith.constant 128 : i32
    %dma_wait3A_1422 = tpu.memref_slice %arg35[%dma_wait3A_1416, %dma_wait3A_1421] : memref<26x512xi32, #tpu.memory_space<vmem>> -> memref<1x128xi32, #tpu.memory_space<vmem>>
    %dma_wait3A_1423 = tpu.memref_squeeze %dma_wait3A_1422 : memref<1x128xi32, #tpu.memory_space<vmem>> -> memref<128xi32, #tpu.memory_space<vmem>>
    %dma_wait3A_1424 = arith.constant 0 : i32
    %dma_wait3A_1425 = tpu.memref_slice %arg14[%dma_wait3A_1424] : memref<1000000xf32, #tpu.memory_space<hbm>> -> memref<1000000xf32, #tpu.memory_space<hbm>>
    tpu.wait_indirect_dma semaphore(%arg38 : memref<!tpu.dma_semaphore, #tpu.memory_space<semaphore_mem>>) src(%dma_wait3A_1425 : memref<1000000xf32, #tpu.memory_space<hbm>>) dst(%dma_wait3A_1420 : memref<128xf32, #tpu.memory_space<vmem>>)
    %dma_wait3A_1426 = arith.constant 9 : i32
    %dma_wait3A_1427 = arith.constant 9 : i32
    %dma_wait3A_1428 = arith.constant 256 : i32
    %dma_wait3A_1429 = tpu.memref_slice %arg36[%dma_wait3A_1427, %dma_wait3A_1428] : memref<26x512xf32, #tpu.memory_space<vmem>> -> memref<1x128xf32, #tpu.memory_space<vmem>>
    %dma_wait3A_1430 = tpu.memref_squeeze %dma_wait3A_1429 : memref<1x128xf32, #tpu.memory_space<vmem>> -> memref<128xf32, #tpu.memory_space<vmem>>
    %dma_wait3A_1431 = arith.constant 256 : i32
    %dma_wait3A_1432 = tpu.memref_slice %arg35[%dma_wait3A_1426, %dma_wait3A_1431] : memref<26x512xi32, #tpu.memory_space<vmem>> -> memref<1x128xi32, #tpu.memory_space<vmem>>
    %dma_wait3A_1433 = tpu.memref_squeeze %dma_wait3A_1432 : memref<1x128xi32, #tpu.memory_space<vmem>> -> memref<128xi32, #tpu.memory_space<vmem>>
    %dma_wait3A_1434 = arith.constant 0 : i32
    %dma_wait3A_1435 = tpu.memref_slice %arg14[%dma_wait3A_1434] : memref<1000000xf32, #tpu.memory_space<hbm>> -> memref<1000000xf32, #tpu.memory_space<hbm>>
    tpu.wait_indirect_dma semaphore(%arg38 : memref<!tpu.dma_semaphore, #tpu.memory_space<semaphore_mem>>) src(%dma_wait3A_1435 : memref<1000000xf32, #tpu.memory_space<hbm>>) dst(%dma_wait3A_1430 : memref<128xf32, #tpu.memory_space<vmem>>)
    %dma_wait3A_1436 = arith.constant 9 : i32
    %dma_wait3A_1437 = arith.constant 9 : i32
    %dma_wait3A_1438 = arith.constant 384 : i32
    %dma_wait3A_1439 = tpu.memref_slice %arg36[%dma_wait3A_1437, %dma_wait3A_1438] : memref<26x512xf32, #tpu.memory_space<vmem>> -> memref<1x128xf32, #tpu.memory_space<vmem>>
    %dma_wait3A_1440 = tpu.memref_squeeze %dma_wait3A_1439 : memref<1x128xf32, #tpu.memory_space<vmem>> -> memref<128xf32, #tpu.memory_space<vmem>>
    %dma_wait3A_1441 = arith.constant 384 : i32
    %dma_wait3A_1442 = tpu.memref_slice %arg35[%dma_wait3A_1436, %dma_wait3A_1441] : memref<26x512xi32, #tpu.memory_space<vmem>> -> memref<1x128xi32, #tpu.memory_space<vmem>>
    %dma_wait3A_1443 = tpu.memref_squeeze %dma_wait3A_1442 : memref<1x128xi32, #tpu.memory_space<vmem>> -> memref<128xi32, #tpu.memory_space<vmem>>
    %dma_wait3A_1444 = arith.constant 0 : i32
    %dma_wait3A_1445 = tpu.memref_slice %arg14[%dma_wait3A_1444] : memref<1000000xf32, #tpu.memory_space<hbm>> -> memref<1000000xf32, #tpu.memory_space<hbm>>
    tpu.wait_indirect_dma semaphore(%arg38 : memref<!tpu.dma_semaphore, #tpu.memory_space<semaphore_mem>>) src(%dma_wait3A_1445 : memref<1000000xf32, #tpu.memory_space<hbm>>) dst(%dma_wait3A_1440 : memref<128xf32, #tpu.memory_space<vmem>>)
    %dma_wait3A_1446 = arith.constant 10 : i32
    %dma_wait3A_1447 = arith.constant 10 : i32
    %dma_wait3A_1448 = arith.constant 0 : i32
    %dma_wait3A_1449 = tpu.memref_slice %arg36[%dma_wait3A_1447, %dma_wait3A_1448] : memref<26x512xf32, #tpu.memory_space<vmem>> -> memref<1x128xf32, #tpu.memory_space<vmem>>
    %dma_wait3A_1450 = tpu.memref_squeeze %dma_wait3A_1449 : memref<1x128xf32, #tpu.memory_space<vmem>> -> memref<128xf32, #tpu.memory_space<vmem>>
    %dma_wait3A_1451 = arith.constant 0 : i32
    %dma_wait3A_1452 = tpu.memref_slice %arg35[%dma_wait3A_1446, %dma_wait3A_1451] : memref<26x512xi32, #tpu.memory_space<vmem>> -> memref<1x128xi32, #tpu.memory_space<vmem>>
    %dma_wait3A_1453 = tpu.memref_squeeze %dma_wait3A_1452 : memref<1x128xi32, #tpu.memory_space<vmem>> -> memref<128xi32, #tpu.memory_space<vmem>>
    %dma_wait3A_1454 = arith.constant 0 : i32
    %dma_wait3A_1455 = tpu.memref_slice %arg15[%dma_wait3A_1454] : memref<1000000xf32, #tpu.memory_space<hbm>> -> memref<1000000xf32, #tpu.memory_space<hbm>>
    tpu.wait_indirect_dma semaphore(%arg38 : memref<!tpu.dma_semaphore, #tpu.memory_space<semaphore_mem>>) src(%dma_wait3A_1455 : memref<1000000xf32, #tpu.memory_space<hbm>>) dst(%dma_wait3A_1450 : memref<128xf32, #tpu.memory_space<vmem>>)
    %dma_wait3A_1456 = arith.constant 10 : i32
    %dma_wait3A_1457 = arith.constant 10 : i32
    %dma_wait3A_1458 = arith.constant 128 : i32
    %dma_wait3A_1459 = tpu.memref_slice %arg36[%dma_wait3A_1457, %dma_wait3A_1458] : memref<26x512xf32, #tpu.memory_space<vmem>> -> memref<1x128xf32, #tpu.memory_space<vmem>>
    %dma_wait3A_1460 = tpu.memref_squeeze %dma_wait3A_1459 : memref<1x128xf32, #tpu.memory_space<vmem>> -> memref<128xf32, #tpu.memory_space<vmem>>
    %dma_wait3A_1461 = arith.constant 128 : i32
    %dma_wait3A_1462 = tpu.memref_slice %arg35[%dma_wait3A_1456, %dma_wait3A_1461] : memref<26x512xi32, #tpu.memory_space<vmem>> -> memref<1x128xi32, #tpu.memory_space<vmem>>
    %dma_wait3A_1463 = tpu.memref_squeeze %dma_wait3A_1462 : memref<1x128xi32, #tpu.memory_space<vmem>> -> memref<128xi32, #tpu.memory_space<vmem>>
    %dma_wait3A_1464 = arith.constant 0 : i32
    %dma_wait3A_1465 = tpu.memref_slice %arg15[%dma_wait3A_1464] : memref<1000000xf32, #tpu.memory_space<hbm>> -> memref<1000000xf32, #tpu.memory_space<hbm>>
    tpu.wait_indirect_dma semaphore(%arg38 : memref<!tpu.dma_semaphore, #tpu.memory_space<semaphore_mem>>) src(%dma_wait3A_1465 : memref<1000000xf32, #tpu.memory_space<hbm>>) dst(%dma_wait3A_1460 : memref<128xf32, #tpu.memory_space<vmem>>)
    %dma_wait3A_1466 = arith.constant 10 : i32
    %dma_wait3A_1467 = arith.constant 10 : i32
    %dma_wait3A_1468 = arith.constant 256 : i32
    %dma_wait3A_1469 = tpu.memref_slice %arg36[%dma_wait3A_1467, %dma_wait3A_1468] : memref<26x512xf32, #tpu.memory_space<vmem>> -> memref<1x128xf32, #tpu.memory_space<vmem>>
    %dma_wait3A_1470 = tpu.memref_squeeze %dma_wait3A_1469 : memref<1x128xf32, #tpu.memory_space<vmem>> -> memref<128xf32, #tpu.memory_space<vmem>>
    %dma_wait3A_1471 = arith.constant 256 : i32
    %dma_wait3A_1472 = tpu.memref_slice %arg35[%dma_wait3A_1466, %dma_wait3A_1471] : memref<26x512xi32, #tpu.memory_space<vmem>> -> memref<1x128xi32, #tpu.memory_space<vmem>>
    %dma_wait3A_1473 = tpu.memref_squeeze %dma_wait3A_1472 : memref<1x128xi32, #tpu.memory_space<vmem>> -> memref<128xi32, #tpu.memory_space<vmem>>
    %dma_wait3A_1474 = arith.constant 0 : i32
    %dma_wait3A_1475 = tpu.memref_slice %arg15[%dma_wait3A_1474] : memref<1000000xf32, #tpu.memory_space<hbm>> -> memref<1000000xf32, #tpu.memory_space<hbm>>
    tpu.wait_indirect_dma semaphore(%arg38 : memref<!tpu.dma_semaphore, #tpu.memory_space<semaphore_mem>>) src(%dma_wait3A_1475 : memref<1000000xf32, #tpu.memory_space<hbm>>) dst(%dma_wait3A_1470 : memref<128xf32, #tpu.memory_space<vmem>>)
    %dma_wait3A_1476 = arith.constant 10 : i32
    %dma_wait3A_1477 = arith.constant 10 : i32
    %dma_wait3A_1478 = arith.constant 384 : i32
    %dma_wait3A_1479 = tpu.memref_slice %arg36[%dma_wait3A_1477, %dma_wait3A_1478] : memref<26x512xf32, #tpu.memory_space<vmem>> -> memref<1x128xf32, #tpu.memory_space<vmem>>
    %dma_wait3A_1480 = tpu.memref_squeeze %dma_wait3A_1479 : memref<1x128xf32, #tpu.memory_space<vmem>> -> memref<128xf32, #tpu.memory_space<vmem>>
    %dma_wait3A_1481 = arith.constant 384 : i32
    %dma_wait3A_1482 = tpu.memref_slice %arg35[%dma_wait3A_1476, %dma_wait3A_1481] : memref<26x512xi32, #tpu.memory_space<vmem>> -> memref<1x128xi32, #tpu.memory_space<vmem>>
    %dma_wait3A_1483 = tpu.memref_squeeze %dma_wait3A_1482 : memref<1x128xi32, #tpu.memory_space<vmem>> -> memref<128xi32, #tpu.memory_space<vmem>>
    %dma_wait3A_1484 = arith.constant 0 : i32
    %dma_wait3A_1485 = tpu.memref_slice %arg15[%dma_wait3A_1484] : memref<1000000xf32, #tpu.memory_space<hbm>> -> memref<1000000xf32, #tpu.memory_space<hbm>>
    tpu.wait_indirect_dma semaphore(%arg38 : memref<!tpu.dma_semaphore, #tpu.memory_space<semaphore_mem>>) src(%dma_wait3A_1485 : memref<1000000xf32, #tpu.memory_space<hbm>>) dst(%dma_wait3A_1480 : memref<128xf32, #tpu.memory_space<vmem>>)
    %dma_wait3A_1486 = arith.constant 11 : i32
    %dma_wait3A_1487 = arith.constant 11 : i32
    %dma_wait3A_1488 = arith.constant 0 : i32
    %dma_wait3A_1489 = tpu.memref_slice %arg36[%dma_wait3A_1487, %dma_wait3A_1488] : memref<26x512xf32, #tpu.memory_space<vmem>> -> memref<1x128xf32, #tpu.memory_space<vmem>>
    %dma_wait3A_1490 = tpu.memref_squeeze %dma_wait3A_1489 : memref<1x128xf32, #tpu.memory_space<vmem>> -> memref<128xf32, #tpu.memory_space<vmem>>
    %dma_wait3A_1491 = arith.constant 0 : i32
    %dma_wait3A_1492 = tpu.memref_slice %arg35[%dma_wait3A_1486, %dma_wait3A_1491] : memref<26x512xi32, #tpu.memory_space<vmem>> -> memref<1x128xi32, #tpu.memory_space<vmem>>
    %dma_wait3A_1493 = tpu.memref_squeeze %dma_wait3A_1492 : memref<1x128xi32, #tpu.memory_space<vmem>> -> memref<128xi32, #tpu.memory_space<vmem>>
    %dma_wait3A_1494 = arith.constant 0 : i32
    %dma_wait3A_1495 = tpu.memref_slice %arg16[%dma_wait3A_1494] : memref<1000000xf32, #tpu.memory_space<hbm>> -> memref<1000000xf32, #tpu.memory_space<hbm>>
    tpu.wait_indirect_dma semaphore(%arg38 : memref<!tpu.dma_semaphore, #tpu.memory_space<semaphore_mem>>) src(%dma_wait3A_1495 : memref<1000000xf32, #tpu.memory_space<hbm>>) dst(%dma_wait3A_1490 : memref<128xf32, #tpu.memory_space<vmem>>)
    %dma_wait3A_1496 = arith.constant 11 : i32
    %dma_wait3A_1497 = arith.constant 11 : i32
    %dma_wait3A_1498 = arith.constant 128 : i32
    %dma_wait3A_1499 = tpu.memref_slice %arg36[%dma_wait3A_1497, %dma_wait3A_1498] : memref<26x512xf32, #tpu.memory_space<vmem>> -> memref<1x128xf32, #tpu.memory_space<vmem>>
    %dma_wait3A_1500 = tpu.memref_squeeze %dma_wait3A_1499 : memref<1x128xf32, #tpu.memory_space<vmem>> -> memref<128xf32, #tpu.memory_space<vmem>>
    %dma_wait3A_1501 = arith.constant 128 : i32
    %dma_wait3A_1502 = tpu.memref_slice %arg35[%dma_wait3A_1496, %dma_wait3A_1501] : memref<26x512xi32, #tpu.memory_space<vmem>> -> memref<1x128xi32, #tpu.memory_space<vmem>>
    %dma_wait3A_1503 = tpu.memref_squeeze %dma_wait3A_1502 : memref<1x128xi32, #tpu.memory_space<vmem>> -> memref<128xi32, #tpu.memory_space<vmem>>
    %dma_wait3A_1504 = arith.constant 0 : i32
    %dma_wait3A_1505 = tpu.memref_slice %arg16[%dma_wait3A_1504] : memref<1000000xf32, #tpu.memory_space<hbm>> -> memref<1000000xf32, #tpu.memory_space<hbm>>
    tpu.wait_indirect_dma semaphore(%arg38 : memref<!tpu.dma_semaphore, #tpu.memory_space<semaphore_mem>>) src(%dma_wait3A_1505 : memref<1000000xf32, #tpu.memory_space<hbm>>) dst(%dma_wait3A_1500 : memref<128xf32, #tpu.memory_space<vmem>>)
    %dma_wait3A_1506 = arith.constant 11 : i32
    %dma_wait3A_1507 = arith.constant 11 : i32
    %dma_wait3A_1508 = arith.constant 256 : i32
    %dma_wait3A_1509 = tpu.memref_slice %arg36[%dma_wait3A_1507, %dma_wait3A_1508] : memref<26x512xf32, #tpu.memory_space<vmem>> -> memref<1x128xf32, #tpu.memory_space<vmem>>
    %dma_wait3A_1510 = tpu.memref_squeeze %dma_wait3A_1509 : memref<1x128xf32, #tpu.memory_space<vmem>> -> memref<128xf32, #tpu.memory_space<vmem>>
    %dma_wait3A_1511 = arith.constant 256 : i32
    %dma_wait3A_1512 = tpu.memref_slice %arg35[%dma_wait3A_1506, %dma_wait3A_1511] : memref<26x512xi32, #tpu.memory_space<vmem>> -> memref<1x128xi32, #tpu.memory_space<vmem>>
    %dma_wait3A_1513 = tpu.memref_squeeze %dma_wait3A_1512 : memref<1x128xi32, #tpu.memory_space<vmem>> -> memref<128xi32, #tpu.memory_space<vmem>>
    %dma_wait3A_1514 = arith.constant 0 : i32
    %dma_wait3A_1515 = tpu.memref_slice %arg16[%dma_wait3A_1514] : memref<1000000xf32, #tpu.memory_space<hbm>> -> memref<1000000xf32, #tpu.memory_space<hbm>>
    tpu.wait_indirect_dma semaphore(%arg38 : memref<!tpu.dma_semaphore, #tpu.memory_space<semaphore_mem>>) src(%dma_wait3A_1515 : memref<1000000xf32, #tpu.memory_space<hbm>>) dst(%dma_wait3A_1510 : memref<128xf32, #tpu.memory_space<vmem>>)
    %dma_wait3A_1516 = arith.constant 11 : i32
    %dma_wait3A_1517 = arith.constant 11 : i32
    %dma_wait3A_1518 = arith.constant 384 : i32
    %dma_wait3A_1519 = tpu.memref_slice %arg36[%dma_wait3A_1517, %dma_wait3A_1518] : memref<26x512xf32, #tpu.memory_space<vmem>> -> memref<1x128xf32, #tpu.memory_space<vmem>>
    %dma_wait3A_1520 = tpu.memref_squeeze %dma_wait3A_1519 : memref<1x128xf32, #tpu.memory_space<vmem>> -> memref<128xf32, #tpu.memory_space<vmem>>
    %dma_wait3A_1521 = arith.constant 384 : i32
    %dma_wait3A_1522 = tpu.memref_slice %arg35[%dma_wait3A_1516, %dma_wait3A_1521] : memref<26x512xi32, #tpu.memory_space<vmem>> -> memref<1x128xi32, #tpu.memory_space<vmem>>
    %dma_wait3A_1523 = tpu.memref_squeeze %dma_wait3A_1522 : memref<1x128xi32, #tpu.memory_space<vmem>> -> memref<128xi32, #tpu.memory_space<vmem>>
    %dma_wait3A_1524 = arith.constant 0 : i32
    %dma_wait3A_1525 = tpu.memref_slice %arg16[%dma_wait3A_1524] : memref<1000000xf32, #tpu.memory_space<hbm>> -> memref<1000000xf32, #tpu.memory_space<hbm>>
    tpu.wait_indirect_dma semaphore(%arg38 : memref<!tpu.dma_semaphore, #tpu.memory_space<semaphore_mem>>) src(%dma_wait3A_1525 : memref<1000000xf32, #tpu.memory_space<hbm>>) dst(%dma_wait3A_1520 : memref<128xf32, #tpu.memory_space<vmem>>)
    %dma_wait3A_1526 = arith.constant 12 : i32
    %dma_wait3A_1527 = arith.constant 12 : i32
    %dma_wait3A_1528 = arith.constant 0 : i32
    %dma_wait3A_1529 = tpu.memref_slice %arg36[%dma_wait3A_1527, %dma_wait3A_1528] : memref<26x512xf32, #tpu.memory_space<vmem>> -> memref<1x128xf32, #tpu.memory_space<vmem>>
    %dma_wait3A_1530 = tpu.memref_squeeze %dma_wait3A_1529 : memref<1x128xf32, #tpu.memory_space<vmem>> -> memref<128xf32, #tpu.memory_space<vmem>>
    %dma_wait3A_1531 = arith.constant 0 : i32
    %dma_wait3A_1532 = tpu.memref_slice %arg35[%dma_wait3A_1526, %dma_wait3A_1531] : memref<26x512xi32, #tpu.memory_space<vmem>> -> memref<1x128xi32, #tpu.memory_space<vmem>>
    %dma_wait3A_1533 = tpu.memref_squeeze %dma_wait3A_1532 : memref<1x128xi32, #tpu.memory_space<vmem>> -> memref<128xi32, #tpu.memory_space<vmem>>
    %dma_wait3A_1534 = arith.constant 0 : i32
    %dma_wait3A_1535 = tpu.memref_slice %arg17[%dma_wait3A_1534] : memref<1000000xf32, #tpu.memory_space<hbm>> -> memref<1000000xf32, #tpu.memory_space<hbm>>
    tpu.wait_indirect_dma semaphore(%arg38 : memref<!tpu.dma_semaphore, #tpu.memory_space<semaphore_mem>>) src(%dma_wait3A_1535 : memref<1000000xf32, #tpu.memory_space<hbm>>) dst(%dma_wait3A_1530 : memref<128xf32, #tpu.memory_space<vmem>>)
    %dma_wait3A_1536 = arith.constant 12 : i32
    %dma_wait3A_1537 = arith.constant 12 : i32
    %dma_wait3A_1538 = arith.constant 128 : i32
    %dma_wait3A_1539 = tpu.memref_slice %arg36[%dma_wait3A_1537, %dma_wait3A_1538] : memref<26x512xf32, #tpu.memory_space<vmem>> -> memref<1x128xf32, #tpu.memory_space<vmem>>
    %dma_wait3A_1540 = tpu.memref_squeeze %dma_wait3A_1539 : memref<1x128xf32, #tpu.memory_space<vmem>> -> memref<128xf32, #tpu.memory_space<vmem>>
    %dma_wait3A_1541 = arith.constant 128 : i32
    %dma_wait3A_1542 = tpu.memref_slice %arg35[%dma_wait3A_1536, %dma_wait3A_1541] : memref<26x512xi32, #tpu.memory_space<vmem>> -> memref<1x128xi32, #tpu.memory_space<vmem>>
    %dma_wait3A_1543 = tpu.memref_squeeze %dma_wait3A_1542 : memref<1x128xi32, #tpu.memory_space<vmem>> -> memref<128xi32, #tpu.memory_space<vmem>>
    %dma_wait3A_1544 = arith.constant 0 : i32
    %dma_wait3A_1545 = tpu.memref_slice %arg17[%dma_wait3A_1544] : memref<1000000xf32, #tpu.memory_space<hbm>> -> memref<1000000xf32, #tpu.memory_space<hbm>>
    tpu.wait_indirect_dma semaphore(%arg38 : memref<!tpu.dma_semaphore, #tpu.memory_space<semaphore_mem>>) src(%dma_wait3A_1545 : memref<1000000xf32, #tpu.memory_space<hbm>>) dst(%dma_wait3A_1540 : memref<128xf32, #tpu.memory_space<vmem>>)
    %dma_wait3A_1546 = arith.constant 12 : i32
    %dma_wait3A_1547 = arith.constant 12 : i32
    %dma_wait3A_1548 = arith.constant 256 : i32
    %dma_wait3A_1549 = tpu.memref_slice %arg36[%dma_wait3A_1547, %dma_wait3A_1548] : memref<26x512xf32, #tpu.memory_space<vmem>> -> memref<1x128xf32, #tpu.memory_space<vmem>>
    %dma_wait3A_1550 = tpu.memref_squeeze %dma_wait3A_1549 : memref<1x128xf32, #tpu.memory_space<vmem>> -> memref<128xf32, #tpu.memory_space<vmem>>
    %dma_wait3A_1551 = arith.constant 256 : i32
    %dma_wait3A_1552 = tpu.memref_slice %arg35[%dma_wait3A_1546, %dma_wait3A_1551] : memref<26x512xi32, #tpu.memory_space<vmem>> -> memref<1x128xi32, #tpu.memory_space<vmem>>
    %dma_wait3A_1553 = tpu.memref_squeeze %dma_wait3A_1552 : memref<1x128xi32, #tpu.memory_space<vmem>> -> memref<128xi32, #tpu.memory_space<vmem>>
    %dma_wait3A_1554 = arith.constant 0 : i32
    %dma_wait3A_1555 = tpu.memref_slice %arg17[%dma_wait3A_1554] : memref<1000000xf32, #tpu.memory_space<hbm>> -> memref<1000000xf32, #tpu.memory_space<hbm>>
    tpu.wait_indirect_dma semaphore(%arg38 : memref<!tpu.dma_semaphore, #tpu.memory_space<semaphore_mem>>) src(%dma_wait3A_1555 : memref<1000000xf32, #tpu.memory_space<hbm>>) dst(%dma_wait3A_1550 : memref<128xf32, #tpu.memory_space<vmem>>)
    %dma_wait3A_1556 = arith.constant 12 : i32
    %dma_wait3A_1557 = arith.constant 12 : i32
    %dma_wait3A_1558 = arith.constant 384 : i32
    %dma_wait3A_1559 = tpu.memref_slice %arg36[%dma_wait3A_1557, %dma_wait3A_1558] : memref<26x512xf32, #tpu.memory_space<vmem>> -> memref<1x128xf32, #tpu.memory_space<vmem>>
    %dma_wait3A_1560 = tpu.memref_squeeze %dma_wait3A_1559 : memref<1x128xf32, #tpu.memory_space<vmem>> -> memref<128xf32, #tpu.memory_space<vmem>>
    %dma_wait3A_1561 = arith.constant 384 : i32
    %dma_wait3A_1562 = tpu.memref_slice %arg35[%dma_wait3A_1556, %dma_wait3A_1561] : memref<26x512xi32, #tpu.memory_space<vmem>> -> memref<1x128xi32, #tpu.memory_space<vmem>>
    %dma_wait3A_1563 = tpu.memref_squeeze %dma_wait3A_1562 : memref<1x128xi32, #tpu.memory_space<vmem>> -> memref<128xi32, #tpu.memory_space<vmem>>
    %dma_wait3A_1564 = arith.constant 0 : i32
    %dma_wait3A_1565 = tpu.memref_slice %arg17[%dma_wait3A_1564] : memref<1000000xf32, #tpu.memory_space<hbm>> -> memref<1000000xf32, #tpu.memory_space<hbm>>
    tpu.wait_indirect_dma semaphore(%arg38 : memref<!tpu.dma_semaphore, #tpu.memory_space<semaphore_mem>>) src(%dma_wait3A_1565 : memref<1000000xf32, #tpu.memory_space<hbm>>) dst(%dma_wait3A_1560 : memref<128xf32, #tpu.memory_space<vmem>>)
    %dma_wait3A_1566 = arith.constant 13 : i32
    %dma_wait3A_1567 = arith.constant 13 : i32
    %dma_wait3A_1568 = arith.constant 0 : i32
    %dma_wait3A_1569 = tpu.memref_slice %arg36[%dma_wait3A_1567, %dma_wait3A_1568] : memref<26x512xf32, #tpu.memory_space<vmem>> -> memref<1x128xf32, #tpu.memory_space<vmem>>
    %dma_wait3A_1570 = tpu.memref_squeeze %dma_wait3A_1569 : memref<1x128xf32, #tpu.memory_space<vmem>> -> memref<128xf32, #tpu.memory_space<vmem>>
    %dma_wait3A_1571 = arith.constant 0 : i32
    %dma_wait3A_1572 = tpu.memref_slice %arg35[%dma_wait3A_1566, %dma_wait3A_1571] : memref<26x512xi32, #tpu.memory_space<vmem>> -> memref<1x128xi32, #tpu.memory_space<vmem>>
    %dma_wait3A_1573 = tpu.memref_squeeze %dma_wait3A_1572 : memref<1x128xi32, #tpu.memory_space<vmem>> -> memref<128xi32, #tpu.memory_space<vmem>>
    %dma_wait3A_1574 = arith.constant 0 : i32
    %dma_wait3A_1575 = tpu.memref_slice %arg18[%dma_wait3A_1574] : memref<1000000xf32, #tpu.memory_space<hbm>> -> memref<1000000xf32, #tpu.memory_space<hbm>>
    tpu.wait_indirect_dma semaphore(%arg38 : memref<!tpu.dma_semaphore, #tpu.memory_space<semaphore_mem>>) src(%dma_wait3A_1575 : memref<1000000xf32, #tpu.memory_space<hbm>>) dst(%dma_wait3A_1570 : memref<128xf32, #tpu.memory_space<vmem>>)
    %dma_wait3A_1576 = arith.constant 13 : i32
    %dma_wait3A_1577 = arith.constant 13 : i32
    %dma_wait3A_1578 = arith.constant 128 : i32
    %dma_wait3A_1579 = tpu.memref_slice %arg36[%dma_wait3A_1577, %dma_wait3A_1578] : memref<26x512xf32, #tpu.memory_space<vmem>> -> memref<1x128xf32, #tpu.memory_space<vmem>>
    %dma_wait3A_1580 = tpu.memref_squeeze %dma_wait3A_1579 : memref<1x128xf32, #tpu.memory_space<vmem>> -> memref<128xf32, #tpu.memory_space<vmem>>
    %dma_wait3A_1581 = arith.constant 128 : i32
    %dma_wait3A_1582 = tpu.memref_slice %arg35[%dma_wait3A_1576, %dma_wait3A_1581] : memref<26x512xi32, #tpu.memory_space<vmem>> -> memref<1x128xi32, #tpu.memory_space<vmem>>
    %dma_wait3A_1583 = tpu.memref_squeeze %dma_wait3A_1582 : memref<1x128xi32, #tpu.memory_space<vmem>> -> memref<128xi32, #tpu.memory_space<vmem>>
    %dma_wait3A_1584 = arith.constant 0 : i32
    %dma_wait3A_1585 = tpu.memref_slice %arg18[%dma_wait3A_1584] : memref<1000000xf32, #tpu.memory_space<hbm>> -> memref<1000000xf32, #tpu.memory_space<hbm>>
    tpu.wait_indirect_dma semaphore(%arg38 : memref<!tpu.dma_semaphore, #tpu.memory_space<semaphore_mem>>) src(%dma_wait3A_1585 : memref<1000000xf32, #tpu.memory_space<hbm>>) dst(%dma_wait3A_1580 : memref<128xf32, #tpu.memory_space<vmem>>)
    %dma_wait3A_1586 = arith.constant 13 : i32
    %dma_wait3A_1587 = arith.constant 13 : i32
    %dma_wait3A_1588 = arith.constant 256 : i32
    %dma_wait3A_1589 = tpu.memref_slice %arg36[%dma_wait3A_1587, %dma_wait3A_1588] : memref<26x512xf32, #tpu.memory_space<vmem>> -> memref<1x128xf32, #tpu.memory_space<vmem>>
    %dma_wait3A_1590 = tpu.memref_squeeze %dma_wait3A_1589 : memref<1x128xf32, #tpu.memory_space<vmem>> -> memref<128xf32, #tpu.memory_space<vmem>>
    %dma_wait3A_1591 = arith.constant 256 : i32
    %dma_wait3A_1592 = tpu.memref_slice %arg35[%dma_wait3A_1586, %dma_wait3A_1591] : memref<26x512xi32, #tpu.memory_space<vmem>> -> memref<1x128xi32, #tpu.memory_space<vmem>>
    %dma_wait3A_1593 = tpu.memref_squeeze %dma_wait3A_1592 : memref<1x128xi32, #tpu.memory_space<vmem>> -> memref<128xi32, #tpu.memory_space<vmem>>
    %dma_wait3A_1594 = arith.constant 0 : i32
    %dma_wait3A_1595 = tpu.memref_slice %arg18[%dma_wait3A_1594] : memref<1000000xf32, #tpu.memory_space<hbm>> -> memref<1000000xf32, #tpu.memory_space<hbm>>
    tpu.wait_indirect_dma semaphore(%arg38 : memref<!tpu.dma_semaphore, #tpu.memory_space<semaphore_mem>>) src(%dma_wait3A_1595 : memref<1000000xf32, #tpu.memory_space<hbm>>) dst(%dma_wait3A_1590 : memref<128xf32, #tpu.memory_space<vmem>>)
    %dma_wait3A_1596 = arith.constant 13 : i32
    %dma_wait3A_1597 = arith.constant 13 : i32
    %dma_wait3A_1598 = arith.constant 384 : i32
    %dma_wait3A_1599 = tpu.memref_slice %arg36[%dma_wait3A_1597, %dma_wait3A_1598] : memref<26x512xf32, #tpu.memory_space<vmem>> -> memref<1x128xf32, #tpu.memory_space<vmem>>
    %dma_wait3A_1600 = tpu.memref_squeeze %dma_wait3A_1599 : memref<1x128xf32, #tpu.memory_space<vmem>> -> memref<128xf32, #tpu.memory_space<vmem>>
    %dma_wait3A_1601 = arith.constant 384 : i32
    %dma_wait3A_1602 = tpu.memref_slice %arg35[%dma_wait3A_1596, %dma_wait3A_1601] : memref<26x512xi32, #tpu.memory_space<vmem>> -> memref<1x128xi32, #tpu.memory_space<vmem>>
    %dma_wait3A_1603 = tpu.memref_squeeze %dma_wait3A_1602 : memref<1x128xi32, #tpu.memory_space<vmem>> -> memref<128xi32, #tpu.memory_space<vmem>>
    %dma_wait3A_1604 = arith.constant 0 : i32
    %dma_wait3A_1605 = tpu.memref_slice %arg18[%dma_wait3A_1604] : memref<1000000xf32, #tpu.memory_space<hbm>> -> memref<1000000xf32, #tpu.memory_space<hbm>>
    tpu.wait_indirect_dma semaphore(%arg38 : memref<!tpu.dma_semaphore, #tpu.memory_space<semaphore_mem>>) src(%dma_wait3A_1605 : memref<1000000xf32, #tpu.memory_space<hbm>>) dst(%dma_wait3A_1600 : memref<128xf32, #tpu.memory_space<vmem>>)
    %dma_wait3A_1606 = arith.constant 14 : i32
    %dma_wait3A_1607 = arith.constant 14 : i32
    %dma_wait3A_1608 = arith.constant 0 : i32
    %dma_wait3A_1609 = tpu.memref_slice %arg36[%dma_wait3A_1607, %dma_wait3A_1608] : memref<26x512xf32, #tpu.memory_space<vmem>> -> memref<1x128xf32, #tpu.memory_space<vmem>>
    %dma_wait3A_1610 = tpu.memref_squeeze %dma_wait3A_1609 : memref<1x128xf32, #tpu.memory_space<vmem>> -> memref<128xf32, #tpu.memory_space<vmem>>
    %dma_wait3A_1611 = arith.constant 0 : i32
    %dma_wait3A_1612 = tpu.memref_slice %arg35[%dma_wait3A_1606, %dma_wait3A_1611] : memref<26x512xi32, #tpu.memory_space<vmem>> -> memref<1x128xi32, #tpu.memory_space<vmem>>
    %dma_wait3A_1613 = tpu.memref_squeeze %dma_wait3A_1612 : memref<1x128xi32, #tpu.memory_space<vmem>> -> memref<128xi32, #tpu.memory_space<vmem>>
    %dma_wait3A_1614 = arith.constant 0 : i32
    %dma_wait3A_1615 = tpu.memref_slice %arg19[%dma_wait3A_1614] : memref<1000000xf32, #tpu.memory_space<hbm>> -> memref<1000000xf32, #tpu.memory_space<hbm>>
    tpu.wait_indirect_dma semaphore(%arg38 : memref<!tpu.dma_semaphore, #tpu.memory_space<semaphore_mem>>) src(%dma_wait3A_1615 : memref<1000000xf32, #tpu.memory_space<hbm>>) dst(%dma_wait3A_1610 : memref<128xf32, #tpu.memory_space<vmem>>)
    %dma_wait3A_1616 = arith.constant 14 : i32
    %dma_wait3A_1617 = arith.constant 14 : i32
    %dma_wait3A_1618 = arith.constant 128 : i32
    %dma_wait3A_1619 = tpu.memref_slice %arg36[%dma_wait3A_1617, %dma_wait3A_1618] : memref<26x512xf32, #tpu.memory_space<vmem>> -> memref<1x128xf32, #tpu.memory_space<vmem>>
    %dma_wait3A_1620 = tpu.memref_squeeze %dma_wait3A_1619 : memref<1x128xf32, #tpu.memory_space<vmem>> -> memref<128xf32, #tpu.memory_space<vmem>>
    %dma_wait3A_1621 = arith.constant 128 : i32
    %dma_wait3A_1622 = tpu.memref_slice %arg35[%dma_wait3A_1616, %dma_wait3A_1621] : memref<26x512xi32, #tpu.memory_space<vmem>> -> memref<1x128xi32, #tpu.memory_space<vmem>>
    %dma_wait3A_1623 = tpu.memref_squeeze %dma_wait3A_1622 : memref<1x128xi32, #tpu.memory_space<vmem>> -> memref<128xi32, #tpu.memory_space<vmem>>
    %dma_wait3A_1624 = arith.constant 0 : i32
    %dma_wait3A_1625 = tpu.memref_slice %arg19[%dma_wait3A_1624] : memref<1000000xf32, #tpu.memory_space<hbm>> -> memref<1000000xf32, #tpu.memory_space<hbm>>
    tpu.wait_indirect_dma semaphore(%arg38 : memref<!tpu.dma_semaphore, #tpu.memory_space<semaphore_mem>>) src(%dma_wait3A_1625 : memref<1000000xf32, #tpu.memory_space<hbm>>) dst(%dma_wait3A_1620 : memref<128xf32, #tpu.memory_space<vmem>>)
    %dma_wait3A_1626 = arith.constant 14 : i32
    %dma_wait3A_1627 = arith.constant 14 : i32
    %dma_wait3A_1628 = arith.constant 256 : i32
    %dma_wait3A_1629 = tpu.memref_slice %arg36[%dma_wait3A_1627, %dma_wait3A_1628] : memref<26x512xf32, #tpu.memory_space<vmem>> -> memref<1x128xf32, #tpu.memory_space<vmem>>
    %dma_wait3A_1630 = tpu.memref_squeeze %dma_wait3A_1629 : memref<1x128xf32, #tpu.memory_space<vmem>> -> memref<128xf32, #tpu.memory_space<vmem>>
    %dma_wait3A_1631 = arith.constant 256 : i32
    %dma_wait3A_1632 = tpu.memref_slice %arg35[%dma_wait3A_1626, %dma_wait3A_1631] : memref<26x512xi32, #tpu.memory_space<vmem>> -> memref<1x128xi32, #tpu.memory_space<vmem>>
    %dma_wait3A_1633 = tpu.memref_squeeze %dma_wait3A_1632 : memref<1x128xi32, #tpu.memory_space<vmem>> -> memref<128xi32, #tpu.memory_space<vmem>>
    %dma_wait3A_1634 = arith.constant 0 : i32
    %dma_wait3A_1635 = tpu.memref_slice %arg19[%dma_wait3A_1634] : memref<1000000xf32, #tpu.memory_space<hbm>> -> memref<1000000xf32, #tpu.memory_space<hbm>>
    tpu.wait_indirect_dma semaphore(%arg38 : memref<!tpu.dma_semaphore, #tpu.memory_space<semaphore_mem>>) src(%dma_wait3A_1635 : memref<1000000xf32, #tpu.memory_space<hbm>>) dst(%dma_wait3A_1630 : memref<128xf32, #tpu.memory_space<vmem>>)
    %dma_wait3A_1636 = arith.constant 14 : i32
    %dma_wait3A_1637 = arith.constant 14 : i32
    %dma_wait3A_1638 = arith.constant 384 : i32
    %dma_wait3A_1639 = tpu.memref_slice %arg36[%dma_wait3A_1637, %dma_wait3A_1638] : memref<26x512xf32, #tpu.memory_space<vmem>> -> memref<1x128xf32, #tpu.memory_space<vmem>>
    %dma_wait3A_1640 = tpu.memref_squeeze %dma_wait3A_1639 : memref<1x128xf32, #tpu.memory_space<vmem>> -> memref<128xf32, #tpu.memory_space<vmem>>
    %dma_wait3A_1641 = arith.constant 384 : i32
    %dma_wait3A_1642 = tpu.memref_slice %arg35[%dma_wait3A_1636, %dma_wait3A_1641] : memref<26x512xi32, #tpu.memory_space<vmem>> -> memref<1x128xi32, #tpu.memory_space<vmem>>
    %dma_wait3A_1643 = tpu.memref_squeeze %dma_wait3A_1642 : memref<1x128xi32, #tpu.memory_space<vmem>> -> memref<128xi32, #tpu.memory_space<vmem>>
    %dma_wait3A_1644 = arith.constant 0 : i32
    %dma_wait3A_1645 = tpu.memref_slice %arg19[%dma_wait3A_1644] : memref<1000000xf32, #tpu.memory_space<hbm>> -> memref<1000000xf32, #tpu.memory_space<hbm>>
    tpu.wait_indirect_dma semaphore(%arg38 : memref<!tpu.dma_semaphore, #tpu.memory_space<semaphore_mem>>) src(%dma_wait3A_1645 : memref<1000000xf32, #tpu.memory_space<hbm>>) dst(%dma_wait3A_1640 : memref<128xf32, #tpu.memory_space<vmem>>)
    %dma_wait3A_1646 = arith.constant 15 : i32
    %dma_wait3A_1647 = arith.constant 15 : i32
    %dma_wait3A_1648 = arith.constant 0 : i32
    %dma_wait3A_1649 = tpu.memref_slice %arg36[%dma_wait3A_1647, %dma_wait3A_1648] : memref<26x512xf32, #tpu.memory_space<vmem>> -> memref<1x128xf32, #tpu.memory_space<vmem>>
    %dma_wait3A_1650 = tpu.memref_squeeze %dma_wait3A_1649 : memref<1x128xf32, #tpu.memory_space<vmem>> -> memref<128xf32, #tpu.memory_space<vmem>>
    %dma_wait3A_1651 = arith.constant 0 : i32
    %dma_wait3A_1652 = tpu.memref_slice %arg35[%dma_wait3A_1646, %dma_wait3A_1651] : memref<26x512xi32, #tpu.memory_space<vmem>> -> memref<1x128xi32, #tpu.memory_space<vmem>>
    %dma_wait3A_1653 = tpu.memref_squeeze %dma_wait3A_1652 : memref<1x128xi32, #tpu.memory_space<vmem>> -> memref<128xi32, #tpu.memory_space<vmem>>
    %dma_wait3A_1654 = arith.constant 0 : i32
    %dma_wait3A_1655 = tpu.memref_slice %arg20[%dma_wait3A_1654] : memref<1000000xf32, #tpu.memory_space<hbm>> -> memref<1000000xf32, #tpu.memory_space<hbm>>
    tpu.wait_indirect_dma semaphore(%arg38 : memref<!tpu.dma_semaphore, #tpu.memory_space<semaphore_mem>>) src(%dma_wait3A_1655 : memref<1000000xf32, #tpu.memory_space<hbm>>) dst(%dma_wait3A_1650 : memref<128xf32, #tpu.memory_space<vmem>>)
    %dma_wait3A_1656 = arith.constant 15 : i32
    %dma_wait3A_1657 = arith.constant 15 : i32
    %dma_wait3A_1658 = arith.constant 128 : i32
    %dma_wait3A_1659 = tpu.memref_slice %arg36[%dma_wait3A_1657, %dma_wait3A_1658] : memref<26x512xf32, #tpu.memory_space<vmem>> -> memref<1x128xf32, #tpu.memory_space<vmem>>
    %dma_wait3A_1660 = tpu.memref_squeeze %dma_wait3A_1659 : memref<1x128xf32, #tpu.memory_space<vmem>> -> memref<128xf32, #tpu.memory_space<vmem>>
    %dma_wait3A_1661 = arith.constant 128 : i32
    %dma_wait3A_1662 = tpu.memref_slice %arg35[%dma_wait3A_1656, %dma_wait3A_1661] : memref<26x512xi32, #tpu.memory_space<vmem>> -> memref<1x128xi32, #tpu.memory_space<vmem>>
    %dma_wait3A_1663 = tpu.memref_squeeze %dma_wait3A_1662 : memref<1x128xi32, #tpu.memory_space<vmem>> -> memref<128xi32, #tpu.memory_space<vmem>>
    %dma_wait3A_1664 = arith.constant 0 : i32
    %dma_wait3A_1665 = tpu.memref_slice %arg20[%dma_wait3A_1664] : memref<1000000xf32, #tpu.memory_space<hbm>> -> memref<1000000xf32, #tpu.memory_space<hbm>>
    tpu.wait_indirect_dma semaphore(%arg38 : memref<!tpu.dma_semaphore, #tpu.memory_space<semaphore_mem>>) src(%dma_wait3A_1665 : memref<1000000xf32, #tpu.memory_space<hbm>>) dst(%dma_wait3A_1660 : memref<128xf32, #tpu.memory_space<vmem>>)
    %dma_wait3A_1666 = arith.constant 15 : i32
    %dma_wait3A_1667 = arith.constant 15 : i32
    %dma_wait3A_1668 = arith.constant 256 : i32
    %dma_wait3A_1669 = tpu.memref_slice %arg36[%dma_wait3A_1667, %dma_wait3A_1668] : memref<26x512xf32, #tpu.memory_space<vmem>> -> memref<1x128xf32, #tpu.memory_space<vmem>>
    %dma_wait3A_1670 = tpu.memref_squeeze %dma_wait3A_1669 : memref<1x128xf32, #tpu.memory_space<vmem>> -> memref<128xf32, #tpu.memory_space<vmem>>
    %dma_wait3A_1671 = arith.constant 256 : i32
    %dma_wait3A_1672 = tpu.memref_slice %arg35[%dma_wait3A_1666, %dma_wait3A_1671] : memref<26x512xi32, #tpu.memory_space<vmem>> -> memref<1x128xi32, #tpu.memory_space<vmem>>
    %dma_wait3A_1673 = tpu.memref_squeeze %dma_wait3A_1672 : memref<1x128xi32, #tpu.memory_space<vmem>> -> memref<128xi32, #tpu.memory_space<vmem>>
    %dma_wait3A_1674 = arith.constant 0 : i32
    %dma_wait3A_1675 = tpu.memref_slice %arg20[%dma_wait3A_1674] : memref<1000000xf32, #tpu.memory_space<hbm>> -> memref<1000000xf32, #tpu.memory_space<hbm>>
    tpu.wait_indirect_dma semaphore(%arg38 : memref<!tpu.dma_semaphore, #tpu.memory_space<semaphore_mem>>) src(%dma_wait3A_1675 : memref<1000000xf32, #tpu.memory_space<hbm>>) dst(%dma_wait3A_1670 : memref<128xf32, #tpu.memory_space<vmem>>)
    %dma_wait3A_1676 = arith.constant 15 : i32
    %dma_wait3A_1677 = arith.constant 15 : i32
    %dma_wait3A_1678 = arith.constant 384 : i32
    %dma_wait3A_1679 = tpu.memref_slice %arg36[%dma_wait3A_1677, %dma_wait3A_1678] : memref<26x512xf32, #tpu.memory_space<vmem>> -> memref<1x128xf32, #tpu.memory_space<vmem>>
    %dma_wait3A_1680 = tpu.memref_squeeze %dma_wait3A_1679 : memref<1x128xf32, #tpu.memory_space<vmem>> -> memref<128xf32, #tpu.memory_space<vmem>>
    %dma_wait3A_1681 = arith.constant 384 : i32
    %dma_wait3A_1682 = tpu.memref_slice %arg35[%dma_wait3A_1676, %dma_wait3A_1681] : memref<26x512xi32, #tpu.memory_space<vmem>> -> memref<1x128xi32, #tpu.memory_space<vmem>>
    %dma_wait3A_1683 = tpu.memref_squeeze %dma_wait3A_1682 : memref<1x128xi32, #tpu.memory_space<vmem>> -> memref<128xi32, #tpu.memory_space<vmem>>
    %dma_wait3A_1684 = arith.constant 0 : i32
    %dma_wait3A_1685 = tpu.memref_slice %arg20[%dma_wait3A_1684] : memref<1000000xf32, #tpu.memory_space<hbm>> -> memref<1000000xf32, #tpu.memory_space<hbm>>
    tpu.wait_indirect_dma semaphore(%arg38 : memref<!tpu.dma_semaphore, #tpu.memory_space<semaphore_mem>>) src(%dma_wait3A_1685 : memref<1000000xf32, #tpu.memory_space<hbm>>) dst(%dma_wait3A_1680 : memref<128xf32, #tpu.memory_space<vmem>>)
    %dma_wait3A_1686 = arith.constant 16 : i32
    %dma_wait3A_1687 = arith.constant 16 : i32
    %dma_wait3A_1688 = arith.constant 0 : i32
    %dma_wait3A_1689 = tpu.memref_slice %arg36[%dma_wait3A_1687, %dma_wait3A_1688] : memref<26x512xf32, #tpu.memory_space<vmem>> -> memref<1x128xf32, #tpu.memory_space<vmem>>
    %dma_wait3A_1690 = tpu.memref_squeeze %dma_wait3A_1689 : memref<1x128xf32, #tpu.memory_space<vmem>> -> memref<128xf32, #tpu.memory_space<vmem>>
    %dma_wait3A_1691 = arith.constant 0 : i32
    %dma_wait3A_1692 = tpu.memref_slice %arg35[%dma_wait3A_1686, %dma_wait3A_1691] : memref<26x512xi32, #tpu.memory_space<vmem>> -> memref<1x128xi32, #tpu.memory_space<vmem>>
    %dma_wait3A_1693 = tpu.memref_squeeze %dma_wait3A_1692 : memref<1x128xi32, #tpu.memory_space<vmem>> -> memref<128xi32, #tpu.memory_space<vmem>>
    %dma_wait3A_1694 = arith.constant 0 : i32
    %dma_wait3A_1695 = tpu.memref_slice %arg21[%dma_wait3A_1694] : memref<1000000xf32, #tpu.memory_space<hbm>> -> memref<1000000xf32, #tpu.memory_space<hbm>>
    tpu.wait_indirect_dma semaphore(%arg38 : memref<!tpu.dma_semaphore, #tpu.memory_space<semaphore_mem>>) src(%dma_wait3A_1695 : memref<1000000xf32, #tpu.memory_space<hbm>>) dst(%dma_wait3A_1690 : memref<128xf32, #tpu.memory_space<vmem>>)
    %dma_wait3A_1696 = arith.constant 16 : i32
    %dma_wait3A_1697 = arith.constant 16 : i32
    %dma_wait3A_1698 = arith.constant 128 : i32
    %dma_wait3A_1699 = tpu.memref_slice %arg36[%dma_wait3A_1697, %dma_wait3A_1698] : memref<26x512xf32, #tpu.memory_space<vmem>> -> memref<1x128xf32, #tpu.memory_space<vmem>>
    %dma_wait3A_1700 = tpu.memref_squeeze %dma_wait3A_1699 : memref<1x128xf32, #tpu.memory_space<vmem>> -> memref<128xf32, #tpu.memory_space<vmem>>
    %dma_wait3A_1701 = arith.constant 128 : i32
    %dma_wait3A_1702 = tpu.memref_slice %arg35[%dma_wait3A_1696, %dma_wait3A_1701] : memref<26x512xi32, #tpu.memory_space<vmem>> -> memref<1x128xi32, #tpu.memory_space<vmem>>
    %dma_wait3A_1703 = tpu.memref_squeeze %dma_wait3A_1702 : memref<1x128xi32, #tpu.memory_space<vmem>> -> memref<128xi32, #tpu.memory_space<vmem>>
    %dma_wait3A_1704 = arith.constant 0 : i32
    %dma_wait3A_1705 = tpu.memref_slice %arg21[%dma_wait3A_1704] : memref<1000000xf32, #tpu.memory_space<hbm>> -> memref<1000000xf32, #tpu.memory_space<hbm>>
    tpu.wait_indirect_dma semaphore(%arg38 : memref<!tpu.dma_semaphore, #tpu.memory_space<semaphore_mem>>) src(%dma_wait3A_1705 : memref<1000000xf32, #tpu.memory_space<hbm>>) dst(%dma_wait3A_1700 : memref<128xf32, #tpu.memory_space<vmem>>)
    %dma_wait3A_1706 = arith.constant 16 : i32
    %dma_wait3A_1707 = arith.constant 16 : i32
    %dma_wait3A_1708 = arith.constant 256 : i32
    %dma_wait3A_1709 = tpu.memref_slice %arg36[%dma_wait3A_1707, %dma_wait3A_1708] : memref<26x512xf32, #tpu.memory_space<vmem>> -> memref<1x128xf32, #tpu.memory_space<vmem>>
    %dma_wait3A_1710 = tpu.memref_squeeze %dma_wait3A_1709 : memref<1x128xf32, #tpu.memory_space<vmem>> -> memref<128xf32, #tpu.memory_space<vmem>>
    %dma_wait3A_1711 = arith.constant 256 : i32
    %dma_wait3A_1712 = tpu.memref_slice %arg35[%dma_wait3A_1706, %dma_wait3A_1711] : memref<26x512xi32, #tpu.memory_space<vmem>> -> memref<1x128xi32, #tpu.memory_space<vmem>>
    %dma_wait3A_1713 = tpu.memref_squeeze %dma_wait3A_1712 : memref<1x128xi32, #tpu.memory_space<vmem>> -> memref<128xi32, #tpu.memory_space<vmem>>
    %dma_wait3A_1714 = arith.constant 0 : i32
    %dma_wait3A_1715 = tpu.memref_slice %arg21[%dma_wait3A_1714] : memref<1000000xf32, #tpu.memory_space<hbm>> -> memref<1000000xf32, #tpu.memory_space<hbm>>
    tpu.wait_indirect_dma semaphore(%arg38 : memref<!tpu.dma_semaphore, #tpu.memory_space<semaphore_mem>>) src(%dma_wait3A_1715 : memref<1000000xf32, #tpu.memory_space<hbm>>) dst(%dma_wait3A_1710 : memref<128xf32, #tpu.memory_space<vmem>>)
    %dma_wait3A_1716 = arith.constant 16 : i32
    %dma_wait3A_1717 = arith.constant 16 : i32
    %dma_wait3A_1718 = arith.constant 384 : i32
    %dma_wait3A_1719 = tpu.memref_slice %arg36[%dma_wait3A_1717, %dma_wait3A_1718] : memref<26x512xf32, #tpu.memory_space<vmem>> -> memref<1x128xf32, #tpu.memory_space<vmem>>
    %dma_wait3A_1720 = tpu.memref_squeeze %dma_wait3A_1719 : memref<1x128xf32, #tpu.memory_space<vmem>> -> memref<128xf32, #tpu.memory_space<vmem>>
    %dma_wait3A_1721 = arith.constant 384 : i32
    %dma_wait3A_1722 = tpu.memref_slice %arg35[%dma_wait3A_1716, %dma_wait3A_1721] : memref<26x512xi32, #tpu.memory_space<vmem>> -> memref<1x128xi32, #tpu.memory_space<vmem>>
    %dma_wait3A_1723 = tpu.memref_squeeze %dma_wait3A_1722 : memref<1x128xi32, #tpu.memory_space<vmem>> -> memref<128xi32, #tpu.memory_space<vmem>>
    %dma_wait3A_1724 = arith.constant 0 : i32
    %dma_wait3A_1725 = tpu.memref_slice %arg21[%dma_wait3A_1724] : memref<1000000xf32, #tpu.memory_space<hbm>> -> memref<1000000xf32, #tpu.memory_space<hbm>>
    tpu.wait_indirect_dma semaphore(%arg38 : memref<!tpu.dma_semaphore, #tpu.memory_space<semaphore_mem>>) src(%dma_wait3A_1725 : memref<1000000xf32, #tpu.memory_space<hbm>>) dst(%dma_wait3A_1720 : memref<128xf32, #tpu.memory_space<vmem>>)
    %dma_wait3A_1726 = arith.constant 17 : i32
    %dma_wait3A_1727 = arith.constant 17 : i32
    %dma_wait3A_1728 = arith.constant 0 : i32
    %dma_wait3A_1729 = tpu.memref_slice %arg36[%dma_wait3A_1727, %dma_wait3A_1728] : memref<26x512xf32, #tpu.memory_space<vmem>> -> memref<1x128xf32, #tpu.memory_space<vmem>>
    %dma_wait3A_1730 = tpu.memref_squeeze %dma_wait3A_1729 : memref<1x128xf32, #tpu.memory_space<vmem>> -> memref<128xf32, #tpu.memory_space<vmem>>
    %dma_wait3A_1731 = arith.constant 0 : i32
    %dma_wait3A_1732 = tpu.memref_slice %arg35[%dma_wait3A_1726, %dma_wait3A_1731] : memref<26x512xi32, #tpu.memory_space<vmem>> -> memref<1x128xi32, #tpu.memory_space<vmem>>
    %dma_wait3A_1733 = tpu.memref_squeeze %dma_wait3A_1732 : memref<1x128xi32, #tpu.memory_space<vmem>> -> memref<128xi32, #tpu.memory_space<vmem>>
    %dma_wait3A_1734 = arith.constant 0 : i32
    %dma_wait3A_1735 = tpu.memref_slice %arg22[%dma_wait3A_1734] : memref<1000000xf32, #tpu.memory_space<hbm>> -> memref<1000000xf32, #tpu.memory_space<hbm>>
    tpu.wait_indirect_dma semaphore(%arg38 : memref<!tpu.dma_semaphore, #tpu.memory_space<semaphore_mem>>) src(%dma_wait3A_1735 : memref<1000000xf32, #tpu.memory_space<hbm>>) dst(%dma_wait3A_1730 : memref<128xf32, #tpu.memory_space<vmem>>)
    %dma_wait3A_1736 = arith.constant 17 : i32
    %dma_wait3A_1737 = arith.constant 17 : i32
    %dma_wait3A_1738 = arith.constant 128 : i32
    %dma_wait3A_1739 = tpu.memref_slice %arg36[%dma_wait3A_1737, %dma_wait3A_1738] : memref<26x512xf32, #tpu.memory_space<vmem>> -> memref<1x128xf32, #tpu.memory_space<vmem>>
    %dma_wait3A_1740 = tpu.memref_squeeze %dma_wait3A_1739 : memref<1x128xf32, #tpu.memory_space<vmem>> -> memref<128xf32, #tpu.memory_space<vmem>>
    %dma_wait3A_1741 = arith.constant 128 : i32
    %dma_wait3A_1742 = tpu.memref_slice %arg35[%dma_wait3A_1736, %dma_wait3A_1741] : memref<26x512xi32, #tpu.memory_space<vmem>> -> memref<1x128xi32, #tpu.memory_space<vmem>>
    %dma_wait3A_1743 = tpu.memref_squeeze %dma_wait3A_1742 : memref<1x128xi32, #tpu.memory_space<vmem>> -> memref<128xi32, #tpu.memory_space<vmem>>
    %dma_wait3A_1744 = arith.constant 0 : i32
    %dma_wait3A_1745 = tpu.memref_slice %arg22[%dma_wait3A_1744] : memref<1000000xf32, #tpu.memory_space<hbm>> -> memref<1000000xf32, #tpu.memory_space<hbm>>
    tpu.wait_indirect_dma semaphore(%arg38 : memref<!tpu.dma_semaphore, #tpu.memory_space<semaphore_mem>>) src(%dma_wait3A_1745 : memref<1000000xf32, #tpu.memory_space<hbm>>) dst(%dma_wait3A_1740 : memref<128xf32, #tpu.memory_space<vmem>>)
    %dma_wait3A_1746 = arith.constant 17 : i32
    %dma_wait3A_1747 = arith.constant 17 : i32
    %dma_wait3A_1748 = arith.constant 256 : i32
    %dma_wait3A_1749 = tpu.memref_slice %arg36[%dma_wait3A_1747, %dma_wait3A_1748] : memref<26x512xf32, #tpu.memory_space<vmem>> -> memref<1x128xf32, #tpu.memory_space<vmem>>
    %dma_wait3A_1750 = tpu.memref_squeeze %dma_wait3A_1749 : memref<1x128xf32, #tpu.memory_space<vmem>> -> memref<128xf32, #tpu.memory_space<vmem>>
    %dma_wait3A_1751 = arith.constant 256 : i32
    %dma_wait3A_1752 = tpu.memref_slice %arg35[%dma_wait3A_1746, %dma_wait3A_1751] : memref<26x512xi32, #tpu.memory_space<vmem>> -> memref<1x128xi32, #tpu.memory_space<vmem>>
    %dma_wait3A_1753 = tpu.memref_squeeze %dma_wait3A_1752 : memref<1x128xi32, #tpu.memory_space<vmem>> -> memref<128xi32, #tpu.memory_space<vmem>>
    %dma_wait3A_1754 = arith.constant 0 : i32
    %dma_wait3A_1755 = tpu.memref_slice %arg22[%dma_wait3A_1754] : memref<1000000xf32, #tpu.memory_space<hbm>> -> memref<1000000xf32, #tpu.memory_space<hbm>>
    tpu.wait_indirect_dma semaphore(%arg38 : memref<!tpu.dma_semaphore, #tpu.memory_space<semaphore_mem>>) src(%dma_wait3A_1755 : memref<1000000xf32, #tpu.memory_space<hbm>>) dst(%dma_wait3A_1750 : memref<128xf32, #tpu.memory_space<vmem>>)
    %dma_wait3A_1756 = arith.constant 17 : i32
    %dma_wait3A_1757 = arith.constant 17 : i32
    %dma_wait3A_1758 = arith.constant 384 : i32
    %dma_wait3A_1759 = tpu.memref_slice %arg36[%dma_wait3A_1757, %dma_wait3A_1758] : memref<26x512xf32, #tpu.memory_space<vmem>> -> memref<1x128xf32, #tpu.memory_space<vmem>>
    %dma_wait3A_1760 = tpu.memref_squeeze %dma_wait3A_1759 : memref<1x128xf32, #tpu.memory_space<vmem>> -> memref<128xf32, #tpu.memory_space<vmem>>
    %dma_wait3A_1761 = arith.constant 384 : i32
    %dma_wait3A_1762 = tpu.memref_slice %arg35[%dma_wait3A_1756, %dma_wait3A_1761] : memref<26x512xi32, #tpu.memory_space<vmem>> -> memref<1x128xi32, #tpu.memory_space<vmem>>
    %dma_wait3A_1763 = tpu.memref_squeeze %dma_wait3A_1762 : memref<1x128xi32, #tpu.memory_space<vmem>> -> memref<128xi32, #tpu.memory_space<vmem>>
    %dma_wait3A_1764 = arith.constant 0 : i32
    %dma_wait3A_1765 = tpu.memref_slice %arg22[%dma_wait3A_1764] : memref<1000000xf32, #tpu.memory_space<hbm>> -> memref<1000000xf32, #tpu.memory_space<hbm>>
    tpu.wait_indirect_dma semaphore(%arg38 : memref<!tpu.dma_semaphore, #tpu.memory_space<semaphore_mem>>) src(%dma_wait3A_1765 : memref<1000000xf32, #tpu.memory_space<hbm>>) dst(%dma_wait3A_1760 : memref<128xf32, #tpu.memory_space<vmem>>)
    %dma_wait3A_1766 = arith.constant 18 : i32
    %dma_wait3A_1767 = arith.constant 18 : i32
    %dma_wait3A_1768 = arith.constant 0 : i32
    %dma_wait3A_1769 = tpu.memref_slice %arg36[%dma_wait3A_1767, %dma_wait3A_1768] : memref<26x512xf32, #tpu.memory_space<vmem>> -> memref<1x128xf32, #tpu.memory_space<vmem>>
    %dma_wait3A_1770 = tpu.memref_squeeze %dma_wait3A_1769 : memref<1x128xf32, #tpu.memory_space<vmem>> -> memref<128xf32, #tpu.memory_space<vmem>>
    %dma_wait3A_1771 = arith.constant 0 : i32
    %dma_wait3A_1772 = tpu.memref_slice %arg35[%dma_wait3A_1766, %dma_wait3A_1771] : memref<26x512xi32, #tpu.memory_space<vmem>> -> memref<1x128xi32, #tpu.memory_space<vmem>>
    %dma_wait3A_1773 = tpu.memref_squeeze %dma_wait3A_1772 : memref<1x128xi32, #tpu.memory_space<vmem>> -> memref<128xi32, #tpu.memory_space<vmem>>
    %dma_wait3A_1774 = arith.constant 0 : i32
    %dma_wait3A_1775 = tpu.memref_slice %arg23[%dma_wait3A_1774] : memref<1000000xf32, #tpu.memory_space<hbm>> -> memref<1000000xf32, #tpu.memory_space<hbm>>
    tpu.wait_indirect_dma semaphore(%arg38 : memref<!tpu.dma_semaphore, #tpu.memory_space<semaphore_mem>>) src(%dma_wait3A_1775 : memref<1000000xf32, #tpu.memory_space<hbm>>) dst(%dma_wait3A_1770 : memref<128xf32, #tpu.memory_space<vmem>>)
    %dma_wait3A_1776 = arith.constant 18 : i32
    %dma_wait3A_1777 = arith.constant 18 : i32
    %dma_wait3A_1778 = arith.constant 128 : i32
    %dma_wait3A_1779 = tpu.memref_slice %arg36[%dma_wait3A_1777, %dma_wait3A_1778] : memref<26x512xf32, #tpu.memory_space<vmem>> -> memref<1x128xf32, #tpu.memory_space<vmem>>
    %dma_wait3A_1780 = tpu.memref_squeeze %dma_wait3A_1779 : memref<1x128xf32, #tpu.memory_space<vmem>> -> memref<128xf32, #tpu.memory_space<vmem>>
    %dma_wait3A_1781 = arith.constant 128 : i32
    %dma_wait3A_1782 = tpu.memref_slice %arg35[%dma_wait3A_1776, %dma_wait3A_1781] : memref<26x512xi32, #tpu.memory_space<vmem>> -> memref<1x128xi32, #tpu.memory_space<vmem>>
    %dma_wait3A_1783 = tpu.memref_squeeze %dma_wait3A_1782 : memref<1x128xi32, #tpu.memory_space<vmem>> -> memref<128xi32, #tpu.memory_space<vmem>>
    %dma_wait3A_1784 = arith.constant 0 : i32
    %dma_wait3A_1785 = tpu.memref_slice %arg23[%dma_wait3A_1784] : memref<1000000xf32, #tpu.memory_space<hbm>> -> memref<1000000xf32, #tpu.memory_space<hbm>>
    tpu.wait_indirect_dma semaphore(%arg38 : memref<!tpu.dma_semaphore, #tpu.memory_space<semaphore_mem>>) src(%dma_wait3A_1785 : memref<1000000xf32, #tpu.memory_space<hbm>>) dst(%dma_wait3A_1780 : memref<128xf32, #tpu.memory_space<vmem>>)
    %dma_wait3A_1786 = arith.constant 18 : i32
    %dma_wait3A_1787 = arith.constant 18 : i32
    %dma_wait3A_1788 = arith.constant 256 : i32
    %dma_wait3A_1789 = tpu.memref_slice %arg36[%dma_wait3A_1787, %dma_wait3A_1788] : memref<26x512xf32, #tpu.memory_space<vmem>> -> memref<1x128xf32, #tpu.memory_space<vmem>>
    %dma_wait3A_1790 = tpu.memref_squeeze %dma_wait3A_1789 : memref<1x128xf32, #tpu.memory_space<vmem>> -> memref<128xf32, #tpu.memory_space<vmem>>
    %dma_wait3A_1791 = arith.constant 256 : i32
    %dma_wait3A_1792 = tpu.memref_slice %arg35[%dma_wait3A_1786, %dma_wait3A_1791] : memref<26x512xi32, #tpu.memory_space<vmem>> -> memref<1x128xi32, #tpu.memory_space<vmem>>
    %dma_wait3A_1793 = tpu.memref_squeeze %dma_wait3A_1792 : memref<1x128xi32, #tpu.memory_space<vmem>> -> memref<128xi32, #tpu.memory_space<vmem>>
    %dma_wait3A_1794 = arith.constant 0 : i32
    %dma_wait3A_1795 = tpu.memref_slice %arg23[%dma_wait3A_1794] : memref<1000000xf32, #tpu.memory_space<hbm>> -> memref<1000000xf32, #tpu.memory_space<hbm>>
    tpu.wait_indirect_dma semaphore(%arg38 : memref<!tpu.dma_semaphore, #tpu.memory_space<semaphore_mem>>) src(%dma_wait3A_1795 : memref<1000000xf32, #tpu.memory_space<hbm>>) dst(%dma_wait3A_1790 : memref<128xf32, #tpu.memory_space<vmem>>)
    %dma_wait3A_1796 = arith.constant 18 : i32
    %dma_wait3A_1797 = arith.constant 18 : i32
    %dma_wait3A_1798 = arith.constant 384 : i32
    %dma_wait3A_1799 = tpu.memref_slice %arg36[%dma_wait3A_1797, %dma_wait3A_1798] : memref<26x512xf32, #tpu.memory_space<vmem>> -> memref<1x128xf32, #tpu.memory_space<vmem>>
    %dma_wait3A_1800 = tpu.memref_squeeze %dma_wait3A_1799 : memref<1x128xf32, #tpu.memory_space<vmem>> -> memref<128xf32, #tpu.memory_space<vmem>>
    %dma_wait3A_1801 = arith.constant 384 : i32
    %dma_wait3A_1802 = tpu.memref_slice %arg35[%dma_wait3A_1796, %dma_wait3A_1801] : memref<26x512xi32, #tpu.memory_space<vmem>> -> memref<1x128xi32, #tpu.memory_space<vmem>>
    %dma_wait3A_1803 = tpu.memref_squeeze %dma_wait3A_1802 : memref<1x128xi32, #tpu.memory_space<vmem>> -> memref<128xi32, #tpu.memory_space<vmem>>
    %dma_wait3A_1804 = arith.constant 0 : i32
    %dma_wait3A_1805 = tpu.memref_slice %arg23[%dma_wait3A_1804] : memref<1000000xf32, #tpu.memory_space<hbm>> -> memref<1000000xf32, #tpu.memory_space<hbm>>
    tpu.wait_indirect_dma semaphore(%arg38 : memref<!tpu.dma_semaphore, #tpu.memory_space<semaphore_mem>>) src(%dma_wait3A_1805 : memref<1000000xf32, #tpu.memory_space<hbm>>) dst(%dma_wait3A_1800 : memref<128xf32, #tpu.memory_space<vmem>>)
    %dma_wait3A_1806 = arith.constant 19 : i32
    %dma_wait3A_1807 = arith.constant 19 : i32
    %dma_wait3A_1808 = arith.constant 0 : i32
    %dma_wait3A_1809 = tpu.memref_slice %arg36[%dma_wait3A_1807, %dma_wait3A_1808] : memref<26x512xf32, #tpu.memory_space<vmem>> -> memref<1x128xf32, #tpu.memory_space<vmem>>
    %dma_wait3A_1810 = tpu.memref_squeeze %dma_wait3A_1809 : memref<1x128xf32, #tpu.memory_space<vmem>> -> memref<128xf32, #tpu.memory_space<vmem>>
    %dma_wait3A_1811 = arith.constant 0 : i32
    %dma_wait3A_1812 = tpu.memref_slice %arg35[%dma_wait3A_1806, %dma_wait3A_1811] : memref<26x512xi32, #tpu.memory_space<vmem>> -> memref<1x128xi32, #tpu.memory_space<vmem>>
    %dma_wait3A_1813 = tpu.memref_squeeze %dma_wait3A_1812 : memref<1x128xi32, #tpu.memory_space<vmem>> -> memref<128xi32, #tpu.memory_space<vmem>>
    %dma_wait3A_1814 = arith.constant 0 : i32
    %dma_wait3A_1815 = tpu.memref_slice %arg24[%dma_wait3A_1814] : memref<1000000xf32, #tpu.memory_space<hbm>> -> memref<1000000xf32, #tpu.memory_space<hbm>>
    tpu.wait_indirect_dma semaphore(%arg38 : memref<!tpu.dma_semaphore, #tpu.memory_space<semaphore_mem>>) src(%dma_wait3A_1815 : memref<1000000xf32, #tpu.memory_space<hbm>>) dst(%dma_wait3A_1810 : memref<128xf32, #tpu.memory_space<vmem>>)
    %dma_wait3A_1816 = arith.constant 19 : i32
    %dma_wait3A_1817 = arith.constant 19 : i32
    %dma_wait3A_1818 = arith.constant 128 : i32
    %dma_wait3A_1819 = tpu.memref_slice %arg36[%dma_wait3A_1817, %dma_wait3A_1818] : memref<26x512xf32, #tpu.memory_space<vmem>> -> memref<1x128xf32, #tpu.memory_space<vmem>>
    %dma_wait3A_1820 = tpu.memref_squeeze %dma_wait3A_1819 : memref<1x128xf32, #tpu.memory_space<vmem>> -> memref<128xf32, #tpu.memory_space<vmem>>
    %dma_wait3A_1821 = arith.constant 128 : i32
    %dma_wait3A_1822 = tpu.memref_slice %arg35[%dma_wait3A_1816, %dma_wait3A_1821] : memref<26x512xi32, #tpu.memory_space<vmem>> -> memref<1x128xi32, #tpu.memory_space<vmem>>
    %dma_wait3A_1823 = tpu.memref_squeeze %dma_wait3A_1822 : memref<1x128xi32, #tpu.memory_space<vmem>> -> memref<128xi32, #tpu.memory_space<vmem>>
    %dma_wait3A_1824 = arith.constant 0 : i32
    %dma_wait3A_1825 = tpu.memref_slice %arg24[%dma_wait3A_1824] : memref<1000000xf32, #tpu.memory_space<hbm>> -> memref<1000000xf32, #tpu.memory_space<hbm>>
    tpu.wait_indirect_dma semaphore(%arg38 : memref<!tpu.dma_semaphore, #tpu.memory_space<semaphore_mem>>) src(%dma_wait3A_1825 : memref<1000000xf32, #tpu.memory_space<hbm>>) dst(%dma_wait3A_1820 : memref<128xf32, #tpu.memory_space<vmem>>)
    %dma_wait3A_1826 = arith.constant 19 : i32
    %dma_wait3A_1827 = arith.constant 19 : i32
    %dma_wait3A_1828 = arith.constant 256 : i32
    %dma_wait3A_1829 = tpu.memref_slice %arg36[%dma_wait3A_1827, %dma_wait3A_1828] : memref<26x512xf32, #tpu.memory_space<vmem>> -> memref<1x128xf32, #tpu.memory_space<vmem>>
    %dma_wait3A_1830 = tpu.memref_squeeze %dma_wait3A_1829 : memref<1x128xf32, #tpu.memory_space<vmem>> -> memref<128xf32, #tpu.memory_space<vmem>>
    %dma_wait3A_1831 = arith.constant 256 : i32
    %dma_wait3A_1832 = tpu.memref_slice %arg35[%dma_wait3A_1826, %dma_wait3A_1831] : memref<26x512xi32, #tpu.memory_space<vmem>> -> memref<1x128xi32, #tpu.memory_space<vmem>>
    %dma_wait3A_1833 = tpu.memref_squeeze %dma_wait3A_1832 : memref<1x128xi32, #tpu.memory_space<vmem>> -> memref<128xi32, #tpu.memory_space<vmem>>
    %dma_wait3A_1834 = arith.constant 0 : i32
    %dma_wait3A_1835 = tpu.memref_slice %arg24[%dma_wait3A_1834] : memref<1000000xf32, #tpu.memory_space<hbm>> -> memref<1000000xf32, #tpu.memory_space<hbm>>
    tpu.wait_indirect_dma semaphore(%arg38 : memref<!tpu.dma_semaphore, #tpu.memory_space<semaphore_mem>>) src(%dma_wait3A_1835 : memref<1000000xf32, #tpu.memory_space<hbm>>) dst(%dma_wait3A_1830 : memref<128xf32, #tpu.memory_space<vmem>>)
    %dma_wait3A_1836 = arith.constant 19 : i32
    %dma_wait3A_1837 = arith.constant 19 : i32
    %dma_wait3A_1838 = arith.constant 384 : i32
    %dma_wait3A_1839 = tpu.memref_slice %arg36[%dma_wait3A_1837, %dma_wait3A_1838] : memref<26x512xf32, #tpu.memory_space<vmem>> -> memref<1x128xf32, #tpu.memory_space<vmem>>
    %dma_wait3A_1840 = tpu.memref_squeeze %dma_wait3A_1839 : memref<1x128xf32, #tpu.memory_space<vmem>> -> memref<128xf32, #tpu.memory_space<vmem>>
    %dma_wait3A_1841 = arith.constant 384 : i32
    %dma_wait3A_1842 = tpu.memref_slice %arg35[%dma_wait3A_1836, %dma_wait3A_1841] : memref<26x512xi32, #tpu.memory_space<vmem>> -> memref<1x128xi32, #tpu.memory_space<vmem>>
    %dma_wait3A_1843 = tpu.memref_squeeze %dma_wait3A_1842 : memref<1x128xi32, #tpu.memory_space<vmem>> -> memref<128xi32, #tpu.memory_space<vmem>>
    %dma_wait3A_1844 = arith.constant 0 : i32
    %dma_wait3A_1845 = tpu.memref_slice %arg24[%dma_wait3A_1844] : memref<1000000xf32, #tpu.memory_space<hbm>> -> memref<1000000xf32, #tpu.memory_space<hbm>>
    tpu.wait_indirect_dma semaphore(%arg38 : memref<!tpu.dma_semaphore, #tpu.memory_space<semaphore_mem>>) src(%dma_wait3A_1845 : memref<1000000xf32, #tpu.memory_space<hbm>>) dst(%dma_wait3A_1840 : memref<128xf32, #tpu.memory_space<vmem>>)
    %dma_wait3A_1846 = arith.constant 20 : i32
    %dma_wait3A_1847 = arith.constant 20 : i32
    %dma_wait3A_1848 = arith.constant 0 : i32
    %dma_wait3A_1849 = tpu.memref_slice %arg36[%dma_wait3A_1847, %dma_wait3A_1848] : memref<26x512xf32, #tpu.memory_space<vmem>> -> memref<1x128xf32, #tpu.memory_space<vmem>>
    %dma_wait3A_1850 = tpu.memref_squeeze %dma_wait3A_1849 : memref<1x128xf32, #tpu.memory_space<vmem>> -> memref<128xf32, #tpu.memory_space<vmem>>
    %dma_wait3A_1851 = arith.constant 0 : i32
    %dma_wait3A_1852 = tpu.memref_slice %arg35[%dma_wait3A_1846, %dma_wait3A_1851] : memref<26x512xi32, #tpu.memory_space<vmem>> -> memref<1x128xi32, #tpu.memory_space<vmem>>
    %dma_wait3A_1853 = tpu.memref_squeeze %dma_wait3A_1852 : memref<1x128xi32, #tpu.memory_space<vmem>> -> memref<128xi32, #tpu.memory_space<vmem>>
    %dma_wait3A_1854 = arith.constant 0 : i32
    %dma_wait3A_1855 = tpu.memref_slice %arg25[%dma_wait3A_1854] : memref<1000000xf32, #tpu.memory_space<hbm>> -> memref<1000000xf32, #tpu.memory_space<hbm>>
    tpu.wait_indirect_dma semaphore(%arg38 : memref<!tpu.dma_semaphore, #tpu.memory_space<semaphore_mem>>) src(%dma_wait3A_1855 : memref<1000000xf32, #tpu.memory_space<hbm>>) dst(%dma_wait3A_1850 : memref<128xf32, #tpu.memory_space<vmem>>)
    %dma_wait3A_1856 = arith.constant 20 : i32
    %dma_wait3A_1857 = arith.constant 20 : i32
    %dma_wait3A_1858 = arith.constant 128 : i32
    %dma_wait3A_1859 = tpu.memref_slice %arg36[%dma_wait3A_1857, %dma_wait3A_1858] : memref<26x512xf32, #tpu.memory_space<vmem>> -> memref<1x128xf32, #tpu.memory_space<vmem>>
    %dma_wait3A_1860 = tpu.memref_squeeze %dma_wait3A_1859 : memref<1x128xf32, #tpu.memory_space<vmem>> -> memref<128xf32, #tpu.memory_space<vmem>>
    %dma_wait3A_1861 = arith.constant 128 : i32
    %dma_wait3A_1862 = tpu.memref_slice %arg35[%dma_wait3A_1856, %dma_wait3A_1861] : memref<26x512xi32, #tpu.memory_space<vmem>> -> memref<1x128xi32, #tpu.memory_space<vmem>>
    %dma_wait3A_1863 = tpu.memref_squeeze %dma_wait3A_1862 : memref<1x128xi32, #tpu.memory_space<vmem>> -> memref<128xi32, #tpu.memory_space<vmem>>
    %dma_wait3A_1864 = arith.constant 0 : i32
    %dma_wait3A_1865 = tpu.memref_slice %arg25[%dma_wait3A_1864] : memref<1000000xf32, #tpu.memory_space<hbm>> -> memref<1000000xf32, #tpu.memory_space<hbm>>
    tpu.wait_indirect_dma semaphore(%arg38 : memref<!tpu.dma_semaphore, #tpu.memory_space<semaphore_mem>>) src(%dma_wait3A_1865 : memref<1000000xf32, #tpu.memory_space<hbm>>) dst(%dma_wait3A_1860 : memref<128xf32, #tpu.memory_space<vmem>>)
    %dma_wait3A_1866 = arith.constant 20 : i32
    %dma_wait3A_1867 = arith.constant 20 : i32
    %dma_wait3A_1868 = arith.constant 256 : i32
    %dma_wait3A_1869 = tpu.memref_slice %arg36[%dma_wait3A_1867, %dma_wait3A_1868] : memref<26x512xf32, #tpu.memory_space<vmem>> -> memref<1x128xf32, #tpu.memory_space<vmem>>
    %dma_wait3A_1870 = tpu.memref_squeeze %dma_wait3A_1869 : memref<1x128xf32, #tpu.memory_space<vmem>> -> memref<128xf32, #tpu.memory_space<vmem>>
    %dma_wait3A_1871 = arith.constant 256 : i32
    %dma_wait3A_1872 = tpu.memref_slice %arg35[%dma_wait3A_1866, %dma_wait3A_1871] : memref<26x512xi32, #tpu.memory_space<vmem>> -> memref<1x128xi32, #tpu.memory_space<vmem>>
    %dma_wait3A_1873 = tpu.memref_squeeze %dma_wait3A_1872 : memref<1x128xi32, #tpu.memory_space<vmem>> -> memref<128xi32, #tpu.memory_space<vmem>>
    %dma_wait3A_1874 = arith.constant 0 : i32
    %dma_wait3A_1875 = tpu.memref_slice %arg25[%dma_wait3A_1874] : memref<1000000xf32, #tpu.memory_space<hbm>> -> memref<1000000xf32, #tpu.memory_space<hbm>>
    tpu.wait_indirect_dma semaphore(%arg38 : memref<!tpu.dma_semaphore, #tpu.memory_space<semaphore_mem>>) src(%dma_wait3A_1875 : memref<1000000xf32, #tpu.memory_space<hbm>>) dst(%dma_wait3A_1870 : memref<128xf32, #tpu.memory_space<vmem>>)
    %dma_wait3A_1876 = arith.constant 20 : i32
    %dma_wait3A_1877 = arith.constant 20 : i32
    %dma_wait3A_1878 = arith.constant 384 : i32
    %dma_wait3A_1879 = tpu.memref_slice %arg36[%dma_wait3A_1877, %dma_wait3A_1878] : memref<26x512xf32, #tpu.memory_space<vmem>> -> memref<1x128xf32, #tpu.memory_space<vmem>>
    %dma_wait3A_1880 = tpu.memref_squeeze %dma_wait3A_1879 : memref<1x128xf32, #tpu.memory_space<vmem>> -> memref<128xf32, #tpu.memory_space<vmem>>
    %dma_wait3A_1881 = arith.constant 384 : i32
    %dma_wait3A_1882 = tpu.memref_slice %arg35[%dma_wait3A_1876, %dma_wait3A_1881] : memref<26x512xi32, #tpu.memory_space<vmem>> -> memref<1x128xi32, #tpu.memory_space<vmem>>
    %dma_wait3A_1883 = tpu.memref_squeeze %dma_wait3A_1882 : memref<1x128xi32, #tpu.memory_space<vmem>> -> memref<128xi32, #tpu.memory_space<vmem>>
    %dma_wait3A_1884 = arith.constant 0 : i32
    %dma_wait3A_1885 = tpu.memref_slice %arg25[%dma_wait3A_1884] : memref<1000000xf32, #tpu.memory_space<hbm>> -> memref<1000000xf32, #tpu.memory_space<hbm>>
    tpu.wait_indirect_dma semaphore(%arg38 : memref<!tpu.dma_semaphore, #tpu.memory_space<semaphore_mem>>) src(%dma_wait3A_1885 : memref<1000000xf32, #tpu.memory_space<hbm>>) dst(%dma_wait3A_1880 : memref<128xf32, #tpu.memory_space<vmem>>)
    %dma_wait3A_1886 = arith.constant 21 : i32
    %dma_wait3A_1887 = arith.constant 21 : i32
    %dma_wait3A_1888 = arith.constant 0 : i32
    %dma_wait3A_1889 = tpu.memref_slice %arg36[%dma_wait3A_1887, %dma_wait3A_1888] : memref<26x512xf32, #tpu.memory_space<vmem>> -> memref<1x128xf32, #tpu.memory_space<vmem>>
    %dma_wait3A_1890 = tpu.memref_squeeze %dma_wait3A_1889 : memref<1x128xf32, #tpu.memory_space<vmem>> -> memref<128xf32, #tpu.memory_space<vmem>>
    %dma_wait3A_1891 = arith.constant 0 : i32
    %dma_wait3A_1892 = tpu.memref_slice %arg35[%dma_wait3A_1886, %dma_wait3A_1891] : memref<26x512xi32, #tpu.memory_space<vmem>> -> memref<1x128xi32, #tpu.memory_space<vmem>>
    %dma_wait3A_1893 = tpu.memref_squeeze %dma_wait3A_1892 : memref<1x128xi32, #tpu.memory_space<vmem>> -> memref<128xi32, #tpu.memory_space<vmem>>
    %dma_wait3A_1894 = arith.constant 0 : i32
    %dma_wait3A_1895 = tpu.memref_slice %arg26[%dma_wait3A_1894] : memref<1000000xf32, #tpu.memory_space<hbm>> -> memref<1000000xf32, #tpu.memory_space<hbm>>
    tpu.wait_indirect_dma semaphore(%arg38 : memref<!tpu.dma_semaphore, #tpu.memory_space<semaphore_mem>>) src(%dma_wait3A_1895 : memref<1000000xf32, #tpu.memory_space<hbm>>) dst(%dma_wait3A_1890 : memref<128xf32, #tpu.memory_space<vmem>>)
    %dma_wait3A_1896 = arith.constant 21 : i32
    %dma_wait3A_1897 = arith.constant 21 : i32
    %dma_wait3A_1898 = arith.constant 128 : i32
    %dma_wait3A_1899 = tpu.memref_slice %arg36[%dma_wait3A_1897, %dma_wait3A_1898] : memref<26x512xf32, #tpu.memory_space<vmem>> -> memref<1x128xf32, #tpu.memory_space<vmem>>
    %dma_wait3A_1900 = tpu.memref_squeeze %dma_wait3A_1899 : memref<1x128xf32, #tpu.memory_space<vmem>> -> memref<128xf32, #tpu.memory_space<vmem>>
    %dma_wait3A_1901 = arith.constant 128 : i32
    %dma_wait3A_1902 = tpu.memref_slice %arg35[%dma_wait3A_1896, %dma_wait3A_1901] : memref<26x512xi32, #tpu.memory_space<vmem>> -> memref<1x128xi32, #tpu.memory_space<vmem>>
    %dma_wait3A_1903 = tpu.memref_squeeze %dma_wait3A_1902 : memref<1x128xi32, #tpu.memory_space<vmem>> -> memref<128xi32, #tpu.memory_space<vmem>>
    %dma_wait3A_1904 = arith.constant 0 : i32
    %dma_wait3A_1905 = tpu.memref_slice %arg26[%dma_wait3A_1904] : memref<1000000xf32, #tpu.memory_space<hbm>> -> memref<1000000xf32, #tpu.memory_space<hbm>>
    tpu.wait_indirect_dma semaphore(%arg38 : memref<!tpu.dma_semaphore, #tpu.memory_space<semaphore_mem>>) src(%dma_wait3A_1905 : memref<1000000xf32, #tpu.memory_space<hbm>>) dst(%dma_wait3A_1900 : memref<128xf32, #tpu.memory_space<vmem>>)
    %dma_wait3A_1906 = arith.constant 21 : i32
    %dma_wait3A_1907 = arith.constant 21 : i32
    %dma_wait3A_1908 = arith.constant 256 : i32
    %dma_wait3A_1909 = tpu.memref_slice %arg36[%dma_wait3A_1907, %dma_wait3A_1908] : memref<26x512xf32, #tpu.memory_space<vmem>> -> memref<1x128xf32, #tpu.memory_space<vmem>>
    %dma_wait3A_1910 = tpu.memref_squeeze %dma_wait3A_1909 : memref<1x128xf32, #tpu.memory_space<vmem>> -> memref<128xf32, #tpu.memory_space<vmem>>
    %dma_wait3A_1911 = arith.constant 256 : i32
    %dma_wait3A_1912 = tpu.memref_slice %arg35[%dma_wait3A_1906, %dma_wait3A_1911] : memref<26x512xi32, #tpu.memory_space<vmem>> -> memref<1x128xi32, #tpu.memory_space<vmem>>
    %dma_wait3A_1913 = tpu.memref_squeeze %dma_wait3A_1912 : memref<1x128xi32, #tpu.memory_space<vmem>> -> memref<128xi32, #tpu.memory_space<vmem>>
    %dma_wait3A_1914 = arith.constant 0 : i32
    %dma_wait3A_1915 = tpu.memref_slice %arg26[%dma_wait3A_1914] : memref<1000000xf32, #tpu.memory_space<hbm>> -> memref<1000000xf32, #tpu.memory_space<hbm>>
    tpu.wait_indirect_dma semaphore(%arg38 : memref<!tpu.dma_semaphore, #tpu.memory_space<semaphore_mem>>) src(%dma_wait3A_1915 : memref<1000000xf32, #tpu.memory_space<hbm>>) dst(%dma_wait3A_1910 : memref<128xf32, #tpu.memory_space<vmem>>)
    %dma_wait3A_1916 = arith.constant 21 : i32
    %dma_wait3A_1917 = arith.constant 21 : i32
    %dma_wait3A_1918 = arith.constant 384 : i32
    %dma_wait3A_1919 = tpu.memref_slice %arg36[%dma_wait3A_1917, %dma_wait3A_1918] : memref<26x512xf32, #tpu.memory_space<vmem>> -> memref<1x128xf32, #tpu.memory_space<vmem>>
    %dma_wait3A_1920 = tpu.memref_squeeze %dma_wait3A_1919 : memref<1x128xf32, #tpu.memory_space<vmem>> -> memref<128xf32, #tpu.memory_space<vmem>>
    %dma_wait3A_1921 = arith.constant 384 : i32
    %dma_wait3A_1922 = tpu.memref_slice %arg35[%dma_wait3A_1916, %dma_wait3A_1921] : memref<26x512xi32, #tpu.memory_space<vmem>> -> memref<1x128xi32, #tpu.memory_space<vmem>>
    %dma_wait3A_1923 = tpu.memref_squeeze %dma_wait3A_1922 : memref<1x128xi32, #tpu.memory_space<vmem>> -> memref<128xi32, #tpu.memory_space<vmem>>
    %dma_wait3A_1924 = arith.constant 0 : i32
    %dma_wait3A_1925 = tpu.memref_slice %arg26[%dma_wait3A_1924] : memref<1000000xf32, #tpu.memory_space<hbm>> -> memref<1000000xf32, #tpu.memory_space<hbm>>
    tpu.wait_indirect_dma semaphore(%arg38 : memref<!tpu.dma_semaphore, #tpu.memory_space<semaphore_mem>>) src(%dma_wait3A_1925 : memref<1000000xf32, #tpu.memory_space<hbm>>) dst(%dma_wait3A_1920 : memref<128xf32, #tpu.memory_space<vmem>>)
    %dma_wait3A_1926 = arith.constant 22 : i32
    %dma_wait3A_1927 = arith.constant 22 : i32
    %dma_wait3A_1928 = arith.constant 0 : i32
    %dma_wait3A_1929 = tpu.memref_slice %arg36[%dma_wait3A_1927, %dma_wait3A_1928] : memref<26x512xf32, #tpu.memory_space<vmem>> -> memref<1x128xf32, #tpu.memory_space<vmem>>
    %dma_wait3A_1930 = tpu.memref_squeeze %dma_wait3A_1929 : memref<1x128xf32, #tpu.memory_space<vmem>> -> memref<128xf32, #tpu.memory_space<vmem>>
    %dma_wait3A_1931 = arith.constant 0 : i32
    %dma_wait3A_1932 = tpu.memref_slice %arg35[%dma_wait3A_1926, %dma_wait3A_1931] : memref<26x512xi32, #tpu.memory_space<vmem>> -> memref<1x128xi32, #tpu.memory_space<vmem>>
    %dma_wait3A_1933 = tpu.memref_squeeze %dma_wait3A_1932 : memref<1x128xi32, #tpu.memory_space<vmem>> -> memref<128xi32, #tpu.memory_space<vmem>>
    %dma_wait3A_1934 = arith.constant 0 : i32
    %dma_wait3A_1935 = tpu.memref_slice %arg27[%dma_wait3A_1934] : memref<1000000xf32, #tpu.memory_space<hbm>> -> memref<1000000xf32, #tpu.memory_space<hbm>>
    tpu.wait_indirect_dma semaphore(%arg38 : memref<!tpu.dma_semaphore, #tpu.memory_space<semaphore_mem>>) src(%dma_wait3A_1935 : memref<1000000xf32, #tpu.memory_space<hbm>>) dst(%dma_wait3A_1930 : memref<128xf32, #tpu.memory_space<vmem>>)
    %dma_wait3A_1936 = arith.constant 22 : i32
    %dma_wait3A_1937 = arith.constant 22 : i32
    %dma_wait3A_1938 = arith.constant 128 : i32
    %dma_wait3A_1939 = tpu.memref_slice %arg36[%dma_wait3A_1937, %dma_wait3A_1938] : memref<26x512xf32, #tpu.memory_space<vmem>> -> memref<1x128xf32, #tpu.memory_space<vmem>>
    %dma_wait3A_1940 = tpu.memref_squeeze %dma_wait3A_1939 : memref<1x128xf32, #tpu.memory_space<vmem>> -> memref<128xf32, #tpu.memory_space<vmem>>
    %dma_wait3A_1941 = arith.constant 128 : i32
    %dma_wait3A_1942 = tpu.memref_slice %arg35[%dma_wait3A_1936, %dma_wait3A_1941] : memref<26x512xi32, #tpu.memory_space<vmem>> -> memref<1x128xi32, #tpu.memory_space<vmem>>
    %dma_wait3A_1943 = tpu.memref_squeeze %dma_wait3A_1942 : memref<1x128xi32, #tpu.memory_space<vmem>> -> memref<128xi32, #tpu.memory_space<vmem>>
    %dma_wait3A_1944 = arith.constant 0 : i32
    %dma_wait3A_1945 = tpu.memref_slice %arg27[%dma_wait3A_1944] : memref<1000000xf32, #tpu.memory_space<hbm>> -> memref<1000000xf32, #tpu.memory_space<hbm>>
    tpu.wait_indirect_dma semaphore(%arg38 : memref<!tpu.dma_semaphore, #tpu.memory_space<semaphore_mem>>) src(%dma_wait3A_1945 : memref<1000000xf32, #tpu.memory_space<hbm>>) dst(%dma_wait3A_1940 : memref<128xf32, #tpu.memory_space<vmem>>)
    %dma_wait3A_1946 = arith.constant 22 : i32
    %dma_wait3A_1947 = arith.constant 22 : i32
    %dma_wait3A_1948 = arith.constant 256 : i32
    %dma_wait3A_1949 = tpu.memref_slice %arg36[%dma_wait3A_1947, %dma_wait3A_1948] : memref<26x512xf32, #tpu.memory_space<vmem>> -> memref<1x128xf32, #tpu.memory_space<vmem>>
    %dma_wait3A_1950 = tpu.memref_squeeze %dma_wait3A_1949 : memref<1x128xf32, #tpu.memory_space<vmem>> -> memref<128xf32, #tpu.memory_space<vmem>>
    %dma_wait3A_1951 = arith.constant 256 : i32
    %dma_wait3A_1952 = tpu.memref_slice %arg35[%dma_wait3A_1946, %dma_wait3A_1951] : memref<26x512xi32, #tpu.memory_space<vmem>> -> memref<1x128xi32, #tpu.memory_space<vmem>>
    %dma_wait3A_1953 = tpu.memref_squeeze %dma_wait3A_1952 : memref<1x128xi32, #tpu.memory_space<vmem>> -> memref<128xi32, #tpu.memory_space<vmem>>
    %dma_wait3A_1954 = arith.constant 0 : i32
    %dma_wait3A_1955 = tpu.memref_slice %arg27[%dma_wait3A_1954] : memref<1000000xf32, #tpu.memory_space<hbm>> -> memref<1000000xf32, #tpu.memory_space<hbm>>
    tpu.wait_indirect_dma semaphore(%arg38 : memref<!tpu.dma_semaphore, #tpu.memory_space<semaphore_mem>>) src(%dma_wait3A_1955 : memref<1000000xf32, #tpu.memory_space<hbm>>) dst(%dma_wait3A_1950 : memref<128xf32, #tpu.memory_space<vmem>>)
    %dma_wait3A_1956 = arith.constant 22 : i32
    %dma_wait3A_1957 = arith.constant 22 : i32
    %dma_wait3A_1958 = arith.constant 384 : i32
    %dma_wait3A_1959 = tpu.memref_slice %arg36[%dma_wait3A_1957, %dma_wait3A_1958] : memref<26x512xf32, #tpu.memory_space<vmem>> -> memref<1x128xf32, #tpu.memory_space<vmem>>
    %dma_wait3A_1960 = tpu.memref_squeeze %dma_wait3A_1959 : memref<1x128xf32, #tpu.memory_space<vmem>> -> memref<128xf32, #tpu.memory_space<vmem>>
    %dma_wait3A_1961 = arith.constant 384 : i32
    %dma_wait3A_1962 = tpu.memref_slice %arg35[%dma_wait3A_1956, %dma_wait3A_1961] : memref<26x512xi32, #tpu.memory_space<vmem>> -> memref<1x128xi32, #tpu.memory_space<vmem>>
    %dma_wait3A_1963 = tpu.memref_squeeze %dma_wait3A_1962 : memref<1x128xi32, #tpu.memory_space<vmem>> -> memref<128xi32, #tpu.memory_space<vmem>>
    %dma_wait3A_1964 = arith.constant 0 : i32
    %dma_wait3A_1965 = tpu.memref_slice %arg27[%dma_wait3A_1964] : memref<1000000xf32, #tpu.memory_space<hbm>> -> memref<1000000xf32, #tpu.memory_space<hbm>>
    tpu.wait_indirect_dma semaphore(%arg38 : memref<!tpu.dma_semaphore, #tpu.memory_space<semaphore_mem>>) src(%dma_wait3A_1965 : memref<1000000xf32, #tpu.memory_space<hbm>>) dst(%dma_wait3A_1960 : memref<128xf32, #tpu.memory_space<vmem>>)
    %dma_wait3A_1966 = arith.constant 23 : i32
    %dma_wait3A_1967 = arith.constant 23 : i32
    %dma_wait3A_1968 = arith.constant 0 : i32
    %dma_wait3A_1969 = tpu.memref_slice %arg36[%dma_wait3A_1967, %dma_wait3A_1968] : memref<26x512xf32, #tpu.memory_space<vmem>> -> memref<1x128xf32, #tpu.memory_space<vmem>>
    %dma_wait3A_1970 = tpu.memref_squeeze %dma_wait3A_1969 : memref<1x128xf32, #tpu.memory_space<vmem>> -> memref<128xf32, #tpu.memory_space<vmem>>
    %dma_wait3A_1971 = arith.constant 0 : i32
    %dma_wait3A_1972 = tpu.memref_slice %arg35[%dma_wait3A_1966, %dma_wait3A_1971] : memref<26x512xi32, #tpu.memory_space<vmem>> -> memref<1x128xi32, #tpu.memory_space<vmem>>
    %dma_wait3A_1973 = tpu.memref_squeeze %dma_wait3A_1972 : memref<1x128xi32, #tpu.memory_space<vmem>> -> memref<128xi32, #tpu.memory_space<vmem>>
    %dma_wait3A_1974 = arith.constant 0 : i32
    %dma_wait3A_1975 = tpu.memref_slice %arg28[%dma_wait3A_1974] : memref<1000000xf32, #tpu.memory_space<hbm>> -> memref<1000000xf32, #tpu.memory_space<hbm>>
    tpu.wait_indirect_dma semaphore(%arg38 : memref<!tpu.dma_semaphore, #tpu.memory_space<semaphore_mem>>) src(%dma_wait3A_1975 : memref<1000000xf32, #tpu.memory_space<hbm>>) dst(%dma_wait3A_1970 : memref<128xf32, #tpu.memory_space<vmem>>)
    %dma_wait3A_1976 = arith.constant 23 : i32
    %dma_wait3A_1977 = arith.constant 23 : i32
    %dma_wait3A_1978 = arith.constant 128 : i32
    %dma_wait3A_1979 = tpu.memref_slice %arg36[%dma_wait3A_1977, %dma_wait3A_1978] : memref<26x512xf32, #tpu.memory_space<vmem>> -> memref<1x128xf32, #tpu.memory_space<vmem>>
    %dma_wait3A_1980 = tpu.memref_squeeze %dma_wait3A_1979 : memref<1x128xf32, #tpu.memory_space<vmem>> -> memref<128xf32, #tpu.memory_space<vmem>>
    %dma_wait3A_1981 = arith.constant 128 : i32
    %dma_wait3A_1982 = tpu.memref_slice %arg35[%dma_wait3A_1976, %dma_wait3A_1981] : memref<26x512xi32, #tpu.memory_space<vmem>> -> memref<1x128xi32, #tpu.memory_space<vmem>>
    %dma_wait3A_1983 = tpu.memref_squeeze %dma_wait3A_1982 : memref<1x128xi32, #tpu.memory_space<vmem>> -> memref<128xi32, #tpu.memory_space<vmem>>
    %dma_wait3A_1984 = arith.constant 0 : i32
    %dma_wait3A_1985 = tpu.memref_slice %arg28[%dma_wait3A_1984] : memref<1000000xf32, #tpu.memory_space<hbm>> -> memref<1000000xf32, #tpu.memory_space<hbm>>
    tpu.wait_indirect_dma semaphore(%arg38 : memref<!tpu.dma_semaphore, #tpu.memory_space<semaphore_mem>>) src(%dma_wait3A_1985 : memref<1000000xf32, #tpu.memory_space<hbm>>) dst(%dma_wait3A_1980 : memref<128xf32, #tpu.memory_space<vmem>>)
    %dma_wait3A_1986 = arith.constant 23 : i32
    %dma_wait3A_1987 = arith.constant 23 : i32
    %dma_wait3A_1988 = arith.constant 256 : i32
    %dma_wait3A_1989 = tpu.memref_slice %arg36[%dma_wait3A_1987, %dma_wait3A_1988] : memref<26x512xf32, #tpu.memory_space<vmem>> -> memref<1x128xf32, #tpu.memory_space<vmem>>
    %dma_wait3A_1990 = tpu.memref_squeeze %dma_wait3A_1989 : memref<1x128xf32, #tpu.memory_space<vmem>> -> memref<128xf32, #tpu.memory_space<vmem>>
    %dma_wait3A_1991 = arith.constant 256 : i32
    %dma_wait3A_1992 = tpu.memref_slice %arg35[%dma_wait3A_1986, %dma_wait3A_1991] : memref<26x512xi32, #tpu.memory_space<vmem>> -> memref<1x128xi32, #tpu.memory_space<vmem>>
    %dma_wait3A_1993 = tpu.memref_squeeze %dma_wait3A_1992 : memref<1x128xi32, #tpu.memory_space<vmem>> -> memref<128xi32, #tpu.memory_space<vmem>>
    %dma_wait3A_1994 = arith.constant 0 : i32
    %dma_wait3A_1995 = tpu.memref_slice %arg28[%dma_wait3A_1994] : memref<1000000xf32, #tpu.memory_space<hbm>> -> memref<1000000xf32, #tpu.memory_space<hbm>>
    tpu.wait_indirect_dma semaphore(%arg38 : memref<!tpu.dma_semaphore, #tpu.memory_space<semaphore_mem>>) src(%dma_wait3A_1995 : memref<1000000xf32, #tpu.memory_space<hbm>>) dst(%dma_wait3A_1990 : memref<128xf32, #tpu.memory_space<vmem>>)
    %dma_wait3A_1996 = arith.constant 23 : i32
    %dma_wait3A_1997 = arith.constant 23 : i32
    %dma_wait3A_1998 = arith.constant 384 : i32
    %dma_wait3A_1999 = tpu.memref_slice %arg36[%dma_wait3A_1997, %dma_wait3A_1998] : memref<26x512xf32, #tpu.memory_space<vmem>> -> memref<1x128xf32, #tpu.memory_space<vmem>>
    %dma_wait3A_2000 = tpu.memref_squeeze %dma_wait3A_1999 : memref<1x128xf32, #tpu.memory_space<vmem>> -> memref<128xf32, #tpu.memory_space<vmem>>
    %dma_wait3A_2001 = arith.constant 384 : i32
    %dma_wait3A_2002 = tpu.memref_slice %arg35[%dma_wait3A_1996, %dma_wait3A_2001] : memref<26x512xi32, #tpu.memory_space<vmem>> -> memref<1x128xi32, #tpu.memory_space<vmem>>
    %dma_wait3A_2003 = tpu.memref_squeeze %dma_wait3A_2002 : memref<1x128xi32, #tpu.memory_space<vmem>> -> memref<128xi32, #tpu.memory_space<vmem>>
    %dma_wait3A_2004 = arith.constant 0 : i32
    %dma_wait3A_2005 = tpu.memref_slice %arg28[%dma_wait3A_2004] : memref<1000000xf32, #tpu.memory_space<hbm>> -> memref<1000000xf32, #tpu.memory_space<hbm>>
    tpu.wait_indirect_dma semaphore(%arg38 : memref<!tpu.dma_semaphore, #tpu.memory_space<semaphore_mem>>) src(%dma_wait3A_2005 : memref<1000000xf32, #tpu.memory_space<hbm>>) dst(%dma_wait3A_2000 : memref<128xf32, #tpu.memory_space<vmem>>)
    %dma_wait3A_2006 = arith.constant 24 : i32
    %dma_wait3A_2007 = arith.constant 24 : i32
    %dma_wait3A_2008 = arith.constant 0 : i32
    %dma_wait3A_2009 = tpu.memref_slice %arg36[%dma_wait3A_2007, %dma_wait3A_2008] : memref<26x512xf32, #tpu.memory_space<vmem>> -> memref<1x128xf32, #tpu.memory_space<vmem>>
    %dma_wait3A_2010 = tpu.memref_squeeze %dma_wait3A_2009 : memref<1x128xf32, #tpu.memory_space<vmem>> -> memref<128xf32, #tpu.memory_space<vmem>>
    %dma_wait3A_2011 = arith.constant 0 : i32
    %dma_wait3A_2012 = tpu.memref_slice %arg35[%dma_wait3A_2006, %dma_wait3A_2011] : memref<26x512xi32, #tpu.memory_space<vmem>> -> memref<1x128xi32, #tpu.memory_space<vmem>>
    %dma_wait3A_2013 = tpu.memref_squeeze %dma_wait3A_2012 : memref<1x128xi32, #tpu.memory_space<vmem>> -> memref<128xi32, #tpu.memory_space<vmem>>
    %dma_wait3A_2014 = arith.constant 0 : i32
    %dma_wait3A_2015 = tpu.memref_slice %arg29[%dma_wait3A_2014] : memref<1000000xf32, #tpu.memory_space<hbm>> -> memref<1000000xf32, #tpu.memory_space<hbm>>
    tpu.wait_indirect_dma semaphore(%arg38 : memref<!tpu.dma_semaphore, #tpu.memory_space<semaphore_mem>>) src(%dma_wait3A_2015 : memref<1000000xf32, #tpu.memory_space<hbm>>) dst(%dma_wait3A_2010 : memref<128xf32, #tpu.memory_space<vmem>>)
    %dma_wait3A_2016 = arith.constant 24 : i32
    %dma_wait3A_2017 = arith.constant 24 : i32
    %dma_wait3A_2018 = arith.constant 128 : i32
    %dma_wait3A_2019 = tpu.memref_slice %arg36[%dma_wait3A_2017, %dma_wait3A_2018] : memref<26x512xf32, #tpu.memory_space<vmem>> -> memref<1x128xf32, #tpu.memory_space<vmem>>
    %dma_wait3A_2020 = tpu.memref_squeeze %dma_wait3A_2019 : memref<1x128xf32, #tpu.memory_space<vmem>> -> memref<128xf32, #tpu.memory_space<vmem>>
    %dma_wait3A_2021 = arith.constant 128 : i32
    %dma_wait3A_2022 = tpu.memref_slice %arg35[%dma_wait3A_2016, %dma_wait3A_2021] : memref<26x512xi32, #tpu.memory_space<vmem>> -> memref<1x128xi32, #tpu.memory_space<vmem>>
    %dma_wait3A_2023 = tpu.memref_squeeze %dma_wait3A_2022 : memref<1x128xi32, #tpu.memory_space<vmem>> -> memref<128xi32, #tpu.memory_space<vmem>>
    %dma_wait3A_2024 = arith.constant 0 : i32
    %dma_wait3A_2025 = tpu.memref_slice %arg29[%dma_wait3A_2024] : memref<1000000xf32, #tpu.memory_space<hbm>> -> memref<1000000xf32, #tpu.memory_space<hbm>>
    tpu.wait_indirect_dma semaphore(%arg38 : memref<!tpu.dma_semaphore, #tpu.memory_space<semaphore_mem>>) src(%dma_wait3A_2025 : memref<1000000xf32, #tpu.memory_space<hbm>>) dst(%dma_wait3A_2020 : memref<128xf32, #tpu.memory_space<vmem>>)
    %dma_wait3A_2026 = arith.constant 24 : i32
    %dma_wait3A_2027 = arith.constant 24 : i32
    %dma_wait3A_2028 = arith.constant 256 : i32
    %dma_wait3A_2029 = tpu.memref_slice %arg36[%dma_wait3A_2027, %dma_wait3A_2028] : memref<26x512xf32, #tpu.memory_space<vmem>> -> memref<1x128xf32, #tpu.memory_space<vmem>>
    %dma_wait3A_2030 = tpu.memref_squeeze %dma_wait3A_2029 : memref<1x128xf32, #tpu.memory_space<vmem>> -> memref<128xf32, #tpu.memory_space<vmem>>
    %dma_wait3A_2031 = arith.constant 256 : i32
    %dma_wait3A_2032 = tpu.memref_slice %arg35[%dma_wait3A_2026, %dma_wait3A_2031] : memref<26x512xi32, #tpu.memory_space<vmem>> -> memref<1x128xi32, #tpu.memory_space<vmem>>
    %dma_wait3A_2033 = tpu.memref_squeeze %dma_wait3A_2032 : memref<1x128xi32, #tpu.memory_space<vmem>> -> memref<128xi32, #tpu.memory_space<vmem>>
    %dma_wait3A_2034 = arith.constant 0 : i32
    %dma_wait3A_2035 = tpu.memref_slice %arg29[%dma_wait3A_2034] : memref<1000000xf32, #tpu.memory_space<hbm>> -> memref<1000000xf32, #tpu.memory_space<hbm>>
    tpu.wait_indirect_dma semaphore(%arg38 : memref<!tpu.dma_semaphore, #tpu.memory_space<semaphore_mem>>) src(%dma_wait3A_2035 : memref<1000000xf32, #tpu.memory_space<hbm>>) dst(%dma_wait3A_2030 : memref<128xf32, #tpu.memory_space<vmem>>)
    %dma_wait3A_2036 = arith.constant 24 : i32
    %dma_wait3A_2037 = arith.constant 24 : i32
    %dma_wait3A_2038 = arith.constant 384 : i32
    %dma_wait3A_2039 = tpu.memref_slice %arg36[%dma_wait3A_2037, %dma_wait3A_2038] : memref<26x512xf32, #tpu.memory_space<vmem>> -> memref<1x128xf32, #tpu.memory_space<vmem>>
    %dma_wait3A_2040 = tpu.memref_squeeze %dma_wait3A_2039 : memref<1x128xf32, #tpu.memory_space<vmem>> -> memref<128xf32, #tpu.memory_space<vmem>>
    %dma_wait3A_2041 = arith.constant 384 : i32
    %dma_wait3A_2042 = tpu.memref_slice %arg35[%dma_wait3A_2036, %dma_wait3A_2041] : memref<26x512xi32, #tpu.memory_space<vmem>> -> memref<1x128xi32, #tpu.memory_space<vmem>>
    %dma_wait3A_2043 = tpu.memref_squeeze %dma_wait3A_2042 : memref<1x128xi32, #tpu.memory_space<vmem>> -> memref<128xi32, #tpu.memory_space<vmem>>
    %dma_wait3A_2044 = arith.constant 0 : i32
    %dma_wait3A_2045 = tpu.memref_slice %arg29[%dma_wait3A_2044] : memref<1000000xf32, #tpu.memory_space<hbm>> -> memref<1000000xf32, #tpu.memory_space<hbm>>
    tpu.wait_indirect_dma semaphore(%arg38 : memref<!tpu.dma_semaphore, #tpu.memory_space<semaphore_mem>>) src(%dma_wait3A_2045 : memref<1000000xf32, #tpu.memory_space<hbm>>) dst(%dma_wait3A_2040 : memref<128xf32, #tpu.memory_space<vmem>>)
    %dma_wait3A_2046 = arith.constant 25 : i32
    %dma_wait3A_2047 = arith.constant 25 : i32
    %dma_wait3A_2048 = arith.constant 0 : i32
    %dma_wait3A_2049 = tpu.memref_slice %arg36[%dma_wait3A_2047, %dma_wait3A_2048] : memref<26x512xf32, #tpu.memory_space<vmem>> -> memref<1x128xf32, #tpu.memory_space<vmem>>
    %dma_wait3A_2050 = tpu.memref_squeeze %dma_wait3A_2049 : memref<1x128xf32, #tpu.memory_space<vmem>> -> memref<128xf32, #tpu.memory_space<vmem>>
    %dma_wait3A_2051 = arith.constant 0 : i32
    %dma_wait3A_2052 = tpu.memref_slice %arg35[%dma_wait3A_2046, %dma_wait3A_2051] : memref<26x512xi32, #tpu.memory_space<vmem>> -> memref<1x128xi32, #tpu.memory_space<vmem>>
    %dma_wait3A_2053 = tpu.memref_squeeze %dma_wait3A_2052 : memref<1x128xi32, #tpu.memory_space<vmem>> -> memref<128xi32, #tpu.memory_space<vmem>>
    %dma_wait3A_2054 = arith.constant 0 : i32
    %dma_wait3A_2055 = tpu.memref_slice %arg30[%dma_wait3A_2054] : memref<1000000xf32, #tpu.memory_space<hbm>> -> memref<1000000xf32, #tpu.memory_space<hbm>>
    tpu.wait_indirect_dma semaphore(%arg38 : memref<!tpu.dma_semaphore, #tpu.memory_space<semaphore_mem>>) src(%dma_wait3A_2055 : memref<1000000xf32, #tpu.memory_space<hbm>>) dst(%dma_wait3A_2050 : memref<128xf32, #tpu.memory_space<vmem>>)
    %dma_wait3A_2056 = arith.constant 25 : i32
    %dma_wait3A_2057 = arith.constant 25 : i32
    %dma_wait3A_2058 = arith.constant 128 : i32
    %dma_wait3A_2059 = tpu.memref_slice %arg36[%dma_wait3A_2057, %dma_wait3A_2058] : memref<26x512xf32, #tpu.memory_space<vmem>> -> memref<1x128xf32, #tpu.memory_space<vmem>>
    %dma_wait3A_2060 = tpu.memref_squeeze %dma_wait3A_2059 : memref<1x128xf32, #tpu.memory_space<vmem>> -> memref<128xf32, #tpu.memory_space<vmem>>
    %dma_wait3A_2061 = arith.constant 128 : i32
    %dma_wait3A_2062 = tpu.memref_slice %arg35[%dma_wait3A_2056, %dma_wait3A_2061] : memref<26x512xi32, #tpu.memory_space<vmem>> -> memref<1x128xi32, #tpu.memory_space<vmem>>
    %dma_wait3A_2063 = tpu.memref_squeeze %dma_wait3A_2062 : memref<1x128xi32, #tpu.memory_space<vmem>> -> memref<128xi32, #tpu.memory_space<vmem>>
    %dma_wait3A_2064 = arith.constant 0 : i32
    %dma_wait3A_2065 = tpu.memref_slice %arg30[%dma_wait3A_2064] : memref<1000000xf32, #tpu.memory_space<hbm>> -> memref<1000000xf32, #tpu.memory_space<hbm>>
    tpu.wait_indirect_dma semaphore(%arg38 : memref<!tpu.dma_semaphore, #tpu.memory_space<semaphore_mem>>) src(%dma_wait3A_2065 : memref<1000000xf32, #tpu.memory_space<hbm>>) dst(%dma_wait3A_2060 : memref<128xf32, #tpu.memory_space<vmem>>)
    %dma_wait3A_2066 = arith.constant 25 : i32
    %dma_wait3A_2067 = arith.constant 25 : i32
    %dma_wait3A_2068 = arith.constant 256 : i32
    %dma_wait3A_2069 = tpu.memref_slice %arg36[%dma_wait3A_2067, %dma_wait3A_2068] : memref<26x512xf32, #tpu.memory_space<vmem>> -> memref<1x128xf32, #tpu.memory_space<vmem>>
    %dma_wait3A_2070 = tpu.memref_squeeze %dma_wait3A_2069 : memref<1x128xf32, #tpu.memory_space<vmem>> -> memref<128xf32, #tpu.memory_space<vmem>>
    %dma_wait3A_2071 = arith.constant 256 : i32
    %dma_wait3A_2072 = tpu.memref_slice %arg35[%dma_wait3A_2066, %dma_wait3A_2071] : memref<26x512xi32, #tpu.memory_space<vmem>> -> memref<1x128xi32, #tpu.memory_space<vmem>>
    %dma_wait3A_2073 = tpu.memref_squeeze %dma_wait3A_2072 : memref<1x128xi32, #tpu.memory_space<vmem>> -> memref<128xi32, #tpu.memory_space<vmem>>
    %dma_wait3A_2074 = arith.constant 0 : i32
    %dma_wait3A_2075 = tpu.memref_slice %arg30[%dma_wait3A_2074] : memref<1000000xf32, #tpu.memory_space<hbm>> -> memref<1000000xf32, #tpu.memory_space<hbm>>
    tpu.wait_indirect_dma semaphore(%arg38 : memref<!tpu.dma_semaphore, #tpu.memory_space<semaphore_mem>>) src(%dma_wait3A_2075 : memref<1000000xf32, #tpu.memory_space<hbm>>) dst(%dma_wait3A_2070 : memref<128xf32, #tpu.memory_space<vmem>>)
    %dma_wait3A_2076 = arith.constant 25 : i32
    %dma_wait3A_2077 = arith.constant 25 : i32
    %dma_wait3A_2078 = arith.constant 384 : i32
    %dma_wait3A_2079 = tpu.memref_slice %arg36[%dma_wait3A_2077, %dma_wait3A_2078] : memref<26x512xf32, #tpu.memory_space<vmem>> -> memref<1x128xf32, #tpu.memory_space<vmem>>
    %dma_wait3A_2080 = tpu.memref_squeeze %dma_wait3A_2079 : memref<1x128xf32, #tpu.memory_space<vmem>> -> memref<128xf32, #tpu.memory_space<vmem>>
    %dma_wait3A_2081 = arith.constant 384 : i32
    %dma_wait3A_2082 = tpu.memref_slice %arg35[%dma_wait3A_2076, %dma_wait3A_2081] : memref<26x512xi32, #tpu.memory_space<vmem>> -> memref<1x128xi32, #tpu.memory_space<vmem>>
    %dma_wait3A_2083 = tpu.memref_squeeze %dma_wait3A_2082 : memref<1x128xi32, #tpu.memory_space<vmem>> -> memref<128xi32, #tpu.memory_space<vmem>>
    %dma_wait3A_2084 = arith.constant 0 : i32
    %dma_wait3A_2085 = tpu.memref_slice %arg30[%dma_wait3A_2084] : memref<1000000xf32, #tpu.memory_space<hbm>> -> memref<1000000xf32, #tpu.memory_space<hbm>>
    tpu.wait_indirect_dma semaphore(%arg38 : memref<!tpu.dma_semaphore, #tpu.memory_space<semaphore_mem>>) src(%dma_wait3A_2085 : memref<1000000xf32, #tpu.memory_space<hbm>>) dst(%dma_wait3A_2080 : memref<128xf32, #tpu.memory_space<vmem>>)
    %scan3A_2086 = arith.constant 0 : i32
    %scan3A_2087 = arith.constant 0 : i32
    %scan3A_2088 = arith.constant 32 : i32
    %scan3A_2089 = arith.addi %scan3A_2087, %scan3A_2088 : i32
    %scan3A_2090 = arith.constant 1 : i32
    scf.for %scan3A_2092 = %scan3A_2087 to %scan3A_2089 step %scan3A_2090  : i32 {
      %mul3A_2093 = arith.constant 16 : i32
      %mul3A_2094 = arith.muli %scan3A_2092, %mul3A_2093 : i32
      %get3A = arith.constant 0 : i32
      %get3A_2095 = arith.index_cast %get3A : i32 to index
      %get3A_2096 = arith.index_cast %mul3A_2094 : i32 to index
      %get3A_2097 = tpu.vector_load %arg36[%get3A_2095, %get3A_2096] {strides = array<i32>} : memref<26x512xf32, #tpu.memory_space<vmem>>, vector<1x16xf32>,
      %get3A_2098 = vector.shape_cast %get3A_2097 : vector<1x16xf32> to vector<16xf32>
      %get3A_2099 = arith.constant 1 : i32
      %get3A_2100 = arith.index_cast %get3A_2099 : i32 to index
      %get3A_2101 = arith.index_cast %mul3A_2094 : i32 to index
      %get3A_2102 = tpu.vector_load %arg36[%get3A_2100, %get3A_2101] {strides = array<i32>} : memref<26x512xf32, #tpu.memory_space<vmem>>, vector<1x16xf32>,
      %get3A_2103 = vector.shape_cast %get3A_2102 : vector<1x16xf32> to vector<16xf32>
      %add3A_2104 = arith.addf %get3A_2098, %get3A_2103 : vector<16xf32>
      %get3A_2105 = arith.constant 2 : i32
      %get3A_2106 = arith.index_cast %get3A_2105 : i32 to index
      %get3A_2107 = arith.index_cast %mul3A_2094 : i32 to index
      %get3A_2108 = tpu.vector_load %arg36[%get3A_2106, %get3A_2107] {strides = array<i32>} : memref<26x512xf32, #tpu.memory_space<vmem>>, vector<1x16xf32>,
      %get3A_2109 = vector.shape_cast %get3A_2108 : vector<1x16xf32> to vector<16xf32>
      %add3A_2110 = arith.addf %add3A_2104, %get3A_2109 : vector<16xf32>
      %get3A_2111 = arith.constant 3 : i32
      %get3A_2112 = arith.index_cast %get3A_2111 : i32 to index
      %get3A_2113 = arith.index_cast %mul3A_2094 : i32 to index
      %get3A_2114 = tpu.vector_load %arg36[%get3A_2112, %get3A_2113] {strides = array<i32>} : memref<26x512xf32, #tpu.memory_space<vmem>>, vector<1x16xf32>,
      %get3A_2115 = vector.shape_cast %get3A_2114 : vector<1x16xf32> to vector<16xf32>
      %add3A_2116 = arith.addf %add3A_2110, %get3A_2115 : vector<16xf32>
      %get3A_2117 = arith.constant 4 : i32
      %get3A_2118 = arith.index_cast %get3A_2117 : i32 to index
      %get3A_2119 = arith.index_cast %mul3A_2094 : i32 to index
      %get3A_2120 = tpu.vector_load %arg36[%get3A_2118, %get3A_2119] {strides = array<i32>} : memref<26x512xf32, #tpu.memory_space<vmem>>, vector<1x16xf32>,
      %get3A_2121 = vector.shape_cast %get3A_2120 : vector<1x16xf32> to vector<16xf32>
      %add3A_2122 = arith.addf %add3A_2116, %get3A_2121 : vector<16xf32>
      %get3A_2123 = arith.constant 5 : i32
      %get3A_2124 = arith.index_cast %get3A_2123 : i32 to index
      %get3A_2125 = arith.index_cast %mul3A_2094 : i32 to index
      %get3A_2126 = tpu.vector_load %arg36[%get3A_2124, %get3A_2125] {strides = array<i32>} : memref<26x512xf32, #tpu.memory_space<vmem>>, vector<1x16xf32>,
      %get3A_2127 = vector.shape_cast %get3A_2126 : vector<1x16xf32> to vector<16xf32>
      %add3A_2128 = arith.addf %add3A_2122, %get3A_2127 : vector<16xf32>
      %get3A_2129 = arith.constant 6 : i32
      %get3A_2130 = arith.index_cast %get3A_2129 : i32 to index
      %get3A_2131 = arith.index_cast %mul3A_2094 : i32 to index
      %get3A_2132 = tpu.vector_load %arg36[%get3A_2130, %get3A_2131] {strides = array<i32>} : memref<26x512xf32, #tpu.memory_space<vmem>>, vector<1x16xf32>,
      %get3A_2133 = vector.shape_cast %get3A_2132 : vector<1x16xf32> to vector<16xf32>
      %add3A_2134 = arith.addf %add3A_2128, %get3A_2133 : vector<16xf32>
      %get3A_2135 = arith.constant 7 : i32
      %get3A_2136 = arith.index_cast %get3A_2135 : i32 to index
      %get3A_2137 = arith.index_cast %mul3A_2094 : i32 to index
      %get3A_2138 = tpu.vector_load %arg36[%get3A_2136, %get3A_2137] {strides = array<i32>} : memref<26x512xf32, #tpu.memory_space<vmem>>, vector<1x16xf32>,
      %get3A_2139 = vector.shape_cast %get3A_2138 : vector<1x16xf32> to vector<16xf32>
      %add3A_2140 = arith.addf %add3A_2134, %get3A_2139 : vector<16xf32>
      %get3A_2141 = arith.constant 8 : i32
      %get3A_2142 = arith.index_cast %get3A_2141 : i32 to index
      %get3A_2143 = arith.index_cast %mul3A_2094 : i32 to index
      %get3A_2144 = tpu.vector_load %arg36[%get3A_2142, %get3A_2143] {strides = array<i32>} : memref<26x512xf32, #tpu.memory_space<vmem>>, vector<1x16xf32>,
      %get3A_2145 = vector.shape_cast %get3A_2144 : vector<1x16xf32> to vector<16xf32>
      %add3A_2146 = arith.addf %add3A_2140, %get3A_2145 : vector<16xf32>
      %get3A_2147 = arith.constant 9 : i32
      %get3A_2148 = arith.index_cast %get3A_2147 : i32 to index
      %get3A_2149 = arith.index_cast %mul3A_2094 : i32 to index
      %get3A_2150 = tpu.vector_load %arg36[%get3A_2148, %get3A_2149] {strides = array<i32>} : memref<26x512xf32, #tpu.memory_space<vmem>>, vector<1x16xf32>,
      %get3A_2151 = vector.shape_cast %get3A_2150 : vector<1x16xf32> to vector<16xf32>
      %add3A_2152 = arith.addf %add3A_2146, %get3A_2151 : vector<16xf32>
      %get3A_2153 = arith.constant 10 : i32
      %get3A_2154 = arith.index_cast %get3A_2153 : i32 to index
      %get3A_2155 = arith.index_cast %mul3A_2094 : i32 to index
      %get3A_2156 = tpu.vector_load %arg36[%get3A_2154, %get3A_2155] {strides = array<i32>} : memref<26x512xf32, #tpu.memory_space<vmem>>, vector<1x16xf32>,
      %get3A_2157 = vector.shape_cast %get3A_2156 : vector<1x16xf32> to vector<16xf32>
      %add3A_2158 = arith.addf %add3A_2152, %get3A_2157 : vector<16xf32>
      %get3A_2159 = arith.constant 11 : i32
      %get3A_2160 = arith.index_cast %get3A_2159 : i32 to index
      %get3A_2161 = arith.index_cast %mul3A_2094 : i32 to index
      %get3A_2162 = tpu.vector_load %arg36[%get3A_2160, %get3A_2161] {strides = array<i32>} : memref<26x512xf32, #tpu.memory_space<vmem>>, vector<1x16xf32>,
      %get3A_2163 = vector.shape_cast %get3A_2162 : vector<1x16xf32> to vector<16xf32>
      %add3A_2164 = arith.addf %add3A_2158, %get3A_2163 : vector<16xf32>
      %get3A_2165 = arith.constant 12 : i32
      %get3A_2166 = arith.index_cast %get3A_2165 : i32 to index
      %get3A_2167 = arith.index_cast %mul3A_2094 : i32 to index
      %get3A_2168 = tpu.vector_load %arg36[%get3A_2166, %get3A_2167] {strides = array<i32>} : memref<26x512xf32, #tpu.memory_space<vmem>>, vector<1x16xf32>,
      %get3A_2169 = vector.shape_cast %get3A_2168 : vector<1x16xf32> to vector<16xf32>
      %add3A_2170 = arith.addf %add3A_2164, %get3A_2169 : vector<16xf32>
      %get3A_2171 = arith.constant 13 : i32
      %get3A_2172 = arith.index_cast %get3A_2171 : i32 to index
      %get3A_2173 = arith.index_cast %mul3A_2094 : i32 to index
      %get3A_2174 = tpu.vector_load %arg36[%get3A_2172, %get3A_2173] {strides = array<i32>} : memref<26x512xf32, #tpu.memory_space<vmem>>, vector<1x16xf32>,
      %get3A_2175 = vector.shape_cast %get3A_2174 : vector<1x16xf32> to vector<16xf32>
      %add3A_2176 = arith.addf %add3A_2170, %get3A_2175 : vector<16xf32>
      %get3A_2177 = arith.constant 14 : i32
      %get3A_2178 = arith.index_cast %get3A_2177 : i32 to index
      %get3A_2179 = arith.index_cast %mul3A_2094 : i32 to index
      %get3A_2180 = tpu.vector_load %arg36[%get3A_2178, %get3A_2179] {strides = array<i32>} : memref<26x512xf32, #tpu.memory_space<vmem>>, vector<1x16xf32>,
      %get3A_2181 = vector.shape_cast %get3A_2180 : vector<1x16xf32> to vector<16xf32>
      %add3A_2182 = arith.addf %add3A_2176, %get3A_2181 : vector<16xf32>
      %get3A_2183 = arith.constant 15 : i32
      %get3A_2184 = arith.index_cast %get3A_2183 : i32 to index
      %get3A_2185 = arith.index_cast %mul3A_2094 : i32 to index
      %get3A_2186 = tpu.vector_load %arg36[%get3A_2184, %get3A_2185] {strides = array<i32>} : memref<26x512xf32, #tpu.memory_space<vmem>>, vector<1x16xf32>,
      %get3A_2187 = vector.shape_cast %get3A_2186 : vector<1x16xf32> to vector<16xf32>
      %add3A_2188 = arith.addf %add3A_2182, %get3A_2187 : vector<16xf32>
      %get3A_2189 = arith.constant 16 : i32
      %get3A_2190 = arith.index_cast %get3A_2189 : i32 to index
      %get3A_2191 = arith.index_cast %mul3A_2094 : i32 to index
      %get3A_2192 = tpu.vector_load %arg36[%get3A_2190, %get3A_2191] {strides = array<i32>} : memref<26x512xf32, #tpu.memory_space<vmem>>, vector<1x16xf32>,
      %get3A_2193 = vector.shape_cast %get3A_2192 : vector<1x16xf32> to vector<16xf32>
      %add3A_2194 = arith.addf %add3A_2188, %get3A_2193 : vector<16xf32>
      %get3A_2195 = arith.constant 17 : i32
      %get3A_2196 = arith.index_cast %get3A_2195 : i32 to index
      %get3A_2197 = arith.index_cast %mul3A_2094 : i32 to index
      %get3A_2198 = tpu.vector_load %arg36[%get3A_2196, %get3A_2197] {strides = array<i32>} : memref<26x512xf32, #tpu.memory_space<vmem>>, vector<1x16xf32>,
      %get3A_2199 = vector.shape_cast %get3A_2198 : vector<1x16xf32> to vector<16xf32>
      %add3A_2200 = arith.addf %add3A_2194, %get3A_2199 : vector<16xf32>
      %get3A_2201 = arith.constant 18 : i32
      %get3A_2202 = arith.index_cast %get3A_2201 : i32 to index
      %get3A_2203 = arith.index_cast %mul3A_2094 : i32 to index
      %get3A_2204 = tpu.vector_load %arg36[%get3A_2202, %get3A_2203] {strides = array<i32>} : memref<26x512xf32, #tpu.memory_space<vmem>>, vector<1x16xf32>,
      %get3A_2205 = vector.shape_cast %get3A_2204 : vector<1x16xf32> to vector<16xf32>
      %add3A_2206 = arith.addf %add3A_2200, %get3A_2205 : vector<16xf32>
      %get3A_2207 = arith.constant 19 : i32
      %get3A_2208 = arith.index_cast %get3A_2207 : i32 to index
      %get3A_2209 = arith.index_cast %mul3A_2094 : i32 to index
      %get3A_2210 = tpu.vector_load %arg36[%get3A_2208, %get3A_2209] {strides = array<i32>} : memref<26x512xf32, #tpu.memory_space<vmem>>, vector<1x16xf32>,
      %get3A_2211 = vector.shape_cast %get3A_2210 : vector<1x16xf32> to vector<16xf32>
      %add3A_2212 = arith.addf %add3A_2206, %get3A_2211 : vector<16xf32>
      %get3A_2213 = arith.constant 20 : i32
      %get3A_2214 = arith.index_cast %get3A_2213 : i32 to index
      %get3A_2215 = arith.index_cast %mul3A_2094 : i32 to index
      %get3A_2216 = tpu.vector_load %arg36[%get3A_2214, %get3A_2215] {strides = array<i32>} : memref<26x512xf32, #tpu.memory_space<vmem>>, vector<1x16xf32>,
      %get3A_2217 = vector.shape_cast %get3A_2216 : vector<1x16xf32> to vector<16xf32>
      %add3A_2218 = arith.addf %add3A_2212, %get3A_2217 : vector<16xf32>
      %get3A_2219 = arith.constant 21 : i32
      %get3A_2220 = arith.index_cast %get3A_2219 : i32 to index
      %get3A_2221 = arith.index_cast %mul3A_2094 : i32 to index
      %get3A_2222 = tpu.vector_load %arg36[%get3A_2220, %get3A_2221] {strides = array<i32>} : memref<26x512xf32, #tpu.memory_space<vmem>>, vector<1x16xf32>,
      %get3A_2223 = vector.shape_cast %get3A_2222 : vector<1x16xf32> to vector<16xf32>
      %add3A_2224 = arith.addf %add3A_2218, %get3A_2223 : vector<16xf32>
      %get3A_2225 = arith.constant 22 : i32
      %get3A_2226 = arith.index_cast %get3A_2225 : i32 to index
      %get3A_2227 = arith.index_cast %mul3A_2094 : i32 to index
      %get3A_2228 = tpu.vector_load %arg36[%get3A_2226, %get3A_2227] {strides = array<i32>} : memref<26x512xf32, #tpu.memory_space<vmem>>, vector<1x16xf32>,
      %get3A_2229 = vector.shape_cast %get3A_2228 : vector<1x16xf32> to vector<16xf32>
      %add3A_2230 = arith.addf %add3A_2224, %get3A_2229 : vector<16xf32>
      %get3A_2231 = arith.constant 23 : i32
      %get3A_2232 = arith.index_cast %get3A_2231 : i32 to index
      %get3A_2233 = arith.index_cast %mul3A_2094 : i32 to index
      %get3A_2234 = tpu.vector_load %arg36[%get3A_2232, %get3A_2233] {strides = array<i32>} : memref<26x512xf32, #tpu.memory_space<vmem>>, vector<1x16xf32>,
      %get3A_2235 = vector.shape_cast %get3A_2234 : vector<1x16xf32> to vector<16xf32>
      %add3A_2236 = arith.addf %add3A_2230, %get3A_2235 : vector<16xf32>
      %get3A_2237 = arith.constant 24 : i32
      %get3A_2238 = arith.index_cast %get3A_2237 : i32 to index
      %get3A_2239 = arith.index_cast %mul3A_2094 : i32 to index
      %get3A_2240 = tpu.vector_load %arg36[%get3A_2238, %get3A_2239] {strides = array<i32>} : memref<26x512xf32, #tpu.memory_space<vmem>>, vector<1x16xf32>,
      %get3A_2241 = vector.shape_cast %get3A_2240 : vector<1x16xf32> to vector<16xf32>
      %add3A_2242 = arith.addf %add3A_2236, %get3A_2241 : vector<16xf32>
      %get3A_2243 = arith.constant 25 : i32
      %get3A_2244 = arith.index_cast %get3A_2243 : i32 to index
      %get3A_2245 = arith.index_cast %mul3A_2094 : i32 to index
      %get3A_2246 = tpu.vector_load %arg36[%get3A_2244, %get3A_2245] {strides = array<i32>} : memref<26x512xf32, #tpu.memory_space<vmem>>, vector<1x16xf32>,
      %get3A_2247 = vector.shape_cast %get3A_2246 : vector<1x16xf32> to vector<16xf32>
      %add3A_2248 = arith.addf %add3A_2242, %get3A_2247 : vector<16xf32>
      %get3A_2249 = arith.constant 0 : i32
      %get3A_2250 = arith.index_cast %get3A_2249 : i32 to index
      %get3A_2251 = arith.index_cast %mul3A_2094 : i32 to index
      %get3A_2252 = tpu.vector_load %arg33[%get3A_2250, %get3A_2251] {strides = array<i32>} : memref<13x512xf32, #tpu.memory_space<vmem>>, vector<1x16xf32>,
      %get3A_2253 = vector.shape_cast %get3A_2252 : vector<1x16xf32> to vector<16xf32>
      %get3A_2254 = arith.constant 0 : i32
      %get3A_2255 = arith.index_cast %get3A_2254 : i32 to index
      %get3A_2256 = arith.constant 0 : index
      %get3A_2257 = tpu.vector_load %arg34[%get3A_2255, %get3A_2256] {strides = array<i32>} : memref<13x16xf32, #tpu.memory_space<vmem>>, vector<1x16xf32>,
      %get3A_2258 = vector.shape_cast %get3A_2257 : vector<1x16xf32> to vector<16xf32>
      %mul3A_2259 = arith.mulf %get3A_2253, %get3A_2258 : vector<16xf32>
      %add3A_2260 = arith.addf %add3A_2248, %mul3A_2259 : vector<16xf32>
      %get3A_2261 = arith.constant 1 : i32
      %get3A_2262 = arith.index_cast %get3A_2261 : i32 to index
      %get3A_2263 = arith.index_cast %mul3A_2094 : i32 to index
      %get3A_2264 = tpu.vector_load %arg33[%get3A_2262, %get3A_2263] {strides = array<i32>} : memref<13x512xf32, #tpu.memory_space<vmem>>, vector<1x16xf32>,
      %get3A_2265 = vector.shape_cast %get3A_2264 : vector<1x16xf32> to vector<16xf32>
      %get3A_2266 = arith.constant 1 : i32
      %get3A_2267 = arith.index_cast %get3A_2266 : i32 to index
      %get3A_2268 = arith.constant 0 : index
      %get3A_2269 = tpu.vector_load %arg34[%get3A_2267, %get3A_2268] {strides = array<i32>} : memref<13x16xf32, #tpu.memory_space<vmem>>, vector<1x16xf32>,
      %get3A_2270 = vector.shape_cast %get3A_2269 : vector<1x16xf32> to vector<16xf32>
      %mul3A_2271 = arith.mulf %get3A_2265, %get3A_2270 : vector<16xf32>
      %add3A_2272 = arith.addf %add3A_2260, %mul3A_2271 : vector<16xf32>
      %get3A_2273 = arith.constant 2 : i32
      %get3A_2274 = arith.index_cast %get3A_2273 : i32 to index
      %get3A_2275 = arith.index_cast %mul3A_2094 : i32 to index
      %get3A_2276 = tpu.vector_load %arg33[%get3A_2274, %get3A_2275] {strides = array<i32>} : memref<13x512xf32, #tpu.memory_space<vmem>>, vector<1x16xf32>,
      %get3A_2277 = vector.shape_cast %get3A_2276 : vector<1x16xf32> to vector<16xf32>
      %get3A_2278 = arith.constant 2 : i32
      %get3A_2279 = arith.index_cast %get3A_2278 : i32 to index
      %get3A_2280 = arith.constant 0 : index
      %get3A_2281 = tpu.vector_load %arg34[%get3A_2279, %get3A_2280] {strides = array<i32>} : memref<13x16xf32, #tpu.memory_space<vmem>>, vector<1x16xf32>,
      %get3A_2282 = vector.shape_cast %get3A_2281 : vector<1x16xf32> to vector<16xf32>
      %mul3A_2283 = arith.mulf %get3A_2277, %get3A_2282 : vector<16xf32>
      %add3A_2284 = arith.addf %add3A_2272, %mul3A_2283 : vector<16xf32>
      %get3A_2285 = arith.constant 3 : i32
      %get3A_2286 = arith.index_cast %get3A_2285 : i32 to index
      %get3A_2287 = arith.index_cast %mul3A_2094 : i32 to index
      %get3A_2288 = tpu.vector_load %arg33[%get3A_2286, %get3A_2287] {strides = array<i32>} : memref<13x512xf32, #tpu.memory_space<vmem>>, vector<1x16xf32>,
      %get3A_2289 = vector.shape_cast %get3A_2288 : vector<1x16xf32> to vector<16xf32>
      %get3A_2290 = arith.constant 3 : i32
      %get3A_2291 = arith.index_cast %get3A_2290 : i32 to index
      %get3A_2292 = arith.constant 0 : index
      %get3A_2293 = tpu.vector_load %arg34[%get3A_2291, %get3A_2292] {strides = array<i32>} : memref<13x16xf32, #tpu.memory_space<vmem>>, vector<1x16xf32>,
      %get3A_2294 = vector.shape_cast %get3A_2293 : vector<1x16xf32> to vector<16xf32>
      %mul3A_2295 = arith.mulf %get3A_2289, %get3A_2294 : vector<16xf32>
      %add3A_2296 = arith.addf %add3A_2284, %mul3A_2295 : vector<16xf32>
      %get3A_2297 = arith.constant 4 : i32
      %get3A_2298 = arith.index_cast %get3A_2297 : i32 to index
      %get3A_2299 = arith.index_cast %mul3A_2094 : i32 to index
      %get3A_2300 = tpu.vector_load %arg33[%get3A_2298, %get3A_2299] {strides = array<i32>} : memref<13x512xf32, #tpu.memory_space<vmem>>, vector<1x16xf32>,
      %get3A_2301 = vector.shape_cast %get3A_2300 : vector<1x16xf32> to vector<16xf32>
      %get3A_2302 = arith.constant 4 : i32
      %get3A_2303 = arith.index_cast %get3A_2302 : i32 to index
      %get3A_2304 = arith.constant 0 : index
      %get3A_2305 = tpu.vector_load %arg34[%get3A_2303, %get3A_2304] {strides = array<i32>} : memref<13x16xf32, #tpu.memory_space<vmem>>, vector<1x16xf32>,
      %get3A_2306 = vector.shape_cast %get3A_2305 : vector<1x16xf32> to vector<16xf32>
      %mul3A_2307 = arith.mulf %get3A_2301, %get3A_2306 : vector<16xf32>
      %add3A_2308 = arith.addf %add3A_2296, %mul3A_2307 : vector<16xf32>
      %get3A_2309 = arith.constant 5 : i32
      %get3A_2310 = arith.index_cast %get3A_2309 : i32 to index
      %get3A_2311 = arith.index_cast %mul3A_2094 : i32 to index
      %get3A_2312 = tpu.vector_load %arg33[%get3A_2310, %get3A_2311] {strides = array<i32>} : memref<13x512xf32, #tpu.memory_space<vmem>>, vector<1x16xf32>,
      %get3A_2313 = vector.shape_cast %get3A_2312 : vector<1x16xf32> to vector<16xf32>
      %get3A_2314 = arith.constant 5 : i32
      %get3A_2315 = arith.index_cast %get3A_2314 : i32 to index
      %get3A_2316 = arith.constant 0 : index
      %get3A_2317 = tpu.vector_load %arg34[%get3A_2315, %get3A_2316] {strides = array<i32>} : memref<13x16xf32, #tpu.memory_space<vmem>>, vector<1x16xf32>,
      %get3A_2318 = vector.shape_cast %get3A_2317 : vector<1x16xf32> to vector<16xf32>
      %mul3A_2319 = arith.mulf %get3A_2313, %get3A_2318 : vector<16xf32>
      %add3A_2320 = arith.addf %add3A_2308, %mul3A_2319 : vector<16xf32>
      %get3A_2321 = arith.constant 6 : i32
      %get3A_2322 = arith.index_cast %get3A_2321 : i32 to index
      %get3A_2323 = arith.index_cast %mul3A_2094 : i32 to index
      %get3A_2324 = tpu.vector_load %arg33[%get3A_2322, %get3A_2323] {strides = array<i32>} : memref<13x512xf32, #tpu.memory_space<vmem>>, vector<1x16xf32>,
      %get3A_2325 = vector.shape_cast %get3A_2324 : vector<1x16xf32> to vector<16xf32>
      %get3A_2326 = arith.constant 6 : i32
      %get3A_2327 = arith.index_cast %get3A_2326 : i32 to index
      %get3A_2328 = arith.constant 0 : index
      %get3A_2329 = tpu.vector_load %arg34[%get3A_2327, %get3A_2328] {strides = array<i32>} : memref<13x16xf32, #tpu.memory_space<vmem>>, vector<1x16xf32>,
      %get3A_2330 = vector.shape_cast %get3A_2329 : vector<1x16xf32> to vector<16xf32>
      %mul3A_2331 = arith.mulf %get3A_2325, %get3A_2330 : vector<16xf32>
      %add3A_2332 = arith.addf %add3A_2320, %mul3A_2331 : vector<16xf32>
      %get3A_2333 = arith.constant 7 : i32
      %get3A_2334 = arith.index_cast %get3A_2333 : i32 to index
      %get3A_2335 = arith.index_cast %mul3A_2094 : i32 to index
      %get3A_2336 = tpu.vector_load %arg33[%get3A_2334, %get3A_2335] {strides = array<i32>} : memref<13x512xf32, #tpu.memory_space<vmem>>, vector<1x16xf32>,
      %get3A_2337 = vector.shape_cast %get3A_2336 : vector<1x16xf32> to vector<16xf32>
      %get3A_2338 = arith.constant 7 : i32
      %get3A_2339 = arith.index_cast %get3A_2338 : i32 to index
      %get3A_2340 = arith.constant 0 : index
      %get3A_2341 = tpu.vector_load %arg34[%get3A_2339, %get3A_2340] {strides = array<i32>} : memref<13x16xf32, #tpu.memory_space<vmem>>, vector<1x16xf32>,
      %get3A_2342 = vector.shape_cast %get3A_2341 : vector<1x16xf32> to vector<16xf32>
      %mul3A_2343 = arith.mulf %get3A_2337, %get3A_2342 : vector<16xf32>
      %add3A_2344 = arith.addf %add3A_2332, %mul3A_2343 : vector<16xf32>
      %get3A_2345 = arith.constant 8 : i32
      %get3A_2346 = arith.index_cast %get3A_2345 : i32 to index
      %get3A_2347 = arith.index_cast %mul3A_2094 : i32 to index
      %get3A_2348 = tpu.vector_load %arg33[%get3A_2346, %get3A_2347] {strides = array<i32>} : memref<13x512xf32, #tpu.memory_space<vmem>>, vector<1x16xf32>,
      %get3A_2349 = vector.shape_cast %get3A_2348 : vector<1x16xf32> to vector<16xf32>
      %get3A_2350 = arith.constant 8 : i32
      %get3A_2351 = arith.index_cast %get3A_2350 : i32 to index
      %get3A_2352 = arith.constant 0 : index
      %get3A_2353 = tpu.vector_load %arg34[%get3A_2351, %get3A_2352] {strides = array<i32>} : memref<13x16xf32, #tpu.memory_space<vmem>>, vector<1x16xf32>,
      %get3A_2354 = vector.shape_cast %get3A_2353 : vector<1x16xf32> to vector<16xf32>
      %mul3A_2355 = arith.mulf %get3A_2349, %get3A_2354 : vector<16xf32>
      %add3A_2356 = arith.addf %add3A_2344, %mul3A_2355 : vector<16xf32>
      %get3A_2357 = arith.constant 9 : i32
      %get3A_2358 = arith.index_cast %get3A_2357 : i32 to index
      %get3A_2359 = arith.index_cast %mul3A_2094 : i32 to index
      %get3A_2360 = tpu.vector_load %arg33[%get3A_2358, %get3A_2359] {strides = array<i32>} : memref<13x512xf32, #tpu.memory_space<vmem>>, vector<1x16xf32>,
      %get3A_2361 = vector.shape_cast %get3A_2360 : vector<1x16xf32> to vector<16xf32>
      %get3A_2362 = arith.constant 9 : i32
      %get3A_2363 = arith.index_cast %get3A_2362 : i32 to index
      %get3A_2364 = arith.constant 0 : index
      %get3A_2365 = tpu.vector_load %arg34[%get3A_2363, %get3A_2364] {strides = array<i32>} : memref<13x16xf32, #tpu.memory_space<vmem>>, vector<1x16xf32>,
      %get3A_2366 = vector.shape_cast %get3A_2365 : vector<1x16xf32> to vector<16xf32>
      %mul3A_2367 = arith.mulf %get3A_2361, %get3A_2366 : vector<16xf32>
      %add3A_2368 = arith.addf %add3A_2356, %mul3A_2367 : vector<16xf32>
      %get3A_2369 = arith.constant 10 : i32
      %get3A_2370 = arith.index_cast %get3A_2369 : i32 to index
      %get3A_2371 = arith.index_cast %mul3A_2094 : i32 to index
      %get3A_2372 = tpu.vector_load %arg33[%get3A_2370, %get3A_2371] {strides = array<i32>} : memref<13x512xf32, #tpu.memory_space<vmem>>, vector<1x16xf32>,
      %get3A_2373 = vector.shape_cast %get3A_2372 : vector<1x16xf32> to vector<16xf32>
      %get3A_2374 = arith.constant 10 : i32
      %get3A_2375 = arith.index_cast %get3A_2374 : i32 to index
      %get3A_2376 = arith.constant 0 : index
      %get3A_2377 = tpu.vector_load %arg34[%get3A_2375, %get3A_2376] {strides = array<i32>} : memref<13x16xf32, #tpu.memory_space<vmem>>, vector<1x16xf32>,
      %get3A_2378 = vector.shape_cast %get3A_2377 : vector<1x16xf32> to vector<16xf32>
      %mul3A_2379 = arith.mulf %get3A_2373, %get3A_2378 : vector<16xf32>
      %add3A_2380 = arith.addf %add3A_2368, %mul3A_2379 : vector<16xf32>
      %get3A_2381 = arith.constant 11 : i32
      %get3A_2382 = arith.index_cast %get3A_2381 : i32 to index
      %get3A_2383 = arith.index_cast %mul3A_2094 : i32 to index
      %get3A_2384 = tpu.vector_load %arg33[%get3A_2382, %get3A_2383] {strides = array<i32>} : memref<13x512xf32, #tpu.memory_space<vmem>>, vector<1x16xf32>,
      %get3A_2385 = vector.shape_cast %get3A_2384 : vector<1x16xf32> to vector<16xf32>
      %get3A_2386 = arith.constant 11 : i32
      %get3A_2387 = arith.index_cast %get3A_2386 : i32 to index
      %get3A_2388 = arith.constant 0 : index
      %get3A_2389 = tpu.vector_load %arg34[%get3A_2387, %get3A_2388] {strides = array<i32>} : memref<13x16xf32, #tpu.memory_space<vmem>>, vector<1x16xf32>,
      %get3A_2390 = vector.shape_cast %get3A_2389 : vector<1x16xf32> to vector<16xf32>
      %mul3A_2391 = arith.mulf %get3A_2385, %get3A_2390 : vector<16xf32>
      %add3A_2392 = arith.addf %add3A_2380, %mul3A_2391 : vector<16xf32>
      %get3A_2393 = arith.constant 12 : i32
      %get3A_2394 = arith.index_cast %get3A_2393 : i32 to index
      %get3A_2395 = arith.index_cast %mul3A_2094 : i32 to index
      %get3A_2396 = tpu.vector_load %arg33[%get3A_2394, %get3A_2395] {strides = array<i32>} : memref<13x512xf32, #tpu.memory_space<vmem>>, vector<1x16xf32>,
      %get3A_2397 = vector.shape_cast %get3A_2396 : vector<1x16xf32> to vector<16xf32>
      %get3A_2398 = arith.constant 12 : i32
      %get3A_2399 = arith.index_cast %get3A_2398 : i32 to index
      %get3A_2400 = arith.constant 0 : index
      %get3A_2401 = tpu.vector_load %arg34[%get3A_2399, %get3A_2400] {strides = array<i32>} : memref<13x16xf32, #tpu.memory_space<vmem>>, vector<1x16xf32>,
      %get3A_2402 = vector.shape_cast %get3A_2401 : vector<1x16xf32> to vector<16xf32>
      %mul3A_2403 = arith.mulf %get3A_2397, %get3A_2402 : vector<16xf32>
      %add3A_2404 = arith.addf %add3A_2392, %mul3A_2403 : vector<16xf32>
      %swap3A = arith.index_cast %mul3A_2094 : i32 to index
      %swap3A_2405 = tpu.vector_load %arg37[%swap3A] {strides = array<i32>} : memref<512xf32, #tpu.memory_space<vmem>>, vector<16xf32>,
      %swap3A_2406 = vector.shape_cast %swap3A_2405 : vector<16xf32> to vector<16xf32>
      %swap3A_2407 = vector.shape_cast %add3A_2404 : vector<16xf32> to vector<16xf32>
      tpu.vector_store %arg37[%swap3A], %swap3A_2407 {strides = array<i32>} : memref<512xf32, #tpu.memory_space<vmem>>, vector<16xf32>,
    }
    %scan3A_2091 = arith.constant 32 : i32
    "tpu.region"() ({
      %run_scoped3A = tpu.sem_alloc : memref<!tpu.dma_semaphore, #tpu.memory_space<semaphore_mem>>
      %dma_start3A_2092 = tpu.memref_slice %arg31[%mul3A_2] : memref<16384xf32, #tpu.memory_space<hbm>> -> memref<512xf32, #tpu.memory_space<hbm>>
      %dma_start3A_2093 = tpu.memref_slice %arg31[%mul3A_2] : memref<16384xf32, #tpu.memory_space<hbm>> -> memref<512xf32, #tpu.memory_space<hbm>>
      tpu.enqueue_dma source(%arg37 : memref<512xf32, #tpu.memory_space<vmem>>) target(%dma_start3A_2093 : memref<512xf32, #tpu.memory_space<hbm>>) target_semaphore(%run_scoped3A : memref<!tpu.dma_semaphore, #tpu.memory_space<semaphore_mem>>)
      %dma_wait3A_2094 = tpu.memref_slice %arg31[%mul3A_2] : memref<16384xf32, #tpu.memory_space<hbm>> -> memref<512xf32, #tpu.memory_space<hbm>>
      %dma_wait3A_2095 = tpu.memref_slice %arg31[%mul3A_2] : memref<16384xf32, #tpu.memory_space<hbm>> -> memref<512xf32, #tpu.memory_space<hbm>>
      tpu.wait_dma2 semaphore(%run_scoped3A : memref<!tpu.dma_semaphore, #tpu.memory_space<semaphore_mem>>) src(%arg37 : memref<512xf32, #tpu.memory_space<vmem>>) dst(%dma_wait3A_2095 : memref<512xf32, #tpu.memory_space<hbm>>)
      tpu.yield
    }) : () -> ()
    return
  }
}

</mosaic_0001>

<sc_bundles>
// kernel: kernel.3.cloned.1.call-start
scs
__scs_entry_jumppad:
0x0: {  	(pc) =	sbr.rel $0x88, $3  }
0x1: {  	(tag) =	ssettag $0x0;
	lr =	simm.s32 $0x1  }
0x2: {  	[smem:$0x3F9E] =	sst lr;
	_ =	strace $0xD0000000  }
0x3: {  	_ = 	snop  }
0x4: {  	_ = 	snop  }
0x5: {  	_ = 	snop  }
0x6: {  	_ = 	snop  }
0x7: {  	_ = 	snop  }
__scs_overlays_trampoline_lowered:
0x8: {  	[smem:$0x3FAD] =	sst s0  }
0x9: {  	[smem:$0x3FAE] =	sst s1  }
0xa: {  	[smem:$0x3FAF] =	sst s2  }
0xb: {  	[smem:$0x3FB0] =	sst s3  }
0xc: {  	[smem:$0x3FB1] =	sst s4  }
0xd: {  	[smem:$0x3FB2] =	sst s5  }
0xe: {  	[smem:$0x3FB3] =	sst s6  }
0xf: {  	[smem:$0x3FB4] =	sst s7  }
0x10: {  	[smem:$0x3FB5] =	sst s8  }
0x11: {  	[smem:$0x3FB6] =	sst s9;
	s0 =	simm.s32 @!p0 $0x0  }
0x12: {  	s1 =	sld [smem:$0x3F9C];
	s0 =	simm.s32 @p0 $0x1  }
0x13: {  	[smem:$0x3FB7] =	sst s0;
	s0 =	simm.s32 @!p1 $0x0  }
0x14: {  	s2 =	sld [smem:$0x3F9B];
	s0 =	simm.s32 @p1 $0x1  }
0x15: {  	[smem:$0x3FB8] =	sst s0;
	s0 =	simm.s32 @!p2 $0x0  }
0x16: {  	s3 =	sld [smem:$0x3FDB];
	s0 =	simm.s32 @p2 $0x1  }
0x17: {  	s4 =	simm.s32 $0x1BF5;
	[smem:$0x3FBA] =	sst s0  }
0x18: {  	s0 =	sld [smem:$0x3F9D];
	_ =	swait.ge [sflag:s4], $0x0  }
0x19: {  	s7 =	sld [smem:$0x3F9E]  }
0x1a: {  	s8 =	sadd.s32 $0xFFFFE003, lr  }
0x1b: {  	s9 =	sadd.s32 $0xFFFFFEF7, lr;
	s5 =	simm.s32 $0xFFFFFFFF;
	p2 =	slt.u32 s8, $0xFFFFF086  }
0x1c: {  	p1 =	slt.u32 s9, $0xF7A;
	s5 =	simm.s32 @!p2 $0x0  }
0x1d: {  	s5 =	simm.s32 @p1 $0x1;
	p0 =	seq.s32 s7, s2  }
0x1e: {  	s7 =	smul.u32 @!p0 $0xF7A, s2;
	p2 =	seq.s32 @!p0 s5, $0x0  }
0x1f: {  	s9 =	smul.u32 $0xF7A, s1;
	s8 =	simm.s32 @!p0 $0x1BF5;
	p2 =	por !p2, p0  }
0x20: {  	[sflag:s8] =	ssyncset.s32 @!p0 $0xFFFFF086;
	s6 =	sadd.s32 @!p0 s3, s7;
	s7 =	simm.s32 @!p0 $0x108  }
0x21: {  	s3 =	sadd.s32 s3, s9;
	s6 =	sadd.s32 @!p0 $0x88, s6;
	s7 =	simm.s32 @p2 $0x1082  }
0x22: {  	[simem:s7], [sflag:s8] =	dma.local @!p0 [hbm:s6], $0xF7A  }
0x23: {  	s9 =	sor.u32 $0xD0000000, s2;
	s6 =	simm.s32 $0x108;
	_ =	swait.ge @!p0 [sflag:s8], $0x0  }
0x24: {  	s3 =	sadd.s32 $0x88, s3;
	s6 =	simm.s32 @!p1 $0x1082;
	[sflag:s4] =	ssyncset.s32 $0xFFFFF086  }
0x25: {  	[simem:s6], [sflag:s4] =	dma.local [hbm:s3], $0xF7A  }
0x26: {  	[smem:$0x3F9E] =	sst s1;
	(tag) =	ssettag s2;
	_ =	strace s9  }
0x27: {  	s1 =	sld [smem:$0x3FAE]  }
0x28: {  	s2 =	sld [smem:$0x3FAF]  }
0x29: {  	s4 =	sld [smem:$0x3FB1]  }
0x2a: {  	p0 =	seq.s32 s5, $0x0;
	s5 =	sld [smem:$0x3FB2]  }
0x2b: {  	s6 =	sld [smem:$0x3FB3]  }
0x2c: {  	s7 =	sld [smem:$0x3FB4]  }
0x2d: {  	s3 =	simm.s32 $0x108;
	s8 =	sld [smem:$0x3FB5]  }
0x2e: {  	s3 =	simm.s32 @!p0 $0x1082;
	s9 =	sld [smem:$0x3FB6]  }
0x2f: {  	lr =	sadd.s32 s0, s3;
	s0 =	sld [smem:$0x3FAD]  }
0x30: {  	s3 =	sld [smem:$0x3FB0]  }
0x31: {  	[smem:$0x3FB9] =	sst s10  }
0x32: {  	s10 =	sld [smem:$0x3FB7];
	_ =	sdelay $0x3  }
0x33: {  	p0 =	seq.s32 s10, $0x1;
	s10 =	sld [smem:$0x3FB9];
	_ =	sdelay $0x3  }
0x34: {  	[smem:$0x3FB9] =	sst s10  }
0x35: {  	s10 =	sld [smem:$0x3FB8];
	_ =	sdelay $0x3  }
0x36: {  	p1 =	seq.s32 s10, $0x1;
	s10 =	sld [smem:$0x3FB9];
	_ =	sdelay $0x3  }
0x37: {  	[smem:$0x3FB9] =	sst s10  }
0x38: {  	s10 =	sld [smem:$0x3FBA]  }
0x39: {  	_ = 	snop;
	(pc) =	sbr.ind lr, $3  }
0x3a: {  	_ = 	snop  }
0x3b: {  	_ = 	snop  }
0x3c: {  	p2 =	seq.s32 s10, $0x1;
	s10 =	sld [smem:$0x3FB9]  }
0x3d: {  	_ =	shalt  }
0x3e: {  	_ =	shalt  }
0x3f: {  	_ =	shalt  }
0x40: {  	_ =	shalt  }
0x41: {  	_ =	shalt  }
0x42: {  	_ =	shalt  }
0x43: {  	_ =	shalt  }
0x44: {  	_ =	shalt  }
0x45: {  	_ =	shalt  }
0x46: {  	_ =	shalt  }
0x47: {  	_ =	shalt  }
0x48: {  	_ =	shalt  }
0x49: {  	_ =	shalt  }
0x4a: {  	_ =	shalt  }
0x4b: {  	_ =	shalt  }
0x4c: {  	_ =	shalt  }
0x4d: {  	_ =	shalt  }
0x4e: {  	_ =	shalt  }
0x4f: {  	_ =	shalt  }
0x50: {  	_ =	shalt  }
0x51: {  	_ =	shalt  }
0x52: {  	_ =	shalt  }
0x53: {  	_ =	shalt  }
0x54: {  	_ =	shalt  }
0x55: {  	_ =	shalt  }
0x56: {  	_ =	shalt  }
0x57: {  	_ =	shalt  }
0x58: {  	_ =	shalt  }
0x59: {  	_ =	shalt  }
0x5a: {  	_ =	shalt  }
0x5b: {  	_ =	shalt  }
0x5c: {  	_ =	shalt  }
0x5d: {  	_ =	shalt  }
0x5e: {  	_ =	shalt  }
0x5f: {  	_ =	shalt  }
0x60: {  	_ =	shalt  }
0x61: {  	_ =	shalt  }
0x62: {  	_ =	shalt  }
0x63: {  	_ =	shalt  }
0x64: {  	_ =	shalt  }
0x65: {  	_ =	shalt  }
0x66: {  	_ =	shalt  }
0x67: {  	_ =	shalt  }
0x68: {  	_ =	shalt  }
0x69: {  	_ =	shalt  }
0x6a: {  	_ =	shalt  }
0x6b: {  	_ =	shalt  }
0x6c: {  	_ =	shalt  }
0x6d: {  	_ =	shalt  }
0x6e: {  	_ =	shalt  }
0x6f: {  	_ =	shalt  }
0x70: {  	_ =	shalt  }
0x71: {  	_ =	shalt  }
0x72: {  	_ =	shalt  }
0x73: {  	_ =	shalt  }
0x74: {  	_ =	shalt  }
0x75: {  	_ =	shalt  }
0x76: {  	_ =	shalt  }
0x77: {  	_ =	shalt  }
0x78: {  	_ =	shalt  }
0x79: {  	_ =	shalt  }
0x7a: {  	_ =	shalt  }
0x7b: {  	_ =	shalt  }
0x7c: {  	_ =	shalt  }
0x7d: {  	_ =	shalt  }
0x7e: {  	_ =	shalt  }
0x7f: {  	_ =	shalt  }
0x80: {  	_ =	shalt  }
0x81: {  	_ =	shalt  }
0x82: {  	_ =	shalt  }
0x83: {  	_ =	shalt  }
0x84: {  	_ =	shalt  }
0x85: {  	_ =	shalt  }
0x86: {  	_ =	shalt  }
0x87: {  	_ =	shalt  }
.Lfunc_end0:
.L_simem_size_0:
called_computation_lowered:
.L_overlay_start_0:
0x88: {  	s2 =	sld [smem:$0x3FD9]  }
0x89: {  	s3 =	sld [smem:$0x3FFE];
	_ =	sdelay $0x1  }
0x8a: {  	s1 =	srdreg.scid  }
0x8b: {  	s0 =	sand.u32 $0x1, s1  }
0x8c: {  	s17 =	sshll.u32 s0, $0xA;
	s2 =	sadd.s32 s3, s2  }
0x8d: {  	s2 =	sadd.s32 s2, s17  }
0x8e: {  	[smem:$0x3FC5] =	sst s2  }
0x8f: {  	_ = 	snop  }
0x90: {  	s2 =	sld [smem:$0x3FD0];
	(tm) =	ssettm $0x1  }
0x91: {  	s18 =	sld [smem:$0x3FFB];
	_ =	sdelay $0x3  }
0x92: {  	_ =	strace s18  }
0x93: {  	s3 =	sld [smem:$0x3FFC];
	_ =	sdelay $0x3  }
0x94: {  	_ =	strace s3  }
0x95: {  	s3 =	sld [smem:$0x3FFD];
	_ =	sdelay $0x3  }
0x96: {  	_ =	strace s3  }
0x97: {  	_ =	strace $0x8FFFFFFF  }
0x98: {  	s19 =	sld [smem:$0x3FDB];
	_ =	sdelay $0x1  }
0x99: {  	s4 =	simm.s32 $_scs_section_size  }
0x9a: {  	s5 =	simm.s32 $_size__tile_overlayer_lowered;
	s6 =	simm.s32 $_tile_overlayer_lowered  }
0x9b: {  	s22 =	simm.s32 $0x1BFF;
	s21 =	sshll.u32 s6, $0x1;
	s3 =	sadd.s32 s4, s19  }
0x9c: {  	s7 =	simm.s32 $0x0;
	s20 =	sshll.u32 s5, $0x1;
	s5 =	sadd.s32 s21, s3  }
0x9d: {  	[timem:s7], [sflag:s22] =	dma.local [hbm:s5], s20  }
0x9e: {  	_ =	swait.ge [sflag:s22], s20  }
0x9f: {  	s4 =	ssub.s32 $0x0, s20;
	[sflag:s22] =	ssyncset.done $0x0  }
0xa0: {  	[sflag:s22] =	ssyncadd.s32 s4;
	_ =	sdelay $0x1  }
0xa1: {  	s23 =	simm.s32 $0x1B8B  }
0xa2: {  	_ =	swait.ge [sflag:s23], $0x1  }
0xa3: {  	[sflag:s23] =	ssyncset.done $0x0  }
0xa4: {  	s25 =	simm.s32 $0x1B8E;
	s24 =	sld [smem:$0x3FFE];
	[sflag:s23] =	ssyncadd.s32 $0xFFFFFFFF  }
0xa5: {  	s26 =	simm.s32 $execute0_lowered;
	[smem:$0x3FD2] =	sst s25  }
0xa6: {  	s5 =	sshll.u32 s26, $0x1;
	_ =	strace $0x80000046;
	[dreg:$0x1] =	wrdreg $0xFFFFFFFF  }
0xa7: {  	s28 =	simm.s32 $_size_execute0_lowered;
	s3 =	sadd.s32 s3, s5;
	[dreg:$0x0] =	wrdreg $0x0  }
0xa8: {  	s5 =	sshll.u32 s28, $0x1;
	[dreg:$0x2] =	wrdreg s3  }
0xa9: {  	[dreg:$0x3] =	wrdreg s5  }
0xaa: {  	[dreg:$0x4] =	wrdreg $0xC0  }
0xab: {  	_ =	task [dreg:s7], $0x5FFFF  }
0xac: {  	[dreg:$0x1] =	wrdreg $0xFFFFFFFF  }
0xad: {  	[dreg:$0x0] =	wrdreg $0x60  }
0xae: {  	[dreg:$0x2] =	wrdreg s24  }
0xaf: {  	[dreg:$0x3] =	wrdreg s2  }
0xb0: {  	[dreg:$0x4] =	wrdreg $0x9  }
0xb1: {  	_ =	task.clear_ibuf [dreg:s7], $0x5FFFF;
	_ =	strace $0x90000046  }
0xb2: {  	s29 =	simm.s32 $0x9;
	_ =	strace $0x80000048  }
0xb3: {  	_ =	swait.ge [sflag:s29], $0x1  }
0xb4: {  	[sflag:s29] =	ssyncadd.s32 $0xFFFFFFFF  }
0xb5: {  	_ =	strace $0x90000048  }
0xb6: {  	_ =	sfence  }
0xb7: {  	s30 =	sld [smem:$0x0];
	_ =	sdelay $0x2  }
0xb8: {  	s31 =	sshll.u32 s1, $0xD;
	s1 =	sshrl.u32 s1, $0x2  }
0xb9: {  	s3 =	sand.u32 $0x4000, s31;
	s1 =	sadd.s32 s1, s30  }
0xba: {  	s0 =	sor.u32 s3, s0;
	s1 =	sshll.u32 s1, $0x11  }
0xbb: {  	s0 =	sor.u32 s1, s0  }
0xbc: {  	s0 =	sadd.s32 $0x8F2B, s0  }
0xbd: {  	[sflag:s0] =	ssyncadd.remote.s32 $0x1  }
0xbe: {  	_ =	sfence.sel $0xFFFF  }
0xbf: {  	[dreg:$0x0] =	wrdreg $0xFFFFFFFF;
	(pc) =	sbr.abs _section_cstart, $3  }
0xc0: {  	[dreg:$0x1] =	wrdreg $0xFFFFFFFF  }
0xc1: {  	_ =	task.clear_ibuf [dreg:s7], $0x2FFFF;
	_ =	strace $0x9FFFFFFF  }
0xc2: {  	(tm) =	ssettm $0x7FFFFFFF  }
0xc3: {  	_ =	shalt  }
tec
execute0_lowered:
.L_overlay_start_1:
0x0: {  	(tag) =	ssettag $0x1  }
0x1: {  	s0 =	rddreg [dreg:$0x0]  }
0x2: {  	s1 =	rddreg [dreg:$0x1];
	s6 =	simm.s32 $0x0  }
0x3: {  	[smem:$0x7FF] =	sst s6;
	s2 =	sadd.s32 $0x334400, s0  }
0x4: {  	s20 =	srdreg.scid;
	s14 =	sadd.s32 $0x1A6200, s0;
	s15 =	sadd.s32 $0x187800, s0  }
0x5: {  	s4 =	stileid.u32;
	s16 =	sadd.s32 $0x168E00, s0;
	s17 =	sadd.s32 $0x14A400, s0  }
0x6: {  	s13 =	sadd.s32 $0x36A00, s0;
	s18 =	sadd.s32 $0x12BA00, s0;
	s19 =	sadd.s32 $0x18000, s0  }
0x7: {  	s10 =	sadd.s32 $0x10D000, s0;
	_ =	strace $0x80000047;
	[dreg:$0x3] =	wrdreg s2  }
0x8: {  	s11 =	sadd.s32 $0x25DE00, s0;
	s12 =	sadd.s32 $0x23F400, s0;
	[dreg:$0x4] =	wrdreg s13  }
0x9: {  	s4 =	sshll.u32 s4, $0xA;
	s22 =	sadd.s32 $0x2B9C00, s0;
	[dreg:$0x5] =	wrdreg s14  }
0xa: {  	s24 =	sadd.s32 $0x29B200, s0;
	s25 =	sadd.s32 $0x27C800, s0;
	[dreg:$0x6] =	wrdreg s15  }
0xb: {  	s26 =	sadd.s32 $0xEE600, s0;
	s28 =	sadd.s32 $0xCFC00, s0;
	[dreg:$0x7] =	wrdreg s16  }
0xc: {  	s29 =	sadd.s32 $0xB1200, s0;
	s30 =	sadd.s32 $0x92800, s0;
	[dreg:$0x8] =	wrdreg s17  }
0xd: {  	s31 =	sadd.s32 $0x73E00, s0;
	[dreg:$0x9] =	wrdreg s18;
	s13 =	sadd.s32 $0x220A00, s0  }
0xe: {  	[dreg:$0xa] =	wrdreg s19;
	s15 =	sadd.s32 $0x202000, s0;
	s16 =	sadd.s32 $0x1E3600, s0  }
0xf: {  	s17 =	sadd.s32 $0x1C4C00, s0;
	s2 =	sand.u32 $0x1, s20;
	s18 =	sadd.s32 $0x315A00, s0  }
0x10: {  	s19 =	sadd.s32 $0x2F7000, s0;
	s3 =	ssub.s32 $0x2, s2;
	s2 =	sshll.u32 s2, $0x9  }
0x11: {  	s20 =	sadd.s32 $0x2D8600, s0;
	s14 =	simm.s32 $0x80;
	s2 =	sor.u32 s2, s4  }
0x12: {  	s5 =	sshrl.u32 s3, $0x1;
	s4 =	sshrl.u32 s2, $0x3;
	s21 =	sadd.s32 s0, s2  }
0x13: {  	s3 =	ssub.s32 s3, s5;
	s1 =	sadd.s32 s1, s4;
	[dreg:$0xc] =	wrdreg s21  }
0x14: {  	s0 =	sadd.s32 $0x55400, s0;
	s23 =	smax.u32 s3, $0x1;
	[dreg:$0xb] =	wrdreg s1  }
0x15: {  	s2 =	simm.s32 $0x1;
	[dreg:$0xd] =	wrdreg s23;
	s1 =	sadd.s32 $0x8000, s21  }
0x16: {  	s21 =	simm.s32 $0x2;
	s23 =	simm.s32 $0x0;
	[dreg:$0xe] =	wrdreg s1  }
.LBB2_1:
0x17: {  	s1 =	rddreg [dreg:$0xe];
	s3 =	simm.s32 $0x1000;
	s4 =	simm.s32 $0x20000  }
0x18: {  	[tilespmem:s6], [sflag:$0x2] =	stream.strided.gather [hbm4b:s1+s3], $0x4000, s4, s3, $0x38;
	[tilespmem:$0xEA00] =	vst v63  }
0x19: {  	_ =	swait.ge [sflag:s21], $0x4000  }
0x1a: {  	[sflag:s21] =	ssyncset.done $0x0  }
0x1b: {  	s5 =	simm.s32 $0x4000;
	s9 =	rddreg [dreg:$0xc];
	[sflag:s21] =	ssyncadd.s32 $0xFFFFC000  }
0x1c: {  	[tilespmem:s5], [sflag:$0x2] =	stream.strided.gather [hbm4b:s9+s3], $0x2000, s4, s3, $0x38;
	[tilespmem:$0xEA00] =	vst v63  }
0x1d: {  	_ =	swait.ge [sflag:s21], $0x2000  }
0x1e: {  	[sflag:s21] =	ssyncset.done $0x0  }
0x1f: {  	s5 =	simm.s32 $0x6000;
	s4 =	rddreg [dreg:$0x3];
	[sflag:s21] =	ssyncadd.s32 $0xFFFFE000  }
0x20: {  	[tilespmem:s5], [sflag:$0x2] =	stream.linear.gather [hbm4b:s4+s6], $0x680, $0x38;
	[tilespmem:$0xEA00] =	vst v63  }
0x21: {  	_ =	swait.ge [sflag:s21], $0x680  }
0x22: {  	s7 =	sand.u32 $0x3000, s6;
	s8 =	sand.u32 $0x380, s6;
	[sflag:s21] =	ssyncset.done $0x0  }
0x23: {  	s1 =	sor.u32 s8, s7;
	[sflag:s21] =	ssyncadd.s32 $0xFFFFF980  }
0x24: {  	v0 =	vld [tilespmem:s1+$0xC70]  }
0x25: {  	v1 =	vld [tilespmem:s1+$0x0]  }
0x26: {  	v2 =	vld [tilespmem:s1+$0x10];
	_ =	sdelay $0x1  }
0x27: {  	v3 =	vld [tilespmem:s1+$0x20]  }
0x28: {  	v4 =	vld [tilespmem:s1+$0x30];
	v0 =	vtrunc.f32 v0  }
0x29: {  	v1 =	vtrunc.f32 v1;
	v0 =	vcvt.f32.s32 v0  }
0x2a: {  	v5 =	vld [tilespmem:s1+$0x40];
	v2 =	vtrunc.f32 v2;
	v1 =	vcvt.f32.s32 v1  }
0x2b: {  	v6 =	vld [tilespmem:s1+$0x50];
	[tilespmem:s1+$0x7470] =	vst v0;
	v0 =	vcvt.f32.s32 v2  }
0x2c: {  	[tilespmem:s1+$0x6800] =	vst v1;
	v1 =	vtrunc.f32 v3  }
0x2d: {  	v7 =	vld [tilespmem:s1+$0x60];
	v1 =	vcvt.f32.s32 v1;
	[tilespmem:s1+$0x6810] =	vst v0;
	v0 =	vtrunc.f32 v4  }
0x2e: {  	v8 =	vld [tilespmem:s1+$0x70];
	v0 =	vcvt.f32.s32 v0  }
0x2f: {  	[tilespmem:s1+$0x6820] =	vst v1;
	v1 =	vtrunc.f32 v5  }
0x30: {  	v2 =	vld [tilespmem:s1+$0x400];
	v1 =	vcvt.f32.s32 v1;
	[tilespmem:s1+$0x6830] =	vst v0;
	v0 =	vtrunc.f32 v6  }
0x31: {  	v3 =	vld [tilespmem:s1+$0x410];
	v0 =	vcvt.f32.s32 v0  }
0x32: {  	[tilespmem:s1+$0x6840] =	vst v1;
	v1 =	vtrunc.f32 v7  }
0x33: {  	v4 =	vld [tilespmem:s1+$0x420];
	v1 =	vcvt.f32.s32 v1;
	[tilespmem:s1+$0x6850] =	vst v0;
	v0 =	vtrunc.f32 v8  }
0x34: {  	v5 =	vld [tilespmem:s1+$0x430];
	v0 =	vcvt.f32.s32 v0  }
0x35: {  	[tilespmem:s1+$0x6860] =	vst v1;
	v1 =	vtrunc.f32 v2  }
0x36: {  	v6 =	vld [tilespmem:s1+$0x440];
	v1 =	vcvt.f32.s32 v1;
	[tilespmem:s1+$0x6870] =	vst v0;
	v0 =	vtrunc.f32 v3  }
0x37: {  	v7 =	vld [tilespmem:s1+$0x450];
	v0 =	vcvt.f32.s32 v0  }
0x38: {  	[tilespmem:s1+$0x6C00] =	vst v1;
	v1 =	vtrunc.f32 v4  }
0x39: {  	v2 =	vld [tilespmem:s1+$0x460];
	v1 =	vcvt.f32.s32 v1;
	[tilespmem:s1+$0x6C10] =	vst v0;
	v0 =	vtrunc.f32 v5  }
0x3a: {  	v3 =	vld [tilespmem:s1+$0x470];
	v0 =	vcvt.f32.s32 v0  }
0x3b: {  	[tilespmem:s1+$0x6C20] =	vst v1;
	v1 =	vtrunc.f32 v6  }
0x3c: {  	v4 =	vld [tilespmem:s1+$0x800];
	v1 =	vcvt.f32.s32 v1;
	[tilespmem:s1+$0x6C30] =	vst v0;
	v0 =	vtrunc.f32 v7  }
0x3d: {  	v5 =	vld [tilespmem:s1+$0x810];
	v0 =	vcvt.f32.s32 v0  }
0x3e: {  	[tilespmem:s1+$0x6C40] =	vst v1;
	v1 =	vtrunc.f32 v2  }
0x3f: {  	v6 =	vld [tilespmem:s1+$0x820];
	v1 =	vcvt.f32.s32 v1;
	[tilespmem:s1+$0x6C50] =	vst v0;
	v0 =	vtrunc.f32 v3  }
0x40: {  	v7 =	vld [tilespmem:s1+$0x830];
	v0 =	vcvt.f32.s32 v0  }
0x41: {  	[tilespmem:s1+$0x6C60] =	vst v1;
	v1 =	vtrunc.f32 v4  }
0x42: {  	v2 =	vld [tilespmem:s1+$0x840];
	v1 =	vcvt.f32.s32 v1;
	[tilespmem:s1+$0x6C70] =	vst v0;
	v0 =	vtrunc.f32 v5  }
0x43: {  	v8 =	vld [tilespmem:s1+$0x850];
	v0 =	vcvt.f32.s32 v0  }
0x44: {  	v4 =	vld [tilespmem:s1+$0x860];
	[tilespmem:s1+$0x7000] =	vst v1;
	v1 =	vtrunc.f32 v6  }
0x45: {  	v9 =	vld [tilespmem:s1+$0x870];
	v1 =	vcvt.f32.s32 v1;
	[tilespmem:s1+$0x7010] =	vst v0;
	v0 =	vtrunc.f32 v7  }
0x46: {  	v10 =	vld [tilespmem:s1+$0xC00];
	v5 =	vcvt.f32.s32 v0  }
0x47: {  	v3 =	vld [tilespmem:s1+$0xC10];
	[tilespmem:s1+$0x7020] =	vst v1;
	v1 =	vtrunc.f32 v2  }
0x48: {  	v0 =	vld [tilespmem:s1+$0xC20];
	v2 =	vcvt.f32.s32 v1;
	[tilespmem:s1+$0x7030] =	vst v5;
	v5 =	vtrunc.f32 v8  }
0x49: {  	v4 =	vtrunc.f32 v4;
	v1 =	vld [tilespmem:s1+$0xC30];
	v6 =	vcvt.f32.s32 v5  }
0x4a: {  	s9 =	simm.s32 $0x200;
	s3 =	simm.s32 $0x80;
	[tilespmem:s1+$0x7040] =	vst v2;
	v2 =	vld [tilespmem:s1+$0xC40];
	v5 =	vcvt.f32.s32 v4;
	v4 =	vtrunc.f32 v9  }
0x4b: {  	s5 =	sand.u32 $0x3000, s9;
	s6 =	sand.u32 $0x380, s3;
	s4 =	simm.s32 $0x400;
	v7 =	vtrunc.f32 v10;
	[tilespmem:s1+$0x7050] =	vst v6;
	v6 =	vcvt.f32.s32 v4;
	v4 =	vld [tilespmem:s1+$0xC50]  }
.LBB2_2:
0x4c: {  	p0 =	sne.s32 s4, $0x3200;
	s5 =	sor.u32 s6, s5;
	[tilespmem:s1+$0x7060] =	vst v5;
	v5 =	vcvt.f32.s32 v7;
	v3 =	vtrunc.f32 v3;
	v7 =	vld [tilespmem:s1+$0xC60]  }
0x4d: {  	v8 =	vld [tilespmem:s5+$0xC70];
	[tilespmem:s1+$0x7070] =	vst v6;
	v3 =	vcvt.f32.s32 v3;
	v0 =	vtrunc.f32 v0  }
0x4e: {  	v6 =	vld [tilespmem:s5+$0x0];
	[tilespmem:s1+$0x7400] =	vst v5;
	v0 =	vcvt.f32.s32 v0;
	v1 =	vtrunc.f32 v1  }
0x4f: {  	v5 =	vld [tilespmem:s5+$0x10];
	[tilespmem:s1+$0x7410] =	vst v3;
	v1 =	vcvt.f32.s32 v1;
	v2 =	vtrunc.f32 v2  }
0x50: {  	v3 =	vld [tilespmem:s5+$0x20];
	[tilespmem:s1+$0x7420] =	vst v0;
	v0 =	vcvt.f32.s32 v2;
	v2 =	vtrunc.f32 v4  }
0x51: {  	v4 =	vld [tilespmem:s5+$0x30];
	[tilespmem:s1+$0x7430] =	vst v1;
	v1 =	vcvt.f32.s32 v2;
	v2 =	vtrunc.f32 v7  }
0x52: {  	v7 =	vld [tilespmem:s5+$0x40];
	v8 =	vtrunc.f32 v8;
	[tilespmem:s1+$0x7440] =	vst v0;
	v0 =	vcvt.f32.s32 v2  }
0x53: {  	v2 =	vtrunc.f32 v6;
	v6 =	vld [tilespmem:s5+$0x50];
	v8 =	vcvt.f32.s32 v8;
	[tilespmem:s1+$0x7450] =	vst v1  }
0x54: {  	v1 =	vcvt.f32.s32 v2;
	v2 =	vtrunc.f32 v5;
	v5 =	vld [tilespmem:s5+$0x60];
	[tilespmem:s1+$0x7460] =	vst v0;
	s1 =	smov.u32 s5  }
0x55: {  	v0 =	vcvt.f32.s32 v2;
	v2 =	vtrunc.f32 v3;
	v3 =	vld [tilespmem:s1+$0x70];
	[tilespmem:s1+$0x7470] =	vst v8  }
0x56: {  	[tilespmem:s1+$0x6800] =	vst v1;
	v1 =	vcvt.f32.s32 v2;
	v2 =	vtrunc.f32 v4;
	v4 =	vld [tilespmem:s1+$0x400]  }
0x57: {  	[tilespmem:s1+$0x6810] =	vst v0;
	v0 =	vcvt.f32.s32 v2;
	v2 =	vtrunc.f32 v7;
	v7 =	vld [tilespmem:s1+$0x410]  }
0x58: {  	[tilespmem:s1+$0x6820] =	vst v1;
	v1 =	vcvt.f32.s32 v2;
	v2 =	vtrunc.f32 v6;
	v6 =	vld [tilespmem:s1+$0x420]  }
0x59: {  	[tilespmem:s1+$0x6830] =	vst v0;
	v0 =	vcvt.f32.s32 v2;
	v2 =	vtrunc.f32 v5;
	v5 =	vld [tilespmem:s1+$0x430]  }
0x5a: {  	[tilespmem:s1+$0x6840] =	vst v1;
	v1 =	vcvt.f32.s32 v2;
	v2 =	vtrunc.f32 v3;
	v3 =	vld [tilespmem:s1+$0x440]  }
0x5b: {  	[tilespmem:s1+$0x6850] =	vst v0;
	v0 =	vcvt.f32.s32 v2;
	v2 =	vtrunc.f32 v4;
	v4 =	vld [tilespmem:s1+$0x450]  }
0x5c: {  	[tilespmem:s1+$0x6860] =	vst v1;
	v1 =	vcvt.f32.s32 v2;
	v2 =	vtrunc.f32 v7;
	v7 =	vld [tilespmem:s1+$0x460]  }
0x5d: {  	[tilespmem:s1+$0x6870] =	vst v0;
	v0 =	vcvt.f32.s32 v2;
	v2 =	vtrunc.f32 v6;
	v6 =	vld [tilespmem:s1+$0x470]  }
0x5e: {  	[tilespmem:s1+$0x6C00] =	vst v1;
	v1 =	vcvt.f32.s32 v2;
	v2 =	vtrunc.f32 v5;
	v5 =	vld [tilespmem:s1+$0x800]  }
0x5f: {  	[tilespmem:s1+$0x6C10] =	vst v0;
	v0 =	vcvt.f32.s32 v2;
	v2 =	vtrunc.f32 v3;
	v3 =	vld [tilespmem:s1+$0x810]  }
0x60: {  	[tilespmem:s1+$0x6C20] =	vst v1;
	v1 =	vcvt.f32.s32 v2;
	v2 =	vtrunc.f32 v4;
	v4 =	vld [tilespmem:s1+$0x820]  }
0x61: {  	[tilespmem:s1+$0x6C30] =	vst v0;
	v0 =	vcvt.f32.s32 v2;
	v2 =	vtrunc.f32 v7;
	v7 =	vld [tilespmem:s1+$0x830]  }
0x62: {  	[tilespmem:s1+$0x6C40] =	vst v1;
	v1 =	vcvt.f32.s32 v2;
	v2 =	vtrunc.f32 v6;
	v6 =	vld [tilespmem:s1+$0x840]  }
0x63: {  	[tilespmem:s1+$0x6C50] =	vst v0;
	v0 =	vcvt.f32.s32 v2;
	v2 =	vtrunc.f32 v5;
	v5 =	vld [tilespmem:s1+$0x850]  }
0x64: {  	[tilespmem:s1+$0x6C60] =	vst v1;
	v1 =	vcvt.f32.s32 v2;
	v2 =	vtrunc.f32 v3;
	v8 =	vld [tilespmem:s1+$0x860]  }
0x65: {  	[tilespmem:s1+$0x6C70] =	vst v0;
	v0 =	vcvt.f32.s32 v2;
	v2 =	vtrunc.f32 v4;
	v4 =	vld [tilespmem:s1+$0x870]  }
0x66: {  	[tilespmem:s1+$0x7000] =	vst v1;
	v1 =	vcvt.f32.s32 v2;
	v2 =	vtrunc.f32 v7;
	v7 =	vld [tilespmem:s1+$0xC00]  }
.Ltmp0:
0x67: {  	[tilespmem:s1+$0x7010] =	vst v0;
	v2 =	vcvt.f32.s32 v2;
	v0 =	vtrunc.f32 v6;
	v3 =	vld [tilespmem:s1+$0xC10];
	(pc) =	sbr.rel @p0 .LBB2_2-.Ltmp0, $4  }
0x68: {  	[tilespmem:s1+$0x7020] =	vst v1;
	v6 =	vcvt.f32.s32 v0;
	v1 =	vtrunc.f32 v5;
	v0 =	vld [tilespmem:s1+$0xC20]  }
0x69: {  	[tilespmem:s1+$0x7030] =	vst v2;
	v9 =	vcvt.f32.s32 v1;
	v2 =	vtrunc.f32 v8;
	v1 =	vld [tilespmem:s1+$0xC30]  }
0x6a: {  	s3 =	sadd.s32 $0x80, s3;
	[tilespmem:s1+$0x7040] =	vst v6;
	v5 =	vcvt.f32.s32 v2;
	v4 =	vtrunc.f32 v4;
	v2 =	vld [tilespmem:s1+$0xC40]  }
0x6b: {  	s6 =	sand.u32 $0x380, s3;
	s5 =	sand.u32 $0x3000, s4;
	s4 =	sadd.s32 $0x200, s4;
	[tilespmem:s1+$0x7050] =	vst v9;
	v6 =	vcvt.f32.s32 v4;
	v7 =	vtrunc.f32 v7;
	v4 =	vld [tilespmem:s1+$0xC50]  }
0x6c: {  	[tilespmem:s1+$0x7060] =	vst v5;
	s3 =	sor.u32 s6, s5;
	v23 =	vld [tilespmem:s1+$0xC60];
	v7 =	vcvt.f32.s32 v7;
	v3 =	vtrunc.f32 v3  }
0x6d: {  	v8 =	vld [tilespmem:s3+$0xC70];
	[tilespmem:s1+$0x7070] =	vst v6;
	v3 =	vcvt.f32.s32 v3;
	v0 =	vtrunc.f32 v0  }
0x6e: {  	v6 =	vld [tilespmem:s3+$0x0];
	[tilespmem:s1+$0x7400] =	vst v7;
	v0 =	vcvt.f32.s32 v0;
	v1 =	vtrunc.f32 v1  }
0x6f: {  	v7 =	vld [tilespmem:s3+$0x10];
	[tilespmem:s1+$0x7410] =	vst v3;
	v1 =	vcvt.f32.s32 v1;
	v24 =	vtrunc.f32 v2  }
0x70: {  	v3 =	vld [tilespmem:s3+$0x20];
	[tilespmem:s1+$0x7420] =	vst v0;
	v0 =	vcvt.f32.s32 v24;
	v26 =	vtrunc.f32 v4  }
0x71: {  	v25 =	vld [tilespmem:s3+$0x30];
	[tilespmem:s1+$0x7430] =	vst v1;
	v1 =	vcvt.f32.s32 v26;
	v28 =	vtrunc.f32 v23  }
0x72: {  	v27 =	vld [tilespmem:s3+$0x40];
	[tilespmem:s1+$0x7440] =	vst v0;
	v8 =	vtrunc.f32 v8;
	v0 =	vcvt.f32.s32 v28  }
0x73: {  	v29 =	vld [tilespmem:s3+$0x50];
	[tilespmem:s1+$0x7450] =	vst v1;
	v30 =	vtrunc.f32 v6;
	v31 =	vcvt.f32.s32 v8  }
0x74: {  	v32 =	vld [tilespmem:s3+$0x60];
	v1 =	vcvt.f32.s32 v30;
	v7 =	vtrunc.f32 v7;
	[tilespmem:s1+$0x7460] =	vst v0  }
0x75: {  	v33 =	vcvt.f32.s32 v7;
	v3 =	vtrunc.f32 v3;
	v34 =	vld [tilespmem:s3+$0x70];
	[tilespmem:s3+$0x7470] =	vst v31  }
0x76: {  	v36 =	vld [tilespmem:s3+$0x400];
	[tilespmem:s3+$0x6800] =	vst v1;
	v35 =	vcvt.f32.s32 v3;
	v2 =	vtrunc.f32 v25  }
0x77: {  	v39 =	vld [tilespmem:s3+$0x410];
	[tilespmem:s3+$0x6810] =	vst v33;
	v37 =	vcvt.f32.s32 v2;
	v38 =	vtrunc.f32 v27  }
0x78: {  	v42 =	vld [tilespmem:s3+$0x420];
	[tilespmem:s3+$0x6820] =	vst v35;
	v40 =	vcvt.f32.s32 v38;
	v41 =	vtrunc.f32 v29  }
0x79: {  	v45 =	vld [tilespmem:s3+$0x430];
	[tilespmem:s3+$0x6830] =	vst v37;
	v43 =	vcvt.f32.s32 v41;
	v44 =	vtrunc.f32 v32  }
0x7a: {  	v48 =	vld [tilespmem:s3+$0x440];
	[tilespmem:s3+$0x6840] =	vst v40;
	v46 =	vcvt.f32.s32 v44;
	v47 =	vtrunc.f32 v34  }
0x7b: {  	v51 =	vld [tilespmem:s3+$0x450];
	v50 =	vtrunc.f32 v36;
	[tilespmem:s3+$0x6850] =	vst v43;
	v49 =	vcvt.f32.s32 v47  }
0x7c: {  	v54 =	vld [tilespmem:s3+$0x460];
	v53 =	vtrunc.f32 v39;
	v52 =	vcvt.f32.s32 v50;
	[tilespmem:s3+$0x6860] =	vst v46  }
0x7d: {  	v57 =	vld [tilespmem:s3+$0x470];
	v56 =	vtrunc.f32 v42;
	v55 =	vcvt.f32.s32 v53;
	[tilespmem:s3+$0x6870] =	vst v49  }
0x7e: {  	v60 =	vld [tilespmem:s3+$0x800];
	v59 =	vtrunc.f32 v45;
	v58 =	vcvt.f32.s32 v56;
	[tilespmem:s3+$0x6C00] =	vst v52  }
0x7f: {  	v63 =	vld [tilespmem:s3+$0x810];
	v62 =	vtrunc.f32 v48;
	v61 =	vcvt.f32.s32 v59;
	[tilespmem:s3+$0x6C10] =	vst v55  }
0x80: {  	v10 =	vld [tilespmem:s3+$0x820];
	v9 =	vtrunc.f32 v51;
	v8 =	vcvt.f32.s32 v62;
	[tilespmem:s3+$0x6C20] =	vst v58  }
0x81: {  	v13 =	vld [tilespmem:s3+$0x830];
	v12 =	vtrunc.f32 v54;
	v11 =	vcvt.f32.s32 v9;
	[tilespmem:s3+$0x6C30] =	vst v61  }
0x82: {  	v16 =	vld [tilespmem:s3+$0x840];
	v15 =	vtrunc.f32 v57;
	v14 =	vcvt.f32.s32 v12;
	[tilespmem:s3+$0x6C40] =	vst v8  }
0x83: {  	v19 =	vld [tilespmem:s3+$0x850];
	v18 =	vtrunc.f32 v60;
	v17 =	vcvt.f32.s32 v15;
	[tilespmem:s3+$0x6C50] =	vst v11  }
0x84: {  	v22 =	vld [tilespmem:s3+$0x860];
	v21 =	vtrunc.f32 v63;
	v20 =	vcvt.f32.s32 v18;
	[tilespmem:s3+$0x6C60] =	vst v14  }
0x85: {  	v28 =	vld [tilespmem:s3+$0xC00];
	v24 =	vtrunc.f32 v10;
	v23 =	vcvt.f32.s32 v21;
	[tilespmem:s3+$0x6C70] =	vst v17  }
0x86: {  	v31 =	vld [tilespmem:s3+$0xC10];
	v27 =	vtrunc.f32 v13;
	v26 =	vcvt.f32.s32 v24;
	[tilespmem:s3+$0x7000] =	vst v20  }
0x87: {  	v25 =	vld [tilespmem:s3+$0x870];
	v30 =	vtrunc.f32 v16;
	v29 =	vcvt.f32.s32 v27;
	[tilespmem:s3+$0x7010] =	vst v23  }
0x88: {  	v37 =	vld [tilespmem:s3+$0xC30];
	v33 =	vtrunc.f32 v19;
	v32 =	vcvt.f32.s32 v30;
	[tilespmem:s3+$0x7020] =	vst v26  }
0x89: {  	v34 =	vld [tilespmem:s3+$0xC20];
	v36 =	vtrunc.f32 v22;
	v35 =	vcvt.f32.s32 v33;
	[tilespmem:s3+$0x7030] =	vst v29  }
0x8a: {  	v40 =	vld [tilespmem:s3+$0xC40];
	v42 =	vtrunc.f32 v28;
	v38 =	vcvt.f32.s32 v36;
	[tilespmem:s3+$0x7040] =	vst v32  }
0x8b: {  	v45 =	vtrunc.f32 v31;
	v43 =	vld [tilespmem:s3+$0xC50];
	v44 =	vcvt.f32.s32 v42;
	[tilespmem:s3+$0x7050] =	vst v35  }
0x8c: {  	v39 =	vtrunc.f32 v25;
	v47 =	vcvt.f32.s32 v45;
	v46 =	vld [tilespmem:s3+$0xC60];
	[tilespmem:s3+$0x7060] =	vst v38  }
0x8d: {  	v41 =	vcvt.f32.s32 v39;
	[tilespmem:s3+$0x7400] =	vst v44;
	v50 =	vtrunc.f32 v37  }
0x8e: {  	[tilespmem:s3+$0x7410] =	vst v47;
	v48 =	vtrunc.f32 v34;
	v51 =	vcvt.f32.s32 v50  }
0x8f: {  	[tilespmem:s3+$0x7070] =	vst v41;
	v52 =	vtrunc.f32 v40;
	v49 =	vcvt.f32.s32 v48  }
0x90: {  	v53 =	vcvt.f32.s32 v52;
	v54 =	vtrunc.f32 v43;
	[tilespmem:s3+$0x7430] =	vst v51  }
0x91: {  	v55 =	vcvt.f32.s32 v54;
	v56 =	vtrunc.f32 v46;
	[tilespmem:s3+$0x7420] =	vst v49  }
0x92: {  	[tilespmem:s3+$0x7440] =	vst v53;
	v57 =	vcvt.f32.s32 v56  }
0x93: {  	[tilespmem:s3+$0x7450] =	vst v55  }
0x94: {  	s9 =	simm.s32 $0x6800;
	s4 =	simm.s32 $0xA800;
	s1 =	rddreg [dreg:$0x4];
	[tilespmem:s3+$0x7460] =	vst v57  }
0x95: {  	[tilespmem:s4], [sflag:$0x1] =	stream.indirect.gather [hbm4b:s1+s14], $0x1, s9, s14, $0xb8;
	[tilespmem:$0xEA00] =	vst v63  }
0x96: {  	s5 =	simm.s32 $0xAC00;
	s4 =	simm.s32 $0x6C00  }
0x97: {  	[tilespmem:s5], [sflag:$0x1] =	stream.indirect.gather [hbm4b:s1+s14], $0x1, s4, s14, $0xb8;
	[tilespmem:$0xEA00] =	vst v63  }
0x98: {  	s6 =	simm.s32 $0x7000;
	s7 =	simm.s32 $0xB000  }
0x99: {  	[tilespmem:s7], [sflag:$0x1] =	stream.indirect.gather [hbm4b:s1+s14], $0x1, s6, s14, $0xb8;
	[tilespmem:$0xEA00] =	vst v63  }
0x9a: {  	s8 =	simm.s32 $0x7400;
	s9 =	simm.s32 $0xB400  }
0x9b: {  	[tilespmem:s9], [sflag:$0x1] =	stream.indirect.gather [hbm4b:s1+s14], $0x1, s8, s14, $0xb8;
	[tilespmem:$0xEA00] =	vst v63  }
0x9c: {  	s4 =	simm.s32 $0x6880;
	s5 =	simm.s32 $0xA880;
	s1 =	rddreg [dreg:$0xa]  }
0x9d: {  	[tilespmem:s5], [sflag:$0x1] =	stream.indirect.gather [hbm4b:s1+s14], $0x1, s4, s14, $0xb8;
	[tilespmem:$0xEA00] =	vst v63  }
0x9e: {  	s6 =	simm.s32 $0x6C80;
	s7 =	simm.s32 $0xAC80  }
0x9f: {  	[tilespmem:s7], [sflag:$0x1] =	stream.indirect.gather [hbm4b:s1+s14], $0x1, s6, s14, $0xb8;
	[tilespmem:$0xEA00] =	vst v63  }
0xa0: {  	s8 =	simm.s32 $0x7080;
	s9 =	simm.s32 $0xB080  }
0xa1: {  	[tilespmem:s9], [sflag:$0x1] =	stream.indirect.gather [hbm4b:s1+s14], $0x1, s8, s14, $0xb8;
	[tilespmem:$0xEA00] =	vst v63  }
0xa2: {  	s4 =	simm.s32 $0x7480;
	s5 =	simm.s32 $0xB480  }
0xa3: {  	[tilespmem:s5], [sflag:$0x1] =	stream.indirect.gather [hbm4b:s1+s14], $0x1, s4, s14, $0xb8;
	[tilespmem:$0xEA00] =	vst v63  }
0xa4: {  	s6 =	simm.s32 $0x6900;
	s7 =	simm.s32 $0xA900;
	s1 =	rddreg [dreg:$0x5]  }
0xa5: {  	[tilespmem:s7], [sflag:$0x1] =	stream.indirect.gather [hbm4b:s1+s14], $0x1, s6, s14, $0xb8;
	[tilespmem:$0xEA00] =	vst v63  }
0xa6: {  	s8 =	simm.s32 $0x6D00;
	s9 =	simm.s32 $0xAD00  }
0xa7: {  	[tilespmem:s9], [sflag:$0x1] =	stream.indirect.gather [hbm4b:s1+s14], $0x1, s8, s14, $0xb8;
	[tilespmem:$0xEA00] =	vst v63  }
0xa8: {  	s4 =	simm.s32 $0x7100;
	s5 =	simm.s32 $0xB100  }
0xa9: {  	[tilespmem:s5], [sflag:$0x1] =	stream.indirect.gather [hbm4b:s1+s14], $0x1, s4, s14, $0xb8;
	[tilespmem:$0xEA00] =	vst v63  }
0xaa: {  	s6 =	simm.s32 $0x7500;
	s7 =	simm.s32 $0xB500  }
0xab: {  	[tilespmem:s7], [sflag:$0x1] =	stream.indirect.gather [hbm4b:s1+s14], $0x1, s6, s14, $0xb8;
	[tilespmem:$0xEA00] =	vst v63  }
0xac: {  	s8 =	simm.s32 $0x6980;
	s9 =	simm.s32 $0xA980;
	s1 =	rddreg [dreg:$0x6]  }
0xad: {  	[tilespmem:s9], [sflag:$0x1] =	stream.indirect.gather [hbm4b:s1+s14], $0x1, s8, s14, $0xb8;
	[tilespmem:$0xEA00] =	vst v63  }
0xae: {  	s4 =	simm.s32 $0x6D80;
	s5 =	simm.s32 $0xAD80  }
0xaf: {  	[tilespmem:s5], [sflag:$0x1] =	stream.indirect.gather [hbm4b:s1+s14], $0x1, s4, s14, $0xb8;
	[tilespmem:$0xEA00] =	vst v63  }
0xb0: {  	s6 =	simm.s32 $0x7180;
	s7 =	simm.s32 $0xB180  }
0xb1: {  	[tilespmem:s7], [sflag:$0x1] =	stream.indirect.gather [hbm4b:s1+s14], $0x1, s6, s14, $0xb8;
	[tilespmem:$0xEA00] =	vst v63  }
0xb2: {  	s8 =	simm.s32 $0x7580;
	s9 =	simm.s32 $0xB580  }
0xb3: {  	[tilespmem:s9], [sflag:$0x1] =	stream.indirect.gather [hbm4b:s1+s14], $0x1, s8, s14, $0xb8;
	[tilespmem:$0xEA00] =	vst v63  }
0xb4: {  	s4 =	simm.s32 $0x6A00;
	s5 =	simm.s32 $0xAA00;
	s1 =	rddreg [dreg:$0x7]  }
0xb5: {  	[tilespmem:s5], [sflag:$0x1] =	stream.indirect.gather [hbm4b:s1+s14], $0x1, s4, s14, $0xb8;
	[tilespmem:$0xEA00] =	vst v63  }
0xb6: {  	s6 =	simm.s32 $0x6E00;
	s7 =	simm.s32 $0xAE00  }
0xb7: {  	[tilespmem:s7], [sflag:$0x1] =	stream.indirect.gather [hbm4b:s1+s14], $0x1, s6, s14, $0xb8;
	[tilespmem:$0xEA00] =	vst v63  }
0xb8: {  	s8 =	simm.s32 $0x7200;
	s9 =	simm.s32 $0xB200  }
0xb9: {  	[tilespmem:s9], [sflag:$0x1] =	stream.indirect.gather [hbm4b:s1+s14], $0x1, s8, s14, $0xb8;
	[tilespmem:$0xEA00] =	vst v63  }
0xba: {  	s4 =	simm.s32 $0x7600;
	s5 =	simm.s32 $0xB600  }
0xbb: {  	[tilespmem:s5], [sflag:$0x1] =	stream.indirect.gather [hbm4b:s1+s14], $0x1, s4, s14, $0xb8;
	[tilespmem:$0xEA00] =	vst v63  }
0xbc: {  	s6 =	simm.s32 $0x6A80;
	s7 =	simm.s32 $0xAA80;
	s1 =	rddreg [dreg:$0x8]  }
0xbd: {  	[tilespmem:s7], [sflag:$0x1] =	stream.indirect.gather [hbm4b:s1+s14], $0x1, s6, s14, $0xb8;
	[tilespmem:$0xEA00] =	vst v63  }
0xbe: {  	s8 =	simm.s32 $0x6E80;
	s9 =	simm.s32 $0xAE80  }
0xbf: {  	[tilespmem:s9], [sflag:$0x1] =	stream.indirect.gather [hbm4b:s1+s14], $0x1, s8, s14, $0xb8;
	[tilespmem:$0xEA00] =	vst v63  }
0xc0: {  	s4 =	simm.s32 $0x7280;
	s5 =	simm.s32 $0xB280  }
0xc1: {  	[tilespmem:s5], [sflag:$0x1] =	stream.indirect.gather [hbm4b:s1+s14], $0x1, s4, s14, $0xb8;
	[tilespmem:$0xEA00] =	vst v63  }
0xc2: {  	s6 =	simm.s32 $0x7680;
	s7 =	simm.s32 $0xB680  }
0xc3: {  	[tilespmem:s7], [sflag:$0x1] =	stream.indirect.gather [hbm4b:s1+s14], $0x1, s6, s14, $0xb8;
	[tilespmem:$0xEA00] =	vst v63  }
0xc4: {  	s8 =	simm.s32 $0x6B00;
	s9 =	simm.s32 $0xAB00;
	s1 =	rddreg [dreg:$0x9]  }
0xc5: {  	[tilespmem:s9], [sflag:$0x1] =	stream.indirect.gather [hbm4b:s1+s14], $0x1, s8, s14, $0xb8;
	[tilespmem:$0xEA00] =	vst v63  }
0xc6: {  	s4 =	simm.s32 $0x6F00;
	s5 =	simm.s32 $0xAF00  }
0xc7: {  	[tilespmem:s5], [sflag:$0x1] =	stream.indirect.gather [hbm4b:s1+s14], $0x1, s4, s14, $0xb8;
	[tilespmem:$0xEA00] =	vst v63  }
0xc8: {  	s6 =	simm.s32 $0x7300;
	s7 =	simm.s32 $0xB300  }
0xc9: {  	[tilespmem:s7], [sflag:$0x1] =	stream.indirect.gather [hbm4b:s1+s14], $0x1, s6, s14, $0xb8;
	[tilespmem:$0xEA00] =	vst v63  }
0xca: {  	s8 =	simm.s32 $0x7700;
	s9 =	simm.s32 $0xB700  }
0xcb: {  	[tilespmem:s9], [sflag:$0x1] =	stream.indirect.gather [hbm4b:s1+s14], $0x1, s8, s14, $0xb8;
	[tilespmem:$0xEA00] =	vst v63  }
0xcc: {  	s4 =	simm.s32 $0x6B80;
	s5 =	simm.s32 $0xAB80  }
0xcd: {  	[tilespmem:s5], [sflag:$0x1] =	stream.indirect.gather [hbm4b:s10+s14], $0x1, s4, s14, $0xb8;
	[tilespmem:$0xEA00] =	vst v63  }
0xce: {  	s6 =	simm.s32 $0x6F80;
	s7 =	simm.s32 $0xAF80  }
0xcf: {  	[tilespmem:s7], [sflag:$0x1] =	stream.indirect.gather [hbm4b:s10+s14], $0x1, s6, s14, $0xb8;
	[tilespmem:$0xEA00] =	vst v63  }
0xd0: {  	s8 =	simm.s32 $0x7380;
	s9 =	simm.s32 $0xB380  }
0xd1: {  	[tilespmem:s9], [sflag:$0x1] =	stream.indirect.gather [hbm4b:s10+s14], $0x1, s8, s14, $0xb8;
	[tilespmem:$0xEA00] =	vst v63  }
0xd2: {  	s4 =	simm.s32 $0x7780;
	s5 =	simm.s32 $0xB780  }
0xd3: {  	[tilespmem:s5], [sflag:$0x1] =	stream.indirect.gather [hbm4b:s10+s14], $0x1, s4, s14, $0xb8;
	[tilespmem:$0xEA00] =	vst v63  }
0xd4: {  	s6 =	simm.s32 $0x7800;
	s7 =	simm.s32 $0xB800  }
0xd5: {  	[tilespmem:s7], [sflag:$0x1] =	stream.indirect.gather [hbm4b:s11+s14], $0x1, s6, s14, $0xb8;
	[tilespmem:$0xEA00] =	vst v63  }
0xd6: {  	s8 =	simm.s32 $0x7C00;
	s9 =	simm.s32 $0xBC00  }
0xd7: {  	[tilespmem:s9], [sflag:$0x1] =	stream.indirect.gather [hbm4b:s11+s14], $0x1, s8, s14, $0xb8;
	[tilespmem:$0xEA00] =	vst v63  }
0xd8: {  	s4 =	simm.s32 $0x8000;
	s5 =	simm.s32 $0xC000  }
0xd9: {  	[tilespmem:s5], [sflag:$0x1] =	stream.indirect.gather [hbm4b:s11+s14], $0x1, s4, s14, $0xb8;
	[tilespmem:$0xEA00] =	vst v63  }
0xda: {  	s6 =	simm.s32 $0x8400;
	s7 =	simm.s32 $0xC400  }
0xdb: {  	[tilespmem:s7], [sflag:$0x1] =	stream.indirect.gather [hbm4b:s11+s14], $0x1, s6, s14, $0xb8;
	[tilespmem:$0xEA00] =	vst v63  }
0xdc: {  	s8 =	simm.s32 $0x7880;
	s9 =	simm.s32 $0xB880  }
0xdd: {  	[tilespmem:s9], [sflag:$0x1] =	stream.indirect.gather [hbm4b:s12+s14], $0x1, s8, s14, $0xb8;
	[tilespmem:$0xEA00] =	vst v63  }
0xde: {  	s4 =	simm.s32 $0x7C80;
	s5 =	simm.s32 $0xBC80  }
0xdf: {  	[tilespmem:s5], [sflag:$0x1] =	stream.indirect.gather [hbm4b:s12+s14], $0x1, s4, s14, $0xb8;
	[tilespmem:$0xEA00] =	vst v63  }
0xe0: {  	s6 =	simm.s32 $0x8080;
	s7 =	simm.s32 $0xC080  }
0xe1: {  	[tilespmem:s7], [sflag:$0x1] =	stream.indirect.gather [hbm4b:s12+s14], $0x1, s6, s14, $0xb8;
	[tilespmem:$0xEA00] =	vst v63  }
0xe2: {  	s8 =	simm.s32 $0x8480;
	s9 =	simm.s32 $0xC480  }
0xe3: {  	[tilespmem:s9], [sflag:$0x1] =	stream.indirect.gather [hbm4b:s12+s14], $0x1, s8, s14, $0xb8;
	[tilespmem:$0xEA00] =	vst v63  }
0xe4: {  	s4 =	simm.s32 $0x7900;
	s5 =	simm.s32 $0xB900  }
0xe5: {  	[tilespmem:s5], [sflag:$0x1] =	stream.indirect.gather [hbm4b:s13+s14], $0x1, s4, s14, $0xb8;
	[tilespmem:$0xEA00] =	vst v63  }
0xe6: {  	s6 =	simm.s32 $0x7D00;
	s7 =	simm.s32 $0xBD00  }
0xe7: {  	[tilespmem:s7], [sflag:$0x1] =	stream.indirect.gather [hbm4b:s13+s14], $0x1, s6, s14, $0xb8;
	[tilespmem:$0xEA00] =	vst v63  }
0xe8: {  	s8 =	simm.s32 $0x8100;
	s9 =	simm.s32 $0xC100  }
0xe9: {  	[tilespmem:s9], [sflag:$0x1] =	stream.indirect.gather [hbm4b:s13+s14], $0x1, s8, s14, $0xb8;
	[tilespmem:$0xEA00] =	vst v63  }
0xea: {  	s4 =	simm.s32 $0x8500;
	s5 =	simm.s32 $0xC500  }
0xeb: {  	[tilespmem:s5], [sflag:$0x1] =	stream.indirect.gather [hbm4b:s13+s14], $0x1, s4, s14, $0xb8;
	[tilespmem:$0xEA00] =	vst v63  }
0xec: {  	s6 =	simm.s32 $0x7980;
	s7 =	simm.s32 $0xB980  }
0xed: {  	[tilespmem:s7], [sflag:$0x1] =	stream.indirect.gather [hbm4b:s15+s14], $0x1, s6, s14, $0xb8;
	[tilespmem:$0xEA00] =	vst v63  }
0xee: {  	s8 =	simm.s32 $0x7D80;
	s9 =	simm.s32 $0xBD80  }
0xef: {  	[tilespmem:s9], [sflag:$0x1] =	stream.indirect.gather [hbm4b:s15+s14], $0x1, s8, s14, $0xb8;
	[tilespmem:$0xEA00] =	vst v63  }
0xf0: {  	s4 =	simm.s32 $0x8180;
	s5 =	simm.s32 $0xC180  }
0xf1: {  	[tilespmem:s5], [sflag:$0x1] =	stream.indirect.gather [hbm4b:s15+s14], $0x1, s4, s14, $0xb8;
	[tilespmem:$0xEA00] =	vst v63  }
0xf2: {  	s6 =	simm.s32 $0x8580;
	s7 =	simm.s32 $0xC580  }
0xf3: {  	[tilespmem:s7], [sflag:$0x1] =	stream.indirect.gather [hbm4b:s15+s14], $0x1, s6, s14, $0xb8;
	[tilespmem:$0xEA00] =	vst v63  }
0xf4: {  	s8 =	simm.s32 $0x7A00;
	s9 =	simm.s32 $0xBA00  }
0xf5: {  	[tilespmem:s9], [sflag:$0x1] =	stream.indirect.gather [hbm4b:s16+s14], $0x1, s8, s14, $0xb8;
	[tilespmem:$0xEA00] =	vst v63  }
0xf6: {  	s4 =	simm.s32 $0x7E00;
	s5 =	simm.s32 $0xBE00  }
0xf7: {  	[tilespmem:s5], [sflag:$0x1] =	stream.indirect.gather [hbm4b:s16+s14], $0x1, s4, s14, $0xb8;
	[tilespmem:$0xEA00] =	vst v63  }
0xf8: {  	s6 =	simm.s32 $0x8200;
	s7 =	simm.s32 $0xC200  }
0xf9: {  	[tilespmem:s7], [sflag:$0x1] =	stream.indirect.gather [hbm4b:s16+s14], $0x1, s6, s14, $0xb8;
	[tilespmem:$0xEA00] =	vst v63  }
0xfa: {  	s8 =	simm.s32 $0x8600;
	s9 =	simm.s32 $0xC600  }
0xfb: {  	[tilespmem:s9], [sflag:$0x1] =	stream.indirect.gather [hbm4b:s16+s14], $0x1, s8, s14, $0xb8;
	[tilespmem:$0xEA00] =	vst v63  }
0xfc: {  	s4 =	simm.s32 $0x7A80;
	s5 =	simm.s32 $0xBA80  }
0xfd: {  	[tilespmem:s5], [sflag:$0x1] =	stream.indirect.gather [hbm4b:s17+s14], $0x1, s4, s14, $0xb8;
	[tilespmem:$0xEA00] =	vst v63  }
0xfe: {  	s6 =	simm.s32 $0x7E80;
	s7 =	simm.s32 $0xBE80  }
0xff: {  	[tilespmem:s7], [sflag:$0x1] =	stream.indirect.gather [hbm4b:s17+s14], $0x1, s6, s14, $0xb8;
	[tilespmem:$0xEA00] =	vst v63  }
0x100: {  	s8 =	simm.s32 $0x8280;
	s9 =	simm.s32 $0xC280  }
0x101: {  	[tilespmem:s9], [sflag:$0x1] =	stream.indirect.gather [hbm4b:s17+s14], $0x1, s8, s14, $0xb8;
	[tilespmem:$0xEA00] =	vst v63  }
0x102: {  	s4 =	simm.s32 $0x8680;
	s5 =	simm.s32 $0xC680  }
0x103: {  	[tilespmem:s5], [sflag:$0x1] =	stream.indirect.gather [hbm4b:s17+s14], $0x1, s4, s14, $0xb8;
	[tilespmem:$0xEA00] =	vst v63  }
0x104: {  	s6 =	simm.s32 $0x7B00;
	s7 =	simm.s32 $0xBB00  }
0x105: {  	[tilespmem:s7], [sflag:$0x1] =	stream.indirect.gather [hbm4b:s18+s14], $0x1, s6, s14, $0xb8;
	[tilespmem:$0xEA00] =	vst v63  }
0x106: {  	s8 =	simm.s32 $0x7F00;
	s9 =	simm.s32 $0xBF00  }
0x107: {  	[tilespmem:s9], [sflag:$0x1] =	stream.indirect.gather [hbm4b:s18+s14], $0x1, s8, s14, $0xb8;
	[tilespmem:$0xEA00] =	vst v63  }
0x108: {  	s4 =	simm.s32 $0x8300;
	s5 =	simm.s32 $0xC300  }
0x109: {  	[tilespmem:s5], [sflag:$0x1] =	stream.indirect.gather [hbm4b:s18+s14], $0x1, s4, s14, $0xb8;
	[tilespmem:$0xEA00] =	vst v63  }
0x10a: {  	s6 =	simm.s32 $0x8700;
	s7 =	simm.s32 $0xC700  }
0x10b: {  	[tilespmem:s7], [sflag:$0x1] =	stream.indirect.gather [hbm4b:s18+s14], $0x1, s6, s14, $0xb8;
	[tilespmem:$0xEA00] =	vst v63  }
0x10c: {  	s8 =	simm.s32 $0x7B80;
	s9 =	simm.s32 $0xBB80  }
0x10d: {  	[tilespmem:s9], [sflag:$0x1] =	stream.indirect.gather [hbm4b:s19+s14], $0x1, s8, s14, $0xb8;
	[tilespmem:$0xEA00] =	vst v63  }
0x10e: {  	s4 =	simm.s32 $0x7F80;
	s5 =	simm.s32 $0xBF80  }
0x10f: {  	[tilespmem:s5], [sflag:$0x1] =	stream.indirect.gather [hbm4b:s19+s14], $0x1, s4, s14, $0xb8;
	[tilespmem:$0xEA00] =	vst v63  }
0x110: {  	s6 =	simm.s32 $0x8380;
	s7 =	simm.s32 $0xC380  }
0x111: {  	[tilespmem:s7], [sflag:$0x1] =	stream.indirect.gather [hbm4b:s19+s14], $0x1, s6, s14, $0xb8;
	[tilespmem:$0xEA00] =	vst v63  }
0x112: {  	s8 =	simm.s32 $0x8780;
	s9 =	simm.s32 $0xC780  }
0x113: {  	[tilespmem:s9], [sflag:$0x1] =	stream.indirect.gather [hbm4b:s19+s14], $0x1, s8, s14, $0xb8;
	[tilespmem:$0xEA00] =	vst v63  }
0x114: {  	s4 =	simm.s32 $0x8800;
	s5 =	simm.s32 $0xC800  }
0x115: {  	[tilespmem:s5], [sflag:$0x1] =	stream.indirect.gather [hbm4b:s20+s14], $0x1, s4, s14, $0xb8;
	[tilespmem:$0xEA00] =	vst v63  }
0x116: {  	s6 =	simm.s32 $0x8C00;
	s7 =	simm.s32 $0xCC00  }
0x117: {  	[tilespmem:s7], [sflag:$0x1] =	stream.indirect.gather [hbm4b:s20+s14], $0x1, s6, s14, $0xb8;
	[tilespmem:$0xEA00] =	vst v63  }
0x118: {  	s8 =	simm.s32 $0x9000;
	s9 =	simm.s32 $0xD000  }
0x119: {  	[tilespmem:s9], [sflag:$0x1] =	stream.indirect.gather [hbm4b:s20+s14], $0x1, s8, s14, $0xb8;
	[tilespmem:$0xEA00] =	vst v63  }
0x11a: {  	s4 =	simm.s32 $0x9400;
	s5 =	simm.s32 $0xD400  }
0x11b: {  	[tilespmem:s5], [sflag:$0x1] =	stream.indirect.gather [hbm4b:s20+s14], $0x1, s4, s14, $0xb8;
	[tilespmem:$0xEA00] =	vst v63  }
0x11c: {  	s6 =	simm.s32 $0x8880;
	s7 =	simm.s32 $0xC880  }
0x11d: {  	[tilespmem:s7], [sflag:$0x1] =	stream.indirect.gather [hbm4b:s22+s14], $0x1, s6, s14, $0xb8;
	[tilespmem:$0xEA00] =	vst v63  }
0x11e: {  	s8 =	simm.s32 $0x8C80;
	s9 =	simm.s32 $0xCC80  }
0x11f: {  	[tilespmem:s9], [sflag:$0x1] =	stream.indirect.gather [hbm4b:s22+s14], $0x1, s8, s14, $0xb8;
	[tilespmem:$0xEA00] =	vst v63  }
0x120: {  	s4 =	simm.s32 $0x9080;
	s5 =	simm.s32 $0xD080  }
0x121: {  	[tilespmem:s5], [sflag:$0x1] =	stream.indirect.gather [hbm4b:s22+s14], $0x1, s4, s14, $0xb8;
	[tilespmem:$0xEA00] =	vst v63  }
0x122: {  	s6 =	simm.s32 $0x9480;
	s7 =	simm.s32 $0xD480  }
0x123: {  	[tilespmem:s7], [sflag:$0x1] =	stream.indirect.gather [hbm4b:s22+s14], $0x1, s6, s14, $0xb8;
	[tilespmem:$0xEA00] =	vst v63  }
0x124: {  	s8 =	simm.s32 $0x8900;
	s9 =	simm.s32 $0xC900  }
0x125: {  	[tilespmem:s9], [sflag:$0x1] =	stream.indirect.gather [hbm4b:s24+s14], $0x1, s8, s14, $0xb8;
	[tilespmem:$0xEA00] =	vst v63  }
0x126: {  	s4 =	simm.s32 $0x8D00;
	s5 =	simm.s32 $0xCD00  }
0x127: {  	[tilespmem:s5], [sflag:$0x1] =	stream.indirect.gather [hbm4b:s24+s14], $0x1, s4, s14, $0xb8;
	[tilespmem:$0xEA00] =	vst v63  }
0x128: {  	s6 =	simm.s32 $0x9100;
	s7 =	simm.s32 $0xD100  }
0x129: {  	[tilespmem:s7], [sflag:$0x1] =	stream.indirect.gather [hbm4b:s24+s14], $0x1, s6, s14, $0xb8;
	[tilespmem:$0xEA00] =	vst v63  }
0x12a: {  	s8 =	simm.s32 $0x9500;
	s9 =	simm.s32 $0xD500  }
0x12b: {  	[tilespmem:s9], [sflag:$0x1] =	stream.indirect.gather [hbm4b:s24+s14], $0x1, s8, s14, $0xb8;
	[tilespmem:$0xEA00] =	vst v63  }
0x12c: {  	s4 =	simm.s32 $0x8980;
	s5 =	simm.s32 $0xC980  }
0x12d: {  	[tilespmem:s5], [sflag:$0x1] =	stream.indirect.gather [hbm4b:s25+s14], $0x1, s4, s14, $0xb8;
	[tilespmem:$0xEA00] =	vst v63  }
0x12e: {  	s6 =	simm.s32 $0x8D80;
	s7 =	simm.s32 $0xCD80  }
0x12f: {  	[tilespmem:s7], [sflag:$0x1] =	stream.indirect.gather [hbm4b:s25+s14], $0x1, s6, s14, $0xb8;
	[tilespmem:$0xEA00] =	vst v63  }
0x130: {  	s8 =	simm.s32 $0x9180;
	s9 =	simm.s32 $0xD180  }
0x131: {  	[tilespmem:s9], [sflag:$0x1] =	stream.indirect.gather [hbm4b:s25+s14], $0x1, s8, s14, $0xb8;
	[tilespmem:$0xEA00] =	vst v63  }
0x132: {  	s4 =	simm.s32 $0x9580;
	s5 =	simm.s32 $0xD580  }
0x133: {  	[tilespmem:s5], [sflag:$0x1] =	stream.indirect.gather [hbm4b:s25+s14], $0x1, s4, s14, $0xb8;
	[tilespmem:$0xEA00] =	vst v63  }
0x134: {  	s6 =	simm.s32 $0x8A00;
	s7 =	simm.s32 $0xCA00  }
0x135: {  	[tilespmem:s7], [sflag:$0x1] =	stream.indirect.gather [hbm4b:s26+s14], $0x1, s6, s14, $0xb8;
	[tilespmem:$0xEA00] =	vst v63  }
0x136: {  	s8 =	simm.s32 $0x8E00;
	s9 =	simm.s32 $0xCE00  }
0x137: {  	[tilespmem:s9], [sflag:$0x1] =	stream.indirect.gather [hbm4b:s26+s14], $0x1, s8, s14, $0xb8;
	[tilespmem:$0xEA00] =	vst v63  }
0x138: {  	s4 =	simm.s32 $0x9200;
	s5 =	simm.s32 $0xD200  }
0x139: {  	[tilespmem:s5], [sflag:$0x1] =	stream.indirect.gather [hbm4b:s26+s14], $0x1, s4, s14, $0xb8;
	[tilespmem:$0xEA00] =	vst v63  }
0x13a: {  	s6 =	simm.s32 $0x9600;
	s7 =	simm.s32 $0xD600  }
0x13b: {  	[tilespmem:s7], [sflag:$0x1] =	stream.indirect.gather [hbm4b:s26+s14], $0x1, s6, s14, $0xb8;
	[tilespmem:$0xEA00] =	vst v63  }
0x13c: {  	s8 =	simm.s32 $0x8A80;
	s9 =	simm.s32 $0xCA80  }
0x13d: {  	[tilespmem:s9], [sflag:$0x1] =	stream.indirect.gather [hbm4b:s28+s14], $0x1, s8, s14, $0xb8;
	[tilespmem:$0xEA00] =	vst v63  }
0x13e: {  	s4 =	simm.s32 $0x8E80;
	s5 =	simm.s32 $0xCE80  }
0x13f: {  	[tilespmem:s5], [sflag:$0x1] =	stream.indirect.gather [hbm4b:s28+s14], $0x1, s4, s14, $0xb8;
	[tilespmem:$0xEA00] =	vst v63  }
0x140: {  	s6 =	simm.s32 $0x9280;
	s7 =	simm.s32 $0xD280  }
0x141: {  	[tilespmem:s7], [sflag:$0x1] =	stream.indirect.gather [hbm4b:s28+s14], $0x1, s6, s14, $0xb8;
	[tilespmem:$0xEA00] =	vst v63  }
0x142: {  	s8 =	simm.s32 $0x9680;
	s9 =	simm.s32 $0xD680  }
0x143: {  	[tilespmem:s9], [sflag:$0x1] =	stream.indirect.gather [hbm4b:s28+s14], $0x1, s8, s14, $0xb8;
	[tilespmem:$0xEA00] =	vst v63  }
0x144: {  	s4 =	simm.s32 $0x8B00;
	s5 =	simm.s32 $0xCB00  }
0x145: {  	[tilespmem:s5], [sflag:$0x1] =	stream.indirect.gather [hbm4b:s29+s14], $0x1, s4, s14, $0xb8;
	[tilespmem:$0xEA00] =	vst v63  }
0x146: {  	s6 =	simm.s32 $0x8F00;
	s7 =	simm.s32 $0xCF00  }
0x147: {  	[tilespmem:s7], [sflag:$0x1] =	stream.indirect.gather [hbm4b:s29+s14], $0x1, s6, s14, $0xb8;
	[tilespmem:$0xEA00] =	vst v63  }
0x148: {  	s8 =	simm.s32 $0x9300;
	s9 =	simm.s32 $0xD300  }
0x149: {  	[tilespmem:s9], [sflag:$0x1] =	stream.indirect.gather [hbm4b:s29+s14], $0x1, s8, s14, $0xb8;
	[tilespmem:$0xEA00] =	vst v63  }
0x14a: {  	s4 =	simm.s32 $0x9700;
	s5 =	simm.s32 $0xD700  }
0x14b: {  	[tilespmem:s5], [sflag:$0x1] =	stream.indirect.gather [hbm4b:s29+s14], $0x1, s4, s14, $0xb8;
	[tilespmem:$0xEA00] =	vst v63  }
0x14c: {  	s6 =	simm.s32 $0x8B80;
	s7 =	simm.s32 $0xCB80  }
0x14d: {  	[tilespmem:s7], [sflag:$0x1] =	stream.indirect.gather [hbm4b:s30+s14], $0x1, s6, s14, $0xb8;
	[tilespmem:$0xEA00] =	vst v63  }
0x14e: {  	s8 =	simm.s32 $0x8F80;
	s9 =	simm.s32 $0xCF80  }
0x14f: {  	[tilespmem:s9], [sflag:$0x1] =	stream.indirect.gather [hbm4b:s30+s14], $0x1, s8, s14, $0xb8;
	[tilespmem:$0xEA00] =	vst v63  }
0x150: {  	s4 =	simm.s32 $0x9380;
	s5 =	simm.s32 $0xD380  }
0x151: {  	[tilespmem:s5], [sflag:$0x1] =	stream.indirect.gather [hbm4b:s30+s14], $0x1, s4, s14, $0xb8;
	[tilespmem:$0xEA00] =	vst v63  }
0x152: {  	s6 =	simm.s32 $0x9780;
	s7 =	simm.s32 $0xD780  }
0x153: {  	[tilespmem:s7], [sflag:$0x1] =	stream.indirect.gather [hbm4b:s30+s14], $0x1, s6, s14, $0xb8;
	[tilespmem:$0xEA00] =	vst v63  }
0x154: {  	s8 =	simm.s32 $0x9800;
	s9 =	simm.s32 $0xD800  }
0x155: {  	[tilespmem:s9], [sflag:$0x1] =	stream.indirect.gather [hbm4b:s31+s14], $0x1, s8, s14, $0xb8;
	[tilespmem:$0xEA00] =	vst v63  }
0x156: {  	s4 =	simm.s32 $0x9C00;
	s5 =	simm.s32 $0xDC00  }
0x157: {  	[tilespmem:s5], [sflag:$0x1] =	stream.indirect.gather [hbm4b:s31+s14], $0x1, s4, s14, $0xb8;
	[tilespmem:$0xEA00] =	vst v63  }
0x158: {  	s6 =	simm.s32 $0xA000;
	s7 =	simm.s32 $0xE000  }
0x159: {  	[tilespmem:s7], [sflag:$0x1] =	stream.indirect.gather [hbm4b:s31+s14], $0x1, s6, s14, $0xb8;
	[tilespmem:$0xEA00] =	vst v63  }
0x15a: {  	s8 =	simm.s32 $0xA400;
	s9 =	simm.s32 $0xE400  }
0x15b: {  	[tilespmem:s9], [sflag:$0x1] =	stream.indirect.gather [hbm4b:s31+s14], $0x1, s8, s14, $0xb8;
	[tilespmem:$0xEA00] =	vst v63  }
0x15c: {  	s4 =	simm.s32 $0x9880;
	s5 =	simm.s32 $0xD880  }
0x15d: {  	[tilespmem:s5], [sflag:$0x1] =	stream.indirect.gather [hbm4b:s0+s14], $0x1, s4, s14, $0xb8;
	[tilespmem:$0xEA00] =	vst v63  }
0x15e: {  	s6 =	simm.s32 $0x9C80;
	s7 =	simm.s32 $0xDC80  }
0x15f: {  	[tilespmem:s7], [sflag:$0x1] =	stream.indirect.gather [hbm4b:s0+s14], $0x1, s6, s14, $0xb8;
	[tilespmem:$0xEA00] =	vst v63  }
0x160: {  	s8 =	simm.s32 $0xA080;
	s9 =	simm.s32 $0xE080  }
0x161: {  	[tilespmem:s9], [sflag:$0x1] =	stream.indirect.gather [hbm4b:s0+s14], $0x1, s8, s14, $0xb8;
	[tilespmem:$0xEA00] =	vst v63  }
0x162: {  	s3 =	simm.s32 $0xA480;
	s4 =	simm.s32 $0xE480  }
0x163: {  	[tilespmem:s4], [sflag:$0x1] =	stream.indirect.gather [hbm4b:s0+s14], $0x1, s3, s14, $0xb8;
	[tilespmem:$0xEA00] =	vst v63  }
0x164: {  	_ =	swait.ge [sflag:s2], $0x80  }
0x165: {  	[sflag:s2] =	ssyncset.done $0x0  }
0x166: {  	[sflag:s2] =	ssyncadd.s32 $0xFFFFFF80  }
0x167: {  	_ =	swait.ge [sflag:s2], $0x80  }
0x168: {  	[sflag:s2] =	ssyncset.done $0x0  }
0x169: {  	[sflag:s2] =	ssyncadd.s32 $0xFFFFFF80  }
0x16a: {  	_ =	swait.ge [sflag:s2], $0x80  }
0x16b: {  	[sflag:s2] =	ssyncset.done $0x0  }
0x16c: {  	[sflag:s2] =	ssyncadd.s32 $0xFFFFFF80  }
0x16d: {  	_ =	swait.ge [sflag:s2], $0x80  }
0x16e: {  	[sflag:s2] =	ssyncset.done $0x0  }
0x16f: {  	[sflag:s2] =	ssyncadd.s32 $0xFFFFFF80  }
0x170: {  	_ =	swait.ge [sflag:s2], $0x80  }
0x171: {  	[sflag:s2] =	ssyncset.done $0x0  }
0x172: {  	[sflag:s2] =	ssyncadd.s32 $0xFFFFFF80  }
0x173: {  	_ =	swait.ge [sflag:s2], $0x80  }
0x174: {  	[sflag:s2] =	ssyncset.done $0x0  }
0x175: {  	[sflag:s2] =	ssyncadd.s32 $0xFFFFFF80  }
0x176: {  	_ =	swait.ge [sflag:s2], $0x80  }
0x177: {  	[sflag:s2] =	ssyncset.done $0x0  }
0x178: {  	[sflag:s2] =	ssyncadd.s32 $0xFFFFFF80  }
0x179: {  	_ =	swait.ge [sflag:s2], $0x80  }
0x17a: {  	[sflag:s2] =	ssyncset.done $0x0  }
0x17b: {  	[sflag:s2] =	ssyncadd.s32 $0xFFFFFF80  }
0x17c: {  	_ =	swait.ge [sflag:s2], $0x80  }
0x17d: {  	[sflag:s2] =	ssyncset.done $0x0  }
0x17e: {  	[sflag:s2] =	ssyncadd.s32 $0xFFFFFF80  }
0x17f: {  	_ =	swait.ge [sflag:s2], $0x80  }
0x180: {  	[sflag:s2] =	ssyncset.done $0x0  }
0x181: {  	[sflag:s2] =	ssyncadd.s32 $0xFFFFFF80  }
0x182: {  	_ =	swait.ge [sflag:s2], $0x80  }
0x183: {  	[sflag:s2] =	ssyncset.done $0x0  }
0x184: {  	[sflag:s2] =	ssyncadd.s32 $0xFFFFFF80  }
0x185: {  	_ =	swait.ge [sflag:s2], $0x80  }
0x186: {  	[sflag:s2] =	ssyncset.done $0x0  }
0x187: {  	[sflag:s2] =	ssyncadd.s32 $0xFFFFFF80  }
0x188: {  	_ =	swait.ge [sflag:s2], $0x80  }
0x189: {  	[sflag:s2] =	ssyncset.done $0x0  }
0x18a: {  	[sflag:s2] =	ssyncadd.s32 $0xFFFFFF80  }
0x18b: {  	_ =	swait.ge [sflag:s2], $0x80  }
0x18c: {  	[sflag:s2] =	ssyncset.done $0x0  }
0x18d: {  	[sflag:s2] =	ssyncadd.s32 $0xFFFFFF80  }
0x18e: {  	_ =	swait.ge [sflag:s2], $0x80  }
0x18f: {  	[sflag:s2] =	ssyncset.done $0x0  }
0x190: {  	[sflag:s2] =	ssyncadd.s32 $0xFFFFFF80  }
0x191: {  	_ =	swait.ge [sflag:s2], $0x80  }
0x192: {  	[sflag:s2] =	ssyncset.done $0x0  }
0x193: {  	[sflag:s2] =	ssyncadd.s32 $0xFFFFFF80  }
0x194: {  	_ =	swait.ge [sflag:s2], $0x80  }
0x195: {  	[sflag:s2] =	ssyncset.done $0x0  }
0x196: {  	[sflag:s2] =	ssyncadd.s32 $0xFFFFFF80  }
0x197: {  	_ =	swait.ge [sflag:s2], $0x80  }
0x198: {  	[sflag:s2] =	ssyncset.done $0x0  }
0x199: {  	[sflag:s2] =	ssyncadd.s32 $0xFFFFFF80  }
0x19a: {  	_ =	swait.ge [sflag:s2], $0x80  }
0x19b: {  	[sflag:s2] =	ssyncset.done $0x0  }
0x19c: {  	[sflag:s2] =	ssyncadd.s32 $0xFFFFFF80  }
0x19d: {  	_ =	swait.ge [sflag:s2], $0x80  }
0x19e: {  	[sflag:s2] =	ssyncset.done $0x0  }
0x19f: {  	[sflag:s2] =	ssyncadd.s32 $0xFFFFFF80  }
0x1a0: {  	_ =	swait.ge [sflag:s2], $0x80  }
0x1a1: {  	[sflag:s2] =	ssyncset.done $0x0  }
0x1a2: {  	[sflag:s2] =	ssyncadd.s32 $0xFFFFFF80  }
0x1a3: {  	_ =	swait.ge [sflag:s2], $0x80  }
0x1a4: {  	[sflag:s2] =	ssyncset.done $0x0  }
0x1a5: {  	[sflag:s2] =	ssyncadd.s32 $0xFFFFFF80  }
0x1a6: {  	_ =	swait.ge [sflag:s2], $0x80  }
0x1a7: {  	[sflag:s2] =	ssyncset.done $0x0  }
0x1a8: {  	[sflag:s2] =	ssyncadd.s32 $0xFFFFFF80  }
0x1a9: {  	_ =	swait.ge [sflag:s2], $0x80  }
0x1aa: {  	[sflag:s2] =	ssyncset.done $0x0  }
0x1ab: {  	[sflag:s2] =	ssyncadd.s32 $0xFFFFFF80  }
0x1ac: {  	_ =	swait.ge [sflag:s2], $0x80  }
0x1ad: {  	[sflag:s2] =	ssyncset.done $0x0  }
0x1ae: {  	[sflag:s2] =	ssyncadd.s32 $0xFFFFFF80  }
0x1af: {  	_ =	swait.ge [sflag:s2], $0x80  }
0x1b0: {  	[sflag:s2] =	ssyncset.done $0x0  }
0x1b1: {  	[sflag:s2] =	ssyncadd.s32 $0xFFFFFF80  }
0x1b2: {  	_ =	swait.ge [sflag:s2], $0x80  }
0x1b3: {  	[sflag:s2] =	ssyncset.done $0x0  }
0x1b4: {  	[sflag:s2] =	ssyncadd.s32 $0xFFFFFF80  }
0x1b5: {  	_ =	swait.ge [sflag:s2], $0x80  }
0x1b6: {  	[sflag:s2] =	ssyncset.done $0x0  }
0x1b7: {  	[sflag:s2] =	ssyncadd.s32 $0xFFFFFF80  }
0x1b8: {  	_ =	swait.ge [sflag:s2], $0x80  }
0x1b9: {  	[sflag:s2] =	ssyncset.done $0x0  }
0x1ba: {  	[sflag:s2] =	ssyncadd.s32 $0xFFFFFF80  }
0x1bb: {  	_ =	swait.ge [sflag:s2], $0x80  }
0x1bc: {  	[sflag:s2] =	ssyncset.done $0x0  }
0x1bd: {  	[sflag:s2] =	ssyncadd.s32 $0xFFFFFF80  }
0x1be: {  	_ =	swait.ge [sflag:s2], $0x80  }
0x1bf: {  	[sflag:s2] =	ssyncset.done $0x0  }
0x1c0: {  	[sflag:s2] =	ssyncadd.s32 $0xFFFFFF80  }
0x1c1: {  	_ =	swait.ge [sflag:s2], $0x80  }
0x1c2: {  	[sflag:s2] =	ssyncset.done $0x0  }
0x1c3: {  	[sflag:s2] =	ssyncadd.s32 $0xFFFFFF80  }
0x1c4: {  	_ =	swait.ge [sflag:s2], $0x80  }
0x1c5: {  	[sflag:s2] =	ssyncset.done $0x0  }
0x1c6: {  	[sflag:s2] =	ssyncadd.s32 $0xFFFFFF80  }
0x1c7: {  	_ =	swait.ge [sflag:s2], $0x80  }
0x1c8: {  	[sflag:s2] =	ssyncset.done $0x0  }
0x1c9: {  	[sflag:s2] =	ssyncadd.s32 $0xFFFFFF80  }
0x1ca: {  	_ =	swait.ge [sflag:s2], $0x80  }
0x1cb: {  	[sflag:s2] =	ssyncset.done $0x0  }
0x1cc: {  	[sflag:s2] =	ssyncadd.s32 $0xFFFFFF80  }
0x1cd: {  	_ =	swait.ge [sflag:s2], $0x80  }
0x1ce: {  	[sflag:s2] =	ssyncset.done $0x0  }
0x1cf: {  	[sflag:s2] =	ssyncadd.s32 $0xFFFFFF80  }
0x1d0: {  	_ =	swait.ge [sflag:s2], $0x80  }
0x1d1: {  	[sflag:s2] =	ssyncset.done $0x0  }
0x1d2: {  	[sflag:s2] =	ssyncadd.s32 $0xFFFFFF80  }
0x1d3: {  	_ =	swait.ge [sflag:s2], $0x80  }
0x1d4: {  	[sflag:s2] =	ssyncset.done $0x0  }
0x1d5: {  	[sflag:s2] =	ssyncadd.s32 $0xFFFFFF80  }
0x1d6: {  	_ =	swait.ge [sflag:s2], $0x80  }
0x1d7: {  	[sflag:s2] =	ssyncset.done $0x0  }
0x1d8: {  	[sflag:s2] =	ssyncadd.s32 $0xFFFFFF80  }
0x1d9: {  	_ =	swait.ge [sflag:s2], $0x80  }
0x1da: {  	[sflag:s2] =	ssyncset.done $0x0  }
0x1db: {  	[sflag:s2] =	ssyncadd.s32 $0xFFFFFF80  }
0x1dc: {  	_ =	swait.ge [sflag:s2], $0x80  }
0x1dd: {  	[sflag:s2] =	ssyncset.done $0x0  }
0x1de: {  	[sflag:s2] =	ssyncadd.s32 $0xFFFFFF80  }
0x1df: {  	_ =	swait.ge [sflag:s2], $0x80  }
0x1e0: {  	[sflag:s2] =	ssyncset.done $0x0  }
0x1e1: {  	[sflag:s2] =	ssyncadd.s32 $0xFFFFFF80  }
0x1e2: {  	_ =	swait.ge [sflag:s2], $0x80  }
0x1e3: {  	[sflag:s2] =	ssyncset.done $0x0  }
0x1e4: {  	[sflag:s2] =	ssyncadd.s32 $0xFFFFFF80  }
0x1e5: {  	_ =	swait.ge [sflag:s2], $0x80  }
0x1e6: {  	[sflag:s2] =	ssyncset.done $0x0  }
0x1e7: {  	[sflag:s2] =	ssyncadd.s32 $0xFFFFFF80  }
0x1e8: {  	_ =	swait.ge [sflag:s2], $0x80  }
0x1e9: {  	[sflag:s2] =	ssyncset.done $0x0  }
0x1ea: {  	[sflag:s2] =	ssyncadd.s32 $0xFFFFFF80  }
0x1eb: {  	_ =	swait.ge [sflag:s2], $0x80  }
0x1ec: {  	[sflag:s2] =	ssyncset.done $0x0  }
0x1ed: {  	[sflag:s2] =	ssyncadd.s32 $0xFFFFFF80  }
0x1ee: {  	_ =	swait.ge [sflag:s2], $0x80  }
0x1ef: {  	[sflag:s2] =	ssyncset.done $0x0  }
0x1f0: {  	[sflag:s2] =	ssyncadd.s32 $0xFFFFFF80  }
0x1f1: {  	_ =	swait.ge [sflag:s2], $0x80  }
0x1f2: {  	[sflag:s2] =	ssyncset.done $0x0  }
0x1f3: {  	[sflag:s2] =	ssyncadd.s32 $0xFFFFFF80  }
0x1f4: {  	_ =	swait.ge [sflag:s2], $0x80  }
0x1f5: {  	[sflag:s2] =	ssyncset.done $0x0  }
0x1f6: {  	[sflag:s2] =	ssyncadd.s32 $0xFFFFFF80  }
0x1f7: {  	_ =	swait.ge [sflag:s2], $0x80  }
0x1f8: {  	[sflag:s2] =	ssyncset.done $0x0  }
0x1f9: {  	[sflag:s2] =	ssyncadd.s32 $0xFFFFFF80  }
0x1fa: {  	_ =	swait.ge [sflag:s2], $0x80  }
0x1fb: {  	[sflag:s2] =	ssyncset.done $0x0  }
0x1fc: {  	[sflag:s2] =	ssyncadd.s32 $0xFFFFFF80  }
0x1fd: {  	_ =	swait.ge [sflag:s2], $0x80  }
0x1fe: {  	[sflag:s2] =	ssyncset.done $0x0  }
0x1ff: {  	[sflag:s2] =	ssyncadd.s32 $0xFFFFFF80  }
0x200: {  	_ =	swait.ge [sflag:s2], $0x80  }
0x201: {  	[sflag:s2] =	ssyncset.done $0x0  }
0x202: {  	[sflag:s2] =	ssyncadd.s32 $0xFFFFFF80  }
0x203: {  	_ =	swait.ge [sflag:s2], $0x80  }
0x204: {  	[sflag:s2] =	ssyncset.done $0x0  }
0x205: {  	[sflag:s2] =	ssyncadd.s32 $0xFFFFFF80  }
0x206: {  	_ =	swait.ge [sflag:s2], $0x80  }
0x207: {  	[sflag:s2] =	ssyncset.done $0x0  }
0x208: {  	[sflag:s2] =	ssyncadd.s32 $0xFFFFFF80  }
0x209: {  	_ =	swait.ge [sflag:s2], $0x80  }
0x20a: {  	[sflag:s2] =	ssyncset.done $0x0  }
0x20b: {  	[sflag:s2] =	ssyncadd.s32 $0xFFFFFF80  }
0x20c: {  	_ =	swait.ge [sflag:s2], $0x80  }
0x20d: {  	[sflag:s2] =	ssyncset.done $0x0  }
0x20e: {  	[sflag:s2] =	ssyncadd.s32 $0xFFFFFF80  }
0x20f: {  	_ =	swait.ge [sflag:s2], $0x80  }
0x210: {  	[sflag:s2] =	ssyncset.done $0x0  }
0x211: {  	[sflag:s2] =	ssyncadd.s32 $0xFFFFFF80  }
0x212: {  	_ =	swait.ge [sflag:s2], $0x80  }
0x213: {  	[sflag:s2] =	ssyncset.done $0x0  }
0x214: {  	[sflag:s2] =	ssyncadd.s32 $0xFFFFFF80  }
0x215: {  	_ =	swait.ge [sflag:s2], $0x80  }
0x216: {  	[sflag:s2] =	ssyncset.done $0x0  }
0x217: {  	[sflag:s2] =	ssyncadd.s32 $0xFFFFFF80  }
0x218: {  	_ =	swait.ge [sflag:s2], $0x80  }
0x219: {  	[sflag:s2] =	ssyncset.done $0x0  }
0x21a: {  	[sflag:s2] =	ssyncadd.s32 $0xFFFFFF80  }
0x21b: {  	_ =	swait.ge [sflag:s2], $0x80  }
0x21c: {  	[sflag:s2] =	ssyncset.done $0x0  }
0x21d: {  	[sflag:s2] =	ssyncadd.s32 $0xFFFFFF80  }
0x21e: {  	_ =	swait.ge [sflag:s2], $0x80  }
0x21f: {  	[sflag:s2] =	ssyncset.done $0x0  }
0x220: {  	[sflag:s2] =	ssyncadd.s32 $0xFFFFFF80  }
0x221: {  	_ =	swait.ge [sflag:s2], $0x80  }
0x222: {  	[sflag:s2] =	ssyncset.done $0x0  }
0x223: {  	[sflag:s2] =	ssyncadd.s32 $0xFFFFFF80  }
0x224: {  	_ =	swait.ge [sflag:s2], $0x80  }
0x225: {  	[sflag:s2] =	ssyncset.done $0x0  }
0x226: {  	[sflag:s2] =	ssyncadd.s32 $0xFFFFFF80  }
0x227: {  	_ =	swait.ge [sflag:s2], $0x80  }
0x228: {  	[sflag:s2] =	ssyncset.done $0x0  }
0x229: {  	[sflag:s2] =	ssyncadd.s32 $0xFFFFFF80  }
0x22a: {  	_ =	swait.ge [sflag:s2], $0x80  }
0x22b: {  	[sflag:s2] =	ssyncset.done $0x0  }
0x22c: {  	[sflag:s2] =	ssyncadd.s32 $0xFFFFFF80  }
0x22d: {  	_ =	swait.ge [sflag:s2], $0x80  }
0x22e: {  	[sflag:s2] =	ssyncset.done $0x0  }
0x22f: {  	[sflag:s2] =	ssyncadd.s32 $0xFFFFFF80  }
0x230: {  	_ =	swait.ge [sflag:s2], $0x80  }
0x231: {  	[sflag:s2] =	ssyncset.done $0x0  }
0x232: {  	[sflag:s2] =	ssyncadd.s32 $0xFFFFFF80  }
0x233: {  	_ =	swait.ge [sflag:s2], $0x80  }
0x234: {  	[sflag:s2] =	ssyncset.done $0x0  }
0x235: {  	[sflag:s2] =	ssyncadd.s32 $0xFFFFFF80  }
0x236: {  	_ =	swait.ge [sflag:s2], $0x80  }
0x237: {  	[sflag:s2] =	ssyncset.done $0x0  }
0x238: {  	[sflag:s2] =	ssyncadd.s32 $0xFFFFFF80  }
0x239: {  	_ =	swait.ge [sflag:s2], $0x80  }
0x23a: {  	[sflag:s2] =	ssyncset.done $0x0  }
0x23b: {  	[sflag:s2] =	ssyncadd.s32 $0xFFFFFF80  }
0x23c: {  	_ =	swait.ge [sflag:s2], $0x80  }
0x23d: {  	[sflag:s2] =	ssyncset.done $0x0  }
0x23e: {  	[sflag:s2] =	ssyncadd.s32 $0xFFFFFF80  }
0x23f: {  	_ =	swait.ge [sflag:s2], $0x80  }
0x240: {  	[sflag:s2] =	ssyncset.done $0x0  }
0x241: {  	[sflag:s2] =	ssyncadd.s32 $0xFFFFFF80  }
0x242: {  	_ =	swait.ge [sflag:s2], $0x80  }
0x243: {  	[sflag:s2] =	ssyncset.done $0x0  }
0x244: {  	[sflag:s2] =	ssyncadd.s32 $0xFFFFFF80  }
0x245: {  	_ =	swait.ge [sflag:s2], $0x80  }
0x246: {  	[sflag:s2] =	ssyncset.done $0x0  }
0x247: {  	[sflag:s2] =	ssyncadd.s32 $0xFFFFFF80  }
0x248: {  	_ =	swait.ge [sflag:s2], $0x80  }
0x249: {  	[sflag:s2] =	ssyncset.done $0x0  }
0x24a: {  	[sflag:s2] =	ssyncadd.s32 $0xFFFFFF80  }
0x24b: {  	_ =	swait.ge [sflag:s2], $0x80  }
0x24c: {  	[sflag:s2] =	ssyncset.done $0x0  }
0x24d: {  	[sflag:s2] =	ssyncadd.s32 $0xFFFFFF80  }
0x24e: {  	_ =	swait.ge [sflag:s2], $0x80  }
0x24f: {  	[sflag:s2] =	ssyncset.done $0x0  }
0x250: {  	[sflag:s2] =	ssyncadd.s32 $0xFFFFFF80  }
0x251: {  	_ =	swait.ge [sflag:s2], $0x80  }
0x252: {  	[sflag:s2] =	ssyncset.done $0x0  }
0x253: {  	[sflag:s2] =	ssyncadd.s32 $0xFFFFFF80  }
0x254: {  	_ =	swait.ge [sflag:s2], $0x80  }
0x255: {  	[sflag:s2] =	ssyncset.done $0x0  }
0x256: {  	[sflag:s2] =	ssyncadd.s32 $0xFFFFFF80  }
0x257: {  	_ =	swait.ge [sflag:s2], $0x80  }
0x258: {  	[sflag:s2] =	ssyncset.done $0x0  }
0x259: {  	[sflag:s2] =	ssyncadd.s32 $0xFFFFFF80  }
0x25a: {  	_ =	swait.ge [sflag:s2], $0x80  }
0x25b: {  	[sflag:s2] =	ssyncset.done $0x0  }
0x25c: {  	[sflag:s2] =	ssyncadd.s32 $0xFFFFFF80  }
0x25d: {  	_ =	swait.ge [sflag:s2], $0x80  }
0x25e: {  	[sflag:s2] =	ssyncset.done $0x0  }
0x25f: {  	[sflag:s2] =	ssyncadd.s32 $0xFFFFFF80  }
0x260: {  	_ =	swait.ge [sflag:s2], $0x80  }
0x261: {  	[sflag:s2] =	ssyncset.done $0x0  }
0x262: {  	[sflag:s2] =	ssyncadd.s32 $0xFFFFFF80  }
0x263: {  	_ =	swait.ge [sflag:s2], $0x80  }
0x264: {  	[sflag:s2] =	ssyncset.done $0x0  }
0x265: {  	[sflag:s2] =	ssyncadd.s32 $0xFFFFFF80  }
0x266: {  	_ =	swait.ge [sflag:s2], $0x80  }
0x267: {  	[sflag:s2] =	ssyncset.done $0x0  }
0x268: {  	[sflag:s2] =	ssyncadd.s32 $0xFFFFFF80  }
0x269: {  	_ =	swait.ge [sflag:s2], $0x80  }
0x26a: {  	[sflag:s2] =	ssyncset.done $0x0  }
0x26b: {  	[sflag:s2] =	ssyncadd.s32 $0xFFFFFF80  }
0x26c: {  	_ =	swait.ge [sflag:s2], $0x80  }
0x26d: {  	[sflag:s2] =	ssyncset.done $0x0  }
0x26e: {  	[sflag:s2] =	ssyncadd.s32 $0xFFFFFF80  }
0x26f: {  	_ =	swait.ge [sflag:s2], $0x80  }
0x270: {  	[sflag:s2] =	ssyncset.done $0x0  }
0x271: {  	[sflag:s2] =	ssyncadd.s32 $0xFFFFFF80  }
0x272: {  	_ =	swait.ge [sflag:s2], $0x80  }
0x273: {  	[sflag:s2] =	ssyncset.done $0x0  }
0x274: {  	[sflag:s2] =	ssyncadd.s32 $0xFFFFFF80  }
0x275: {  	_ =	swait.ge [sflag:s2], $0x80  }
0x276: {  	[sflag:s2] =	ssyncset.done $0x0  }
0x277: {  	[sflag:s2] =	ssyncadd.s32 $0xFFFFFF80  }
0x278: {  	_ =	swait.ge [sflag:s2], $0x80  }
0x279: {  	[sflag:s2] =	ssyncset.done $0x0  }
0x27a: {  	[sflag:s2] =	ssyncadd.s32 $0xFFFFFF80  }
0x27b: {  	_ =	swait.ge [sflag:s2], $0x80  }
0x27c: {  	[sflag:s2] =	ssyncset.done $0x0  }
0x27d: {  	[sflag:s2] =	ssyncadd.s32 $0xFFFFFF80  }
0x27e: {  	_ =	swait.ge [sflag:s2], $0x80  }
0x27f: {  	[sflag:s2] =	ssyncset.done $0x0  }
0x280: {  	[sflag:s2] =	ssyncadd.s32 $0xFFFFFF80  }
0x281: {  	_ =	swait.ge [sflag:s2], $0x80  }
0x282: {  	[sflag:s2] =	ssyncset.done $0x0  }
0x283: {  	[sflag:s2] =	ssyncadd.s32 $0xFFFFFF80  }
0x284: {  	_ =	swait.ge [sflag:s2], $0x80  }
0x285: {  	[sflag:s2] =	ssyncset.done $0x0  }
0x286: {  	[sflag:s2] =	ssyncadd.s32 $0xFFFFFF80  }
0x287: {  	_ =	swait.ge [sflag:s2], $0x80  }
0x288: {  	[sflag:s2] =	ssyncset.done $0x0  }
0x289: {  	[sflag:s2] =	ssyncadd.s32 $0xFFFFFF80  }
0x28a: {  	_ =	swait.ge [sflag:s2], $0x80  }
0x28b: {  	[sflag:s2] =	ssyncset.done $0x0  }
0x28c: {  	[sflag:s2] =	ssyncadd.s32 $0xFFFFFF80  }
0x28d: {  	_ =	swait.ge [sflag:s2], $0x80  }
0x28e: {  	[sflag:s2] =	ssyncset.done $0x0  }
0x28f: {  	[sflag:s2] =	ssyncadd.s32 $0xFFFFFF80  }
0x290: {  	_ =	swait.ge [sflag:s2], $0x80  }
0x291: {  	[sflag:s2] =	ssyncset.done $0x0  }
0x292: {  	[sflag:s2] =	ssyncadd.s32 $0xFFFFFF80  }
0x293: {  	_ =	swait.ge [sflag:s2], $0x80  }
0x294: {  	[sflag:s2] =	ssyncset.done $0x0  }
0x295: {  	[sflag:s2] =	ssyncadd.s32 $0xFFFFFF80  }
0x296: {  	_ =	swait.ge [sflag:s2], $0x80  }
0x297: {  	[sflag:s2] =	ssyncset.done $0x0  }
0x298: {  	[sflag:s2] =	ssyncadd.s32 $0xFFFFFF80  }
0x299: {  	s3 =	simm.s32 $0x0;
	_ =	swait.ge [sflag:s2], $0x80  }
0x29a: {  	s5 =	sand.u32 $0x70, s3;
	s6 =	sand.u32 $0xC00, s3;
	[sflag:s2] =	ssyncset.done $0x0  }
0x29b: {  	s1 =	sor.u32 s5, s6;
	[sflag:s2] =	ssyncadd.s32 $0xFFFFFF80  }
0x29c: {  	v58 =	vld [tilespmem:s1+$0xA880]  }
0x29d: {  	v59 =	vld [tilespmem:s1+$0xA800]  }
0x29e: {  	s7 =	sand.u32 $0xFFFFFC00, s3  }
0x29f: {  	s8 =	sadd.s32 $0x0, s7;
	v60 =	vld [tilespmem:s1+$0xA900]  }
0x2a0: {  	s9 =	sor.u32 $0x180, s8  }
0x2a1: {  	v61 =	vld [tilespmem:s9+$0xA800]  }
0x2a2: {  	v0 =	vadd.f32 v58, v59  }
0x2a3: {  	v62 =	vld [tilespmem:s1+$0xAA00]  }
0x2a4: {  	v0 =	vadd.f32 v60, v0  }
0x2a5: {  	v63 =	vld [tilespmem:s1+$0xAA80]  }
0x2a6: {  	v0 =	vadd.f32 v61, v0  }
0x2a7: {  	s3 =	sor.u32 s3, s3;
	v6 =	vld [tilespmem:s1+$0xAB00]  }
0x2a8: {  	s3 =	sor.u32 $0x380, s3;
	v0 =	vadd.f32 v62, v0  }
0x2a9: {  	v7 =	vld [tilespmem:s3+$0xA800]  }
0x2aa: {  	v0 =	vadd.f32 v63, v0  }
0x2ab: {  	v8 =	vld [tilespmem:s1+$0xB800]  }
0x2ac: {  	v0 =	vadd.f32 v6, v0  }
0x2ad: {  	v9 =	vld [tilespmem:s1+$0xB880]  }
0x2ae: {  	v0 =	vadd.f32 v7, v0  }
0x2af: {  	v10 =	vld [tilespmem:s1+$0xB900]  }
0x2b0: {  	s7 =	sor.u32 $0x1180, s8;
	v0 =	vadd.f32 v8, v0  }
0x2b1: {  	v11 =	vld [tilespmem:s7+$0xA800]  }
0x2b2: {  	v0 =	vadd.f32 v9, v0  }
0x2b3: {  	v12 =	vld [tilespmem:s1+$0xBA00]  }
0x2b4: {  	v0 =	vadd.f32 v10, v0  }
0x2b5: {  	v13 =	vld [tilespmem:s1+$0xBA80]  }
0x2b6: {  	v0 =	vadd.f32 v11, v0  }
0x2b7: {  	v14 =	vld [tilespmem:s1+$0xBB00]  }
0x2b8: {  	v0 =	vadd.f32 v12, v0  }
0x2b9: {  	v15 =	vld [tilespmem:s1+$0xBB80]  }
0x2ba: {  	v0 =	vadd.f32 v13, v0  }
0x2bb: {  	v16 =	vld [tilespmem:s1+$0xC800]  }
0x2bc: {  	v0 =	vadd.f32 v14, v0  }
0x2bd: {  	v17 =	vld [tilespmem:s1+$0xC880]  }
0x2be: {  	v0 =	vadd.f32 v15, v0  }
0x2bf: {  	v18 =	vld [tilespmem:s1+$0xC900]  }
0x2c0: {  	v0 =	vadd.f32 v16, v0  }
0x2c1: {  	v19 =	vld [tilespmem:s1+$0xC980]  }
0x2c2: {  	v0 =	vadd.f32 v17, v0  }
0x2c3: {  	v20 =	vld [tilespmem:s1+$0xCA00]  }
0x2c4: {  	v0 =	vadd.f32 v18, v0  }
0x2c5: {  	v21 =	vld [tilespmem:s1+$0xCA80]  }
0x2c6: {  	v0 =	vadd.f32 v19, v0  }
0x2c7: {  	v22 =	vld [tilespmem:s1+$0xCB00]  }
0x2c8: {  	v0 =	vadd.f32 v20, v0  }
0x2c9: {  	v23 =	vld [tilespmem:s1+$0xCB80]  }
0x2ca: {  	v24 =	vld [tilespmem:s1+$0xD880];
	v0 =	vadd.f32 v21, v0  }
0x2cb: {  	v25 =	vld [tilespmem:s1+$0xD800]  }
0x2cc: {  	v26 =	vld [tilespmem:s1+$0x4000];
	v0 =	vadd.f32 v22, v0  }
0x2cd: {  	v27 =	vld [tilespmem:$0x6000]  }
0x2ce: {  	v28 =	vld [tilespmem:s1+$0x4080];
	v0 =	vadd.f32 v23, v0  }
0x2cf: {  	v29 =	vld [tilespmem:$0x6080]  }
0x2d0: {  	v30 =	vld [tilespmem:s1+$0x4100];
	v0 =	vadd.f32 v25, v0  }
0x2d1: {  	v31 =	vld [tilespmem:$0x6100]  }
0x2d2: {  	v32 =	vld [tilespmem:s9+$0x4000];
	v1 =	vmul.f32 v27, v26;
	v0 =	vadd.f32 v24, v0  }
0x2d3: {  	v33 =	vld [tilespmem:$0x6180]  }
0x2d4: {  	v35 =	vld [tilespmem:s1+$0x4200];
	v34 =	vmul.f32 v29, v28;
	v0 =	vadd.f32 v1, v0  }
0x2d5: {  	v36 =	vld [tilespmem:$0x6200]  }
0x2d6: {  	v38 =	vld [tilespmem:s1+$0x4280];
	v37 =	vmul.f32 v31, v30;
	v0 =	vadd.f32 v34, v0  }
0x2d7: {  	v39 =	vld [tilespmem:$0x6280]  }
0x2d8: {  	v41 =	vld [tilespmem:s1+$0x4300];
	v40 =	vmul.f32 v33, v32;
	v0 =	vadd.f32 v37, v0  }
0x2d9: {  	v42 =	vld [tilespmem:$0x6300]  }
0x2da: {  	v44 =	vld [tilespmem:s3+$0x4000];
	v43 =	vmul.f32 v36, v35;
	v0 =	vadd.f32 v40, v0  }
0x2db: {  	v45 =	vld [tilespmem:$0x6380]  }
0x2dc: {  	v47 =	vld [tilespmem:s1+$0x5000];
	v46 =	vmul.f32 v39, v38;
	v0 =	vadd.f32 v43, v0  }
0x2dd: {  	v48 =	vld [tilespmem:$0x6400]  }
0x2de: {  	v50 =	vld [tilespmem:s1+$0x5080];
	v49 =	vmul.f32 v42, v41;
	v0 =	vadd.f32 v46, v0  }
0x2df: {  	v51 =	vld [tilespmem:$0x6480]  }
0x2e0: {  	v53 =	vld [tilespmem:s1+$0x5100];
	v52 =	vmul.f32 v45, v44;
	v0 =	vadd.f32 v49, v0  }
0x2e1: {  	v54 =	vld [tilespmem:$0x6500]  }
0x2e2: {  	v56 =	vld [tilespmem:s7+$0x4000];
	v55 =	vmul.f32 v48, v47;
	v0 =	vadd.f32 v52, v0  }
0x2e3: {  	v57 =	vld [tilespmem:$0x6580]  }
0x2e4: {  	v58 =	vmul.f32 v51, v50;
	v59 =	vld [tilespmem:s1+$0x5200];
	v0 =	vadd.f32 v55, v0  }
0x2e5: {  	v60 =	vld [tilespmem:$0x6600]  }
0x2e6: {  	v61 =	vmul.f32 v54, v53;
	v0 =	vadd.f32 v58, v0;
	_ =	sdelay $0x1  }
0x2e7: {  	v62 =	vmul.f32 v57, v56;
	v0 =	vadd.f32 v61, v0;
	_ =	sdelay $0x1  }
0x2e8: {  	v63 =	vmul.f32 v60, v59;
	v0 =	vadd.f32 v62, v0;
	_ =	sdelay $0x1  }
0x2e9: {  	s4 =	simm.s32 $0x10;
	s5 =	simm.s32 $0x80;
	v0 =	vadd.f32 v63, v0  }
0x2ea: {  	s8 =	sand.u32 $0x70, s4;
	s9 =	sand.u32 $0xC00, s5;
	s1 =	simm.s32 $0xE800  }
0x2eb: {  	s6 =	simm.s32 $0x20;
	s3 =	sor.u32 s8, s9;
	[tilespmem:s1+$0x0] =	vst v0  }
.LBB2_4:
0x2ec: {  	p0 =	sne.s32 s6, $0x1F0;
	v0 =	vld [tilespmem:s3+$0xA880]  }
0x2ed: {  	v1 =	vld [tilespmem:s3+$0xA800]  }
0x2ee: {  	s7 =	sand.u32 $0xFFFFFC00, s5  }
0x2ef: {  	s7 =	sadd.s32 s7, s4;
	v2 =	vld [tilespmem:s3+$0xA900]  }
0x2f0: {  	s9 =	sor.u32 $0x180, s7  }
0x2f1: {  	v3 =	vld [tilespmem:s9+$0xA800]  }
0x2f2: {  	v0 =	vadd.f32 v0, v1  }
0x2f3: {  	v1 =	vld [tilespmem:s3+$0xAA00]  }
0x2f4: {  	v0 =	vadd.f32 v2, v0  }
0x2f5: {  	v2 =	vld [tilespmem:s3+$0xAA80]  }
0x2f6: {  	v0 =	vadd.f32 v3, v0  }
0x2f7: {  	s8 =	sor.u32 s5, s4;
	s4 =	smov.u32 s6;
	v3 =	vld [tilespmem:s3+$0xAB00]  }
0x2f8: {  	s8 =	sor.u32 $0x380, s8;
	v0 =	vadd.f32 v1, v0  }
0x2f9: {  	v1 =	vld [tilespmem:s8+$0xA800]  }
0x2fa: {  	v0 =	vadd.f32 v2, v0  }
0x2fb: {  	v2 =	vld [tilespmem:s3+$0xB800]  }
0x2fc: {  	v0 =	vadd.f32 v3, v0  }
0x2fd: {  	v3 =	vld [tilespmem:s3+$0xB880]  }
0x2fe: {  	v0 =	vadd.f32 v1, v0  }
0x2ff: {  	v1 =	vld [tilespmem:s3+$0xB900]  }
0x300: {  	s7 =	sor.u32 $0x1180, s7;
	v0 =	vadd.f32 v2, v0  }
0x301: {  	v2 =	vld [tilespmem:s7+$0xA800]  }
0x302: {  	v0 =	vadd.f32 v3, v0  }
0x303: {  	v3 =	vld [tilespmem:s3+$0xBA00]  }
0x304: {  	v0 =	vadd.f32 v1, v0  }
0x305: {  	v1 =	vld [tilespmem:s3+$0xBA80]  }
0x306: {  	v0 =	vadd.f32 v2, v0  }
0x307: {  	v2 =	vld [tilespmem:s3+$0xBB00]  }
0x308: {  	v0 =	vadd.f32 v3, v0  }
0x309: {  	v3 =	vld [tilespmem:s3+$0xBB80]  }
0x30a: {  	v0 =	vadd.f32 v1, v0  }
0x30b: {  	v1 =	vld [tilespmem:s3+$0xC800]  }
0x30c: {  	v0 =	vadd.f32 v2, v0  }
0x30d: {  	v2 =	vld [tilespmem:s3+$0xC880]  }
0x30e: {  	v0 =	vadd.f32 v3, v0  }
0x30f: {  	v3 =	vld [tilespmem:s3+$0xC900]  }
0x310: {  	v0 =	vadd.f32 v1, v0  }
0x311: {  	v1 =	vld [tilespmem:s3+$0xC980]  }
0x312: {  	v0 =	vadd.f32 v2, v0  }
0x313: {  	v2 =	vld [tilespmem:s3+$0xCA00]  }
0x314: {  	v0 =	vadd.f32 v3, v0  }
0x315: {  	v3 =	vld [tilespmem:s3+$0xCA80]  }
0x316: {  	v0 =	vadd.f32 v1, v0  }
0x317: {  	v1 =	vld [tilespmem:s3+$0xCB00]  }
0x318: {  	v0 =	vadd.f32 v2, v0  }
0x319: {  	v2 =	vld [tilespmem:s3+$0xCB80]  }
0x31a: {  	v0 =	vadd.f32 v3, v0;
	v3 =	vld [tilespmem:s3+$0xD880]  }
0x31b: {  	v4 =	vld [tilespmem:s3+$0xD800]  }
0x31c: {  	v0 =	vadd.f32 v1, v0;
	v1 =	vld [tilespmem:s3+$0x4000]  }
0x31d: {  	v5 =	vld [tilespmem:$0x6000]  }
0x31e: {  	v0 =	vadd.f32 v2, v0;
	v2 =	vld [tilespmem:s3+$0x4080]  }
0x31f: {  	v6 =	vld [tilespmem:$0x6080]  }
0x320: {  	v0 =	vadd.f32 v4, v0;
	v4 =	vld [tilespmem:s3+$0x4100]  }
0x321: {  	v7 =	vld [tilespmem:$0x6100]  }
0x322: {  	v0 =	vadd.f32 v3, v0;
	v1 =	vmul.f32 v5, v1;
	v3 =	vld [tilespmem:s9+$0x4000]  }
0x323: {  	v5 =	vld [tilespmem:$0x6180]  }
0x324: {  	v0 =	vadd.f32 v1, v0;
	v1 =	vmul.f32 v6, v2;
	v2 =	vld [tilespmem:s3+$0x4200]  }
0x325: {  	v6 =	vld [tilespmem:$0x6200]  }
0x326: {  	v0 =	vadd.f32 v1, v0;
	v1 =	vmul.f32 v7, v4;
	v4 =	vld [tilespmem:s3+$0x4280]  }
0x327: {  	v7 =	vld [tilespmem:$0x6280]  }
0x328: {  	v0 =	vadd.f32 v1, v0;
	v1 =	vmul.f32 v5, v3;
	v3 =	vld [tilespmem:s3+$0x4300]  }
0x329: {  	v5 =	vld [tilespmem:$0x6300]  }
0x32a: {  	v0 =	vadd.f32 v1, v0;
	v1 =	vmul.f32 v6, v2;
	v2 =	vld [tilespmem:s8+$0x4000]  }
0x32b: {  	v6 =	vld [tilespmem:$0x6380]  }
0x32c: {  	v0 =	vadd.f32 v1, v0;
	v1 =	vmul.f32 v7, v4;
	v4 =	vld [tilespmem:s3+$0x5000]  }
0x32d: {  	v7 =	vld [tilespmem:$0x6400]  }
0x32e: {  	v0 =	vadd.f32 v1, v0;
	v1 =	vmul.f32 v5, v3;
	v3 =	vld [tilespmem:s3+$0x5080]  }
0x32f: {  	v5 =	vld [tilespmem:$0x6480]  }
0x330: {  	v0 =	vadd.f32 v1, v0;
	v1 =	vmul.f32 v6, v2;
	v2 =	vld [tilespmem:s3+$0x5100]  }
0x331: {  	v6 =	vld [tilespmem:$0x6500]  }
0x332: {  	v0 =	vadd.f32 v1, v0;
	v1 =	vmul.f32 v7, v4;
	v4 =	vld [tilespmem:s7+$0x4000]  }
0x333: {  	v7 =	vld [tilespmem:$0x6580]  }
0x334: {  	v0 =	vadd.f32 v1, v0;
	v1 =	vmul.f32 v5, v3;
	v3 =	vld [tilespmem:s3+$0x5200]  }
0x335: {  	v5 =	vld [tilespmem:$0x6600]  }
0x336: {  	v0 =	vadd.f32 v1, v0;
	v1 =	vmul.f32 v6, v2;
	_ =	sdelay $0x1  }
0x337: {  	v0 =	vadd.f32 v1, v0;
	v1 =	vmul.f32 v7, v4;
	_ =	sdelay $0x1  }
.Ltmp1:
0x338: {  	v0 =	vadd.f32 v1, v0;
	v1 =	vmul.f32 v5, v3;
	(pc) =	sbr.rel @p0 .LBB2_4-.Ltmp1, $4  }
0x339: {  	_ = 	snop  }
0x33a: {  	s5 =	sadd.s32 $0x80, s5;
	v0 =	vadd.f32 v1, v0  }
0x33b: {  	s1 =	sadd.s32 $0x10, s1;
	s7 =	sand.u32 $0xC00, s5;
	s3 =	sand.u32 $0x70, s6  }
0x33c: {  	s6 =	sadd.s32 $0x10, s6;
	s3 =	sor.u32 s3, s7;
	[tilespmem:s1+$0x0] =	vst v0  }
0x33d: {  	v0 =	vld [tilespmem:s3+$0xA880]  }
0x33e: {  	v1 =	vld [tilespmem:s3+$0xA800]  }
0x33f: {  	s6 =	sand.u32 $0xFFFFFC00, s5  }
0x340: {  	v2 =	vld [tilespmem:s3+$0xA900];
	s6 =	sadd.s32 s6, s4  }
0x341: {  	s7 =	sor.u32 $0x180, s6  }
0x342: {  	v3 =	vld [tilespmem:s7+$0xA800]  }
0x343: {  	v0 =	vadd.f32 v0, v1  }
0x344: {  	v8 =	vld [tilespmem:s3+$0xAA00]  }
0x345: {  	v0 =	vadd.f32 v2, v0  }
0x346: {  	v9 =	vld [tilespmem:s3+$0xAA80]  }
0x347: {  	v0 =	vadd.f32 v3, v0  }
0x348: {  	v10 =	vld [tilespmem:s3+$0xAB00];
	s5 =	sor.u32 s5, s4  }
0x349: {  	s5 =	sor.u32 $0x380, s5;
	v0 =	vadd.f32 v8, v0  }
0x34a: {  	v11 =	vld [tilespmem:s5+$0xA800]  }
0x34b: {  	v0 =	vadd.f32 v9, v0  }
0x34c: {  	v12 =	vld [tilespmem:s3+$0xB800]  }
0x34d: {  	v0 =	vadd.f32 v10, v0  }
0x34e: {  	v13 =	vld [tilespmem:s3+$0xB880]  }
0x34f: {  	v0 =	vadd.f32 v11, v0  }
0x350: {  	v14 =	vld [tilespmem:s3+$0xB900]  }
0x351: {  	s6 =	sor.u32 $0x1180, s6;
	v0 =	vadd.f32 v12, v0  }
0x352: {  	v15 =	vld [tilespmem:s6+$0xA800]  }
0x353: {  	v0 =	vadd.f32 v13, v0  }
0x354: {  	v16 =	vld [tilespmem:s3+$0xBA00]  }
0x355: {  	v0 =	vadd.f32 v14, v0  }
0x356: {  	v17 =	vld [tilespmem:s3+$0xBA80]  }
0x357: {  	v0 =	vadd.f32 v15, v0  }
0x358: {  	v18 =	vld [tilespmem:s3+$0xBB00]  }
0x359: {  	v0 =	vadd.f32 v16, v0  }
0x35a: {  	v19 =	vld [tilespmem:s3+$0xBB80]  }
0x35b: {  	v0 =	vadd.f32 v17, v0  }
0x35c: {  	v20 =	vld [tilespmem:s3+$0xC800]  }
0x35d: {  	v0 =	vadd.f32 v18, v0  }
0x35e: {  	v21 =	vld [tilespmem:s3+$0xC880]  }
0x35f: {  	v0 =	vadd.f32 v19, v0  }
0x360: {  	v22 =	vld [tilespmem:s3+$0xC900]  }
0x361: {  	v0 =	vadd.f32 v20, v0  }
0x362: {  	v23 =	vld [tilespmem:s3+$0xC980]  }
0x363: {  	v0 =	vadd.f32 v21, v0  }
0x364: {  	v24 =	vld [tilespmem:s3+$0xCA00]  }
0x365: {  	v0 =	vadd.f32 v22, v0  }
0x366: {  	v25 =	vld [tilespmem:s3+$0xCA80]  }
0x367: {  	v0 =	vadd.f32 v23, v0  }
0x368: {  	v26 =	vld [tilespmem:s3+$0xCB00]  }
0x369: {  	v0 =	vadd.f32 v24, v0  }
0x36a: {  	v27 =	vld [tilespmem:s3+$0xCB80]  }
0x36b: {  	v28 =	vld [tilespmem:s3+$0xD880];
	v0 =	vadd.f32 v25, v0  }
0x36c: {  	v4 =	vld [tilespmem:s3+$0xD800]  }
0x36d: {  	v29 =	vld [tilespmem:s3+$0x4000];
	v0 =	vadd.f32 v26, v0  }
0x36e: {  	v5 =	vld [tilespmem:$0x6000]  }
0x36f: {  	v30 =	vld [tilespmem:s3+$0x4080];
	v0 =	vadd.f32 v27, v0  }
0x370: {  	v6 =	vld [tilespmem:$0x6080]  }
0x371: {  	v31 =	vld [tilespmem:s3+$0x4100];
	v0 =	vadd.f32 v4, v0  }
0x372: {  	v7 =	vld [tilespmem:$0x6100]  }
0x373: {  	v33 =	vld [tilespmem:$0x6180];
	v1 =	vmul.f32 v5, v29;
	v0 =	vadd.f32 v28, v0  }
0x374: {  	v32 =	vld [tilespmem:s7+$0x4000]  }
0x375: {  	v35 =	vld [tilespmem:s3+$0x4200];
	v34 =	vmul.f32 v6, v30;
	v0 =	vadd.f32 v1, v0  }
0x376: {  	v36 =	vld [tilespmem:$0x6200]  }
0x377: {  	v38 =	vld [tilespmem:s3+$0x4280];
	v37 =	vmul.f32 v7, v31;
	v0 =	vadd.f32 v34, v0  }
0x378: {  	v39 =	vld [tilespmem:$0x6280]  }
0x379: {  	v41 =	vld [tilespmem:s3+$0x4300];
	v40 =	vmul.f32 v33, v32;
	v0 =	vadd.f32 v37, v0  }
0x37a: {  	v42 =	vld [tilespmem:$0x6300]  }
0x37b: {  	v45 =	vld [tilespmem:$0x6380];
	v43 =	vmul.f32 v36, v35;
	v0 =	vadd.f32 v40, v0  }
0x37c: {  	v44 =	vld [tilespmem:s5+$0x4000]  }
0x37d: {  	v47 =	vld [tilespmem:s3+$0x5000];
	v46 =	vmul.f32 v39, v38;
	v0 =	vadd.f32 v43, v0  }
0x37e: {  	v48 =	vld [tilespmem:$0x6400]  }
0x37f: {  	v50 =	vld [tilespmem:s3+$0x5080];
	v49 =	vmul.f32 v42, v41;
	v0 =	vadd.f32 v46, v0  }
0x380: {  	v51 =	vld [tilespmem:$0x6480]  }
0x381: {  	v53 =	vld [tilespmem:s3+$0x5100];
	v52 =	vmul.f32 v45, v44;
	v0 =	vadd.f32 v49, v0  }
0x382: {  	v54 =	vld [tilespmem:$0x6500]  }
0x383: {  	v57 =	vld [tilespmem:$0x6580];
	v55 =	vmul.f32 v48, v47;
	v0 =	vadd.f32 v52, v0  }
0x384: {  	v56 =	vld [tilespmem:s6+$0x4000]  }
0x385: {  	v59 =	vld [tilespmem:s3+$0x5200];
	v58 =	vmul.f32 v51, v50;
	v0 =	vadd.f32 v55, v0  }
0x386: {  	v60 =	vld [tilespmem:$0x6600]  }
0x387: {  	v61 =	vmul.f32 v54, v53;
	v0 =	vadd.f32 v58, v0;
	_ =	sdelay $0x1  }
0x388: {  	v62 =	vmul.f32 v57, v56;
	v0 =	vadd.f32 v61, v0;
	_ =	sdelay $0x1  }
0x389: {  	v63 =	vmul.f32 v60, v59;
	v0 =	vadd.f32 v62, v0;
	_ =	sdelay $0x1  }
0x38a: {  	v0 =	vadd.f32 v63, v0  }
0x38b: {  	s1 =	sadd.s32 $0x10, s1  }
0x38c: {  	s8 =	simm.s32 $0xE800;
	s6 =	simm.s32 $0x0;
	s7 =	rddreg [dreg:$0xb];
	[tilespmem:s1+$0x0] =	vst v0  }
0x38d: {  	[hbm4b:s7+s6] =	stream.linear.scatter [tilespmem:s8], [sflag:$0x2], $0x200, $0x38;
	[tilespmem:$0xEA00] =	vst v63  }
0x38e: {  	_ =	swait.ge [sflag:s21], $0x200  }
0x38f: {  	s23 =	sadd.s32 $0x1, s23;
	s9 =	rddreg [dreg:$0xd]  }
0x390: {  	p0 =	sne.s32 s23, s9  }
.Ltmp2:
0x391: {  	_ = 	snop;
	(pc) =	sbr.rel @p0 .LBB2_1-.Ltmp2, $3  }
0x392: {  	_ =	sdelay $0x1  }
0x393: {  	[sflag:s21] =	ssyncset.done $0x0  }
0x394: {  	[sflag:s21] =	ssyncadd.s32 $0xFFFFFE00  }
0x395: {  	_ =	sfence.sel $0x180000  }
0x396: {  	[bflag:$0x0] =	sbarrier.arrive $0xFFFF  }
0x397: {  	_ =	strace $0x90000047  }
0x398: {  	s0 =	stileid.u32;
	[bflag:$0x2] =	sbarrier.arrive $0xFFFF  }
0x399: {  	p0 =	sne.s32 s0, $0x0;
	s0 =	rddreg [dreg:$0x2]  }
0x39a: {  	s0 =	sadd.s32 @!p0 $0x100000, s0  }
0x39b: {  	[sflag:s0] =	ssyncadd.tile.s32 @!p0 $0x1;
	_ =	shalt  }
.Lfunc_end2:
_tile_overlayer_lowered:
.L_overlay_start_2:
0x39c: {  	(tag) =	ssettag $0x2  }
0x39d: {  	s0 =	rddreg [dreg:$0x0];
	s2 =	stileid.u32  }
0x39e: {  	s1 =	rddreg [dreg:$0x1];
	p0 =	sne.s32 s2, $0x0  }
0x39f: {  	s3 =	rddreg [dreg:$0x2];
	[bflag:$0x3] =	sbarrier.arrive $0xFFFF;
	s2 =	simm.s32 @!p0 $0x1C02  }
0x3a0: {  	[timem:s3], [sflag:s2] =	dma.local @!p0 [hbm:s0], s1  }
0x3a1: {  	s0 =	simm.s32 @!p0 $0x2  }
0x3a2: {  	_ =	swait.ge @!p0 [sflag:s0], s1  }
0x3a3: {  	s1 =	ssub.s32 @!p0 $0x0, s1;
	[sflag:s0] =	ssyncset.done @!p0 $0x0  }
0x3a4: {  	[sflag:s0] =	ssyncadd.s32 @!p0 s1  }
0x3a5: {  	[bflag:$0x3] =	sbarrier.arrive $0xFFFF  }
0x3a6: {  	_ =	shalt  }

</sc_bundles>
